<compile_context>
chip_gen: v7x
topology: tpu7x:2x2x1
jax: 0.10.2.dev20260603
libtpu: 0.0.44.dev20260713+nightly
codegen_flags: <defaults>
</compile_context>

<pallas_src>
import functools
import math

import jax
import jax.numpy as jnp
import numpy as np
from jax import lax
from jax.experimental import pallas as pl
from jax.experimental.pallas import tpu as pltpu
from jax.experimental.pallas import tpu_sc as plsc

N_NODES = 10000
D_FEAT = 128
N_EDGES = 320000

NUM_CORES = 2
NUM_SUBCORES = 16
NUM_WORKERS = NUM_CORES * NUM_SUBCORES
LANES = 16

CHUNK = 128
N_CHUNKS = N_EDGES // CHUNK
CHUNKS_PER_WORKER = 80
N_CHUNKS_PAD = NUM_WORKERS * CHUNKS_PER_WORKER
N_EDGES_PAD = N_CHUNKS_PAD * CHUNK
IDX_PER_WORKER = CHUNKS_PER_WORKER * CHUNK

ZP = 168
TC_ROWS = 16

_BANDS = (
    (0, 24, (0, 1, 2)),
    (24, 64, (0, 1, 2, 3)),
    (64, 96, (0, 1, 2, 3, 4)),
    (96, 136, (1, 2, 3, 4)),
    (136, 168, (2, 3, 4)),
)

_z = np.linspace(-0.3, 1.3, 161).astype(np.float32)
_c_means = np.array([-0.3, 0.1, 0.5, 0.9, 1.3], np.float32)
_cons = np.zeros((5 * ZP, 128), np.float32)
_zw = np.zeros((ZP, 128), np.float32)
for _r in range(5):
    _g = np.exp(-0.5 * ((_z - _c_means[_r]) / 0.3) ** 2).astype(np.float32)
    _cons[_r * ZP : _r * ZP + 161, :] = _g[:, None]
_zw[:161, :] = _z[:, None]
_CONS_TABLE = _cons
_ZW_TABLE = _zw


def _sc_gather_reduce(feat, src, dst):
    n_chunks = src.shape[0]
    cpw = n_chunks // NUM_WORKERS
    mesh = plsc.VectorSubcoreMesh(
        core_axis_name="c", subcore_axis_name="s",
        num_cores=NUM_CORES, num_subcores=NUM_SUBCORES,
    )

    @functools.partial(
        pl.kernel,
        out_type=(
            jax.ShapeDtypeStruct((n_chunks, CHUNK), jnp.float32),
            jax.ShapeDtypeStruct((n_chunks, CHUNK), jnp.float32),
        ),
        mesh=mesh,
        scratch_types=[
            pltpu.VMEM((cpw, CHUNK), jnp.int32),
            pltpu.VMEM((cpw, CHUNK), jnp.int32),
            pltpu.VMEM((CHUNK, D_FEAT), jnp.float32),
            pltpu.VMEM((CHUNK, D_FEAT), jnp.float32),
            pltpu.VMEM((CHUNK, D_FEAT), jnp.float32),
            pltpu.VMEM((CHUNK, D_FEAT), jnp.float32),
            pltpu.VMEM((cpw, CHUNK), jnp.float32),
            pltpu.VMEM((cpw, CHUNK), jnp.float32),
            pltpu.SemaphoreType.DMA,
            pltpu.SemaphoreType.DMA,
            pltpu.SemaphoreType.DMA,
            pltpu.SemaphoreType.DMA,
        ],
        compiler_params=pltpu.CompilerParams(needs_layout_passes=False),
    )
    def sc_kernel(feat_hbm, src_hbm, dst_hbm, nsq_hbm, d0_hbm,
                  sidx, didx, srows0, drows0, srows1, drows1, onsq, od0,
                  sem_s0, sem_d0, sem_s1, sem_d1):
        wid = lax.axis_index("s") * NUM_CORES + lax.axis_index("c")
        row0 = cpw * wid

        pltpu.sync_copy(src_hbm.at[pl.ds(row0, cpw), :], sidx)
        pltpu.sync_copy(dst_hbm.at[pl.ds(row0, cpw), :], didx)

        bufs = ((srows0, drows0, sem_s0, sem_d0),
                (srows1, drows1, sem_s1, sem_d1))

        def start_gather(i, b):
            sr, dr, ss, sd = bufs[b]
            pltpu.async_copy(feat_hbm.at[sidx.at[i]], sr, ss)
            pltpu.async_copy(feat_hbm.at[didx.at[i]], dr, sd)

        def finish_chunk(i, b):
            sr, dr, ss, sd = bufs[b]
            pltpu.make_async_copy(feat_hbm.at[sidx.at[i]], sr, ss).wait()
            pltpu.make_async_copy(feat_hbm.at[didx.at[i]], dr, sd).wait()

            def group_body(g, carry2):
                lane = lax.iota(jnp.int32, LANES)
                eids = g * LANES + lane

                def dim_body(dd, acc_in):
                    d0_ = dd * 8
                    acc2 = acc_in
                    for du in range(8):
                        dcol = (lane + d0_ + du) & (D_FEAT - 1)
                        dv = plsc.load_gather(dr, [eids, dcol])
                        sv = plsc.load_gather(sr, [eids, dcol])
                        t = dv - sv
                        acc2 = acc2 + t * t
                    return acc2

                acc = lax.fori_loop(0, D_FEAT // 8, dim_body,
                                    jnp.zeros((LANES,), jnp.float32),
                                    unroll=False)
                zcol = jnp.zeros((LANES,), jnp.int32)
                d0v = (plsc.load_gather(dr, [eids, zcol])
                       - plsc.load_gather(sr, [eids, zcol]))
                onsq[i, pl.ds(g * LANES, LANES)] = acc
                od0[i, pl.ds(g * LANES, LANES)] = d0v
                return carry2

            lax.fori_loop(0, CHUNK // LANES, group_body, 0, unroll=False)

        start_gather(0, 0)

        def pair_body(p, carry):
            i0 = 2 * p
            start_gather(i0 + 1, 1)
            finish_chunk(i0, 0)

            @pl.when(p + 1 < cpw // 2)
            def _():
                start_gather(i0 + 2, 0)

            finish_chunk(i0 + 1, 1)
            return carry

        lax.fori_loop(0, cpw // 2, pair_body, 0, unroll=False)

        pltpu.sync_copy(onsq, nsq_hbm.at[pl.ds(row0, cpw), :])
        pltpu.sync_copy(od0, d0_hbm.at[pl.ds(row0, cpw), :])

    return sc_kernel(feat, src, dst)


def _acos_poly(x):
    ax = jnp.abs(x)
    p = jnp.float32(-0.0012624911)
    for c in (0.0066700901, -0.0170881256, 0.0308918810, -0.0501743046,
              0.0889789874, -0.2145988016, 1.5707963050):
        p = p * ax + jnp.float32(c)
    r = jnp.sqrt(1.0 - ax) * p
    return jnp.where(x < 0, jnp.float32(math.pi) - r, r)


def _tc_fuzzy_body(nsq_ref, d0_ref, cons_ref, zw_ref, out_ref):
    nsq = nsq_ref[...]
    d0 = d0_ref[...]
    norm = jnp.sqrt(nsq)
    x1 = jnp.minimum(norm, 4.0)
    cosang = jnp.clip(d0 / (norm + 1e-8), -0.999999, 0.999999)
    u = _acos_poly(cosang) * jnp.float32(4.0 / math.pi)

    mu1 = [jnp.exp(-0.5 * (x1 - jnp.float32(m)) ** 2) for m in range(5)]
    mu2 = [jnp.exp(-0.5 * (u - jnp.float32(m)) ** 2) for m in range(5)]

    mn = jnp.minimum
    mx = jnp.maximum
    r1 = mx(mx(mn(mu1[2], mu2[4]), mn(mu1[3], mu2[4])),
            mx(mn(mu1[3], mu2[3]), mx(mn(mu1[4], mu2[3]), mn(mu1[4], mu2[4]))))
    r2 = mx(mx(mn(mu1[1], mu2[4]), mn(mu1[2], mu2[3])),
            mx(mn(mu1[3], mu2[2]), mn(mu1[4], mu2[1])))
    r3 = mx(mx(mn(mu1[0], mu2[4]), mn(mu1[1], mu2[3])),
            mx(mn(mu1[2], mu2[2]), mx(mn(mu1[3], mu2[1]), mn(mu1[4], mu2[0]))))
    r4 = mx(mx(mn(mu1[0], mu2[3]), mn(mu1[1], mu2[2])),
            mx(mn(mu1[2], mu2[1]), mn(mu1[3], mu2[0])))
    r5 = mx(mx(mx(mn(mu1[0], mu2[2]), mn(mu1[0], mu2[1])),
               mx(mn(mu1[0], mu2[0]), mn(mu1[1], mu2[1]))),
            mx(mn(mu1[1], mu2[0]), mn(mu1[2], mu2[0])))
    strengths = [r1, r2, r3, r4, r5]

    for r in range(TC_ROWS):
        srow = [lax.slice_in_dim(s, r, r + 1, axis=0) for s in strengths]
        num = None
        den = None
        for a, b, rules in _BANDS:
            agg = None
            for i in rules:
                ci = cons_ref[pl.ds(i * ZP + a, b - a), :]
                term = mn(srow[i], ci)
                agg = term if agg is None else mx(agg, term)
            zwb = zw_ref[pl.ds(a, b - a), :]
            nb = jnp.sum(agg * zwb, axis=0)
            db = jnp.sum(agg, axis=0)
            num = nb if num is None else num + nb
            den = db if den is None else den + db
        out_ref[r, :] = num / (den + 1e-12)


def _tc_fuzzy(nsq2, d02):
    n_rows_padded = nsq2.shape[0]
    grid = n_rows_padded // TC_ROWS
    out = pl.pallas_call(
        _tc_fuzzy_body,
        grid=(grid,),
        in_specs=[
            pl.BlockSpec((TC_ROWS, 128), lambda i: (i, 0)),
            pl.BlockSpec((TC_ROWS, 128), lambda i: (i, 0)),
            pl.BlockSpec((5 * ZP, 128), lambda i: (0, 0)),
            pl.BlockSpec((ZP, 128), lambda i: (0, 0)),
        ],
        out_specs=pl.BlockSpec((TC_ROWS, 128), lambda i: (i, 0)),
        out_shape=jax.ShapeDtypeStruct((n_rows_padded, 128), jnp.float32),
    )(nsq2, d02, _CONS_TABLE, _ZW_TABLE)
    return out.reshape(-1)


_SPLITS = (0, N_CHUNKS_PAD // 2, N_CHUNKS_PAD)


def kernel(feat, edge_index, etypes):
    pad = N_EDGES_PAD - N_EDGES
    pad_idx = jnp.arange(pad, dtype=jnp.int32) % N_NODES
    src = jnp.concatenate([edge_index[0], pad_idx])
    dst = jnp.concatenate([edge_index[1], pad_idx])
    src2 = src.reshape(N_CHUNKS_PAD, CHUNK)
    dst2 = dst.reshape(N_CHUNKS_PAD, CHUNK)
    parts = []
    for h in range(len(_SPLITS) - 1):
        sl = slice(_SPLITS[h], _SPLITS[h + 1])
        nsq2, d02 = _sc_gather_reduce(feat, src2[sl], dst2[sl])
        parts.append(_tc_fuzzy(nsq2, d02))
    return jnp.concatenate(parts)[:N_EDGES]

# --- scband reference (transcript-rebuilt; emitter-appended) ---
"""Pipeline reference for scband-ante-layer-56014963474584 (READ-ONLY COPY).

The authoritative reference and input builder live on the scoring server;
editing this copy changes nothing except your own understanding.
"""

import jax, jax.numpy as jnp
import numpy as np

N_NODES = 10000
D_FEAT = 128
N_EDGES = 320000

# consequent universe: np.arange(-0.3, 1.31, 0.01) -> 161 points
Z = jnp.linspace(-0.3, 1.3, 161)
X1_MEANS = jnp.array([0.0, 1.0, 2.0, 3.0, 4.0])  # XS,S,M,L,XL, sigma=1
X2_MEANS = jnp.array([0.0, 45.0, 90.0, 135.0, 180.0])  # XS,S,M,L,XL, sigma=45
C_MEANS = jnp.array([-0.3, 0.1, 0.5, 0.9, 1.3])  # XS,S,M,L,XL, sigma=0.3


def _gauss(x, m, s):
    return jnp.exp(-0.5 * ((x - m) / s) ** 2)


def ante_generator(vector):
    # x1: distance-like antecedent in [0, 4]
    norm = jnp.linalg.norm(vector, axis=-1)
    x1 = jnp.clip(norm, 0.0, 4.0)
    # x2: angle (degrees, [0, 180]) between edge vector and first basis axis
    cosang = jnp.clip(vector[:, 0] / (norm + 1e-8), -0.999999, 0.999999)
    x2 = jnp.degrees(jnp.arccos(cosang))
    return x1, x2


def fuzzy_infer(x1, x2):
    # membership grades: shape [5, E]
    mu1 = _gauss(x1[None, :], X1_MEANS[:, None], 1.0)
    mu2 = _gauss(x2[None, :], X2_MEANS[:, None], 45.0)
    mn = jnp.minimum

    def _or(*terms):
        out = terms[0]
        for t in terms[1:]:
            out = jnp.maximum(out, t)
        return out

    # rules exactly as in the torch module (AND=min, OR=max; Mamdani)
    r1 = _or(mn(mu1[2], mu2[4]), mn(mu1[3], mu2[4]), mn(mu1[3], mu2[3]), mn(mu1[4], mu2[3]), mn(mu1[4], mu2[4]))
    r2 = _or(mn(mu1[1], mu2[4]), mn(mu1[2], mu2[3]), mn(mu1[3], mu2[2]), mn(mu1[4], mu2[1]))
    r3 = _or(mn(mu1[0], mu2[4]), mn(mu1[1], mu2[3]), mn(mu1[2], mu2[2]), mn(mu1[3], mu2[1]), mn(mu1[4], mu2[0]))
    r4 = _or(mn(mu1[0], mu2[3]), mn(mu1[1], mu2[2]), mn(mu1[2], mu2[1]), mn(mu1[3], mu2[0]))
    r5 = _or(mn(mu1[0], mu2[2]), mn(mu1[0], mu2[1]), mn(mu1[0], mu2[0]), mn(mu1[1], mu2[1]), mn(mu1[1], mu2[0]), mn(mu1[2], mu2[0]))
    strengths = [r1, r2, r3, r4, r5]

    # clip each consequent membership by rule strength, aggregate with max
    agg = jnp.zeros((x1.shape[0], Z.shape[0]), dtype=jnp.float32)
    for i, s in enumerate(strengths):
        cons = _gauss(Z, C_MEANS[i], 0.3)  # [161]
        agg = jnp.maximum(agg, jnp.minimum(s[:, None], cons[None, :]))

    # centroid defuzzification
    num = jnp.sum(agg * Z[None, :], axis=1)
    den = jnp.sum(agg, axis=1) + 1e-12
    return num / den


def setup_inputs(seed: int = 0) -> dict:
    key = jax.random.key(seed)
    k1, k2, k3 = jax.random.split(key, 3)
    feat = jax.random.normal(k1, (N_NODES, D_FEAT), dtype=jnp.float32)
    edge_index = jax.random.randint(k2, (2, N_EDGES), 0, N_NODES, dtype=jnp.int32)
    etypes = jax.random.randint(k3, (N_EDGES,), 0, 4, dtype=jnp.int32)
    return {"feat": feat, "edge_index": edge_index, "etypes": etypes}


def reference(feat, edge_index, etypes):
    src = edge_index[0]
    dst = edge_index[1]
    # g.apply_edges: vector = edges.dst['h'] - edges.src['h']
    vector = jnp.take(feat, dst, axis=0) - jnp.take(feat, src, axis=0)
    x1, x2 = ante_generator(vector)
    coupling_degree = fuzzy_infer(x1, x2)
    # etypes stored as edge data but unused by the fuzzy rules (matches torch code)
    return coupling_degree

if __name__ == "__main__":
    import jax
    _d = setup_inputs()
    print(jax.jit(kernel)(*tuple(_d.values())))

</pallas_src>

<mosaic_0001>
#map = affine_map<(d0, d1) -> (0, 0)>
module attributes {stable_mosaic.version = 14 : i64} {
  func.func @sc_kernel(%arg0: i32, %arg1: i32, %arg2: memref<10000x128xf32, #tpu.memory_space<hbm>>, %arg3: memref<1280x128xi32, #tpu.memory_space<hbm>>, %arg4: memref<1280x128xi32, #tpu.memory_space<hbm>>, %arg5: memref<1280x128xf32, #tpu.memory_space<hbm>>, %arg6: memref<1280x128xf32, #tpu.memory_space<hbm>>, %arg7: memref<40x128xi32, #tpu.memory_space<vmem>>, %arg8: memref<40x128xi32, #tpu.memory_space<vmem>>, %arg9: memref<128x128xf32, #tpu.memory_space<vmem>>, %arg10: memref<128x128xf32, #tpu.memory_space<vmem>>, %arg11: memref<128x128xf32, #tpu.memory_space<vmem>>, %arg12: memref<128x128xf32, #tpu.memory_space<vmem>>, %arg13: memref<40x128xf32, #tpu.memory_space<vmem>>, %arg14: memref<40x128xf32, #tpu.memory_space<vmem>>, %arg15: memref<!tpu.dma_semaphore, #tpu.memory_space<semaphore_mem>>, %arg16: memref<!tpu.dma_semaphore, #tpu.memory_space<semaphore_mem>>, %arg17: memref<!tpu.dma_semaphore, #tpu.memory_space<semaphore_mem>>, %arg18: memref<!tpu.dma_semaphore, #tpu.memory_space<semaphore_mem>>) attributes {dimension_semantics = [#tpu.dimension_semantics<core_parallel>, #tpu.dimension_semantics<subcore_parallel>], iteration_bounds = array<i64: 2, 16>, scalar_prefetch = 0 : i64, scratch_operands = 12 : i64, tpu.core_type = #tpu.core_type<sc_vector_subcore>, window_params = [{transform_indices = #map}, {transform_indices = #map}, {transform_indices = #map}, {transform_indices = #map}, {transform_indices = #map}]} {
    %mul3A = arith.constant 2 : i32
    %mul3A_0 = arith.muli %arg1, %mul3A : i32
    %add3A = arith.addi %mul3A_0, %arg0 : i32
    %mul3A_1 = arith.constant 40 : i32
    %mul3A_2 = arith.muli %mul3A_1, %add3A : i32
    "tpu.region"() ({
      %run_scoped3A = tpu.sem_alloc : memref<!tpu.dma_semaphore, #tpu.memory_space<semaphore_mem>>
      %dma_start3A_21 = arith.constant 0 : i32
      %dma_start3A_22 = tpu.memref_slice %arg3[%mul3A_2, %dma_start3A_21] : memref<1280x128xi32, #tpu.memory_space<hbm>> -> memref<40x128xi32, #tpu.memory_space<hbm>>
      %dma_start3A_23 = arith.constant 0 : i32
      %dma_start3A_24 = tpu.memref_slice %arg3[%mul3A_2, %dma_start3A_23] : memref<1280x128xi32, #tpu.memory_space<hbm>> -> memref<40x128xi32, #tpu.memory_space<hbm>>
      tpu.enqueue_dma source(%dma_start3A_24 : memref<40x128xi32, #tpu.memory_space<hbm>>) target(%arg7 : memref<40x128xi32, #tpu.memory_space<vmem>>) target_semaphore(%run_scoped3A : memref<!tpu.dma_semaphore, #tpu.memory_space<semaphore_mem>>)
      %dma_wait3A = arith.constant 0 : i32
      %dma_wait3A_25 = tpu.memref_slice %arg3[%mul3A_2, %dma_wait3A] : memref<1280x128xi32, #tpu.memory_space<hbm>> -> memref<40x128xi32, #tpu.memory_space<hbm>>
      %dma_wait3A_26 = arith.constant 0 : i32
      %dma_wait3A_27 = tpu.memref_slice %arg3[%mul3A_2, %dma_wait3A_26] : memref<1280x128xi32, #tpu.memory_space<hbm>> -> memref<40x128xi32, #tpu.memory_space<hbm>>
      tpu.wait_dma2 semaphore(%run_scoped3A : memref<!tpu.dma_semaphore, #tpu.memory_space<semaphore_mem>>) src(%dma_wait3A_27 : memref<40x128xi32, #tpu.memory_space<hbm>>) dst(%arg7 : memref<40x128xi32, #tpu.memory_space<vmem>>)
      tpu.yield
    }) : () -> ()
    "tpu.region"() ({
      %run_scoped3A = tpu.sem_alloc : memref<!tpu.dma_semaphore, #tpu.memory_space<semaphore_mem>>
      %dma_start3A_21 = arith.constant 0 : i32
      %dma_start3A_22 = tpu.memref_slice %arg4[%mul3A_2, %dma_start3A_21] : memref<1280x128xi32, #tpu.memory_space<hbm>> -> memref<40x128xi32, #tpu.memory_space<hbm>>
      %dma_start3A_23 = arith.constant 0 : i32
      %dma_start3A_24 = tpu.memref_slice %arg4[%mul3A_2, %dma_start3A_23] : memref<1280x128xi32, #tpu.memory_space<hbm>> -> memref<40x128xi32, #tpu.memory_space<hbm>>
      tpu.enqueue_dma source(%dma_start3A_24 : memref<40x128xi32, #tpu.memory_space<hbm>>) target(%arg8 : memref<40x128xi32, #tpu.memory_space<vmem>>) target_semaphore(%run_scoped3A : memref<!tpu.dma_semaphore, #tpu.memory_space<semaphore_mem>>)
      %dma_wait3A = arith.constant 0 : i32
      %dma_wait3A_25 = tpu.memref_slice %arg4[%mul3A_2, %dma_wait3A] : memref<1280x128xi32, #tpu.memory_space<hbm>> -> memref<40x128xi32, #tpu.memory_space<hbm>>
      %dma_wait3A_26 = arith.constant 0 : i32
      %dma_wait3A_27 = tpu.memref_slice %arg4[%mul3A_2, %dma_wait3A_26] : memref<1280x128xi32, #tpu.memory_space<hbm>> -> memref<40x128xi32, #tpu.memory_space<hbm>>
      tpu.wait_dma2 semaphore(%run_scoped3A : memref<!tpu.dma_semaphore, #tpu.memory_space<semaphore_mem>>) src(%dma_wait3A_27 : memref<40x128xi32, #tpu.memory_space<hbm>>) dst(%arg8 : memref<40x128xi32, #tpu.memory_space<vmem>>)
      tpu.yield
    }) : () -> ()
    %dma_start3A = arith.constant 0 : i32
    %dma_start3A_3 = arith.constant 0 : i32
    %dma_start3A_4 = tpu.memref_slice %arg7[%dma_start3A, %dma_start3A_3] : memref<40x128xi32, #tpu.memory_space<vmem>> -> memref<1x128xi32, #tpu.memory_space<vmem>>
    %dma_start3A_5 = tpu.memref_squeeze %dma_start3A_4 : memref<1x128xi32, #tpu.memory_space<vmem>> -> memref<128xi32, #tpu.memory_space<vmem>>
    %dma_start3A_6 = arith.constant 0 : i32
    %dma_start3A_7 = arith.constant 0 : i32
    %dma_start3A_8 = tpu.memref_slice %arg2[%dma_start3A_6, %dma_start3A_7] : memref<10000x128xf32, #tpu.memory_space<hbm>> -> memref<10000x128xf32, #tpu.memory_space<hbm>>
    tpu.enqueue_indirect_dma source(%dma_start3A_8 : memref<10000x128xf32, #tpu.memory_space<hbm>>) target(%arg9 : memref<128x128xf32, #tpu.memory_space<vmem>>) offsets(%dma_start3A_5 : memref<128xi32, #tpu.memory_space<vmem>>) semaphore(%arg15 : memref<!tpu.dma_semaphore, #tpu.memory_space<semaphore_mem>>)
    %dma_start3A_9 = arith.constant 0 : i32
    %dma_start3A_10 = arith.constant 0 : i32
    %dma_start3A_11 = tpu.memref_slice %arg8[%dma_start3A_9, %dma_start3A_10] : memref<40x128xi32, #tpu.memory_space<vmem>> -> memref<1x128xi32, #tpu.memory_space<vmem>>
    %dma_start3A_12 = tpu.memref_squeeze %dma_start3A_11 : memref<1x128xi32, #tpu.memory_space<vmem>> -> memref<128xi32, #tpu.memory_space<vmem>>
    %dma_start3A_13 = arith.constant 0 : i32
    %dma_start3A_14 = arith.constant 0 : i32
    %dma_start3A_15 = tpu.memref_slice %arg2[%dma_start3A_13, %dma_start3A_14] : memref<10000x128xf32, #tpu.memory_space<hbm>> -> memref<10000x128xf32, #tpu.memory_space<hbm>>
    tpu.enqueue_indirect_dma source(%dma_start3A_15 : memref<10000x128xf32, #tpu.memory_space<hbm>>) target(%arg10 : memref<128x128xf32, #tpu.memory_space<vmem>>) offsets(%dma_start3A_12 : memref<128xi32, #tpu.memory_space<vmem>>) semaphore(%arg16 : memref<!tpu.dma_semaphore, #tpu.memory_space<semaphore_mem>>)
    %scan3A = arith.constant 0 : i32
    %scan3A_16 = arith.constant 0 : i32
    %scan3A_17 = arith.constant 20 : i32
    %scan3A_18 = arith.addi %scan3A_16, %scan3A_17 : i32
    %scan3A_19 = arith.constant 1 : i32
    scf.for %scan3A_21 = %scan3A_16 to %scan3A_18 step %scan3A_19  : i32 {
      %mul3A_22 = arith.constant 2 : i32
      %mul3A_23 = arith.muli %mul3A_22, %scan3A_21 : i32
      %add3A_24 = arith.constant 1 : i32
      %add3A_25 = arith.addi %mul3A_23, %add3A_24 : i32
      %dma_start3A_26 = arith.constant 0 : i32
      %dma_start3A_27 = tpu.memref_slice %arg7[%add3A_25, %dma_start3A_26] : memref<40x128xi32, #tpu.memory_space<vmem>> -> memref<1x128xi32, #tpu.memory_space<vmem>>
      %dma_start3A_28 = tpu.memref_squeeze %dma_start3A_27 : memref<1x128xi32, #tpu.memory_space<vmem>> -> memref<128xi32, #tpu.memory_space<vmem>>
      %dma_start3A_29 = arith.constant 0 : i32
      %dma_start3A_30 = arith.constant 0 : i32
      %dma_start3A_31 = tpu.memref_slice %arg2[%dma_start3A_29, %dma_start3A_30] : memref<10000x128xf32, #tpu.memory_space<hbm>> -> memref<10000x128xf32, #tpu.memory_space<hbm>>
      tpu.enqueue_indirect_dma source(%dma_start3A_31 : memref<10000x128xf32, #tpu.memory_space<hbm>>) target(%arg11 : memref<128x128xf32, #tpu.memory_space<vmem>>) offsets(%dma_start3A_28 : memref<128xi32, #tpu.memory_space<vmem>>) semaphore(%arg17 : memref<!tpu.dma_semaphore, #tpu.memory_space<semaphore_mem>>)
      %dma_start3A_32 = arith.constant 0 : i32
      %dma_start3A_33 = tpu.memref_slice %arg8[%add3A_25, %dma_start3A_32] : memref<40x128xi32, #tpu.memory_space<vmem>> -> memref<1x128xi32, #tpu.memory_space<vmem>>
      %dma_start3A_34 = tpu.memref_squeeze %dma_start3A_33 : memref<1x128xi32, #tpu.memory_space<vmem>> -> memref<128xi32, #tpu.memory_space<vmem>>
      %dma_start3A_35 = arith.constant 0 : i32
      %dma_start3A_36 = arith.constant 0 : i32
      %dma_start3A_37 = tpu.memref_slice %arg2[%dma_start3A_35, %dma_start3A_36] : memref<10000x128xf32, #tpu.memory_space<hbm>> -> memref<10000x128xf32, #tpu.memory_space<hbm>>
      tpu.enqueue_indirect_dma source(%dma_start3A_37 : memref<10000x128xf32, #tpu.memory_space<hbm>>) target(%arg12 : memref<128x128xf32, #tpu.memory_space<vmem>>) offsets(%dma_start3A_34 : memref<128xi32, #tpu.memory_space<vmem>>) semaphore(%arg18 : memref<!tpu.dma_semaphore, #tpu.memory_space<semaphore_mem>>)
      %dma_wait3A = arith.constant 0 : i32
      %dma_wait3A_38 = tpu.memref_slice %arg7[%mul3A_23, %dma_wait3A] : memref<40x128xi32, #tpu.memory_space<vmem>> -> memref<1x128xi32, #tpu.memory_space<vmem>>
      %dma_wait3A_39 = tpu.memref_squeeze %dma_wait3A_38 : memref<1x128xi32, #tpu.memory_space<vmem>> -> memref<128xi32, #tpu.memory_space<vmem>>
      %dma_wait3A_40 = arith.constant 0 : i32
      %dma_wait3A_41 = arith.constant 0 : i32
      %dma_wait3A_42 = tpu.memref_slice %arg2[%dma_wait3A_40, %dma_wait3A_41] : memref<10000x128xf32, #tpu.memory_space<hbm>> -> memref<10000x128xf32, #tpu.memory_space<hbm>>
      tpu.wait_indirect_dma semaphore(%arg15 : memref<!tpu.dma_semaphore, #tpu.memory_space<semaphore_mem>>) src(%dma_wait3A_42 : memref<10000x128xf32, #tpu.memory_space<hbm>>) dst(%arg9 : memref<128x128xf32, #tpu.memory_space<vmem>>)
      %dma_wait3A_43 = arith.constant 0 : i32
      %dma_wait3A_44 = tpu.memref_slice %arg8[%mul3A_23, %dma_wait3A_43] : memref<40x128xi32, #tpu.memory_space<vmem>> -> memref<1x128xi32, #tpu.memory_space<vmem>>
      %dma_wait3A_45 = tpu.memref_squeeze %dma_wait3A_44 : memref<1x128xi32, #tpu.memory_space<vmem>> -> memref<128xi32, #tpu.memory_space<vmem>>
      %dma_wait3A_46 = arith.constant 0 : i32
      %dma_wait3A_47 = arith.constant 0 : i32
      %dma_wait3A_48 = tpu.memref_slice %arg2[%dma_wait3A_46, %dma_wait3A_47] : memref<10000x128xf32, #tpu.memory_space<hbm>> -> memref<10000x128xf32, #tpu.memory_space<hbm>>
      tpu.wait_indirect_dma semaphore(%arg16 : memref<!tpu.dma_semaphore, #tpu.memory_space<semaphore_mem>>) src(%dma_wait3A_48 : memref<10000x128xf32, #tpu.memory_space<hbm>>) dst(%arg10 : memref<128x128xf32, #tpu.memory_space<vmem>>)
      %scan3A_49 = arith.constant 0 : i32
      %scan3A_50 = arith.constant 0 : i32
      %scan3A_51 = arith.constant 8 : i32
      %scan3A_52 = arith.addi %scan3A_50, %scan3A_51 : i32
      %scan3A_53 = arith.constant 1 : i32
      scf.for %scan3A_79 = %scan3A_50 to %scan3A_52 step %scan3A_53  : i32 {
        %iota3A = tpu.iota {dimensions = array<i32: 0>} : vector<16xi32>
        %mul3A_80 = arith.constant 16 : i32
        %mul3A_81 = arith.muli %scan3A_79, %mul3A_80 : i32
        %add3A_82 = vector.broadcast %mul3A_81 : i32 to vector<16xi32>
        %add3A_83 = arith.addi %add3A_82, %iota3A : vector<16xi32>
        %broadcast_in_dim3A = arith.constant 0.000000e+00 : f32
        %broadcast_in_dim3A_84 = vector.broadcast %broadcast_in_dim3A : f32 to vector<16xf32>
        %scan3A_85 = arith.constant 0 : i32
        %scan3A_86 = arith.constant 16 : i32
        %scan3A_87 = arith.addi %scan3A_85, %scan3A_86 : i32
        %scan3A_88 = arith.constant 1 : i32
        %scan3A_89 = scf.for %scan3A_103 = %scan3A_85 to %scan3A_87 step %scan3A_88 iter_args(%scan3A_104 = %broadcast_in_dim3A_84) -> (vector<16xf32>)  : i32 {
          %mul3A_105 = arith.constant 8 : i32
          %mul3A_106 = arith.muli %scan3A_103, %mul3A_105 : i32
          %add3A_107 = vector.broadcast %mul3A_106 : i32 to vector<16xi32>
          %add3A_108 = arith.addi %iota3A, %add3A_107 : vector<16xi32>
          %add3A_109 = arith.constant 0 : i32
          %add3A_110 = vector.broadcast %add3A_109 : i32 to vector<16xi32>
          %add3A_111 = arith.addi %add3A_108, %add3A_110 : vector<16xi32>
          %and3A = arith.constant 127 : i32
          %and3A_112 = vector.broadcast %and3A : i32 to vector<16xi32>
          %and3A_113 = arith.andi %add3A_111, %and3A_112 : vector<16xi32>
          %gather3A_114 = tpu.vector_load_idx %arg10[%add3A_83, %and3A_113] : memref<128x128xf32, #tpu.memory_space<vmem>>[vector<16xi32>, vector<16xi32>], vector<16xf32>,
          %gather3A_115 = tpu.vector_load_idx %arg9[%add3A_83, %and3A_113] : memref<128x128xf32, #tpu.memory_space<vmem>>[vector<16xi32>, vector<16xi32>], vector<16xf32>,
          %sub3A_116 = arith.subf %gather3A_114, %gather3A_115 : vector<16xf32>
          %mul3A_117 = arith.mulf %sub3A_116, %sub3A_116 : vector<16xf32>
          %add3A_118 = arith.addf %scan3A_104, %mul3A_117 : vector<16xf32>
          %add3A_119 = vector.broadcast %mul3A_106 : i32 to vector<16xi32>
          %add3A_120 = arith.addi %iota3A, %add3A_119 : vector<16xi32>
          %add3A_121 = arith.constant 1 : i32
          %add3A_122 = vector.broadcast %add3A_121 : i32 to vector<16xi32>
          %add3A_123 = arith.addi %add3A_120, %add3A_122 : vector<16xi32>
          %and3A_124 = arith.constant 127 : i32
          %and3A_125 = vector.broadcast %and3A_124 : i32 to vector<16xi32>
          %and3A_126 = arith.andi %add3A_123, %and3A_125 : vector<16xi32>
          %gather3A_127 = tpu.vector_load_idx %arg10[%add3A_83, %and3A_126] : memref<128x128xf32, #tpu.memory_space<vmem>>[vector<16xi32>, vector<16xi32>], vector<16xf32>,
          %gather3A_128 = tpu.vector_load_idx %arg9[%add3A_83, %and3A_126] : memref<128x128xf32, #tpu.memory_space<vmem>>[vector<16xi32>, vector<16xi32>], vector<16xf32>,
          %sub3A_129 = arith.subf %gather3A_127, %gather3A_128 : vector<16xf32>
          %mul3A_130 = arith.mulf %sub3A_129, %sub3A_129 : vector<16xf32>
          %add3A_131 = arith.addf %add3A_118, %mul3A_130 : vector<16xf32>
          %add3A_132 = vector.broadcast %mul3A_106 : i32 to vector<16xi32>
          %add3A_133 = arith.addi %iota3A, %add3A_132 : vector<16xi32>
          %add3A_134 = arith.constant 2 : i32
          %add3A_135 = vector.broadcast %add3A_134 : i32 to vector<16xi32>
          %add3A_136 = arith.addi %add3A_133, %add3A_135 : vector<16xi32>
          %and3A_137 = arith.constant 127 : i32
          %and3A_138 = vector.broadcast %and3A_137 : i32 to vector<16xi32>
          %and3A_139 = arith.andi %add3A_136, %and3A_138 : vector<16xi32>
          %gather3A_140 = tpu.vector_load_idx %arg10[%add3A_83, %and3A_139] : memref<128x128xf32, #tpu.memory_space<vmem>>[vector<16xi32>, vector<16xi32>], vector<16xf32>,
          %gather3A_141 = tpu.vector_load_idx %arg9[%add3A_83, %and3A_139] : memref<128x128xf32, #tpu.memory_space<vmem>>[vector<16xi32>, vector<16xi32>], vector<16xf32>,
          %sub3A_142 = arith.subf %gather3A_140, %gather3A_141 : vector<16xf32>
          %mul3A_143 = arith.mulf %sub3A_142, %sub3A_142 : vector<16xf32>
          %add3A_144 = arith.addf %add3A_131, %mul3A_143 : vector<16xf32>
          %add3A_145 = vector.broadcast %mul3A_106 : i32 to vector<16xi32>
          %add3A_146 = arith.addi %iota3A, %add3A_145 : vector<16xi32>
          %add3A_147 = arith.constant 3 : i32
          %add3A_148 = vector.broadcast %add3A_147 : i32 to vector<16xi32>
          %add3A_149 = arith.addi %add3A_146, %add3A_148 : vector<16xi32>
          %and3A_150 = arith.constant 127 : i32
          %and3A_151 = vector.broadcast %and3A_150 : i32 to vector<16xi32>
          %and3A_152 = arith.andi %add3A_149, %and3A_151 : vector<16xi32>
          %gather3A_153 = tpu.vector_load_idx %arg10[%add3A_83, %and3A_152] : memref<128x128xf32, #tpu.memory_space<vmem>>[vector<16xi32>, vector<16xi32>], vector<16xf32>,
          %gather3A_154 = tpu.vector_load_idx %arg9[%add3A_83, %and3A_152] : memref<128x128xf32, #tpu.memory_space<vmem>>[vector<16xi32>, vector<16xi32>], vector<16xf32>,
          %sub3A_155 = arith.subf %gather3A_153, %gather3A_154 : vector<16xf32>
          %mul3A_156 = arith.mulf %sub3A_155, %sub3A_155 : vector<16xf32>
          %add3A_157 = arith.addf %add3A_144, %mul3A_156 : vector<16xf32>
          %add3A_158 = vector.broadcast %mul3A_106 : i32 to vector<16xi32>
          %add3A_159 = arith.addi %iota3A, %add3A_158 : vector<16xi32>
          %add3A_160 = arith.constant 4 : i32
          %add3A_161 = vector.broadcast %add3A_160 : i32 to vector<16xi32>
          %add3A_162 = arith.addi %add3A_159, %add3A_161 : vector<16xi32>
          %and3A_163 = arith.constant 127 : i32
          %and3A_164 = vector.broadcast %and3A_163 : i32 to vector<16xi32>
          %and3A_165 = arith.andi %add3A_162, %and3A_164 : vector<16xi32>
          %gather3A_166 = tpu.vector_load_idx %arg10[%add3A_83, %and3A_165] : memref<128x128xf32, #tpu.memory_space<vmem>>[vector<16xi32>, vector<16xi32>], vector<16xf32>,
          %gather3A_167 = tpu.vector_load_idx %arg9[%add3A_83, %and3A_165] : memref<128x128xf32, #tpu.memory_space<vmem>>[vector<16xi32>, vector<16xi32>], vector<16xf32>,
          %sub3A_168 = arith.subf %gather3A_166, %gather3A_167 : vector<16xf32>
          %mul3A_169 = arith.mulf %sub3A_168, %sub3A_168 : vector<16xf32>
          %add3A_170 = arith.addf %add3A_157, %mul3A_169 : vector<16xf32>
          %add3A_171 = vector.broadcast %mul3A_106 : i32 to vector<16xi32>
          %add3A_172 = arith.addi %iota3A, %add3A_171 : vector<16xi32>
          %add3A_173 = arith.constant 5 : i32
          %add3A_174 = vector.broadcast %add3A_173 : i32 to vector<16xi32>
          %add3A_175 = arith.addi %add3A_172, %add3A_174 : vector<16xi32>
          %and3A_176 = arith.constant 127 : i32
          %and3A_177 = vector.broadcast %and3A_176 : i32 to vector<16xi32>
          %and3A_178 = arith.andi %add3A_175, %and3A_177 : vector<16xi32>
          %gather3A_179 = tpu.vector_load_idx %arg10[%add3A_83, %and3A_178] : memref<128x128xf32, #tpu.memory_space<vmem>>[vector<16xi32>, vector<16xi32>], vector<16xf32>,
          %gather3A_180 = tpu.vector_load_idx %arg9[%add3A_83, %and3A_178] : memref<128x128xf32, #tpu.memory_space<vmem>>[vector<16xi32>, vector<16xi32>], vector<16xf32>,
          %sub3A_181 = arith.subf %gather3A_179, %gather3A_180 : vector<16xf32>
          %mul3A_182 = arith.mulf %sub3A_181, %sub3A_181 : vector<16xf32>
          %add3A_183 = arith.addf %add3A_170, %mul3A_182 : vector<16xf32>
          %add3A_184 = vector.broadcast %mul3A_106 : i32 to vector<16xi32>
          %add3A_185 = arith.addi %iota3A, %add3A_184 : vector<16xi32>
          %add3A_186 = arith.constant 6 : i32
          %add3A_187 = vector.broadcast %add3A_186 : i32 to vector<16xi32>
          %add3A_188 = arith.addi %add3A_185, %add3A_187 : vector<16xi32>
          %and3A_189 = arith.constant 127 : i32
          %and3A_190 = vector.broadcast %and3A_189 : i32 to vector<16xi32>
          %and3A_191 = arith.andi %add3A_188, %and3A_190 : vector<16xi32>
          %gather3A_192 = tpu.vector_load_idx %arg10[%add3A_83, %and3A_191] : memref<128x128xf32, #tpu.memory_space<vmem>>[vector<16xi32>, vector<16xi32>], vector<16xf32>,
          %gather3A_193 = tpu.vector_load_idx %arg9[%add3A_83, %and3A_191] : memref<128x128xf32, #tpu.memory_space<vmem>>[vector<16xi32>, vector<16xi32>], vector<16xf32>,
          %sub3A_194 = arith.subf %gather3A_192, %gather3A_193 : vector<16xf32>
          %mul3A_195 = arith.mulf %sub3A_194, %sub3A_194 : vector<16xf32>
          %add3A_196 = arith.addf %add3A_183, %mul3A_195 : vector<16xf32>
          %add3A_197 = vector.broadcast %mul3A_106 : i32 to vector<16xi32>
          %add3A_198 = arith.addi %iota3A, %add3A_197 : vector<16xi32>
          %add3A_199 = arith.constant 7 : i32
          %add3A_200 = vector.broadcast %add3A_199 : i32 to vector<16xi32>
          %add3A_201 = arith.addi %add3A_198, %add3A_200 : vector<16xi32>
          %and3A_202 = arith.constant 127 : i32
          %and3A_203 = vector.broadcast %and3A_202 : i32 to vector<16xi32>
          %and3A_204 = arith.andi %add3A_201, %and3A_203 : vector<16xi32>
          %gather3A_205 = tpu.vector_load_idx %arg10[%add3A_83, %and3A_204] : memref<128x128xf32, #tpu.memory_space<vmem>>[vector<16xi32>, vector<16xi32>], vector<16xf32>,
          %gather3A_206 = tpu.vector_load_idx %arg9[%add3A_83, %and3A_204] : memref<128x128xf32, #tpu.memory_space<vmem>>[vector<16xi32>, vector<16xi32>], vector<16xf32>,
          %sub3A_207 = arith.subf %gather3A_205, %gather3A_206 : vector<16xf32>
          %mul3A_208 = arith.mulf %sub3A_207, %sub3A_207 : vector<16xf32>
          %add3A_209 = arith.addf %add3A_196, %mul3A_208 : vector<16xf32>
          scf.yield %add3A_209 : vector<16xf32>
        }
        %scan3A_90 = arith.constant 16 : i32
        %broadcast_in_dim3A_91 = arith.constant 0 : i32
        %broadcast_in_dim3A_92 = vector.broadcast %broadcast_in_dim3A_91 : i32 to vector<16xi32>
        %gather3A = tpu.vector_load_idx %arg10[%add3A_83, %broadcast_in_dim3A_92] : memref<128x128xf32, #tpu.memory_space<vmem>>[vector<16xi32>, vector<16xi32>], vector<16xf32>,
        %gather3A_93 = tpu.vector_load_idx %arg9[%add3A_83, %broadcast_in_dim3A_92] : memref<128x128xf32, #tpu.memory_space<vmem>>[vector<16xi32>, vector<16xi32>], vector<16xf32>,
        %sub3A = arith.subf %gather3A, %gather3A_93 : vector<16xf32>
        %mul3A_94 = arith.constant 16 : i32
        %mul3A_95 = arith.muli %scan3A_79, %mul3A_94 : i32
        %swap3A = arith.index_cast %mul3A_23 : i32 to index
        %swap3A_96 = arith.index_cast %mul3A_95 : i32 to index
        %swap3A_97 = tpu.vector_load %arg13[%swap3A, %swap3A_96] {strides = array<i32>} : memref<40x128xf32, #tpu.memory_space<vmem>>, vector<16xf32>,
        tpu.vector_store %arg13[%swap3A, %swap3A_96], %scan3A_89 {strides = array<i32>} : memref<40x128xf32, #tpu.memory_space<vmem>>, vector<16xf32>,
        %mul3A_98 = arith.constant 16 : i32
        %mul3A_99 = arith.muli %scan3A_79, %mul3A_98 : i32
        %swap3A_100 = arith.index_cast %mul3A_23 : i32 to index
        %swap3A_101 = arith.index_cast %mul3A_99 : i32 to index
        %swap3A_102 = tpu.vector_load %arg14[%swap3A_100, %swap3A_101] {strides = array<i32>} : memref<40x128xf32, #tpu.memory_space<vmem>>, vector<16xf32>,
        tpu.vector_store %arg14[%swap3A_100, %swap3A_101], %sub3A {strides = array<i32>} : memref<40x128xf32, #tpu.memory_space<vmem>>, vector<16xf32>,
      }
      %scan3A_54 = arith.constant 8 : i32
      %add3A_55 = arith.constant 1 : i32
      %add3A_56 = arith.addi %scan3A_21, %add3A_55 : i32
      %lt3A = arith.constant 20 : i32
      %lt3A_57 = arith.cmpi slt, %add3A_56, %lt3A : i32
      %convert_element_type3A = arith.extui %lt3A_57 : i1 to i32
      %cond3A = arith.constant 0 : i32
      %cond3A_58 = arith.cmpi ne, %convert_element_type3A, %cond3A : i32
      scf.if %cond3A_58 {
        %add3A_79 = arith.constant 2 : i32
        %add3A_80 = arith.addi %mul3A_23, %add3A_79 : i32
        %dma_start3A_81 = arith.constant 0 : i32
        %dma_start3A_82 = tpu.memref_slice %arg7[%add3A_80, %dma_start3A_81] : memref<40x128xi32, #tpu.memory_space<vmem>> -> memref<1x128xi32, #tpu.memory_space<vmem>>
        %dma_start3A_83 = tpu.memref_squeeze %dma_start3A_82 : memref<1x128xi32, #tpu.memory_space<vmem>> -> memref<128xi32, #tpu.memory_space<vmem>>
        %dma_start3A_84 = arith.constant 0 : i32
        %dma_start3A_85 = arith.constant 0 : i32
        %dma_start3A_86 = tpu.memref_slice %arg2[%dma_start3A_84, %dma_start3A_85] : memref<10000x128xf32, #tpu.memory_space<hbm>> -> memref<10000x128xf32, #tpu.memory_space<hbm>>
        tpu.enqueue_indirect_dma source(%dma_start3A_86 : memref<10000x128xf32, #tpu.memory_space<hbm>>) target(%arg9 : memref<128x128xf32, #tpu.memory_space<vmem>>) offsets(%dma_start3A_83 : memref<128xi32, #tpu.memory_space<vmem>>) semaphore(%arg15 : memref<!tpu.dma_semaphore, #tpu.memory_space<semaphore_mem>>)
        %dma_start3A_87 = arith.constant 0 : i32
        %dma_start3A_88 = tpu.memref_slice %arg8[%add3A_80, %dma_start3A_87] : memref<40x128xi32, #tpu.memory_space<vmem>> -> memref<1x128xi32, #tpu.memory_space<vmem>>
        %dma_start3A_89 = tpu.memref_squeeze %dma_start3A_88 : memref<1x128xi32, #tpu.memory_space<vmem>> -> memref<128xi32, #tpu.memory_space<vmem>>
        %dma_start3A_90 = arith.constant 0 : i32
        %dma_start3A_91 = arith.constant 0 : i32
        %dma_start3A_92 = tpu.memref_slice %arg2[%dma_start3A_90, %dma_start3A_91] : memref<10000x128xf32, #tpu.memory_space<hbm>> -> memref<10000x128xf32, #tpu.memory_space<hbm>>
        tpu.enqueue_indirect_dma source(%dma_start3A_92 : memref<10000x128xf32, #tpu.memory_space<hbm>>) target(%arg10 : memref<128x128xf32, #tpu.memory_space<vmem>>) offsets(%dma_start3A_89 : memref<128xi32, #tpu.memory_space<vmem>>) semaphore(%arg16 : memref<!tpu.dma_semaphore, #tpu.memory_space<semaphore_mem>>)
      } else {
      }
      %add3A_59 = arith.constant 1 : i32
      %add3A_60 = arith.addi %mul3A_23, %add3A_59 : i32
      %dma_wait3A_61 = arith.constant 0 : i32
      %dma_wait3A_62 = tpu.memref_slice %arg7[%add3A_60, %dma_wait3A_61] : memref<40x128xi32, #tpu.memory_space<vmem>> -> memref<1x128xi32, #tpu.memory_space<vmem>>
      %dma_wait3A_63 = tpu.memref_squeeze %dma_wait3A_62 : memref<1x128xi32, #tpu.memory_space<vmem>> -> memref<128xi32, #tpu.memory_space<vmem>>
      %dma_wait3A_64 = arith.constant 0 : i32
      %dma_wait3A_65 = arith.constant 0 : i32
      %dma_wait3A_66 = tpu.memref_slice %arg2[%dma_wait3A_64, %dma_wait3A_65] : memref<10000x128xf32, #tpu.memory_space<hbm>> -> memref<10000x128xf32, #tpu.memory_space<hbm>>
      tpu.wait_indirect_dma semaphore(%arg17 : memref<!tpu.dma_semaphore, #tpu.memory_space<semaphore_mem>>) src(%dma_wait3A_66 : memref<10000x128xf32, #tpu.memory_space<hbm>>) dst(%arg11 : memref<128x128xf32, #tpu.memory_space<vmem>>)
      %dma_wait3A_67 = arith.constant 0 : i32
      %dma_wait3A_68 = tpu.memref_slice %arg8[%add3A_60, %dma_wait3A_67] : memref<40x128xi32, #tpu.memory_space<vmem>> -> memref<1x128xi32, #tpu.memory_space<vmem>>
      %dma_wait3A_69 = tpu.memref_squeeze %dma_wait3A_68 : memref<1x128xi32, #tpu.memory_space<vmem>> -> memref<128xi32, #tpu.memory_space<vmem>>
      %dma_wait3A_70 = arith.constant 0 : i32
      %dma_wait3A_71 = arith.constant 0 : i32
      %dma_wait3A_72 = tpu.memref_slice %arg2[%dma_wait3A_70, %dma_wait3A_71] : memref<10000x128xf32, #tpu.memory_space<hbm>> -> memref<10000x128xf32, #tpu.memory_space<hbm>>
      tpu.wait_indirect_dma semaphore(%arg18 : memref<!tpu.dma_semaphore, #tpu.memory_space<semaphore_mem>>) src(%dma_wait3A_72 : memref<10000x128xf32, #tpu.memory_space<hbm>>) dst(%arg12 : memref<128x128xf32, #tpu.memory_space<vmem>>)
      %scan3A_73 = arith.constant 0 : i32
      %scan3A_74 = arith.constant 0 : i32
      %scan3A_75 = arith.constant 8 : i32
      %scan3A_76 = arith.addi %scan3A_74, %scan3A_75 : i32
      %scan3A_77 = arith.constant 1 : i32
      scf.for %scan3A_79 = %scan3A_74 to %scan3A_76 step %scan3A_77  : i32 {
        %iota3A = tpu.iota {dimensions = array<i32: 0>} : vector<16xi32>
        %mul3A_80 = arith.constant 16 : i32
        %mul3A_81 = arith.muli %scan3A_79, %mul3A_80 : i32
        %add3A_82 = vector.broadcast %mul3A_81 : i32 to vector<16xi32>
        %add3A_83 = arith.addi %add3A_82, %iota3A : vector<16xi32>
        %broadcast_in_dim3A = arith.constant 0.000000e+00 : f32
        %broadcast_in_dim3A_84 = vector.broadcast %broadcast_in_dim3A : f32 to vector<16xf32>
        %scan3A_85 = arith.constant 0 : i32
        %scan3A_86 = arith.constant 16 : i32
        %scan3A_87 = arith.addi %scan3A_85, %scan3A_86 : i32
        %scan3A_88 = arith.constant 1 : i32
        %scan3A_89 = scf.for %scan3A_103 = %scan3A_85 to %scan3A_87 step %scan3A_88 iter_args(%scan3A_104 = %broadcast_in_dim3A_84) -> (vector<16xf32>)  : i32 {
          %mul3A_105 = arith.constant 8 : i32
          %mul3A_106 = arith.muli %scan3A_103, %mul3A_105 : i32
          %add3A_107 = vector.broadcast %mul3A_106 : i32 to vector<16xi32>
          %add3A_108 = arith.addi %iota3A, %add3A_107 : vector<16xi32>
          %add3A_109 = arith.constant 0 : i32
          %add3A_110 = vector.broadcast %add3A_109 : i32 to vector<16xi32>
          %add3A_111 = arith.addi %add3A_108, %add3A_110 : vector<16xi32>
          %and3A = arith.constant 127 : i32
          %and3A_112 = vector.broadcast %and3A : i32 to vector<16xi32>
          %and3A_113 = arith.andi %add3A_111, %and3A_112 : vector<16xi32>
          %gather3A_114 = tpu.vector_load_idx %arg12[%add3A_83, %and3A_113] : memref<128x128xf32, #tpu.memory_space<vmem>>[vector<16xi32>, vector<16xi32>], vector<16xf32>,
          %gather3A_115 = tpu.vector_load_idx %arg11[%add3A_83, %and3A_113] : memref<128x128xf32, #tpu.memory_space<vmem>>[vector<16xi32>, vector<16xi32>], vector<16xf32>,
          %sub3A_116 = arith.subf %gather3A_114, %gather3A_115 : vector<16xf32>
          %mul3A_117 = arith.mulf %sub3A_116, %sub3A_116 : vector<16xf32>
          %add3A_118 = arith.addf %scan3A_104, %mul3A_117 : vector<16xf32>
          %add3A_119 = vector.broadcast %mul3A_106 : i32 to vector<16xi32>
          %add3A_120 = arith.addi %iota3A, %add3A_119 : vector<16xi32>
          %add3A_121 = arith.constant 1 : i32
          %add3A_122 = vector.broadcast %add3A_121 : i32 to vector<16xi32>
          %add3A_123 = arith.addi %add3A_120, %add3A_122 : vector<16xi32>
          %and3A_124 = arith.constant 127 : i32
          %and3A_125 = vector.broadcast %and3A_124 : i32 to vector<16xi32>
          %and3A_126 = arith.andi %add3A_123, %and3A_125 : vector<16xi32>
          %gather3A_127 = tpu.vector_load_idx %arg12[%add3A_83, %and3A_126] : memref<128x128xf32, #tpu.memory_space<vmem>>[vector<16xi32>, vector<16xi32>], vector<16xf32>,
          %gather3A_128 = tpu.vector_load_idx %arg11[%add3A_83, %and3A_126] : memref<128x128xf32, #tpu.memory_space<vmem>>[vector<16xi32>, vector<16xi32>], vector<16xf32>,
          %sub3A_129 = arith.subf %gather3A_127, %gather3A_128 : vector<16xf32>
          %mul3A_130 = arith.mulf %sub3A_129, %sub3A_129 : vector<16xf32>
          %add3A_131 = arith.addf %add3A_118, %mul3A_130 : vector<16xf32>
          %add3A_132 = vector.broadcast %mul3A_106 : i32 to vector<16xi32>
          %add3A_133 = arith.addi %iota3A, %add3A_132 : vector<16xi32>
          %add3A_134 = arith.constant 2 : i32
          %add3A_135 = vector.broadcast %add3A_134 : i32 to vector<16xi32>
          %add3A_136 = arith.addi %add3A_133, %add3A_135 : vector<16xi32>
          %and3A_137 = arith.constant 127 : i32
          %and3A_138 = vector.broadcast %and3A_137 : i32 to vector<16xi32>
          %and3A_139 = arith.andi %add3A_136, %and3A_138 : vector<16xi32>
          %gather3A_140 = tpu.vector_load_idx %arg12[%add3A_83, %and3A_139] : memref<128x128xf32, #tpu.memory_space<vmem>>[vector<16xi32>, vector<16xi32>], vector<16xf32>,
          %gather3A_141 = tpu.vector_load_idx %arg11[%add3A_83, %and3A_139] : memref<128x128xf32, #tpu.memory_space<vmem>>[vector<16xi32>, vector<16xi32>], vector<16xf32>,
          %sub3A_142 = arith.subf %gather3A_140, %gather3A_141 : vector<16xf32>
          %mul3A_143 = arith.mulf %sub3A_142, %sub3A_142 : vector<16xf32>
          %add3A_144 = arith.addf %add3A_131, %mul3A_143 : vector<16xf32>
          %add3A_145 = vector.broadcast %mul3A_106 : i32 to vector<16xi32>
          %add3A_146 = arith.addi %iota3A, %add3A_145 : vector<16xi32>
          %add3A_147 = arith.constant 3 : i32
          %add3A_148 = vector.broadcast %add3A_147 : i32 to vector<16xi32>
          %add3A_149 = arith.addi %add3A_146, %add3A_148 : vector<16xi32>
          %and3A_150 = arith.constant 127 : i32
          %and3A_151 = vector.broadcast %and3A_150 : i32 to vector<16xi32>
          %and3A_152 = arith.andi %add3A_149, %and3A_151 : vector<16xi32>
          %gather3A_153 = tpu.vector_load_idx %arg12[%add3A_83, %and3A_152] : memref<128x128xf32, #tpu.memory_space<vmem>>[vector<16xi32>, vector<16xi32>], vector<16xf32>,
          %gather3A_154 = tpu.vector_load_idx %arg11[%add3A_83, %and3A_152] : memref<128x128xf32, #tpu.memory_space<vmem>>[vector<16xi32>, vector<16xi32>], vector<16xf32>,
          %sub3A_155 = arith.subf %gather3A_153, %gather3A_154 : vector<16xf32>
          %mul3A_156 = arith.mulf %sub3A_155, %sub3A_155 : vector<16xf32>
          %add3A_157 = arith.addf %add3A_144, %mul3A_156 : vector<16xf32>
          %add3A_158 = vector.broadcast %mul3A_106 : i32 to vector<16xi32>
          %add3A_159 = arith.addi %iota3A, %add3A_158 : vector<16xi32>
          %add3A_160 = arith.constant 4 : i32
          %add3A_161 = vector.broadcast %add3A_160 : i32 to vector<16xi32>
          %add3A_162 = arith.addi %add3A_159, %add3A_161 : vector<16xi32>
          %and3A_163 = arith.constant 127 : i32
          %and3A_164 = vector.broadcast %and3A_163 : i32 to vector<16xi32>
          %and3A_165 = arith.andi %add3A_162, %and3A_164 : vector<16xi32>
          %gather3A_166 = tpu.vector_load_idx %arg12[%add3A_83, %and3A_165] : memref<128x128xf32, #tpu.memory_space<vmem>>[vector<16xi32>, vector<16xi32>], vector<16xf32>,
          %gather3A_167 = tpu.vector_load_idx %arg11[%add3A_83, %and3A_165] : memref<128x128xf32, #tpu.memory_space<vmem>>[vector<16xi32>, vector<16xi32>], vector<16xf32>,
          %sub3A_168 = arith.subf %gather3A_166, %gather3A_167 : vector<16xf32>
          %mul3A_169 = arith.mulf %sub3A_168, %sub3A_168 : vector<16xf32>
          %add3A_170 = arith.addf %add3A_157, %mul3A_169 : vector<16xf32>
          %add3A_171 = vector.broadcast %mul3A_106 : i32 to vector<16xi32>
          %add3A_172 = arith.addi %iota3A, %add3A_171 : vector<16xi32>
          %add3A_173 = arith.constant 5 : i32
          %add3A_174 = vector.broadcast %add3A_173 : i32 to vector<16xi32>
          %add3A_175 = arith.addi %add3A_172, %add3A_174 : vector<16xi32>
          %and3A_176 = arith.constant 127 : i32
          %and3A_177 = vector.broadcast %and3A_176 : i32 to vector<16xi32>
          %and3A_178 = arith.andi %add3A_175, %and3A_177 : vector<16xi32>
          %gather3A_179 = tpu.vector_load_idx %arg12[%add3A_83, %and3A_178] : memref<128x128xf32, #tpu.memory_space<vmem>>[vector<16xi32>, vector<16xi32>], vector<16xf32>,
          %gather3A_180 = tpu.vector_load_idx %arg11[%add3A_83, %and3A_178] : memref<128x128xf32, #tpu.memory_space<vmem>>[vector<16xi32>, vector<16xi32>], vector<16xf32>,
          %sub3A_181 = arith.subf %gather3A_179, %gather3A_180 : vector<16xf32>
          %mul3A_182 = arith.mulf %sub3A_181, %sub3A_181 : vector<16xf32>
          %add3A_183 = arith.addf %add3A_170, %mul3A_182 : vector<16xf32>
          %add3A_184 = vector.broadcast %mul3A_106 : i32 to vector<16xi32>
          %add3A_185 = arith.addi %iota3A, %add3A_184 : vector<16xi32>
          %add3A_186 = arith.constant 6 : i32
          %add3A_187 = vector.broadcast %add3A_186 : i32 to vector<16xi32>
          %add3A_188 = arith.addi %add3A_185, %add3A_187 : vector<16xi32>
          %and3A_189 = arith.constant 127 : i32
          %and3A_190 = vector.broadcast %and3A_189 : i32 to vector<16xi32>
          %and3A_191 = arith.andi %add3A_188, %and3A_190 : vector<16xi32>
          %gather3A_192 = tpu.vector_load_idx %arg12[%add3A_83, %and3A_191] : memref<128x128xf32, #tpu.memory_space<vmem>>[vector<16xi32>, vector<16xi32>], vector<16xf32>,
          %gather3A_193 = tpu.vector_load_idx %arg11[%add3A_83, %and3A_191] : memref<128x128xf32, #tpu.memory_space<vmem>>[vector<16xi32>, vector<16xi32>], vector<16xf32>,
          %sub3A_194 = arith.subf %gather3A_192, %gather3A_193 : vector<16xf32>
          %mul3A_195 = arith.mulf %sub3A_194, %sub3A_194 : vector<16xf32>
          %add3A_196 = arith.addf %add3A_183, %mul3A_195 : vector<16xf32>
          %add3A_197 = vector.broadcast %mul3A_106 : i32 to vector<16xi32>
          %add3A_198 = arith.addi %iota3A, %add3A_197 : vector<16xi32>
          %add3A_199 = arith.constant 7 : i32
          %add3A_200 = vector.broadcast %add3A_199 : i32 to vector<16xi32>
          %add3A_201 = arith.addi %add3A_198, %add3A_200 : vector<16xi32>
          %and3A_202 = arith.constant 127 : i32
          %and3A_203 = vector.broadcast %and3A_202 : i32 to vector<16xi32>
          %and3A_204 = arith.andi %add3A_201, %and3A_203 : vector<16xi32>
          %gather3A_205 = tpu.vector_load_idx %arg12[%add3A_83, %and3A_204] : memref<128x128xf32, #tpu.memory_space<vmem>>[vector<16xi32>, vector<16xi32>], vector<16xf32>,
          %gather3A_206 = tpu.vector_load_idx %arg11[%add3A_83, %and3A_204] : memref<128x128xf32, #tpu.memory_space<vmem>>[vector<16xi32>, vector<16xi32>], vector<16xf32>,
          %sub3A_207 = arith.subf %gather3A_205, %gather3A_206 : vector<16xf32>
          %mul3A_208 = arith.mulf %sub3A_207, %sub3A_207 : vector<16xf32>
          %add3A_209 = arith.addf %add3A_196, %mul3A_208 : vector<16xf32>
          scf.yield %add3A_209 : vector<16xf32>
        }
        %scan3A_90 = arith.constant 16 : i32
        %broadcast_in_dim3A_91 = arith.constant 0 : i32
        %broadcast_in_dim3A_92 = vector.broadcast %broadcast_in_dim3A_91 : i32 to vector<16xi32>
        %gather3A = tpu.vector_load_idx %arg12[%add3A_83, %broadcast_in_dim3A_92] : memref<128x128xf32, #tpu.memory_space<vmem>>[vector<16xi32>, vector<16xi32>], vector<16xf32>,
        %gather3A_93 = tpu.vector_load_idx %arg11[%add3A_83, %broadcast_in_dim3A_92] : memref<128x128xf32, #tpu.memory_space<vmem>>[vector<16xi32>, vector<16xi32>], vector<16xf32>,
        %sub3A = arith.subf %gather3A, %gather3A_93 : vector<16xf32>
        %mul3A_94 = arith.constant 16 : i32
        %mul3A_95 = arith.muli %scan3A_79, %mul3A_94 : i32
        %swap3A = arith.index_cast %add3A_60 : i32 to index
        %swap3A_96 = arith.index_cast %mul3A_95 : i32 to index
        %swap3A_97 = tpu.vector_load %arg13[%swap3A, %swap3A_96] {strides = array<i32>} : memref<40x128xf32, #tpu.memory_space<vmem>>, vector<16xf32>,
        tpu.vector_store %arg13[%swap3A, %swap3A_96], %scan3A_89 {strides = array<i32>} : memref<40x128xf32, #tpu.memory_space<vmem>>, vector<16xf32>,
        %mul3A_98 = arith.constant 16 : i32
        %mul3A_99 = arith.muli %scan3A_79, %mul3A_98 : i32
        %swap3A_100 = arith.index_cast %add3A_60 : i32 to index
        %swap3A_101 = arith.index_cast %mul3A_99 : i32 to index
        %swap3A_102 = tpu.vector_load %arg14[%swap3A_100, %swap3A_101] {strides = array<i32>} : memref<40x128xf32, #tpu.memory_space<vmem>>, vector<16xf32>,
        tpu.vector_store %arg14[%swap3A_100, %swap3A_101], %sub3A {strides = array<i32>} : memref<40x128xf32, #tpu.memory_space<vmem>>, vector<16xf32>,
      }
      %scan3A_78 = arith.constant 8 : i32
    }
    %scan3A_20 = arith.constant 20 : i32
    "tpu.region"() ({
      %run_scoped3A = tpu.sem_alloc : memref<!tpu.dma_semaphore, #tpu.memory_space<semaphore_mem>>
      %dma_start3A_21 = arith.constant 0 : i32
      %dma_start3A_22 = tpu.memref_slice %arg5[%mul3A_2, %dma_start3A_21] : memref<1280x128xf32, #tpu.memory_space<hbm>> -> memref<40x128xf32, #tpu.memory_space<hbm>>
      %dma_start3A_23 = arith.constant 0 : i32
      %dma_start3A_24 = tpu.memref_slice %arg5[%mul3A_2, %dma_start3A_23] : memref<1280x128xf32, #tpu.memory_space<hbm>> -> memref<40x128xf32, #tpu.memory_space<hbm>>
      tpu.enqueue_dma source(%arg13 : memref<40x128xf32, #tpu.memory_space<vmem>>) target(%dma_start3A_24 : memref<40x128xf32, #tpu.memory_space<hbm>>) target_semaphore(%run_scoped3A : memref<!tpu.dma_semaphore, #tpu.memory_space<semaphore_mem>>)
      %dma_wait3A = arith.constant 0 : i32
      %dma_wait3A_25 = tpu.memref_slice %arg5[%mul3A_2, %dma_wait3A] : memref<1280x128xf32, #tpu.memory_space<hbm>> -> memref<40x128xf32, #tpu.memory_space<hbm>>
      %dma_wait3A_26 = arith.constant 0 : i32
      %dma_wait3A_27 = tpu.memref_slice %arg5[%mul3A_2, %dma_wait3A_26] : memref<1280x128xf32, #tpu.memory_space<hbm>> -> memref<40x128xf32, #tpu.memory_space<hbm>>
      tpu.wait_dma2 semaphore(%run_scoped3A : memref<!tpu.dma_semaphore, #tpu.memory_space<semaphore_mem>>) src(%arg13 : memref<40x128xf32, #tpu.memory_space<vmem>>) dst(%dma_wait3A_27 : memref<40x128xf32, #tpu.memory_space<hbm>>)
      tpu.yield
    }) : () -> ()
    "tpu.region"() ({
      %run_scoped3A = tpu.sem_alloc : memref<!tpu.dma_semaphore, #tpu.memory_space<semaphore_mem>>
      %dma_start3A_21 = arith.constant 0 : i32
      %dma_start3A_22 = tpu.memref_slice %arg6[%mul3A_2, %dma_start3A_21] : memref<1280x128xf32, #tpu.memory_space<hbm>> -> memref<40x128xf32, #tpu.memory_space<hbm>>
      %dma_start3A_23 = arith.constant 0 : i32
      %dma_start3A_24 = tpu.memref_slice %arg6[%mul3A_2, %dma_start3A_23] : memref<1280x128xf32, #tpu.memory_space<hbm>> -> memref<40x128xf32, #tpu.memory_space<hbm>>
      tpu.enqueue_dma source(%arg14 : memref<40x128xf32, #tpu.memory_space<vmem>>) target(%dma_start3A_24 : memref<40x128xf32, #tpu.memory_space<hbm>>) target_semaphore(%run_scoped3A : memref<!tpu.dma_semaphore, #tpu.memory_space<semaphore_mem>>)
      %dma_wait3A = arith.constant 0 : i32
      %dma_wait3A_25 = tpu.memref_slice %arg6[%mul3A_2, %dma_wait3A] : memref<1280x128xf32, #tpu.memory_space<hbm>> -> memref<40x128xf32, #tpu.memory_space<hbm>>
      %dma_wait3A_26 = arith.constant 0 : i32
      %dma_wait3A_27 = tpu.memref_slice %arg6[%mul3A_2, %dma_wait3A_26] : memref<1280x128xf32, #tpu.memory_space<hbm>> -> memref<40x128xf32, #tpu.memory_space<hbm>>
      tpu.wait_dma2 semaphore(%run_scoped3A : memref<!tpu.dma_semaphore, #tpu.memory_space<semaphore_mem>>) src(%arg14 : memref<40x128xf32, #tpu.memory_space<vmem>>) dst(%dma_wait3A_27 : memref<40x128xf32, #tpu.memory_space<hbm>>)
      tpu.yield
    }) : () -> ()
    return
  }
}

#map = affine_map<(d0, d1) -> (0, 0)>
module attributes {stable_mosaic.version = 14 : i64} {
  func.func @sc_kernel(%arg0: i32, %arg1: i32, %arg2: memref<10000x128xf32, #tpu.memory_space<hbm>>, %arg3: memref<1280x128xi32, #tpu.memory_space<hbm>>, %arg4: memref<1280x128xi32, #tpu.memory_space<hbm>>, %arg5: memref<1280x128xf32, #tpu.memory_space<hbm>>, %arg6: memref<1280x128xf32, #tpu.memory_space<hbm>>, %arg7: memref<40x128xi32, #tpu.memory_space<vmem>>, %arg8: memref<40x128xi32, #tpu.memory_space<vmem>>, %arg9: memref<128x128xf32, #tpu.memory_space<vmem>>, %arg10: memref<128x128xf32, #tpu.memory_space<vmem>>, %arg11: memref<128x128xf32, #tpu.memory_space<vmem>>, %arg12: memref<128x128xf32, #tpu.memory_space<vmem>>, %arg13: memref<40x128xf32, #tpu.memory_space<vmem>>, %arg14: memref<40x128xf32, #tpu.memory_space<vmem>>, %arg15: memref<!tpu.dma_semaphore, #tpu.memory_space<semaphore_mem>>, %arg16: memref<!tpu.dma_semaphore, #tpu.memory_space<semaphore_mem>>, %arg17: memref<!tpu.dma_semaphore, #tpu.memory_space<semaphore_mem>>, %arg18: memref<!tpu.dma_semaphore, #tpu.memory_space<semaphore_mem>>) attributes {dimension_semantics = [#tpu.dimension_semantics<core_parallel>, #tpu.dimension_semantics<subcore_parallel>], iteration_bounds = array<i64: 2, 16>, scalar_prefetch = 0 : i64, scratch_operands = 12 : i64, tpu.core_type = #tpu.core_type<sc_vector_subcore>, window_params = [{transform_indices = #map}, {transform_indices = #map}, {transform_indices = #map}, {transform_indices = #map}, {transform_indices = #map}]} {
    %mul3A = arith.constant 2 : i32
    %mul3A_0 = arith.muli %arg1, %mul3A : i32
    %add3A = arith.addi %mul3A_0, %arg0 : i32
    %mul3A_1 = arith.constant 40 : i32
    %mul3A_2 = arith.muli %mul3A_1, %add3A : i32
    "tpu.region"() ({
      %run_scoped3A = tpu.sem_alloc : memref<!tpu.dma_semaphore, #tpu.memory_space<semaphore_mem>>
      %dma_start3A_21 = arith.constant 0 : i32
      %dma_start3A_22 = tpu.memref_slice %arg3[%mul3A_2, %dma_start3A_21] : memref<1280x128xi32, #tpu.memory_space<hbm>> -> memref<40x128xi32, #tpu.memory_space<hbm>>
      %dma_start3A_23 = arith.constant 0 : i32
      %dma_start3A_24 = tpu.memref_slice %arg3[%mul3A_2, %dma_start3A_23] : memref<1280x128xi32, #tpu.memory_space<hbm>> -> memref<40x128xi32, #tpu.memory_space<hbm>>
      tpu.enqueue_dma source(%dma_start3A_24 : memref<40x128xi32, #tpu.memory_space<hbm>>) target(%arg7 : memref<40x128xi32, #tpu.memory_space<vmem>>) target_semaphore(%run_scoped3A : memref<!tpu.dma_semaphore, #tpu.memory_space<semaphore_mem>>)
      %dma_wait3A = arith.constant 0 : i32
      %dma_wait3A_25 = tpu.memref_slice %arg3[%mul3A_2, %dma_wait3A] : memref<1280x128xi32, #tpu.memory_space<hbm>> -> memref<40x128xi32, #tpu.memory_space<hbm>>
      %dma_wait3A_26 = arith.constant 0 : i32
      %dma_wait3A_27 = tpu.memref_slice %arg3[%mul3A_2, %dma_wait3A_26] : memref<1280x128xi32, #tpu.memory_space<hbm>> -> memref<40x128xi32, #tpu.memory_space<hbm>>
      tpu.wait_dma2 semaphore(%run_scoped3A : memref<!tpu.dma_semaphore, #tpu.memory_space<semaphore_mem>>) src(%dma_wait3A_27 : memref<40x128xi32, #tpu.memory_space<hbm>>) dst(%arg7 : memref<40x128xi32, #tpu.memory_space<vmem>>)
      tpu.yield
    }) : () -> ()
    "tpu.region"() ({
      %run_scoped3A = tpu.sem_alloc : memref<!tpu.dma_semaphore, #tpu.memory_space<semaphore_mem>>
      %dma_start3A_21 = arith.constant 0 : i32
      %dma_start3A_22 = tpu.memref_slice %arg4[%mul3A_2, %dma_start3A_21] : memref<1280x128xi32, #tpu.memory_space<hbm>> -> memref<40x128xi32, #tpu.memory_space<hbm>>
      %dma_start3A_23 = arith.constant 0 : i32
      %dma_start3A_24 = tpu.memref_slice %arg4[%mul3A_2, %dma_start3A_23] : memref<1280x128xi32, #tpu.memory_space<hbm>> -> memref<40x128xi32, #tpu.memory_space<hbm>>
      tpu.enqueue_dma source(%dma_start3A_24 : memref<40x128xi32, #tpu.memory_space<hbm>>) target(%arg8 : memref<40x128xi32, #tpu.memory_space<vmem>>) target_semaphore(%run_scoped3A : memref<!tpu.dma_semaphore, #tpu.memory_space<semaphore_mem>>)
      %dma_wait3A = arith.constant 0 : i32
      %dma_wait3A_25 = tpu.memref_slice %arg4[%mul3A_2, %dma_wait3A] : memref<1280x128xi32, #tpu.memory_space<hbm>> -> memref<40x128xi32, #tpu.memory_space<hbm>>
      %dma_wait3A_26 = arith.constant 0 : i32
      %dma_wait3A_27 = tpu.memref_slice %arg4[%mul3A_2, %dma_wait3A_26] : memref<1280x128xi32, #tpu.memory_space<hbm>> -> memref<40x128xi32, #tpu.memory_space<hbm>>
      tpu.wait_dma2 semaphore(%run_scoped3A : memref<!tpu.dma_semaphore, #tpu.memory_space<semaphore_mem>>) src(%dma_wait3A_27 : memref<40x128xi32, #tpu.memory_space<hbm>>) dst(%arg8 : memref<40x128xi32, #tpu.memory_space<vmem>>)
      tpu.yield
    }) : () -> ()
    %dma_start3A = arith.constant 0 : i32
    %dma_start3A_3 = arith.constant 0 : i32
    %dma_start3A_4 = tpu.memref_slice %arg7[%dma_start3A, %dma_start3A_3] : memref<40x128xi32, #tpu.memory_space<vmem>> -> memref<1x128xi32, #tpu.memory_space<vmem>>
    %dma_start3A_5 = tpu.memref_squeeze %dma_start3A_4 : memref<1x128xi32, #tpu.memory_space<vmem>> -> memref<128xi32, #tpu.memory_space<vmem>>
    %dma_start3A_6 = arith.constant 0 : i32
    %dma_start3A_7 = arith.constant 0 : i32
    %dma_start3A_8 = tpu.memref_slice %arg2[%dma_start3A_6, %dma_start3A_7] : memref<10000x128xf32, #tpu.memory_space<hbm>> -> memref<10000x128xf32, #tpu.memory_space<hbm>>
    tpu.enqueue_indirect_dma source(%dma_start3A_8 : memref<10000x128xf32, #tpu.memory_space<hbm>>) target(%arg9 : memref<128x128xf32, #tpu.memory_space<vmem>>) offsets(%dma_start3A_5 : memref<128xi32, #tpu.memory_space<vmem>>) semaphore(%arg15 : memref<!tpu.dma_semaphore, #tpu.memory_space<semaphore_mem>>)
    %dma_start3A_9 = arith.constant 0 : i32
    %dma_start3A_10 = arith.constant 0 : i32
    %dma_start3A_11 = tpu.memref_slice %arg8[%dma_start3A_9, %dma_start3A_10] : memref<40x128xi32, #tpu.memory_space<vmem>> -> memref<1x128xi32, #tpu.memory_space<vmem>>
    %dma_start3A_12 = tpu.memref_squeeze %dma_start3A_11 : memref<1x128xi32, #tpu.memory_space<vmem>> -> memref<128xi32, #tpu.memory_space<vmem>>
    %dma_start3A_13 = arith.constant 0 : i32
    %dma_start3A_14 = arith.constant 0 : i32
    %dma_start3A_15 = tpu.memref_slice %arg2[%dma_start3A_13, %dma_start3A_14] : memref<10000x128xf32, #tpu.memory_space<hbm>> -> memref<10000x128xf32, #tpu.memory_space<hbm>>
    tpu.enqueue_indirect_dma source(%dma_start3A_15 : memref<10000x128xf32, #tpu.memory_space<hbm>>) target(%arg10 : memref<128x128xf32, #tpu.memory_space<vmem>>) offsets(%dma_start3A_12 : memref<128xi32, #tpu.memory_space<vmem>>) semaphore(%arg16 : memref<!tpu.dma_semaphore, #tpu.memory_space<semaphore_mem>>)
    %scan3A = arith.constant 0 : i32
    %scan3A_16 = arith.constant 0 : i32
    %scan3A_17 = arith.constant 20 : i32
    %scan3A_18 = arith.addi %scan3A_16, %scan3A_17 : i32
    %scan3A_19 = arith.constant 1 : i32
    scf.for %scan3A_21 = %scan3A_16 to %scan3A_18 step %scan3A_19  : i32 {
      %mul3A_22 = arith.constant 2 : i32
      %mul3A_23 = arith.muli %mul3A_22, %scan3A_21 : i32
      %add3A_24 = arith.constant 1 : i32
      %add3A_25 = arith.addi %mul3A_23, %add3A_24 : i32
      %dma_start3A_26 = arith.constant 0 : i32
      %dma_start3A_27 = tpu.memref_slice %arg7[%add3A_25, %dma_start3A_26] : memref<40x128xi32, #tpu.memory_space<vmem>> -> memref<1x128xi32, #tpu.memory_space<vmem>>
      %dma_start3A_28 = tpu.memref_squeeze %dma_start3A_27 : memref<1x128xi32, #tpu.memory_space<vmem>> -> memref<128xi32, #tpu.memory_space<vmem>>
      %dma_start3A_29 = arith.constant 0 : i32
      %dma_start3A_30 = arith.constant 0 : i32
      %dma_start3A_31 = tpu.memref_slice %arg2[%dma_start3A_29, %dma_start3A_30] : memref<10000x128xf32, #tpu.memory_space<hbm>> -> memref<10000x128xf32, #tpu.memory_space<hbm>>
      tpu.enqueue_indirect_dma source(%dma_start3A_31 : memref<10000x128xf32, #tpu.memory_space<hbm>>) target(%arg11 : memref<128x128xf32, #tpu.memory_space<vmem>>) offsets(%dma_start3A_28 : memref<128xi32, #tpu.memory_space<vmem>>) semaphore(%arg17 : memref<!tpu.dma_semaphore, #tpu.memory_space<semaphore_mem>>)
      %dma_start3A_32 = arith.constant 0 : i32
      %dma_start3A_33 = tpu.memref_slice %arg8[%add3A_25, %dma_start3A_32] : memref<40x128xi32, #tpu.memory_space<vmem>> -> memref<1x128xi32, #tpu.memory_space<vmem>>
      %dma_start3A_34 = tpu.memref_squeeze %dma_start3A_33 : memref<1x128xi32, #tpu.memory_space<vmem>> -> memref<128xi32, #tpu.memory_space<vmem>>
      %dma_start3A_35 = arith.constant 0 : i32
      %dma_start3A_36 = arith.constant 0 : i32
      %dma_start3A_37 = tpu.memref_slice %arg2[%dma_start3A_35, %dma_start3A_36] : memref<10000x128xf32, #tpu.memory_space<hbm>> -> memref<10000x128xf32, #tpu.memory_space<hbm>>
      tpu.enqueue_indirect_dma source(%dma_start3A_37 : memref<10000x128xf32, #tpu.memory_space<hbm>>) target(%arg12 : memref<128x128xf32, #tpu.memory_space<vmem>>) offsets(%dma_start3A_34 : memref<128xi32, #tpu.memory_space<vmem>>) semaphore(%arg18 : memref<!tpu.dma_semaphore, #tpu.memory_space<semaphore_mem>>)
      %dma_wait3A = arith.constant 0 : i32
      %dma_wait3A_38 = tpu.memref_slice %arg7[%mul3A_23, %dma_wait3A] : memref<40x128xi32, #tpu.memory_space<vmem>> -> memref<1x128xi32, #tpu.memory_space<vmem>>
      %dma_wait3A_39 = tpu.memref_squeeze %dma_wait3A_38 : memref<1x128xi32, #tpu.memory_space<vmem>> -> memref<128xi32, #tpu.memory_space<vmem>>
      %dma_wait3A_40 = arith.constant 0 : i32
      %dma_wait3A_41 = arith.constant 0 : i32
      %dma_wait3A_42 = tpu.memref_slice %arg2[%dma_wait3A_40, %dma_wait3A_41] : memref<10000x128xf32, #tpu.memory_space<hbm>> -> memref<10000x128xf32, #tpu.memory_space<hbm>>
      tpu.wait_indirect_dma semaphore(%arg15 : memref<!tpu.dma_semaphore, #tpu.memory_space<semaphore_mem>>) src(%dma_wait3A_42 : memref<10000x128xf32, #tpu.memory_space<hbm>>) dst(%arg9 : memref<128x128xf32, #tpu.memory_space<vmem>>)
      %dma_wait3A_43 = arith.constant 0 : i32
      %dma_wait3A_44 = tpu.memref_slice %arg8[%mul3A_23, %dma_wait3A_43] : memref<40x128xi32, #tpu.memory_space<vmem>> -> memref<1x128xi32, #tpu.memory_space<vmem>>
      %dma_wait3A_45 = tpu.memref_squeeze %dma_wait3A_44 : memref<1x128xi32, #tpu.memory_space<vmem>> -> memref<128xi32, #tpu.memory_space<vmem>>
      %dma_wait3A_46 = arith.constant 0 : i32
      %dma_wait3A_47 = arith.constant 0 : i32
      %dma_wait3A_48 = tpu.memref_slice %arg2[%dma_wait3A_46, %dma_wait3A_47] : memref<10000x128xf32, #tpu.memory_space<hbm>> -> memref<10000x128xf32, #tpu.memory_space<hbm>>
      tpu.wait_indirect_dma semaphore(%arg16 : memref<!tpu.dma_semaphore, #tpu.memory_space<semaphore_mem>>) src(%dma_wait3A_48 : memref<10000x128xf32, #tpu.memory_space<hbm>>) dst(%arg10 : memref<128x128xf32, #tpu.memory_space<vmem>>)
      %scan3A_49 = arith.constant 0 : i32
      %scan3A_50 = arith.constant 0 : i32
      %scan3A_51 = arith.constant 8 : i32
      %scan3A_52 = arith.addi %scan3A_50, %scan3A_51 : i32
      %scan3A_53 = arith.constant 1 : i32
      scf.for %scan3A_79 = %scan3A_50 to %scan3A_52 step %scan3A_53  : i32 {
        %iota3A = tpu.iota {dimensions = array<i32: 0>} : vector<16xi32>
        %mul3A_80 = arith.constant 16 : i32
        %mul3A_81 = arith.muli %scan3A_79, %mul3A_80 : i32
        %add3A_82 = vector.broadcast %mul3A_81 : i32 to vector<16xi32>
        %add3A_83 = arith.addi %add3A_82, %iota3A : vector<16xi32>
        %broadcast_in_dim3A = arith.constant 0.000000e+00 : f32
        %broadcast_in_dim3A_84 = vector.broadcast %broadcast_in_dim3A : f32 to vector<16xf32>
        %scan3A_85 = arith.constant 0 : i32
        %scan3A_86 = arith.constant 16 : i32
        %scan3A_87 = arith.addi %scan3A_85, %scan3A_86 : i32
        %scan3A_88 = arith.constant 1 : i32
        %scan3A_89 = scf.for %scan3A_103 = %scan3A_85 to %scan3A_87 step %scan3A_88 iter_args(%scan3A_104 = %broadcast_in_dim3A_84) -> (vector<16xf32>)  : i32 {
          %mul3A_105 = arith.constant 8 : i32
          %mul3A_106 = arith.muli %scan3A_103, %mul3A_105 : i32
          %add3A_107 = vector.broadcast %mul3A_106 : i32 to vector<16xi32>
          %add3A_108 = arith.addi %iota3A, %add3A_107 : vector<16xi32>
          %add3A_109 = arith.constant 0 : i32
          %add3A_110 = vector.broadcast %add3A_109 : i32 to vector<16xi32>
          %add3A_111 = arith.addi %add3A_108, %add3A_110 : vector<16xi32>
          %and3A = arith.constant 127 : i32
          %and3A_112 = vector.broadcast %and3A : i32 to vector<16xi32>
          %and3A_113 = arith.andi %add3A_111, %and3A_112 : vector<16xi32>
          %gather3A_114 = tpu.vector_load_idx %arg10[%add3A_83, %and3A_113] : memref<128x128xf32, #tpu.memory_space<vmem>>[vector<16xi32>, vector<16xi32>], vector<16xf32>,
          %gather3A_115 = tpu.vector_load_idx %arg9[%add3A_83, %and3A_113] : memref<128x128xf32, #tpu.memory_space<vmem>>[vector<16xi32>, vector<16xi32>], vector<16xf32>,
          %sub3A_116 = arith.subf %gather3A_114, %gather3A_115 : vector<16xf32>
          %mul3A_117 = arith.mulf %sub3A_116, %sub3A_116 : vector<16xf32>
          %add3A_118 = arith.addf %scan3A_104, %mul3A_117 : vector<16xf32>
          %add3A_119 = vector.broadcast %mul3A_106 : i32 to vector<16xi32>
          %add3A_120 = arith.addi %iota3A, %add3A_119 : vector<16xi32>
          %add3A_121 = arith.constant 1 : i32
          %add3A_122 = vector.broadcast %add3A_121 : i32 to vector<16xi32>
          %add3A_123 = arith.addi %add3A_120, %add3A_122 : vector<16xi32>
          %and3A_124 = arith.constant 127 : i32
          %and3A_125 = vector.broadcast %and3A_124 : i32 to vector<16xi32>
          %and3A_126 = arith.andi %add3A_123, %and3A_125 : vector<16xi32>
          %gather3A_127 = tpu.vector_load_idx %arg10[%add3A_83, %and3A_126] : memref<128x128xf32, #tpu.memory_space<vmem>>[vector<16xi32>, vector<16xi32>], vector<16xf32>,
          %gather3A_128 = tpu.vector_load_idx %arg9[%add3A_83, %and3A_126] : memref<128x128xf32, #tpu.memory_space<vmem>>[vector<16xi32>, vector<16xi32>], vector<16xf32>,
          %sub3A_129 = arith.subf %gather3A_127, %gather3A_128 : vector<16xf32>
          %mul3A_130 = arith.mulf %sub3A_129, %sub3A_129 : vector<16xf32>
          %add3A_131 = arith.addf %add3A_118, %mul3A_130 : vector<16xf32>
          %add3A_132 = vector.broadcast %mul3A_106 : i32 to vector<16xi32>
          %add3A_133 = arith.addi %iota3A, %add3A_132 : vector<16xi32>
          %add3A_134 = arith.constant 2 : i32
          %add3A_135 = vector.broadcast %add3A_134 : i32 to vector<16xi32>
          %add3A_136 = arith.addi %add3A_133, %add3A_135 : vector<16xi32>
          %and3A_137 = arith.constant 127 : i32
          %and3A_138 = vector.broadcast %and3A_137 : i32 to vector<16xi32>
          %and3A_139 = arith.andi %add3A_136, %and3A_138 : vector<16xi32>
          %gather3A_140 = tpu.vector_load_idx %arg10[%add3A_83, %and3A_139] : memref<128x128xf32, #tpu.memory_space<vmem>>[vector<16xi32>, vector<16xi32>], vector<16xf32>,
          %gather3A_141 = tpu.vector_load_idx %arg9[%add3A_83, %and3A_139] : memref<128x128xf32, #tpu.memory_space<vmem>>[vector<16xi32>, vector<16xi32>], vector<16xf32>,
          %sub3A_142 = arith.subf %gather3A_140, %gather3A_141 : vector<16xf32>
          %mul3A_143 = arith.mulf %sub3A_142, %sub3A_142 : vector<16xf32>
          %add3A_144 = arith.addf %add3A_131, %mul3A_143 : vector<16xf32>
          %add3A_145 = vector.broadcast %mul3A_106 : i32 to vector<16xi32>
          %add3A_146 = arith.addi %iota3A, %add3A_145 : vector<16xi32>
          %add3A_147 = arith.constant 3 : i32
          %add3A_148 = vector.broadcast %add3A_147 : i32 to vector<16xi32>
          %add3A_149 = arith.addi %add3A_146, %add3A_148 : vector<16xi32>
          %and3A_150 = arith.constant 127 : i32
          %and3A_151 = vector.broadcast %and3A_150 : i32 to vector<16xi32>
          %and3A_152 = arith.andi %add3A_149, %and3A_151 : vector<16xi32>
          %gather3A_153 = tpu.vector_load_idx %arg10[%add3A_83, %and3A_152] : memref<128x128xf32, #tpu.memory_space<vmem>>[vector<16xi32>, vector<16xi32>], vector<16xf32>,
          %gather3A_154 = tpu.vector_load_idx %arg9[%add3A_83, %and3A_152] : memref<128x128xf32, #tpu.memory_space<vmem>>[vector<16xi32>, vector<16xi32>], vector<16xf32>,
          %sub3A_155 = arith.subf %gather3A_153, %gather3A_154 : vector<16xf32>
          %mul3A_156 = arith.mulf %sub3A_155, %sub3A_155 : vector<16xf32>
          %add3A_157 = arith.addf %add3A_144, %mul3A_156 : vector<16xf32>
          %add3A_158 = vector.broadcast %mul3A_106 : i32 to vector<16xi32>
          %add3A_159 = arith.addi %iota3A, %add3A_158 : vector<16xi32>
          %add3A_160 = arith.constant 4 : i32
          %add3A_161 = vector.broadcast %add3A_160 : i32 to vector<16xi32>
          %add3A_162 = arith.addi %add3A_159, %add3A_161 : vector<16xi32>
          %and3A_163 = arith.constant 127 : i32
          %and3A_164 = vector.broadcast %and3A_163 : i32 to vector<16xi32>
          %and3A_165 = arith.andi %add3A_162, %and3A_164 : vector<16xi32>
          %gather3A_166 = tpu.vector_load_idx %arg10[%add3A_83, %and3A_165] : memref<128x128xf32, #tpu.memory_space<vmem>>[vector<16xi32>, vector<16xi32>], vector<16xf32>,
          %gather3A_167 = tpu.vector_load_idx %arg9[%add3A_83, %and3A_165] : memref<128x128xf32, #tpu.memory_space<vmem>>[vector<16xi32>, vector<16xi32>], vector<16xf32>,
          %sub3A_168 = arith.subf %gather3A_166, %gather3A_167 : vector<16xf32>
          %mul3A_169 = arith.mulf %sub3A_168, %sub3A_168 : vector<16xf32>
          %add3A_170 = arith.addf %add3A_157, %mul3A_169 : vector<16xf32>
          %add3A_171 = vector.broadcast %mul3A_106 : i32 to vector<16xi32>
          %add3A_172 = arith.addi %iota3A, %add3A_171 : vector<16xi32>
          %add3A_173 = arith.constant 5 : i32
          %add3A_174 = vector.broadcast %add3A_173 : i32 to vector<16xi32>
          %add3A_175 = arith.addi %add3A_172, %add3A_174 : vector<16xi32>
          %and3A_176 = arith.constant 127 : i32
          %and3A_177 = vector.broadcast %and3A_176 : i32 to vector<16xi32>
          %and3A_178 = arith.andi %add3A_175, %and3A_177 : vector<16xi32>
          %gather3A_179 = tpu.vector_load_idx %arg10[%add3A_83, %and3A_178] : memref<128x128xf32, #tpu.memory_space<vmem>>[vector<16xi32>, vector<16xi32>], vector<16xf32>,
          %gather3A_180 = tpu.vector_load_idx %arg9[%add3A_83, %and3A_178] : memref<128x128xf32, #tpu.memory_space<vmem>>[vector<16xi32>, vector<16xi32>], vector<16xf32>,
          %sub3A_181 = arith.subf %gather3A_179, %gather3A_180 : vector<16xf32>
          %mul3A_182 = arith.mulf %sub3A_181, %sub3A_181 : vector<16xf32>
          %add3A_183 = arith.addf %add3A_170, %mul3A_182 : vector<16xf32>
          %add3A_184 = vector.broadcast %mul3A_106 : i32 to vector<16xi32>
          %add3A_185 = arith.addi %iota3A, %add3A_184 : vector<16xi32>
          %add3A_186 = arith.constant 6 : i32
          %add3A_187 = vector.broadcast %add3A_186 : i32 to vector<16xi32>
          %add3A_188 = arith.addi %add3A_185, %add3A_187 : vector<16xi32>
          %and3A_189 = arith.constant 127 : i32
          %and3A_190 = vector.broadcast %and3A_189 : i32 to vector<16xi32>
          %and3A_191 = arith.andi %add3A_188, %and3A_190 : vector<16xi32>
          %gather3A_192 = tpu.vector_load_idx %arg10[%add3A_83, %and3A_191] : memref<128x128xf32, #tpu.memory_space<vmem>>[vector<16xi32>, vector<16xi32>], vector<16xf32>,
          %gather3A_193 = tpu.vector_load_idx %arg9[%add3A_83, %and3A_191] : memref<128x128xf32, #tpu.memory_space<vmem>>[vector<16xi32>, vector<16xi32>], vector<16xf32>,
          %sub3A_194 = arith.subf %gather3A_192, %gather3A_193 : vector<16xf32>
          %mul3A_195 = arith.mulf %sub3A_194, %sub3A_194 : vector<16xf32>
          %add3A_196 = arith.addf %add3A_183, %mul3A_195 : vector<16xf32>
          %add3A_197 = vector.broadcast %mul3A_106 : i32 to vector<16xi32>
          %add3A_198 = arith.addi %iota3A, %add3A_197 : vector<16xi32>
          %add3A_199 = arith.constant 7 : i32
          %add3A_200 = vector.broadcast %add3A_199 : i32 to vector<16xi32>
          %add3A_201 = arith.addi %add3A_198, %add3A_200 : vector<16xi32>
          %and3A_202 = arith.constant 127 : i32
          %and3A_203 = vector.broadcast %and3A_202 : i32 to vector<16xi32>
          %and3A_204 = arith.andi %add3A_201, %and3A_203 : vector<16xi32>
          %gather3A_205 = tpu.vector_load_idx %arg10[%add3A_83, %and3A_204] : memref<128x128xf32, #tpu.memory_space<vmem>>[vector<16xi32>, vector<16xi32>], vector<16xf32>,
          %gather3A_206 = tpu.vector_load_idx %arg9[%add3A_83, %and3A_204] : memref<128x128xf32, #tpu.memory_space<vmem>>[vector<16xi32>, vector<16xi32>], vector<16xf32>,
          %sub3A_207 = arith.subf %gather3A_205, %gather3A_206 : vector<16xf32>
          %mul3A_208 = arith.mulf %sub3A_207, %sub3A_207 : vector<16xf32>
          %add3A_209 = arith.addf %add3A_196, %mul3A_208 : vector<16xf32>
          scf.yield %add3A_209 : vector<16xf32>
        }
        %scan3A_90 = arith.constant 16 : i32
        %broadcast_in_dim3A_91 = arith.constant 0 : i32
        %broadcast_in_dim3A_92 = vector.broadcast %broadcast_in_dim3A_91 : i32 to vector<16xi32>
        %gather3A = tpu.vector_load_idx %arg10[%add3A_83, %broadcast_in_dim3A_92] : memref<128x128xf32, #tpu.memory_space<vmem>>[vector<16xi32>, vector<16xi32>], vector<16xf32>,
        %gather3A_93 = tpu.vector_load_idx %arg9[%add3A_83, %broadcast_in_dim3A_92] : memref<128x128xf32, #tpu.memory_space<vmem>>[vector<16xi32>, vector<16xi32>], vector<16xf32>,
        %sub3A = arith.subf %gather3A, %gather3A_93 : vector<16xf32>
        %mul3A_94 = arith.constant 16 : i32
        %mul3A_95 = arith.muli %scan3A_79, %mul3A_94 : i32
        %swap3A = arith.index_cast %mul3A_23 : i32 to index
        %swap3A_96 = arith.index_cast %mul3A_95 : i32 to index
        %swap3A_97 = tpu.vector_load %arg13[%swap3A, %swap3A_96] {strides = array<i32>} : memref<40x128xf32, #tpu.memory_space<vmem>>, vector<16xf32>,
        tpu.vector_store %arg13[%swap3A, %swap3A_96], %scan3A_89 {strides = array<i32>} : memref<40x128xf32, #tpu.memory_space<vmem>>, vector<16xf32>,
        %mul3A_98 = arith.constant 16 : i32
        %mul3A_99 = arith.muli %scan3A_79, %mul3A_98 : i32
        %swap3A_100 = arith.index_cast %mul3A_23 : i32 to index
        %swap3A_101 = arith.index_cast %mul3A_99 : i32 to index
        %swap3A_102 = tpu.vector_load %arg14[%swap3A_100, %swap3A_101] {strides = array<i32>} : memref<40x128xf32, #tpu.memory_space<vmem>>, vector<16xf32>,
        tpu.vector_store %arg14[%swap3A_100, %swap3A_101], %sub3A {strides = array<i32>} : memref<40x128xf32, #tpu.memory_space<vmem>>, vector<16xf32>,
      }
      %scan3A_54 = arith.constant 8 : i32
      %add3A_55 = arith.constant 1 : i32
      %add3A_56 = arith.addi %scan3A_21, %add3A_55 : i32
      %lt3A = arith.constant 20 : i32
      %lt3A_57 = arith.cmpi slt, %add3A_56, %lt3A : i32
      %convert_element_type3A = arith.extui %lt3A_57 : i1 to i32
      %cond3A = arith.constant 0 : i32
      %cond3A_58 = arith.cmpi ne, %convert_element_type3A, %cond3A : i32
      scf.if %cond3A_58 {
        %add3A_79 = arith.constant 2 : i32
        %add3A_80 = arith.addi %mul3A_23, %add3A_79 : i32
        %dma_start3A_81 = arith.constant 0 : i32
        %dma_start3A_82 = tpu.memref_slice %arg7[%add3A_80, %dma_start3A_81] : memref<40x128xi32, #tpu.memory_space<vmem>> -> memref<1x128xi32, #tpu.memory_space<vmem>>
        %dma_start3A_83 = tpu.memref_squeeze %dma_start3A_82 : memref<1x128xi32, #tpu.memory_space<vmem>> -> memref<128xi32, #tpu.memory_space<vmem>>
        %dma_start3A_84 = arith.constant 0 : i32
        %dma_start3A_85 = arith.constant 0 : i32
        %dma_start3A_86 = tpu.memref_slice %arg2[%dma_start3A_84, %dma_start3A_85] : memref<10000x128xf32, #tpu.memory_space<hbm>> -> memref<10000x128xf32, #tpu.memory_space<hbm>>
        tpu.enqueue_indirect_dma source(%dma_start3A_86 : memref<10000x128xf32, #tpu.memory_space<hbm>>) target(%arg9 : memref<128x128xf32, #tpu.memory_space<vmem>>) offsets(%dma_start3A_83 : memref<128xi32, #tpu.memory_space<vmem>>) semaphore(%arg15 : memref<!tpu.dma_semaphore, #tpu.memory_space<semaphore_mem>>)
        %dma_start3A_87 = arith.constant 0 : i32
        %dma_start3A_88 = tpu.memref_slice %arg8[%add3A_80, %dma_start3A_87] : memref<40x128xi32, #tpu.memory_space<vmem>> -> memref<1x128xi32, #tpu.memory_space<vmem>>
        %dma_start3A_89 = tpu.memref_squeeze %dma_start3A_88 : memref<1x128xi32, #tpu.memory_space<vmem>> -> memref<128xi32, #tpu.memory_space<vmem>>
        %dma_start3A_90 = arith.constant 0 : i32
        %dma_start3A_91 = arith.constant 0 : i32
        %dma_start3A_92 = tpu.memref_slice %arg2[%dma_start3A_90, %dma_start3A_91] : memref<10000x128xf32, #tpu.memory_space<hbm>> -> memref<10000x128xf32, #tpu.memory_space<hbm>>
        tpu.enqueue_indirect_dma source(%dma_start3A_92 : memref<10000x128xf32, #tpu.memory_space<hbm>>) target(%arg10 : memref<128x128xf32, #tpu.memory_space<vmem>>) offsets(%dma_start3A_89 : memref<128xi32, #tpu.memory_space<vmem>>) semaphore(%arg16 : memref<!tpu.dma_semaphore, #tpu.memory_space<semaphore_mem>>)
      } else {
      }
      %add3A_59 = arith.constant 1 : i32
      %add3A_60 = arith.addi %mul3A_23, %add3A_59 : i32
      %dma_wait3A_61 = arith.constant 0 : i32
      %dma_wait3A_62 = tpu.memref_slice %arg7[%add3A_60, %dma_wait3A_61] : memref<40x128xi32, #tpu.memory_space<vmem>> -> memref<1x128xi32, #tpu.memory_space<vmem>>
      %dma_wait3A_63 = tpu.memref_squeeze %dma_wait3A_62 : memref<1x128xi32, #tpu.memory_space<vmem>> -> memref<128xi32, #tpu.memory_space<vmem>>
      %dma_wait3A_64 = arith.constant 0 : i32
      %dma_wait3A_65 = arith.constant 0 : i32
      %dma_wait3A_66 = tpu.memref_slice %arg2[%dma_wait3A_64, %dma_wait3A_65] : memref<10000x128xf32, #tpu.memory_space<hbm>> -> memref<10000x128xf32, #tpu.memory_space<hbm>>
      tpu.wait_indirect_dma semaphore(%arg17 : memref<!tpu.dma_semaphore, #tpu.memory_space<semaphore_mem>>) src(%dma_wait3A_66 : memref<10000x128xf32, #tpu.memory_space<hbm>>) dst(%arg11 : memref<128x128xf32, #tpu.memory_space<vmem>>)
      %dma_wait3A_67 = arith.constant 0 : i32
      %dma_wait3A_68 = tpu.memref_slice %arg8[%add3A_60, %dma_wait3A_67] : memref<40x128xi32, #tpu.memory_space<vmem>> -> memref<1x128xi32, #tpu.memory_space<vmem>>
      %dma_wait3A_69 = tpu.memref_squeeze %dma_wait3A_68 : memref<1x128xi32, #tpu.memory_space<vmem>> -> memref<128xi32, #tpu.memory_space<vmem>>
      %dma_wait3A_70 = arith.constant 0 : i32
      %dma_wait3A_71 = arith.constant 0 : i32
      %dma_wait3A_72 = tpu.memref_slice %arg2[%dma_wait3A_70, %dma_wait3A_71] : memref<10000x128xf32, #tpu.memory_space<hbm>> -> memref<10000x128xf32, #tpu.memory_space<hbm>>
      tpu.wait_indirect_dma semaphore(%arg18 : memref<!tpu.dma_semaphore, #tpu.memory_space<semaphore_mem>>) src(%dma_wait3A_72 : memref<10000x128xf32, #tpu.memory_space<hbm>>) dst(%arg12 : memref<128x128xf32, #tpu.memory_space<vmem>>)
      %scan3A_73 = arith.constant 0 : i32
      %scan3A_74 = arith.constant 0 : i32
      %scan3A_75 = arith.constant 8 : i32
      %scan3A_76 = arith.addi %scan3A_74, %scan3A_75 : i32
      %scan3A_77 = arith.constant 1 : i32
      scf.for %scan3A_79 = %scan3A_74 to %scan3A_76 step %scan3A_77  : i32 {
        %iota3A = tpu.iota {dimensions = array<i32: 0>} : vector<16xi32>
        %mul3A_80 = arith.constant 16 : i32
        %mul3A_81 = arith.muli %scan3A_79, %mul3A_80 : i32
        %add3A_82 = vector.broadcast %mul3A_81 : i32 to vector<16xi32>
        %add3A_83 = arith.addi %add3A_82, %iota3A : vector<16xi32>
        %broadcast_in_dim3A = arith.constant 0.000000e+00 : f32
        %broadcast_in_dim3A_84 = vector.broadcast %broadcast_in_dim3A : f32 to vector<16xf32>
        %scan3A_85 = arith.constant 0 : i32
        %scan3A_86 = arith.constant 16 : i32
        %scan3A_87 = arith.addi %scan3A_85, %scan3A_86 : i32
        %scan3A_88 = arith.constant 1 : i32
        %scan3A_89 = scf.for %scan3A_103 = %scan3A_85 to %scan3A_87 step %scan3A_88 iter_args(%scan3A_104 = %broadcast_in_dim3A_84) -> (vector<16xf32>)  : i32 {
          %mul3A_105 = arith.constant 8 : i32
          %mul3A_106 = arith.muli %scan3A_103, %mul3A_105 : i32
          %add3A_107 = vector.broadcast %mul3A_106 : i32 to vector<16xi32>
          %add3A_108 = arith.addi %iota3A, %add3A_107 : vector<16xi32>
          %add3A_109 = arith.constant 0 : i32
          %add3A_110 = vector.broadcast %add3A_109 : i32 to vector<16xi32>
          %add3A_111 = arith.addi %add3A_108, %add3A_110 : vector<16xi32>
          %and3A = arith.constant 127 : i32
          %and3A_112 = vector.broadcast %and3A : i32 to vector<16xi32>
          %and3A_113 = arith.andi %add3A_111, %and3A_112 : vector<16xi32>
          %gather3A_114 = tpu.vector_load_idx %arg12[%add3A_83, %and3A_113] : memref<128x128xf32, #tpu.memory_space<vmem>>[vector<16xi32>, vector<16xi32>], vector<16xf32>,
          %gather3A_115 = tpu.vector_load_idx %arg11[%add3A_83, %and3A_113] : memref<128x128xf32, #tpu.memory_space<vmem>>[vector<16xi32>, vector<16xi32>], vector<16xf32>,
          %sub3A_116 = arith.subf %gather3A_114, %gather3A_115 : vector<16xf32>
          %mul3A_117 = arith.mulf %sub3A_116, %sub3A_116 : vector<16xf32>
          %add3A_118 = arith.addf %scan3A_104, %mul3A_117 : vector<16xf32>
          %add3A_119 = vector.broadcast %mul3A_106 : i32 to vector<16xi32>
          %add3A_120 = arith.addi %iota3A, %add3A_119 : vector<16xi32>
          %add3A_121 = arith.constant 1 : i32
          %add3A_122 = vector.broadcast %add3A_121 : i32 to vector<16xi32>
          %add3A_123 = arith.addi %add3A_120, %add3A_122 : vector<16xi32>
          %and3A_124 = arith.constant 127 : i32
          %and3A_125 = vector.broadcast %and3A_124 : i32 to vector<16xi32>
          %and3A_126 = arith.andi %add3A_123, %and3A_125 : vector<16xi32>
          %gather3A_127 = tpu.vector_load_idx %arg12[%add3A_83, %and3A_126] : memref<128x128xf32, #tpu.memory_space<vmem>>[vector<16xi32>, vector<16xi32>], vector<16xf32>,
          %gather3A_128 = tpu.vector_load_idx %arg11[%add3A_83, %and3A_126] : memref<128x128xf32, #tpu.memory_space<vmem>>[vector<16xi32>, vector<16xi32>], vector<16xf32>,
          %sub3A_129 = arith.subf %gather3A_127, %gather3A_128 : vector<16xf32>
          %mul3A_130 = arith.mulf %sub3A_129, %sub3A_129 : vector<16xf32>
          %add3A_131 = arith.addf %add3A_118, %mul3A_130 : vector<16xf32>
          %add3A_132 = vector.broadcast %mul3A_106 : i32 to vector<16xi32>
          %add3A_133 = arith.addi %iota3A, %add3A_132 : vector<16xi32>
          %add3A_134 = arith.constant 2 : i32
          %add3A_135 = vector.broadcast %add3A_134 : i32 to vector<16xi32>
          %add3A_136 = arith.addi %add3A_133, %add3A_135 : vector<16xi32>
          %and3A_137 = arith.constant 127 : i32
          %and3A_138 = vector.broadcast %and3A_137 : i32 to vector<16xi32>
          %and3A_139 = arith.andi %add3A_136, %and3A_138 : vector<16xi32>
          %gather3A_140 = tpu.vector_load_idx %arg12[%add3A_83, %and3A_139] : memref<128x128xf32, #tpu.memory_space<vmem>>[vector<16xi32>, vector<16xi32>], vector<16xf32>,
          %gather3A_141 = tpu.vector_load_idx %arg11[%add3A_83, %and3A_139] : memref<128x128xf32, #tpu.memory_space<vmem>>[vector<16xi32>, vector<16xi32>], vector<16xf32>,
          %sub3A_142 = arith.subf %gather3A_140, %gather3A_141 : vector<16xf32>
          %mul3A_143 = arith.mulf %sub3A_142, %sub3A_142 : vector<16xf32>
          %add3A_144 = arith.addf %add3A_131, %mul3A_143 : vector<16xf32>
          %add3A_145 = vector.broadcast %mul3A_106 : i32 to vector<16xi32>
          %add3A_146 = arith.addi %iota3A, %add3A_145 : vector<16xi32>
          %add3A_147 = arith.constant 3 : i32
          %add3A_148 = vector.broadcast %add3A_147 : i32 to vector<16xi32>
          %add3A_149 = arith.addi %add3A_146, %add3A_148 : vector<16xi32>
          %and3A_150 = arith.constant 127 : i32
          %and3A_151 = vector.broadcast %and3A_150 : i32 to vector<16xi32>
          %and3A_152 = arith.andi %add3A_149, %and3A_151 : vector<16xi32>
          %gather3A_153 = tpu.vector_load_idx %arg12[%add3A_83, %and3A_152] : memref<128x128xf32, #tpu.memory_space<vmem>>[vector<16xi32>, vector<16xi32>], vector<16xf32>,
          %gather3A_154 = tpu.vector_load_idx %arg11[%add3A_83, %and3A_152] : memref<128x128xf32, #tpu.memory_space<vmem>>[vector<16xi32>, vector<16xi32>], vector<16xf32>,
          %sub3A_155 = arith.subf %gather3A_153, %gather3A_154 : vector<16xf32>
          %mul3A_156 = arith.mulf %sub3A_155, %sub3A_155 : vector<16xf32>
          %add3A_157 = arith.addf %add3A_144, %mul3A_156 : vector<16xf32>
          %add3A_158 = vector.broadcast %mul3A_106 : i32 to vector<16xi32>
          %add3A_159 = arith.addi %iota3A, %add3A_158 : vector<16xi32>
          %add3A_160 = arith.constant 4 : i32
          %add3A_161 = vector.broadcast %add3A_160 : i32 to vector<16xi32>
          %add3A_162 = arith.addi %add3A_159, %add3A_161 : vector<16xi32>
          %and3A_163 = arith.constant 127 : i32
          %and3A_164 = vector.broadcast %and3A_163 : i32 to vector<16xi32>
          %and3A_165 = arith.andi %add3A_162, %and3A_164 : vector<16xi32>
          %gather3A_166 = tpu.vector_load_idx %arg12[%add3A_83, %and3A_165] : memref<128x128xf32, #tpu.memory_space<vmem>>[vector<16xi32>, vector<16xi32>], vector<16xf32>,
          %gather3A_167 = tpu.vector_load_idx %arg11[%add3A_83, %and3A_165] : memref<128x128xf32, #tpu.memory_space<vmem>>[vector<16xi32>, vector<16xi32>], vector<16xf32>,
          %sub3A_168 = arith.subf %gather3A_166, %gather3A_167 : vector<16xf32>
          %mul3A_169 = arith.mulf %sub3A_168, %sub3A_168 : vector<16xf32>
          %add3A_170 = arith.addf %add3A_157, %mul3A_169 : vector<16xf32>
          %add3A_171 = vector.broadcast %mul3A_106 : i32 to vector<16xi32>
          %add3A_172 = arith.addi %iota3A, %add3A_171 : vector<16xi32>
          %add3A_173 = arith.constant 5 : i32
          %add3A_174 = vector.broadcast %add3A_173 : i32 to vector<16xi32>
          %add3A_175 = arith.addi %add3A_172, %add3A_174 : vector<16xi32>
          %and3A_176 = arith.constant 127 : i32
          %and3A_177 = vector.broadcast %and3A_176 : i32 to vector<16xi32>
          %and3A_178 = arith.andi %add3A_175, %and3A_177 : vector<16xi32>
          %gather3A_179 = tpu.vector_load_idx %arg12[%add3A_83, %and3A_178] : memref<128x128xf32, #tpu.memory_space<vmem>>[vector<16xi32>, vector<16xi32>], vector<16xf32>,
          %gather3A_180 = tpu.vector_load_idx %arg11[%add3A_83, %and3A_178] : memref<128x128xf32, #tpu.memory_space<vmem>>[vector<16xi32>, vector<16xi32>], vector<16xf32>,
          %sub3A_181 = arith.subf %gather3A_179, %gather3A_180 : vector<16xf32>
          %mul3A_182 = arith.mulf %sub3A_181, %sub3A_181 : vector<16xf32>
          %add3A_183 = arith.addf %add3A_170, %mul3A_182 : vector<16xf32>
          %add3A_184 = vector.broadcast %mul3A_106 : i32 to vector<16xi32>
          %add3A_185 = arith.addi %iota3A, %add3A_184 : vector<16xi32>
          %add3A_186 = arith.constant 6 : i32
          %add3A_187 = vector.broadcast %add3A_186 : i32 to vector<16xi32>
          %add3A_188 = arith.addi %add3A_185, %add3A_187 : vector<16xi32>
          %and3A_189 = arith.constant 127 : i32
          %and3A_190 = vector.broadcast %and3A_189 : i32 to vector<16xi32>
          %and3A_191 = arith.andi %add3A_188, %and3A_190 : vector<16xi32>
          %gather3A_192 = tpu.vector_load_idx %arg12[%add3A_83, %and3A_191] : memref<128x128xf32, #tpu.memory_space<vmem>>[vector<16xi32>, vector<16xi32>], vector<16xf32>,
          %gather3A_193 = tpu.vector_load_idx %arg11[%add3A_83, %and3A_191] : memref<128x128xf32, #tpu.memory_space<vmem>>[vector<16xi32>, vector<16xi32>], vector<16xf32>,
          %sub3A_194 = arith.subf %gather3A_192, %gather3A_193 : vector<16xf32>
          %mul3A_195 = arith.mulf %sub3A_194, %sub3A_194 : vector<16xf32>
          %add3A_196 = arith.addf %add3A_183, %mul3A_195 : vector<16xf32>
          %add3A_197 = vector.broadcast %mul3A_106 : i32 to vector<16xi32>
          %add3A_198 = arith.addi %iota3A, %add3A_197 : vector<16xi32>
          %add3A_199 = arith.constant 7 : i32
          %add3A_200 = vector.broadcast %add3A_199 : i32 to vector<16xi32>
          %add3A_201 = arith.addi %add3A_198, %add3A_200 : vector<16xi32>
          %and3A_202 = arith.constant 127 : i32
          %and3A_203 = vector.broadcast %and3A_202 : i32 to vector<16xi32>
          %and3A_204 = arith.andi %add3A_201, %and3A_203 : vector<16xi32>
          %gather3A_205 = tpu.vector_load_idx %arg12[%add3A_83, %and3A_204] : memref<128x128xf32, #tpu.memory_space<vmem>>[vector<16xi32>, vector<16xi32>], vector<16xf32>,
          %gather3A_206 = tpu.vector_load_idx %arg11[%add3A_83, %and3A_204] : memref<128x128xf32, #tpu.memory_space<vmem>>[vector<16xi32>, vector<16xi32>], vector<16xf32>,
          %sub3A_207 = arith.subf %gather3A_205, %gather3A_206 : vector<16xf32>
          %mul3A_208 = arith.mulf %sub3A_207, %sub3A_207 : vector<16xf32>
          %add3A_209 = arith.addf %add3A_196, %mul3A_208 : vector<16xf32>
          scf.yield %add3A_209 : vector<16xf32>
        }
        %scan3A_90 = arith.constant 16 : i32
        %broadcast_in_dim3A_91 = arith.constant 0 : i32
        %broadcast_in_dim3A_92 = vector.broadcast %broadcast_in_dim3A_91 : i32 to vector<16xi32>
        %gather3A = tpu.vector_load_idx %arg12[%add3A_83, %broadcast_in_dim3A_92] : memref<128x128xf32, #tpu.memory_space<vmem>>[vector<16xi32>, vector<16xi32>], vector<16xf32>,
        %gather3A_93 = tpu.vector_load_idx %arg11[%add3A_83, %broadcast_in_dim3A_92] : memref<128x128xf32, #tpu.memory_space<vmem>>[vector<16xi32>, vector<16xi32>], vector<16xf32>,
        %sub3A = arith.subf %gather3A, %gather3A_93 : vector<16xf32>
        %mul3A_94 = arith.constant 16 : i32
        %mul3A_95 = arith.muli %scan3A_79, %mul3A_94 : i32
        %swap3A = arith.index_cast %add3A_60 : i32 to index
        %swap3A_96 = arith.index_cast %mul3A_95 : i32 to index
        %swap3A_97 = tpu.vector_load %arg13[%swap3A, %swap3A_96] {strides = array<i32>} : memref<40x128xf32, #tpu.memory_space<vmem>>, vector<16xf32>,
        tpu.vector_store %arg13[%swap3A, %swap3A_96], %scan3A_89 {strides = array<i32>} : memref<40x128xf32, #tpu.memory_space<vmem>>, vector<16xf32>,
        %mul3A_98 = arith.constant 16 : i32
        %mul3A_99 = arith.muli %scan3A_79, %mul3A_98 : i32
        %swap3A_100 = arith.index_cast %add3A_60 : i32 to index
        %swap3A_101 = arith.index_cast %mul3A_99 : i32 to index
        %swap3A_102 = tpu.vector_load %arg14[%swap3A_100, %swap3A_101] {strides = array<i32>} : memref<40x128xf32, #tpu.memory_space<vmem>>, vector<16xf32>,
        tpu.vector_store %arg14[%swap3A_100, %swap3A_101], %sub3A {strides = array<i32>} : memref<40x128xf32, #tpu.memory_space<vmem>>, vector<16xf32>,
      }
      %scan3A_78 = arith.constant 8 : i32
    }
    %scan3A_20 = arith.constant 20 : i32
    "tpu.region"() ({
      %run_scoped3A = tpu.sem_alloc : memref<!tpu.dma_semaphore, #tpu.memory_space<semaphore_mem>>
      %dma_start3A_21 = arith.constant 0 : i32
      %dma_start3A_22 = tpu.memref_slice %arg5[%mul3A_2, %dma_start3A_21] : memref<1280x128xf32, #tpu.memory_space<hbm>> -> memref<40x128xf32, #tpu.memory_space<hbm>>
      %dma_start3A_23 = arith.constant 0 : i32
      %dma_start3A_24 = tpu.memref_slice %arg5[%mul3A_2, %dma_start3A_23] : memref<1280x128xf32, #tpu.memory_space<hbm>> -> memref<40x128xf32, #tpu.memory_space<hbm>>
      tpu.enqueue_dma source(%arg13 : memref<40x128xf32, #tpu.memory_space<vmem>>) target(%dma_start3A_24 : memref<40x128xf32, #tpu.memory_space<hbm>>) target_semaphore(%run_scoped3A : memref<!tpu.dma_semaphore, #tpu.memory_space<semaphore_mem>>)
      %dma_wait3A = arith.constant 0 : i32
      %dma_wait3A_25 = tpu.memref_slice %arg5[%mul3A_2, %dma_wait3A] : memref<1280x128xf32, #tpu.memory_space<hbm>> -> memref<40x128xf32, #tpu.memory_space<hbm>>
      %dma_wait3A_26 = arith.constant 0 : i32
      %dma_wait3A_27 = tpu.memref_slice %arg5[%mul3A_2, %dma_wait3A_26] : memref<1280x128xf32, #tpu.memory_space<hbm>> -> memref<40x128xf32, #tpu.memory_space<hbm>>
      tpu.wait_dma2 semaphore(%run_scoped3A : memref<!tpu.dma_semaphore, #tpu.memory_space<semaphore_mem>>) src(%arg13 : memref<40x128xf32, #tpu.memory_space<vmem>>) dst(%dma_wait3A_27 : memref<40x128xf32, #tpu.memory_space<hbm>>)
      tpu.yield
    }) : () -> ()
    "tpu.region"() ({
      %run_scoped3A = tpu.sem_alloc : memref<!tpu.dma_semaphore, #tpu.memory_space<semaphore_mem>>
      %dma_start3A_21 = arith.constant 0 : i32
      %dma_start3A_22 = tpu.memref_slice %arg6[%mul3A_2, %dma_start3A_21] : memref<1280x128xf32, #tpu.memory_space<hbm>> -> memref<40x128xf32, #tpu.memory_space<hbm>>
      %dma_start3A_23 = arith.constant 0 : i32
      %dma_start3A_24 = tpu.memref_slice %arg6[%mul3A_2, %dma_start3A_23] : memref<1280x128xf32, #tpu.memory_space<hbm>> -> memref<40x128xf32, #tpu.memory_space<hbm>>
      tpu.enqueue_dma source(%arg14 : memref<40x128xf32, #tpu.memory_space<vmem>>) target(%dma_start3A_24 : memref<40x128xf32, #tpu.memory_space<hbm>>) target_semaphore(%run_scoped3A : memref<!tpu.dma_semaphore, #tpu.memory_space<semaphore_mem>>)
      %dma_wait3A = arith.constant 0 : i32
      %dma_wait3A_25 = tpu.memref_slice %arg6[%mul3A_2, %dma_wait3A] : memref<1280x128xf32, #tpu.memory_space<hbm>> -> memref<40x128xf32, #tpu.memory_space<hbm>>
      %dma_wait3A_26 = arith.constant 0 : i32
      %dma_wait3A_27 = tpu.memref_slice %arg6[%mul3A_2, %dma_wait3A_26] : memref<1280x128xf32, #tpu.memory_space<hbm>> -> memref<40x128xf32, #tpu.memory_space<hbm>>
      tpu.wait_dma2 semaphore(%run_scoped3A : memref<!tpu.dma_semaphore, #tpu.memory_space<semaphore_mem>>) src(%arg14 : memref<40x128xf32, #tpu.memory_space<vmem>>) dst(%dma_wait3A_27 : memref<40x128xf32, #tpu.memory_space<hbm>>)
      tpu.yield
    }) : () -> ()
    return
  }
}

module attributes {stable_mosaic.version = 14 : i64} {
  func.func @_tc_fuzzy_body(%arg0: i32, %arg1: memref<16x128xf32, #tpu.memory_space<vmem>>, %arg2: memref<16x128xf32, #tpu.memory_space<vmem>>, %arg3: memref<840x128xf32, #tpu.memory_space<vmem>>, %arg4: memref<168x128xf32, #tpu.memory_space<vmem>>, %arg5: memref<16x128xf32, #tpu.memory_space<vmem>>) attributes {dimension_semantics = [#tpu.dimension_semantics<arbitrary>], iteration_bounds = array<i64: 80>, scalar_prefetch = 0 : i64, scratch_operands = 0 : i64, tpu.core_type = #tpu.core_type<tc>, window_params = [{transform_indices = @transform_0, window_bounds = array<i64: 16, 128>}, {transform_indices = @transform_1, window_bounds = array<i64: 16, 128>}, {pipeline_mode = #tpu.pipeline_mode<synchronous>, transform_indices = @transform_2, window_bounds = array<i64: 840, 128>}, {pipeline_mode = #tpu.pipeline_mode<synchronous>, transform_indices = @transform_3, window_bounds = array<i64: 168, 128>}, {transform_indices = @transform_4, window_bounds = array<i64: 16, 128>}]} {
    %get3A = arith.constant 0 : index
    %get3A_0 = arith.constant 0 : index
    %get3A_1 = vector.load %arg1[%get3A, %get3A_0] : memref<16x128xf32, #tpu.memory_space<vmem>>, vector<16x128xf32>
    %get3A_2 = arith.constant 0 : index
    %get3A_3 = arith.constant 0 : index
    %get3A_4 = vector.load %arg2[%get3A_2, %get3A_3] : memref<16x128xf32, #tpu.memory_space<vmem>>, vector<16x128xf32>
    %sqrt3A = math.sqrt %get3A_1 : vector<16x128xf32>
    %min3A = arith.constant 4.000000e+00 : f32
    %min3A_5 = vector.broadcast %min3A : f32 to vector<16x128xf32>
    %min3A_6 = arith.minimumf %sqrt3A, %min3A_5 : vector<16x128xf32>
    %add3A = arith.constant 9.99999993E-9 : f32
    %add3A_7 = vector.broadcast %add3A : f32 to vector<16x128xf32>
    %add3A_8 = arith.addf %sqrt3A, %add3A_7 : vector<16x128xf32>
    %div3A = arith.divf %get3A_4, %add3A_8 : vector<16x128xf32>
    %jit3A = arith.constant -0.999998986 : f32
    %jit3A_9 = arith.constant 0.999998986 : f32
    %max3A = vector.broadcast %jit3A : f32 to vector<16x128xf32>
    %max3A_10 = arith.maximumf %max3A, %div3A : vector<16x128xf32>
    %min3A_11 = vector.broadcast %jit3A_9 : f32 to vector<16x128xf32>
    %min3A_12 = arith.minimumf %min3A_11, %max3A_10 : vector<16x128xf32>
    %abs3A = math.absf %min3A_12 : vector<16x128xf32>
    %mul3A = arith.constant -0.0012624911 : f32
    %mul3A_13 = vector.broadcast %mul3A : f32 to vector<16x128xf32>
    %mul3A_14 = arith.mulf %mul3A_13, %abs3A : vector<16x128xf32>
    %add3A_15 = arith.constant 6.670090e-03 : f32
    %add3A_16 = vector.broadcast %add3A_15 : f32 to vector<16x128xf32>
    %add3A_17 = arith.addf %mul3A_14, %add3A_16 : vector<16x128xf32>
    %mul3A_18 = arith.mulf %add3A_17, %abs3A : vector<16x128xf32>
    %add3A_19 = arith.constant -0.0170881264 : f32
    %add3A_20 = vector.broadcast %add3A_19 : f32 to vector<16x128xf32>
    %add3A_21 = arith.addf %mul3A_18, %add3A_20 : vector<16x128xf32>
    %mul3A_22 = arith.mulf %add3A_21, %abs3A : vector<16x128xf32>
    %add3A_23 = arith.constant 0.0308918804 : f32
    %add3A_24 = vector.broadcast %add3A_23 : f32 to vector<16x128xf32>
    %add3A_25 = arith.addf %mul3A_22, %add3A_24 : vector<16x128xf32>
    %mul3A_26 = arith.mulf %add3A_25, %abs3A : vector<16x128xf32>
    %add3A_27 = arith.constant -0.0501743034 : f32
    %add3A_28 = vector.broadcast %add3A_27 : f32 to vector<16x128xf32>
    %add3A_29 = arith.addf %mul3A_26, %add3A_28 : vector<16x128xf32>
    %mul3A_30 = arith.mulf %add3A_29, %abs3A : vector<16x128xf32>
    %add3A_31 = arith.constant 0.0889789909 : f32
    %add3A_32 = vector.broadcast %add3A_31 : f32 to vector<16x128xf32>
    %add3A_33 = arith.addf %mul3A_30, %add3A_32 : vector<16x128xf32>
    %mul3A_34 = arith.mulf %add3A_33, %abs3A : vector<16x128xf32>
    %add3A_35 = arith.constant -0.214598805 : f32
    %add3A_36 = vector.broadcast %add3A_35 : f32 to vector<16x128xf32>
    %add3A_37 = arith.addf %mul3A_34, %add3A_36 : vector<16x128xf32>
    %mul3A_38 = arith.mulf %add3A_37, %abs3A : vector<16x128xf32>
    %add3A_39 = arith.constant 1.57079625 : f32
    %add3A_40 = vector.broadcast %add3A_39 : f32 to vector<16x128xf32>
    %add3A_41 = arith.addf %mul3A_38, %add3A_40 : vector<16x128xf32>
    %sub3A = arith.constant 1.000000e+00 : f32
    %sub3A_42 = vector.broadcast %sub3A : f32 to vector<16x128xf32>
    %sub3A_43 = arith.subf %sub3A_42, %abs3A : vector<16x128xf32>
    %sqrt3A_44 = math.sqrt %sub3A_43 : vector<16x128xf32>
    %mul3A_45 = arith.mulf %sqrt3A_44, %add3A_41 : vector<16x128xf32>
    %lt3A = arith.constant 0.000000e+00 : f32
    %lt3A_46 = vector.broadcast %lt3A : f32 to vector<16x128xf32>
    %lt3A_47 = arith.cmpf olt, %min3A_12, %lt3A_46 : vector<16x128xf32>
    %sub3A_48 = arith.constant 3.14159274 : f32
    %sub3A_49 = vector.broadcast %sub3A_48 : f32 to vector<16x128xf32>
    %sub3A_50 = arith.subf %sub3A_49, %mul3A_45 : vector<16x128xf32>
    %select_n3A = arith.select %lt3A_47, %sub3A_50, %mul3A_45 : vector<16x128xi1>, vector<16x128xf32>
    %mul3A_51 = arith.constant 1.27323949 : f32
    %mul3A_52 = vector.broadcast %mul3A_51 : f32 to vector<16x128xf32>
    %mul3A_53 = arith.mulf %select_n3A, %mul3A_52 : vector<16x128xf32>
    %sub3A_54 = arith.constant 0.000000e+00 : f32
    %sub3A_55 = vector.broadcast %sub3A_54 : f32 to vector<16x128xf32>
    %sub3A_56 = arith.subf %min3A_6, %sub3A_55 : vector<16x128xf32>
    %integer_pow3A = arith.mulf %sub3A_56, %sub3A_56 : vector<16x128xf32>
    %mul3A_57 = arith.constant -5.000000e-01 : f32
    %mul3A_58 = vector.broadcast %mul3A_57 : f32 to vector<16x128xf32>
    %mul3A_59 = arith.mulf %mul3A_58, %integer_pow3A : vector<16x128xf32>
    %exp3A = math.exp %mul3A_59 : vector<16x128xf32>
    %sub3A_60 = arith.constant 1.000000e+00 : f32
    %sub3A_61 = vector.broadcast %sub3A_60 : f32 to vector<16x128xf32>
    %sub3A_62 = arith.subf %min3A_6, %sub3A_61 : vector<16x128xf32>
    %integer_pow3A_63 = arith.mulf %sub3A_62, %sub3A_62 : vector<16x128xf32>
    %mul3A_64 = arith.constant -5.000000e-01 : f32
    %mul3A_65 = vector.broadcast %mul3A_64 : f32 to vector<16x128xf32>
    %mul3A_66 = arith.mulf %mul3A_65, %integer_pow3A_63 : vector<16x128xf32>
    %exp3A_67 = math.exp %mul3A_66 : vector<16x128xf32>
    %sub3A_68 = arith.constant 2.000000e+00 : f32
    %sub3A_69 = vector.broadcast %sub3A_68 : f32 to vector<16x128xf32>
    %sub3A_70 = arith.subf %min3A_6, %sub3A_69 : vector<16x128xf32>
    %integer_pow3A_71 = arith.mulf %sub3A_70, %sub3A_70 : vector<16x128xf32>
    %mul3A_72 = arith.constant -5.000000e-01 : f32
    %mul3A_73 = vector.broadcast %mul3A_72 : f32 to vector<16x128xf32>
    %mul3A_74 = arith.mulf %mul3A_73, %integer_pow3A_71 : vector<16x128xf32>
    %exp3A_75 = math.exp %mul3A_74 : vector<16x128xf32>
    %sub3A_76 = arith.constant 3.000000e+00 : f32
    %sub3A_77 = vector.broadcast %sub3A_76 : f32 to vector<16x128xf32>
    %sub3A_78 = arith.subf %min3A_6, %sub3A_77 : vector<16x128xf32>
    %integer_pow3A_79 = arith.mulf %sub3A_78, %sub3A_78 : vector<16x128xf32>
    %mul3A_80 = arith.constant -5.000000e-01 : f32
    %mul3A_81 = vector.broadcast %mul3A_80 : f32 to vector<16x128xf32>
    %mul3A_82 = arith.mulf %mul3A_81, %integer_pow3A_79 : vector<16x128xf32>
    %exp3A_83 = math.exp %mul3A_82 : vector<16x128xf32>
    %sub3A_84 = arith.constant 4.000000e+00 : f32
    %sub3A_85 = vector.broadcast %sub3A_84 : f32 to vector<16x128xf32>
    %sub3A_86 = arith.subf %min3A_6, %sub3A_85 : vector<16x128xf32>
    %integer_pow3A_87 = arith.mulf %sub3A_86, %sub3A_86 : vector<16x128xf32>
    %mul3A_88 = arith.constant -5.000000e-01 : f32
    %mul3A_89 = vector.broadcast %mul3A_88 : f32 to vector<16x128xf32>
    %mul3A_90 = arith.mulf %mul3A_89, %integer_pow3A_87 : vector<16x128xf32>
    %exp3A_91 = math.exp %mul3A_90 : vector<16x128xf32>
    %sub3A_92 = arith.constant 0.000000e+00 : f32
    %sub3A_93 = vector.broadcast %sub3A_92 : f32 to vector<16x128xf32>
    %sub3A_94 = arith.subf %mul3A_53, %sub3A_93 : vector<16x128xf32>
    %integer_pow3A_95 = arith.mulf %sub3A_94, %sub3A_94 : vector<16x128xf32>
    %mul3A_96 = arith.constant -5.000000e-01 : f32
    %mul3A_97 = vector.broadcast %mul3A_96 : f32 to vector<16x128xf32>
    %mul3A_98 = arith.mulf %mul3A_97, %integer_pow3A_95 : vector<16x128xf32>
    %exp3A_99 = math.exp %mul3A_98 : vector<16x128xf32>
    %sub3A_100 = arith.constant 1.000000e+00 : f32
    %sub3A_101 = vector.broadcast %sub3A_100 : f32 to vector<16x128xf32>
    %sub3A_102 = arith.subf %mul3A_53, %sub3A_101 : vector<16x128xf32>
    %integer_pow3A_103 = arith.mulf %sub3A_102, %sub3A_102 : vector<16x128xf32>
    %mul3A_104 = arith.constant -5.000000e-01 : f32
    %mul3A_105 = vector.broadcast %mul3A_104 : f32 to vector<16x128xf32>
    %mul3A_106 = arith.mulf %mul3A_105, %integer_pow3A_103 : vector<16x128xf32>
    %exp3A_107 = math.exp %mul3A_106 : vector<16x128xf32>
    %sub3A_108 = arith.constant 2.000000e+00 : f32
    %sub3A_109 = vector.broadcast %sub3A_108 : f32 to vector<16x128xf32>
    %sub3A_110 = arith.subf %mul3A_53, %sub3A_109 : vector<16x128xf32>
    %integer_pow3A_111 = arith.mulf %sub3A_110, %sub3A_110 : vector<16x128xf32>
    %mul3A_112 = arith.constant -5.000000e-01 : f32
    %mul3A_113 = vector.broadcast %mul3A_112 : f32 to vector<16x128xf32>
    %mul3A_114 = arith.mulf %mul3A_113, %integer_pow3A_111 : vector<16x128xf32>
    %exp3A_115 = math.exp %mul3A_114 : vector<16x128xf32>
    %sub3A_116 = arith.constant 3.000000e+00 : f32
    %sub3A_117 = vector.broadcast %sub3A_116 : f32 to vector<16x128xf32>
    %sub3A_118 = arith.subf %mul3A_53, %sub3A_117 : vector<16x128xf32>
    %integer_pow3A_119 = arith.mulf %sub3A_118, %sub3A_118 : vector<16x128xf32>
    %mul3A_120 = arith.constant -5.000000e-01 : f32
    %mul3A_121 = vector.broadcast %mul3A_120 : f32 to vector<16x128xf32>
    %mul3A_122 = arith.mulf %mul3A_121, %integer_pow3A_119 : vector<16x128xf32>
    %exp3A_123 = math.exp %mul3A_122 : vector<16x128xf32>
    %sub3A_124 = arith.constant 4.000000e+00 : f32
    %sub3A_125 = vector.broadcast %sub3A_124 : f32 to vector<16x128xf32>
    %sub3A_126 = arith.subf %mul3A_53, %sub3A_125 : vector<16x128xf32>
    %integer_pow3A_127 = arith.mulf %sub3A_126, %sub3A_126 : vector<16x128xf32>
    %mul3A_128 = arith.constant -5.000000e-01 : f32
    %mul3A_129 = vector.broadcast %mul3A_128 : f32 to vector<16x128xf32>
    %mul3A_130 = arith.mulf %mul3A_129, %integer_pow3A_127 : vector<16x128xf32>
    %exp3A_131 = math.exp %mul3A_130 : vector<16x128xf32>
    %min3A_132 = arith.minimumf %exp3A_75, %exp3A_131 : vector<16x128xf32>
    %min3A_133 = arith.minimumf %exp3A_83, %exp3A_131 : vector<16x128xf32>
    %max3A_134 = arith.maximumf %min3A_132, %min3A_133 : vector<16x128xf32>
    %min3A_135 = arith.minimumf %exp3A_83, %exp3A_123 : vector<16x128xf32>
    %min3A_136 = arith.minimumf %exp3A_91, %exp3A_123 : vector<16x128xf32>
    %min3A_137 = arith.minimumf %exp3A_91, %exp3A_131 : vector<16x128xf32>
    %max3A_138 = arith.maximumf %min3A_136, %min3A_137 : vector<16x128xf32>
    %max3A_139 = arith.maximumf %min3A_135, %max3A_138 : vector<16x128xf32>
    %max3A_140 = arith.maximumf %max3A_134, %max3A_139 : vector<16x128xf32>
    %min3A_141 = arith.minimumf %exp3A_67, %exp3A_131 : vector<16x128xf32>
    %min3A_142 = arith.minimumf %exp3A_75, %exp3A_123 : vector<16x128xf32>
    %max3A_143 = arith.maximumf %min3A_141, %min3A_142 : vector<16x128xf32>
    %min3A_144 = arith.minimumf %exp3A_83, %exp3A_115 : vector<16x128xf32>
    %min3A_145 = arith.minimumf %exp3A_91, %exp3A_107 : vector<16x128xf32>
    %max3A_146 = arith.maximumf %min3A_144, %min3A_145 : vector<16x128xf32>
    %max3A_147 = arith.maximumf %max3A_143, %max3A_146 : vector<16x128xf32>
    %min3A_148 = arith.minimumf %exp3A, %exp3A_131 : vector<16x128xf32>
    %min3A_149 = arith.minimumf %exp3A_67, %exp3A_123 : vector<16x128xf32>
    %max3A_150 = arith.maximumf %min3A_148, %min3A_149 : vector<16x128xf32>
    %min3A_151 = arith.minimumf %exp3A_75, %exp3A_115 : vector<16x128xf32>
    %min3A_152 = arith.minimumf %exp3A_83, %exp3A_107 : vector<16x128xf32>
    %min3A_153 = arith.minimumf %exp3A_91, %exp3A_99 : vector<16x128xf32>
    %max3A_154 = arith.maximumf %min3A_152, %min3A_153 : vector<16x128xf32>
    %max3A_155 = arith.maximumf %min3A_151, %max3A_154 : vector<16x128xf32>
    %max3A_156 = arith.maximumf %max3A_150, %max3A_155 : vector<16x128xf32>
    %min3A_157 = arith.minimumf %exp3A, %exp3A_123 : vector<16x128xf32>
    %min3A_158 = arith.minimumf %exp3A_67, %exp3A_115 : vector<16x128xf32>
    %max3A_159 = arith.maximumf %min3A_157, %min3A_158 : vector<16x128xf32>
    %min3A_160 = arith.minimumf %exp3A_75, %exp3A_107 : vector<16x128xf32>
    %min3A_161 = arith.minimumf %exp3A_83, %exp3A_99 : vector<16x128xf32>
    %max3A_162 = arith.maximumf %min3A_160, %min3A_161 : vector<16x128xf32>
    %max3A_163 = arith.maximumf %max3A_159, %max3A_162 : vector<16x128xf32>
    %min3A_164 = arith.minimumf %exp3A, %exp3A_115 : vector<16x128xf32>
    %min3A_165 = arith.minimumf %exp3A, %exp3A_107 : vector<16x128xf32>
    %max3A_166 = arith.maximumf %min3A_164, %min3A_165 : vector<16x128xf32>
    %min3A_167 = arith.minimumf %exp3A, %exp3A_99 : vector<16x128xf32>
    %min3A_168 = arith.minimumf %exp3A_67, %exp3A_107 : vector<16x128xf32>
    %max3A_169 = arith.maximumf %min3A_167, %min3A_168 : vector<16x128xf32>
    %max3A_170 = arith.maximumf %max3A_166, %max3A_169 : vector<16x128xf32>
    %min3A_171 = arith.minimumf %exp3A_67, %exp3A_99 : vector<16x128xf32>
    %min3A_172 = arith.minimumf %exp3A_75, %exp3A_99 : vector<16x128xf32>
    %max3A_173 = arith.maximumf %min3A_171, %min3A_172 : vector<16x128xf32>
    %max3A_174 = arith.maximumf %max3A_170, %max3A_173 : vector<16x128xf32>
    %slice3A = vector.extract_strided_slice %max3A_140 {offsets = [0, 0], sizes = [1, 128], strides = [1, 1]} : vector<16x128xf32> to vector<1x128xf32>
    %slice3A_175 = vector.extract_strided_slice %max3A_147 {offsets = [0, 0], sizes = [1, 128], strides = [1, 1]} : vector<16x128xf32> to vector<1x128xf32>
    %slice3A_176 = vector.extract_strided_slice %max3A_156 {offsets = [0, 0], sizes = [1, 128], strides = [1, 1]} : vector<16x128xf32> to vector<1x128xf32>
    %slice3A_177 = vector.extract_strided_slice %max3A_163 {offsets = [0, 0], sizes = [1, 128], strides = [1, 1]} : vector<16x128xf32> to vector<1x128xf32>
    %slice3A_178 = vector.extract_strided_slice %max3A_174 {offsets = [0, 0], sizes = [1, 128], strides = [1, 1]} : vector<16x128xf32> to vector<1x128xf32>
    %get3A_179 = arith.constant 0 : index
    %get3A_180 = arith.constant 0 : index
    %get3A_181 = vector.load %arg3[%get3A_179, %get3A_180] : memref<840x128xf32, #tpu.memory_space<vmem>>, vector<24x128xf32>
    %min3A_182 = vector.broadcast %slice3A : vector<1x128xf32> to vector<24x128xf32>
    %min3A_183 = arith.minimumf %min3A_182, %get3A_181 : vector<24x128xf32>
    %get3A_184 = arith.constant 168 : index
    %get3A_185 = arith.constant 0 : index
    %get3A_186 = vector.load %arg3[%get3A_184, %get3A_185] : memref<840x128xf32, #tpu.memory_space<vmem>>, vector<24x128xf32>
    %min3A_187 = vector.broadcast %slice3A_175 : vector<1x128xf32> to vector<24x128xf32>
    %min3A_188 = arith.minimumf %min3A_187, %get3A_186 : vector<24x128xf32>
    %max3A_189 = arith.maximumf %min3A_183, %min3A_188 : vector<24x128xf32>
    %get3A_190 = arith.constant 336 : index
    %get3A_191 = arith.constant 0 : index
    %get3A_192 = vector.load %arg3[%get3A_190, %get3A_191] : memref<840x128xf32, #tpu.memory_space<vmem>>, vector<24x128xf32>
    %min3A_193 = vector.broadcast %slice3A_176 : vector<1x128xf32> to vector<24x128xf32>
    %min3A_194 = arith.minimumf %min3A_193, %get3A_192 : vector<24x128xf32>
    %max3A_195 = arith.maximumf %max3A_189, %min3A_194 : vector<24x128xf32>
    %get3A_196 = arith.constant 0 : index
    %get3A_197 = arith.constant 0 : index
    %get3A_198 = vector.load %arg4[%get3A_196, %get3A_197] : memref<168x128xf32, #tpu.memory_space<vmem>>, vector<24x128xf32>
    %mul3A_199 = arith.mulf %max3A_195, %get3A_198 : vector<24x128xf32>
    %reduce_sum3A = arith.constant dense<0.000000e+00> : vector<128xf32>
    %reduce_sum3A_200 = vector.multi_reduction <add>, %mul3A_199, %reduce_sum3A [0] : vector<24x128xf32> to vector<128xf32>
    %reduce_sum3A_201 = arith.constant dense<0.000000e+00> : vector<128xf32>
    %reduce_sum3A_202 = vector.multi_reduction <add>, %max3A_195, %reduce_sum3A_201 [0] : vector<24x128xf32> to vector<128xf32>
    %get3A_203 = arith.constant 24 : index
    %get3A_204 = arith.constant 0 : index
    %get3A_205 = vector.load %arg3[%get3A_203, %get3A_204] : memref<840x128xf32, #tpu.memory_space<vmem>>, vector<40x128xf32>
    %min3A_206 = vector.broadcast %slice3A : vector<1x128xf32> to vector<40x128xf32>
    %min3A_207 = arith.minimumf %min3A_206, %get3A_205 : vector<40x128xf32>
    %get3A_208 = arith.constant 192 : index
    %get3A_209 = arith.constant 0 : index
    %get3A_210 = vector.load %arg3[%get3A_208, %get3A_209] : memref<840x128xf32, #tpu.memory_space<vmem>>, vector<40x128xf32>
    %min3A_211 = vector.broadcast %slice3A_175 : vector<1x128xf32> to vector<40x128xf32>
    %min3A_212 = arith.minimumf %min3A_211, %get3A_210 : vector<40x128xf32>
    %max3A_213 = arith.maximumf %min3A_207, %min3A_212 : vector<40x128xf32>
    %get3A_214 = arith.constant 360 : index
    %get3A_215 = arith.constant 0 : index
    %get3A_216 = vector.load %arg3[%get3A_214, %get3A_215] : memref<840x128xf32, #tpu.memory_space<vmem>>, vector<40x128xf32>
    %min3A_217 = vector.broadcast %slice3A_176 : vector<1x128xf32> to vector<40x128xf32>
    %min3A_218 = arith.minimumf %min3A_217, %get3A_216 : vector<40x128xf32>
    %max3A_219 = arith.maximumf %max3A_213, %min3A_218 : vector<40x128xf32>
    %get3A_220 = arith.constant 528 : index
    %get3A_221 = arith.constant 0 : index
    %get3A_222 = vector.load %arg3[%get3A_220, %get3A_221] : memref<840x128xf32, #tpu.memory_space<vmem>>, vector<40x128xf32>
    %min3A_223 = vector.broadcast %slice3A_177 : vector<1x128xf32> to vector<40x128xf32>
    %min3A_224 = arith.minimumf %min3A_223, %get3A_222 : vector<40x128xf32>
    %max3A_225 = arith.maximumf %max3A_219, %min3A_224 : vector<40x128xf32>
    %get3A_226 = arith.constant 24 : index
    %get3A_227 = arith.constant 0 : index
    %get3A_228 = vector.load %arg4[%get3A_226, %get3A_227] : memref<168x128xf32, #tpu.memory_space<vmem>>, vector<40x128xf32>
    %mul3A_229 = arith.mulf %max3A_225, %get3A_228 : vector<40x128xf32>
    %reduce_sum3A_230 = arith.constant dense<0.000000e+00> : vector<128xf32>
    %reduce_sum3A_231 = vector.multi_reduction <add>, %mul3A_229, %reduce_sum3A_230 [0] : vector<40x128xf32> to vector<128xf32>
    %reduce_sum3A_232 = arith.constant dense<0.000000e+00> : vector<128xf32>
    %reduce_sum3A_233 = vector.multi_reduction <add>, %max3A_225, %reduce_sum3A_232 [0] : vector<40x128xf32> to vector<128xf32>
    %add3A_234 = arith.addf %reduce_sum3A_200, %reduce_sum3A_231 : vector<128xf32>
    %add3A_235 = arith.addf %reduce_sum3A_202, %reduce_sum3A_233 : vector<128xf32>
    %get3A_236 = arith.constant 64 : index
    %get3A_237 = arith.constant 0 : index
    %get3A_238 = vector.load %arg3[%get3A_236, %get3A_237] : memref<840x128xf32, #tpu.memory_space<vmem>>, vector<32x128xf32>
    %min3A_239 = vector.broadcast %slice3A : vector<1x128xf32> to vector<32x128xf32>
    %min3A_240 = arith.minimumf %min3A_239, %get3A_238 : vector<32x128xf32>
    %get3A_241 = arith.constant 232 : index
    %get3A_242 = arith.constant 0 : index
    %get3A_243 = vector.load %arg3[%get3A_241, %get3A_242] : memref<840x128xf32, #tpu.memory_space<vmem>>, vector<32x128xf32>
    %min3A_244 = vector.broadcast %slice3A_175 : vector<1x128xf32> to vector<32x128xf32>
    %min3A_245 = arith.minimumf %min3A_244, %get3A_243 : vector<32x128xf32>
    %max3A_246 = arith.maximumf %min3A_240, %min3A_245 : vector<32x128xf32>
    %get3A_247 = arith.constant 400 : index
    %get3A_248 = arith.constant 0 : index
    %get3A_249 = vector.load %arg3[%get3A_247, %get3A_248] : memref<840x128xf32, #tpu.memory_space<vmem>>, vector<32x128xf32>
    %min3A_250 = vector.broadcast %slice3A_176 : vector<1x128xf32> to vector<32x128xf32>
    %min3A_251 = arith.minimumf %min3A_250, %get3A_249 : vector<32x128xf32>
    %max3A_252 = arith.maximumf %max3A_246, %min3A_251 : vector<32x128xf32>
    %get3A_253 = arith.constant 568 : index
    %get3A_254 = arith.constant 0 : index
    %get3A_255 = vector.load %arg3[%get3A_253, %get3A_254] : memref<840x128xf32, #tpu.memory_space<vmem>>, vector<32x128xf32>
    %min3A_256 = vector.broadcast %slice3A_177 : vector<1x128xf32> to vector<32x128xf32>
    %min3A_257 = arith.minimumf %min3A_256, %get3A_255 : vector<32x128xf32>
    %max3A_258 = arith.maximumf %max3A_252, %min3A_257 : vector<32x128xf32>
    %get3A_259 = arith.constant 736 : index
    %get3A_260 = arith.constant 0 : index
    %get3A_261 = vector.load %arg3[%get3A_259, %get3A_260] : memref<840x128xf32, #tpu.memory_space<vmem>>, vector<32x128xf32>
    %min3A_262 = vector.broadcast %slice3A_178 : vector<1x128xf32> to vector<32x128xf32>
    %min3A_263 = arith.minimumf %min3A_262, %get3A_261 : vector<32x128xf32>
    %max3A_264 = arith.maximumf %max3A_258, %min3A_263 : vector<32x128xf32>
    %get3A_265 = arith.constant 64 : index
    %get3A_266 = arith.constant 0 : index
    %get3A_267 = vector.load %arg4[%get3A_265, %get3A_266] : memref<168x128xf32, #tpu.memory_space<vmem>>, vector<32x128xf32>
    %mul3A_268 = arith.mulf %max3A_264, %get3A_267 : vector<32x128xf32>
    %reduce_sum3A_269 = arith.constant dense<0.000000e+00> : vector<128xf32>
    %reduce_sum3A_270 = vector.multi_reduction <add>, %mul3A_268, %reduce_sum3A_269 [0] : vector<32x128xf32> to vector<128xf32>
    %reduce_sum3A_271 = arith.constant dense<0.000000e+00> : vector<128xf32>
    %reduce_sum3A_272 = vector.multi_reduction <add>, %max3A_264, %reduce_sum3A_271 [0] : vector<32x128xf32> to vector<128xf32>
    %add3A_273 = arith.addf %add3A_234, %reduce_sum3A_270 : vector<128xf32>
    %add3A_274 = arith.addf %add3A_235, %reduce_sum3A_272 : vector<128xf32>
    %get3A_275 = arith.constant 264 : index
    %get3A_276 = arith.constant 0 : index
    %get3A_277 = vector.load %arg3[%get3A_275, %get3A_276] : memref<840x128xf32, #tpu.memory_space<vmem>>, vector<40x128xf32>
    %min3A_278 = vector.broadcast %slice3A_175 : vector<1x128xf32> to vector<40x128xf32>
    %min3A_279 = arith.minimumf %min3A_278, %get3A_277 : vector<40x128xf32>
    %get3A_280 = arith.constant 432 : index
    %get3A_281 = arith.constant 0 : index
    %get3A_282 = vector.load %arg3[%get3A_280, %get3A_281] : memref<840x128xf32, #tpu.memory_space<vmem>>, vector<40x128xf32>
    %min3A_283 = vector.broadcast %slice3A_176 : vector<1x128xf32> to vector<40x128xf32>
    %min3A_284 = arith.minimumf %min3A_283, %get3A_282 : vector<40x128xf32>
    %max3A_285 = arith.maximumf %min3A_279, %min3A_284 : vector<40x128xf32>
    %get3A_286 = arith.constant 600 : index
    %get3A_287 = arith.constant 0 : index
    %get3A_288 = vector.load %arg3[%get3A_286, %get3A_287] : memref<840x128xf32, #tpu.memory_space<vmem>>, vector<40x128xf32>
    %min3A_289 = vector.broadcast %slice3A_177 : vector<1x128xf32> to vector<40x128xf32>
    %min3A_290 = arith.minimumf %min3A_289, %get3A_288 : vector<40x128xf32>
    %max3A_291 = arith.maximumf %max3A_285, %min3A_290 : vector<40x128xf32>
    %get3A_292 = arith.constant 768 : index
    %get3A_293 = arith.constant 0 : index
    %get3A_294 = vector.load %arg3[%get3A_292, %get3A_293] : memref<840x128xf32, #tpu.memory_space<vmem>>, vector<40x128xf32>
    %min3A_295 = vector.broadcast %slice3A_178 : vector<1x128xf32> to vector<40x128xf32>
    %min3A_296 = arith.minimumf %min3A_295, %get3A_294 : vector<40x128xf32>
    %max3A_297 = arith.maximumf %max3A_291, %min3A_296 : vector<40x128xf32>
    %get3A_298 = arith.constant 96 : index
    %get3A_299 = arith.constant 0 : index
    %get3A_300 = vector.load %arg4[%get3A_298, %get3A_299] : memref<168x128xf32, #tpu.memory_space<vmem>>, vector<40x128xf32>
    %mul3A_301 = arith.mulf %max3A_297, %get3A_300 : vector<40x128xf32>
    %reduce_sum3A_302 = arith.constant dense<0.000000e+00> : vector<128xf32>
    %reduce_sum3A_303 = vector.multi_reduction <add>, %mul3A_301, %reduce_sum3A_302 [0] : vector<40x128xf32> to vector<128xf32>
    %reduce_sum3A_304 = arith.constant dense<0.000000e+00> : vector<128xf32>
    %reduce_sum3A_305 = vector.multi_reduction <add>, %max3A_297, %reduce_sum3A_304 [0] : vector<40x128xf32> to vector<128xf32>
    %add3A_306 = arith.addf %add3A_273, %reduce_sum3A_303 : vector<128xf32>
    %add3A_307 = arith.addf %add3A_274, %reduce_sum3A_305 : vector<128xf32>
    %get3A_308 = arith.constant 472 : index
    %get3A_309 = arith.constant 0 : index
    %get3A_310 = vector.load %arg3[%get3A_308, %get3A_309] : memref<840x128xf32, #tpu.memory_space<vmem>>, vector<32x128xf32>
    %min3A_311 = vector.broadcast %slice3A_176 : vector<1x128xf32> to vector<32x128xf32>
    %min3A_312 = arith.minimumf %min3A_311, %get3A_310 : vector<32x128xf32>
    %get3A_313 = arith.constant 640 : index
    %get3A_314 = arith.constant 0 : index
    %get3A_315 = vector.load %arg3[%get3A_313, %get3A_314] : memref<840x128xf32, #tpu.memory_space<vmem>>, vector<32x128xf32>
    %min3A_316 = vector.broadcast %slice3A_177 : vector<1x128xf32> to vector<32x128xf32>
    %min3A_317 = arith.minimumf %min3A_316, %get3A_315 : vector<32x128xf32>
    %max3A_318 = arith.maximumf %min3A_312, %min3A_317 : vector<32x128xf32>
    %get3A_319 = arith.constant 808 : index
    %get3A_320 = arith.constant 0 : index
    %get3A_321 = vector.load %arg3[%get3A_319, %get3A_320] : memref<840x128xf32, #tpu.memory_space<vmem>>, vector<32x128xf32>
    %min3A_322 = vector.broadcast %slice3A_178 : vector<1x128xf32> to vector<32x128xf32>
    %min3A_323 = arith.minimumf %min3A_322, %get3A_321 : vector<32x128xf32>
    %max3A_324 = arith.maximumf %max3A_318, %min3A_323 : vector<32x128xf32>
    %get3A_325 = arith.constant 136 : index
    %get3A_326 = arith.constant 0 : index
    %get3A_327 = vector.load %arg4[%get3A_325, %get3A_326] : memref<168x128xf32, #tpu.memory_space<vmem>>, vector<32x128xf32>
    %mul3A_328 = arith.mulf %max3A_324, %get3A_327 : vector<32x128xf32>
    %reduce_sum3A_329 = arith.constant dense<0.000000e+00> : vector<128xf32>
    %reduce_sum3A_330 = vector.multi_reduction <add>, %mul3A_328, %reduce_sum3A_329 [0] : vector<32x128xf32> to vector<128xf32>
    %reduce_sum3A_331 = arith.constant dense<0.000000e+00> : vector<128xf32>
    %reduce_sum3A_332 = vector.multi_reduction <add>, %max3A_324, %reduce_sum3A_331 [0] : vector<32x128xf32> to vector<128xf32>
    %add3A_333 = arith.addf %add3A_306, %reduce_sum3A_330 : vector<128xf32>
    %add3A_334 = arith.addf %add3A_307, %reduce_sum3A_332 : vector<128xf32>
    %add3A_335 = arith.constant 9.99999996E-13 : f32
    %add3A_336 = vector.broadcast %add3A_335 : f32 to vector<128xf32>
    %add3A_337 = arith.addf %add3A_334, %add3A_336 : vector<128xf32>
    %div3A_338 = arith.divf %add3A_333, %add3A_337 : vector<128xf32>
    %swap3A = arith.constant 0 : index
    %swap3A_339 = arith.constant 0 : index
    %swap3A_340 = vector.load %arg5[%swap3A, %swap3A_339] : memref<16x128xf32, #tpu.memory_space<vmem>>, vector<1x128xf32>
    %swap3A_341 = vector.shape_cast %swap3A_340 : vector<1x128xf32> to vector<128xf32>
    %swap3A_342 = vector.shape_cast %div3A_338 : vector<128xf32> to vector<1x128xf32>
    tpu.vector_store %arg5[%swap3A, %swap3A_339], %swap3A_342 {strides = array<i32>} : memref<16x128xf32, #tpu.memory_space<vmem>>, vector<1x128xf32>,
    %slice3A_343 = vector.extract_strided_slice %max3A_140 {offsets = [1, 0], sizes = [1, 128], strides = [1, 1]} : vector<16x128xf32> to vector<1x128xf32>
    %slice3A_344 = vector.extract_strided_slice %max3A_147 {offsets = [1, 0], sizes = [1, 128], strides = [1, 1]} : vector<16x128xf32> to vector<1x128xf32>
    %slice3A_345 = vector.extract_strided_slice %max3A_156 {offsets = [1, 0], sizes = [1, 128], strides = [1, 1]} : vector<16x128xf32> to vector<1x128xf32>
    %slice3A_346 = vector.extract_strided_slice %max3A_163 {offsets = [1, 0], sizes = [1, 128], strides = [1, 1]} : vector<16x128xf32> to vector<1x128xf32>
    %slice3A_347 = vector.extract_strided_slice %max3A_174 {offsets = [1, 0], sizes = [1, 128], strides = [1, 1]} : vector<16x128xf32> to vector<1x128xf32>
    %get3A_348 = arith.constant 0 : index
    %get3A_349 = arith.constant 0 : index
    %get3A_350 = vector.load %arg3[%get3A_348, %get3A_349] : memref<840x128xf32, #tpu.memory_space<vmem>>, vector<24x128xf32>
    %min3A_351 = vector.broadcast %slice3A_343 : vector<1x128xf32> to vector<24x128xf32>
    %min3A_352 = arith.minimumf %min3A_351, %get3A_350 : vector<24x128xf32>
    %get3A_353 = arith.constant 168 : index
    %get3A_354 = arith.constant 0 : index
    %get3A_355 = vector.load %arg3[%get3A_353, %get3A_354] : memref<840x128xf32, #tpu.memory_space<vmem>>, vector<24x128xf32>
    %min3A_356 = vector.broadcast %slice3A_344 : vector<1x128xf32> to vector<24x128xf32>
    %min3A_357 = arith.minimumf %min3A_356, %get3A_355 : vector<24x128xf32>
    %max3A_358 = arith.maximumf %min3A_352, %min3A_357 : vector<24x128xf32>
    %get3A_359 = arith.constant 336 : index
    %get3A_360 = arith.constant 0 : index
    %get3A_361 = vector.load %arg3[%get3A_359, %get3A_360] : memref<840x128xf32, #tpu.memory_space<vmem>>, vector<24x128xf32>
    %min3A_362 = vector.broadcast %slice3A_345 : vector<1x128xf32> to vector<24x128xf32>
    %min3A_363 = arith.minimumf %min3A_362, %get3A_361 : vector<24x128xf32>
    %max3A_364 = arith.maximumf %max3A_358, %min3A_363 : vector<24x128xf32>
    %get3A_365 = arith.constant 0 : index
    %get3A_366 = arith.constant 0 : index
    %get3A_367 = vector.load %arg4[%get3A_365, %get3A_366] : memref<168x128xf32, #tpu.memory_space<vmem>>, vector<24x128xf32>
    %mul3A_368 = arith.mulf %max3A_364, %get3A_367 : vector<24x128xf32>
    %reduce_sum3A_369 = arith.constant dense<0.000000e+00> : vector<128xf32>
    %reduce_sum3A_370 = vector.multi_reduction <add>, %mul3A_368, %reduce_sum3A_369 [0] : vector<24x128xf32> to vector<128xf32>
    %reduce_sum3A_371 = arith.constant dense<0.000000e+00> : vector<128xf32>
    %reduce_sum3A_372 = vector.multi_reduction <add>, %max3A_364, %reduce_sum3A_371 [0] : vector<24x128xf32> to vector<128xf32>
    %get3A_373 = arith.constant 24 : index
    %get3A_374 = arith.constant 0 : index
    %get3A_375 = vector.load %arg3[%get3A_373, %get3A_374] : memref<840x128xf32, #tpu.memory_space<vmem>>, vector<40x128xf32>
    %min3A_376 = vector.broadcast %slice3A_343 : vector<1x128xf32> to vector<40x128xf32>
    %min3A_377 = arith.minimumf %min3A_376, %get3A_375 : vector<40x128xf32>
    %get3A_378 = arith.constant 192 : index
    %get3A_379 = arith.constant 0 : index
    %get3A_380 = vector.load %arg3[%get3A_378, %get3A_379] : memref<840x128xf32, #tpu.memory_space<vmem>>, vector<40x128xf32>
    %min3A_381 = vector.broadcast %slice3A_344 : vector<1x128xf32> to vector<40x128xf32>
    %min3A_382 = arith.minimumf %min3A_381, %get3A_380 : vector<40x128xf32>
    %max3A_383 = arith.maximumf %min3A_377, %min3A_382 : vector<40x128xf32>
    %get3A_384 = arith.constant 360 : index
    %get3A_385 = arith.constant 0 : index
    %get3A_386 = vector.load %arg3[%get3A_384, %get3A_385] : memref<840x128xf32, #tpu.memory_space<vmem>>, vector<40x128xf32>
    %min3A_387 = vector.broadcast %slice3A_345 : vector<1x128xf32> to vector<40x128xf32>
    %min3A_388 = arith.minimumf %min3A_387, %get3A_386 : vector<40x128xf32>
    %max3A_389 = arith.maximumf %max3A_383, %min3A_388 : vector<40x128xf32>
    %get3A_390 = arith.constant 528 : index
    %get3A_391 = arith.constant 0 : index
    %get3A_392 = vector.load %arg3[%get3A_390, %get3A_391] : memref<840x128xf32, #tpu.memory_space<vmem>>, vector<40x128xf32>
    %min3A_393 = vector.broadcast %slice3A_346 : vector<1x128xf32> to vector<40x128xf32>
    %min3A_394 = arith.minimumf %min3A_393, %get3A_392 : vector<40x128xf32>
    %max3A_395 = arith.maximumf %max3A_389, %min3A_394 : vector<40x128xf32>
    %get3A_396 = arith.constant 24 : index
    %get3A_397 = arith.constant 0 : index
    %get3A_398 = vector.load %arg4[%get3A_396, %get3A_397] : memref<168x128xf32, #tpu.memory_space<vmem>>, vector<40x128xf32>
    %mul3A_399 = arith.mulf %max3A_395, %get3A_398 : vector<40x128xf32>
    %reduce_sum3A_400 = arith.constant dense<0.000000e+00> : vector<128xf32>
    %reduce_sum3A_401 = vector.multi_reduction <add>, %mul3A_399, %reduce_sum3A_400 [0] : vector<40x128xf32> to vector<128xf32>
    %reduce_sum3A_402 = arith.constant dense<0.000000e+00> : vector<128xf32>
    %reduce_sum3A_403 = vector.multi_reduction <add>, %max3A_395, %reduce_sum3A_402 [0] : vector<40x128xf32> to vector<128xf32>
    %add3A_404 = arith.addf %reduce_sum3A_370, %reduce_sum3A_401 : vector<128xf32>
    %add3A_405 = arith.addf %reduce_sum3A_372, %reduce_sum3A_403 : vector<128xf32>
    %get3A_406 = arith.constant 64 : index
    %get3A_407 = arith.constant 0 : index
    %get3A_408 = vector.load %arg3[%get3A_406, %get3A_407] : memref<840x128xf32, #tpu.memory_space<vmem>>, vector<32x128xf32>
    %min3A_409 = vector.broadcast %slice3A_343 : vector<1x128xf32> to vector<32x128xf32>
    %min3A_410 = arith.minimumf %min3A_409, %get3A_408 : vector<32x128xf32>
    %get3A_411 = arith.constant 232 : index
    %get3A_412 = arith.constant 0 : index
    %get3A_413 = vector.load %arg3[%get3A_411, %get3A_412] : memref<840x128xf32, #tpu.memory_space<vmem>>, vector<32x128xf32>
    %min3A_414 = vector.broadcast %slice3A_344 : vector<1x128xf32> to vector<32x128xf32>
    %min3A_415 = arith.minimumf %min3A_414, %get3A_413 : vector<32x128xf32>
    %max3A_416 = arith.maximumf %min3A_410, %min3A_415 : vector<32x128xf32>
    %get3A_417 = arith.constant 400 : index
    %get3A_418 = arith.constant 0 : index
    %get3A_419 = vector.load %arg3[%get3A_417, %get3A_418] : memref<840x128xf32, #tpu.memory_space<vmem>>, vector<32x128xf32>
    %min3A_420 = vector.broadcast %slice3A_345 : vector<1x128xf32> to vector<32x128xf32>
    %min3A_421 = arith.minimumf %min3A_420, %get3A_419 : vector<32x128xf32>
    %max3A_422 = arith.maximumf %max3A_416, %min3A_421 : vector<32x128xf32>
    %get3A_423 = arith.constant 568 : index
    %get3A_424 = arith.constant 0 : index
    %get3A_425 = vector.load %arg3[%get3A_423, %get3A_424] : memref<840x128xf32, #tpu.memory_space<vmem>>, vector<32x128xf32>
    %min3A_426 = vector.broadcast %slice3A_346 : vector<1x128xf32> to vector<32x128xf32>
    %min3A_427 = arith.minimumf %min3A_426, %get3A_425 : vector<32x128xf32>
    %max3A_428 = arith.maximumf %max3A_422, %min3A_427 : vector<32x128xf32>
    %get3A_429 = arith.constant 736 : index
    %get3A_430 = arith.constant 0 : index
    %get3A_431 = vector.load %arg3[%get3A_429, %get3A_430] : memref<840x128xf32, #tpu.memory_space<vmem>>, vector<32x128xf32>
    %min3A_432 = vector.broadcast %slice3A_347 : vector<1x128xf32> to vector<32x128xf32>
    %min3A_433 = arith.minimumf %min3A_432, %get3A_431 : vector<32x128xf32>
    %max3A_434 = arith.maximumf %max3A_428, %min3A_433 : vector<32x128xf32>
    %get3A_435 = arith.constant 64 : index
    %get3A_436 = arith.constant 0 : index
    %get3A_437 = vector.load %arg4[%get3A_435, %get3A_436] : memref<168x128xf32, #tpu.memory_space<vmem>>, vector<32x128xf32>
    %mul3A_438 = arith.mulf %max3A_434, %get3A_437 : vector<32x128xf32>
    %reduce_sum3A_439 = arith.constant dense<0.000000e+00> : vector<128xf32>
    %reduce_sum3A_440 = vector.multi_reduction <add>, %mul3A_438, %reduce_sum3A_439 [0] : vector<32x128xf32> to vector<128xf32>
    %reduce_sum3A_441 = arith.constant dense<0.000000e+00> : vector<128xf32>
    %reduce_sum3A_442 = vector.multi_reduction <add>, %max3A_434, %reduce_sum3A_441 [0] : vector<32x128xf32> to vector<128xf32>
    %add3A_443 = arith.addf %add3A_404, %reduce_sum3A_440 : vector<128xf32>
    %add3A_444 = arith.addf %add3A_405, %reduce_sum3A_442 : vector<128xf32>
    %get3A_445 = arith.constant 264 : index
    %get3A_446 = arith.constant 0 : index
    %get3A_447 = vector.load %arg3[%get3A_445, %get3A_446] : memref<840x128xf32, #tpu.memory_space<vmem>>, vector<40x128xf32>
    %min3A_448 = vector.broadcast %slice3A_344 : vector<1x128xf32> to vector<40x128xf32>
    %min3A_449 = arith.minimumf %min3A_448, %get3A_447 : vector<40x128xf32>
    %get3A_450 = arith.constant 432 : index
    %get3A_451 = arith.constant 0 : index
    %get3A_452 = vector.load %arg3[%get3A_450, %get3A_451] : memref<840x128xf32, #tpu.memory_space<vmem>>, vector<40x128xf32>
    %min3A_453 = vector.broadcast %slice3A_345 : vector<1x128xf32> to vector<40x128xf32>
    %min3A_454 = arith.minimumf %min3A_453, %get3A_452 : vector<40x128xf32>
    %max3A_455 = arith.maximumf %min3A_449, %min3A_454 : vector<40x128xf32>
    %get3A_456 = arith.constant 600 : index
    %get3A_457 = arith.constant 0 : index
    %get3A_458 = vector.load %arg3[%get3A_456, %get3A_457] : memref<840x128xf32, #tpu.memory_space<vmem>>, vector<40x128xf32>
    %min3A_459 = vector.broadcast %slice3A_346 : vector<1x128xf32> to vector<40x128xf32>
    %min3A_460 = arith.minimumf %min3A_459, %get3A_458 : vector<40x128xf32>
    %max3A_461 = arith.maximumf %max3A_455, %min3A_460 : vector<40x128xf32>
    %get3A_462 = arith.constant 768 : index
    %get3A_463 = arith.constant 0 : index
    %get3A_464 = vector.load %arg3[%get3A_462, %get3A_463] : memref<840x128xf32, #tpu.memory_space<vmem>>, vector<40x128xf32>
    %min3A_465 = vector.broadcast %slice3A_347 : vector<1x128xf32> to vector<40x128xf32>
    %min3A_466 = arith.minimumf %min3A_465, %get3A_464 : vector<40x128xf32>
    %max3A_467 = arith.maximumf %max3A_461, %min3A_466 : vector<40x128xf32>
    %get3A_468 = arith.constant 96 : index
    %get3A_469 = arith.constant 0 : index
    %get3A_470 = vector.load %arg4[%get3A_468, %get3A_469] : memref<168x128xf32, #tpu.memory_space<vmem>>, vector<40x128xf32>
    %mul3A_471 = arith.mulf %max3A_467, %get3A_470 : vector<40x128xf32>
    %reduce_sum3A_472 = arith.constant dense<0.000000e+00> : vector<128xf32>
    %reduce_sum3A_473 = vector.multi_reduction <add>, %mul3A_471, %reduce_sum3A_472 [0] : vector<40x128xf32> to vector<128xf32>
    %reduce_sum3A_474 = arith.constant dense<0.000000e+00> : vector<128xf32>
    %reduce_sum3A_475 = vector.multi_reduction <add>, %max3A_467, %reduce_sum3A_474 [0] : vector<40x128xf32> to vector<128xf32>
    %add3A_476 = arith.addf %add3A_443, %reduce_sum3A_473 : vector<128xf32>
    %add3A_477 = arith.addf %add3A_444, %reduce_sum3A_475 : vector<128xf32>
    %get3A_478 = arith.constant 472 : index
    %get3A_479 = arith.constant 0 : index
    %get3A_480 = vector.load %arg3[%get3A_478, %get3A_479] : memref<840x128xf32, #tpu.memory_space<vmem>>, vector<32x128xf32>
    %min3A_481 = vector.broadcast %slice3A_345 : vector<1x128xf32> to vector<32x128xf32>
    %min3A_482 = arith.minimumf %min3A_481, %get3A_480 : vector<32x128xf32>
    %get3A_483 = arith.constant 640 : index
    %get3A_484 = arith.constant 0 : index
    %get3A_485 = vector.load %arg3[%get3A_483, %get3A_484] : memref<840x128xf32, #tpu.memory_space<vmem>>, vector<32x128xf32>
    %min3A_486 = vector.broadcast %slice3A_346 : vector<1x128xf32> to vector<32x128xf32>
    %min3A_487 = arith.minimumf %min3A_486, %get3A_485 : vector<32x128xf32>
    %max3A_488 = arith.maximumf %min3A_482, %min3A_487 : vector<32x128xf32>
    %get3A_489 = arith.constant 808 : index
    %get3A_490 = arith.constant 0 : index
    %get3A_491 = vector.load %arg3[%get3A_489, %get3A_490] : memref<840x128xf32, #tpu.memory_space<vmem>>, vector<32x128xf32>
    %min3A_492 = vector.broadcast %slice3A_347 : vector<1x128xf32> to vector<32x128xf32>
    %min3A_493 = arith.minimumf %min3A_492, %get3A_491 : vector<32x128xf32>
    %max3A_494 = arith.maximumf %max3A_488, %min3A_493 : vector<32x128xf32>
    %get3A_495 = arith.constant 136 : index
    %get3A_496 = arith.constant 0 : index
    %get3A_497 = vector.load %arg4[%get3A_495, %get3A_496] : memref<168x128xf32, #tpu.memory_space<vmem>>, vector<32x128xf32>
    %mul3A_498 = arith.mulf %max3A_494, %get3A_497 : vector<32x128xf32>
    %reduce_sum3A_499 = arith.constant dense<0.000000e+00> : vector<128xf32>
    %reduce_sum3A_500 = vector.multi_reduction <add>, %mul3A_498, %reduce_sum3A_499 [0] : vector<32x128xf32> to vector<128xf32>
    %reduce_sum3A_501 = arith.constant dense<0.000000e+00> : vector<128xf32>
    %reduce_sum3A_502 = vector.multi_reduction <add>, %max3A_494, %reduce_sum3A_501 [0] : vector<32x128xf32> to vector<128xf32>
    %add3A_503 = arith.addf %add3A_476, %reduce_sum3A_500 : vector<128xf32>
    %add3A_504 = arith.addf %add3A_477, %reduce_sum3A_502 : vector<128xf32>
    %add3A_505 = arith.constant 9.99999996E-13 : f32
    %add3A_506 = vector.broadcast %add3A_505 : f32 to vector<128xf32>
    %add3A_507 = arith.addf %add3A_504, %add3A_506 : vector<128xf32>
    %div3A_508 = arith.divf %add3A_503, %add3A_507 : vector<128xf32>
    %swap3A_509 = arith.constant 1 : index
    %swap3A_510 = arith.constant 0 : index
    %swap3A_511 = vector.load %arg5[%swap3A_509, %swap3A_510] : memref<16x128xf32, #tpu.memory_space<vmem>>, vector<1x128xf32>
    %swap3A_512 = vector.shape_cast %swap3A_511 : vector<1x128xf32> to vector<128xf32>
    %swap3A_513 = vector.shape_cast %div3A_508 : vector<128xf32> to vector<1x128xf32>
    tpu.vector_store %arg5[%swap3A_509, %swap3A_510], %swap3A_513 {strides = array<i32>} : memref<16x128xf32, #tpu.memory_space<vmem>>, vector<1x128xf32>,
    %slice3A_514 = vector.extract_strided_slice %max3A_140 {offsets = [2, 0], sizes = [1, 128], strides = [1, 1]} : vector<16x128xf32> to vector<1x128xf32>
    %slice3A_515 = vector.extract_strided_slice %max3A_147 {offsets = [2, 0], sizes = [1, 128], strides = [1, 1]} : vector<16x128xf32> to vector<1x128xf32>
    %slice3A_516 = vector.extract_strided_slice %max3A_156 {offsets = [2, 0], sizes = [1, 128], strides = [1, 1]} : vector<16x128xf32> to vector<1x128xf32>
    %slice3A_517 = vector.extract_strided_slice %max3A_163 {offsets = [2, 0], sizes = [1, 128], strides = [1, 1]} : vector<16x128xf32> to vector<1x128xf32>
    %slice3A_518 = vector.extract_strided_slice %max3A_174 {offsets = [2, 0], sizes = [1, 128], strides = [1, 1]} : vector<16x128xf32> to vector<1x128xf32>
    %get3A_519 = arith.constant 0 : index
    %get3A_520 = arith.constant 0 : index
    %get3A_521 = vector.load %arg3[%get3A_519, %get3A_520] : memref<840x128xf32, #tpu.memory_space<vmem>>, vector<24x128xf32>
    %min3A_522 = vector.broadcast %slice3A_514 : vector<1x128xf32> to vector<24x128xf32>
    %min3A_523 = arith.minimumf %min3A_522, %get3A_521 : vector<24x128xf32>
    %get3A_524 = arith.constant 168 : index
    %get3A_525 = arith.constant 0 : index
    %get3A_526 = vector.load %arg3[%get3A_524, %get3A_525] : memref<840x128xf32, #tpu.memory_space<vmem>>, vector<24x128xf32>
    %min3A_527 = vector.broadcast %slice3A_515 : vector<1x128xf32> to vector<24x128xf32>
    %min3A_528 = arith.minimumf %min3A_527, %get3A_526 : vector<24x128xf32>
    %max3A_529 = arith.maximumf %min3A_523, %min3A_528 : vector<24x128xf32>
    %get3A_530 = arith.constant 336 : index
    %get3A_531 = arith.constant 0 : index
    %get3A_532 = vector.load %arg3[%get3A_530, %get3A_531] : memref<840x128xf32, #tpu.memory_space<vmem>>, vector<24x128xf32>
    %min3A_533 = vector.broadcast %slice3A_516 : vector<1x128xf32> to vector<24x128xf32>
    %min3A_534 = arith.minimumf %min3A_533, %get3A_532 : vector<24x128xf32>
    %max3A_535 = arith.maximumf %max3A_529, %min3A_534 : vector<24x128xf32>
    %get3A_536 = arith.constant 0 : index
    %get3A_537 = arith.constant 0 : index
    %get3A_538 = vector.load %arg4[%get3A_536, %get3A_537] : memref<168x128xf32, #tpu.memory_space<vmem>>, vector<24x128xf32>
    %mul3A_539 = arith.mulf %max3A_535, %get3A_538 : vector<24x128xf32>
    %reduce_sum3A_540 = arith.constant dense<0.000000e+00> : vector<128xf32>
    %reduce_sum3A_541 = vector.multi_reduction <add>, %mul3A_539, %reduce_sum3A_540 [0] : vector<24x128xf32> to vector<128xf32>
    %reduce_sum3A_542 = arith.constant dense<0.000000e+00> : vector<128xf32>
    %reduce_sum3A_543 = vector.multi_reduction <add>, %max3A_535, %reduce_sum3A_542 [0] : vector<24x128xf32> to vector<128xf32>
    %get3A_544 = arith.constant 24 : index
    %get3A_545 = arith.constant 0 : index
    %get3A_546 = vector.load %arg3[%get3A_544, %get3A_545] : memref<840x128xf32, #tpu.memory_space<vmem>>, vector<40x128xf32>
    %min3A_547 = vector.broadcast %slice3A_514 : vector<1x128xf32> to vector<40x128xf32>
    %min3A_548 = arith.minimumf %min3A_547, %get3A_546 : vector<40x128xf32>
    %get3A_549 = arith.constant 192 : index
    %get3A_550 = arith.constant 0 : index
    %get3A_551 = vector.load %arg3[%get3A_549, %get3A_550] : memref<840x128xf32, #tpu.memory_space<vmem>>, vector<40x128xf32>
    %min3A_552 = vector.broadcast %slice3A_515 : vector<1x128xf32> to vector<40x128xf32>
    %min3A_553 = arith.minimumf %min3A_552, %get3A_551 : vector<40x128xf32>
    %max3A_554 = arith.maximumf %min3A_548, %min3A_553 : vector<40x128xf32>
    %get3A_555 = arith.constant 360 : index
    %get3A_556 = arith.constant 0 : index
    %get3A_557 = vector.load %arg3[%get3A_555, %get3A_556] : memref<840x128xf32, #tpu.memory_space<vmem>>, vector<40x128xf32>
    %min3A_558 = vector.broadcast %slice3A_516 : vector<1x128xf32> to vector<40x128xf32>
    %min3A_559 = arith.minimumf %min3A_558, %get3A_557 : vector<40x128xf32>
    %max3A_560 = arith.maximumf %max3A_554, %min3A_559 : vector<40x128xf32>
    %get3A_561 = arith.constant 528 : index
    %get3A_562 = arith.constant 0 : index
    %get3A_563 = vector.load %arg3[%get3A_561, %get3A_562] : memref<840x128xf32, #tpu.memory_space<vmem>>, vector<40x128xf32>
    %min3A_564 = vector.broadcast %slice3A_517 : vector<1x128xf32> to vector<40x128xf32>
    %min3A_565 = arith.minimumf %min3A_564, %get3A_563 : vector<40x128xf32>
    %max3A_566 = arith.maximumf %max3A_560, %min3A_565 : vector<40x128xf32>
    %get3A_567 = arith.constant 24 : index
    %get3A_568 = arith.constant 0 : index
    %get3A_569 = vector.load %arg4[%get3A_567, %get3A_568] : memref<168x128xf32, #tpu.memory_space<vmem>>, vector<40x128xf32>
    %mul3A_570 = arith.mulf %max3A_566, %get3A_569 : vector<40x128xf32>
    %reduce_sum3A_571 = arith.constant dense<0.000000e+00> : vector<128xf32>
    %reduce_sum3A_572 = vector.multi_reduction <add>, %mul3A_570, %reduce_sum3A_571 [0] : vector<40x128xf32> to vector<128xf32>
    %reduce_sum3A_573 = arith.constant dense<0.000000e+00> : vector<128xf32>
    %reduce_sum3A_574 = vector.multi_reduction <add>, %max3A_566, %reduce_sum3A_573 [0] : vector<40x128xf32> to vector<128xf32>
    %add3A_575 = arith.addf %reduce_sum3A_541, %reduce_sum3A_572 : vector<128xf32>
    %add3A_576 = arith.addf %reduce_sum3A_543, %reduce_sum3A_574 : vector<128xf32>
    %get3A_577 = arith.constant 64 : index
    %get3A_578 = arith.constant 0 : index
    %get3A_579 = vector.load %arg3[%get3A_577, %get3A_578] : memref<840x128xf32, #tpu.memory_space<vmem>>, vector<32x128xf32>
    %min3A_580 = vector.broadcast %slice3A_514 : vector<1x128xf32> to vector<32x128xf32>
    %min3A_581 = arith.minimumf %min3A_580, %get3A_579 : vector<32x128xf32>
    %get3A_582 = arith.constant 232 : index
    %get3A_583 = arith.constant 0 : index
    %get3A_584 = vector.load %arg3[%get3A_582, %get3A_583] : memref<840x128xf32, #tpu.memory_space<vmem>>, vector<32x128xf32>
    %min3A_585 = vector.broadcast %slice3A_515 : vector<1x128xf32> to vector<32x128xf32>
    %min3A_586 = arith.minimumf %min3A_585, %get3A_584 : vector<32x128xf32>
    %max3A_587 = arith.maximumf %min3A_581, %min3A_586 : vector<32x128xf32>
    %get3A_588 = arith.constant 400 : index
    %get3A_589 = arith.constant 0 : index
    %get3A_590 = vector.load %arg3[%get3A_588, %get3A_589] : memref<840x128xf32, #tpu.memory_space<vmem>>, vector<32x128xf32>
    %min3A_591 = vector.broadcast %slice3A_516 : vector<1x128xf32> to vector<32x128xf32>
    %min3A_592 = arith.minimumf %min3A_591, %get3A_590 : vector<32x128xf32>
    %max3A_593 = arith.maximumf %max3A_587, %min3A_592 : vector<32x128xf32>
    %get3A_594 = arith.constant 568 : index
    %get3A_595 = arith.constant 0 : index
    %get3A_596 = vector.load %arg3[%get3A_594, %get3A_595] : memref<840x128xf32, #tpu.memory_space<vmem>>, vector<32x128xf32>
    %min3A_597 = vector.broadcast %slice3A_517 : vector<1x128xf32> to vector<32x128xf32>
    %min3A_598 = arith.minimumf %min3A_597, %get3A_596 : vector<32x128xf32>
    %max3A_599 = arith.maximumf %max3A_593, %min3A_598 : vector<32x128xf32>
    %get3A_600 = arith.constant 736 : index
    %get3A_601 = arith.constant 0 : index
    %get3A_602 = vector.load %arg3[%get3A_600, %get3A_601] : memref<840x128xf32, #tpu.memory_space<vmem>>, vector<32x128xf32>
    %min3A_603 = vector.broadcast %slice3A_518 : vector<1x128xf32> to vector<32x128xf32>
    %min3A_604 = arith.minimumf %min3A_603, %get3A_602 : vector<32x128xf32>
    %max3A_605 = arith.maximumf %max3A_599, %min3A_604 : vector<32x128xf32>
    %get3A_606 = arith.constant 64 : index
    %get3A_607 = arith.constant 0 : index
    %get3A_608 = vector.load %arg4[%get3A_606, %get3A_607] : memref<168x128xf32, #tpu.memory_space<vmem>>, vector<32x128xf32>
    %mul3A_609 = arith.mulf %max3A_605, %get3A_608 : vector<32x128xf32>
    %reduce_sum3A_610 = arith.constant dense<0.000000e+00> : vector<128xf32>
    %reduce_sum3A_611 = vector.multi_reduction <add>, %mul3A_609, %reduce_sum3A_610 [0] : vector<32x128xf32> to vector<128xf32>
    %reduce_sum3A_612 = arith.constant dense<0.000000e+00> : vector<128xf32>
    %reduce_sum3A_613 = vector.multi_reduction <add>, %max3A_605, %reduce_sum3A_612 [0] : vector<32x128xf32> to vector<128xf32>
    %add3A_614 = arith.addf %add3A_575, %reduce_sum3A_611 : vector<128xf32>
    %add3A_615 = arith.addf %add3A_576, %reduce_sum3A_613 : vector<128xf32>
    %get3A_616 = arith.constant 264 : index
    %get3A_617 = arith.constant 0 : index
    %get3A_618 = vector.load %arg3[%get3A_616, %get3A_617] : memref<840x128xf32, #tpu.memory_space<vmem>>, vector<40x128xf32>
    %min3A_619 = vector.broadcast %slice3A_515 : vector<1x128xf32> to vector<40x128xf32>
    %min3A_620 = arith.minimumf %min3A_619, %get3A_618 : vector<40x128xf32>
    %get3A_621 = arith.constant 432 : index
    %get3A_622 = arith.constant 0 : index
    %get3A_623 = vector.load %arg3[%get3A_621, %get3A_622] : memref<840x128xf32, #tpu.memory_space<vmem>>, vector<40x128xf32>
    %min3A_624 = vector.broadcast %slice3A_516 : vector<1x128xf32> to vector<40x128xf32>
    %min3A_625 = arith.minimumf %min3A_624, %get3A_623 : vector<40x128xf32>
    %max3A_626 = arith.maximumf %min3A_620, %min3A_625 : vector<40x128xf32>
    %get3A_627 = arith.constant 600 : index
    %get3A_628 = arith.constant 0 : index
    %get3A_629 = vector.load %arg3[%get3A_627, %get3A_628] : memref<840x128xf32, #tpu.memory_space<vmem>>, vector<40x128xf32>
    %min3A_630 = vector.broadcast %slice3A_517 : vector<1x128xf32> to vector<40x128xf32>
    %min3A_631 = arith.minimumf %min3A_630, %get3A_629 : vector<40x128xf32>
    %max3A_632 = arith.maximumf %max3A_626, %min3A_631 : vector<40x128xf32>
    %get3A_633 = arith.constant 768 : index
    %get3A_634 = arith.constant 0 : index
    %get3A_635 = vector.load %arg3[%get3A_633, %get3A_634] : memref<840x128xf32, #tpu.memory_space<vmem>>, vector<40x128xf32>
    %min3A_636 = vector.broadcast %slice3A_518 : vector<1x128xf32> to vector<40x128xf32>
    %min3A_637 = arith.minimumf %min3A_636, %get3A_635 : vector<40x128xf32>
    %max3A_638 = arith.maximumf %max3A_632, %min3A_637 : vector<40x128xf32>
    %get3A_639 = arith.constant 96 : index
    %get3A_640 = arith.constant 0 : index
    %get3A_641 = vector.load %arg4[%get3A_639, %get3A_640] : memref<168x128xf32, #tpu.memory_space<vmem>>, vector<40x128xf32>
    %mul3A_642 = arith.mulf %max3A_638, %get3A_641 : vector<40x128xf32>
    %reduce_sum3A_643 = arith.constant dense<0.000000e+00> : vector<128xf32>
    %reduce_sum3A_644 = vector.multi_reduction <add>, %mul3A_642, %reduce_sum3A_643 [0] : vector<40x128xf32> to vector<128xf32>
    %reduce_sum3A_645 = arith.constant dense<0.000000e+00> : vector<128xf32>
    %reduce_sum3A_646 = vector.multi_reduction <add>, %max3A_638, %reduce_sum3A_645 [0] : vector<40x128xf32> to vector<128xf32>
    %add3A_647 = arith.addf %add3A_614, %reduce_sum3A_644 : vector<128xf32>
    %add3A_648 = arith.addf %add3A_615, %reduce_sum3A_646 : vector<128xf32>
    %get3A_649 = arith.constant 472 : index
    %get3A_650 = arith.constant 0 : index
    %get3A_651 = vector.load %arg3[%get3A_649, %get3A_650] : memref<840x128xf32, #tpu.memory_space<vmem>>, vector<32x128xf32>
    %min3A_652 = vector.broadcast %slice3A_516 : vector<1x128xf32> to vector<32x128xf32>
    %min3A_653 = arith.minimumf %min3A_652, %get3A_651 : vector<32x128xf32>
    %get3A_654 = arith.constant 640 : index
    %get3A_655 = arith.constant 0 : index
    %get3A_656 = vector.load %arg3[%get3A_654, %get3A_655] : memref<840x128xf32, #tpu.memory_space<vmem>>, vector<32x128xf32>
    %min3A_657 = vector.broadcast %slice3A_517 : vector<1x128xf32> to vector<32x128xf32>
    %min3A_658 = arith.minimumf %min3A_657, %get3A_656 : vector<32x128xf32>
    %max3A_659 = arith.maximumf %min3A_653, %min3A_658 : vector<32x128xf32>
    %get3A_660 = arith.constant 808 : index
    %get3A_661 = arith.constant 0 : index
    %get3A_662 = vector.load %arg3[%get3A_660, %get3A_661] : memref<840x128xf32, #tpu.memory_space<vmem>>, vector<32x128xf32>
    %min3A_663 = vector.broadcast %slice3A_518 : vector<1x128xf32> to vector<32x128xf32>
    %min3A_664 = arith.minimumf %min3A_663, %get3A_662 : vector<32x128xf32>
    %max3A_665 = arith.maximumf %max3A_659, %min3A_664 : vector<32x128xf32>
    %get3A_666 = arith.constant 136 : index
    %get3A_667 = arith.constant 0 : index
    %get3A_668 = vector.load %arg4[%get3A_666, %get3A_667] : memref<168x128xf32, #tpu.memory_space<vmem>>, vector<32x128xf32>
    %mul3A_669 = arith.mulf %max3A_665, %get3A_668 : vector<32x128xf32>
    %reduce_sum3A_670 = arith.constant dense<0.000000e+00> : vector<128xf32>
    %reduce_sum3A_671 = vector.multi_reduction <add>, %mul3A_669, %reduce_sum3A_670 [0] : vector<32x128xf32> to vector<128xf32>
    %reduce_sum3A_672 = arith.constant dense<0.000000e+00> : vector<128xf32>
    %reduce_sum3A_673 = vector.multi_reduction <add>, %max3A_665, %reduce_sum3A_672 [0] : vector<32x128xf32> to vector<128xf32>
    %add3A_674 = arith.addf %add3A_647, %reduce_sum3A_671 : vector<128xf32>
    %add3A_675 = arith.addf %add3A_648, %reduce_sum3A_673 : vector<128xf32>
    %add3A_676 = arith.constant 9.99999996E-13 : f32
    %add3A_677 = vector.broadcast %add3A_676 : f32 to vector<128xf32>
    %add3A_678 = arith.addf %add3A_675, %add3A_677 : vector<128xf32>
    %div3A_679 = arith.divf %add3A_674, %add3A_678 : vector<128xf32>
    %swap3A_680 = arith.constant 2 : index
    %swap3A_681 = arith.constant 0 : index
    %swap3A_682 = vector.load %arg5[%swap3A_680, %swap3A_681] : memref<16x128xf32, #tpu.memory_space<vmem>>, vector<1x128xf32>
    %swap3A_683 = vector.shape_cast %swap3A_682 : vector<1x128xf32> to vector<128xf32>
    %swap3A_684 = vector.shape_cast %div3A_679 : vector<128xf32> to vector<1x128xf32>
    tpu.vector_store %arg5[%swap3A_680, %swap3A_681], %swap3A_684 {strides = array<i32>} : memref<16x128xf32, #tpu.memory_space<vmem>>, vector<1x128xf32>,
    %slice3A_685 = vector.extract_strided_slice %max3A_140 {offsets = [3, 0], sizes = [1, 128], strides = [1, 1]} : vector<16x128xf32> to vector<1x128xf32>
    %slice3A_686 = vector.extract_strided_slice %max3A_147 {offsets = [3, 0], sizes = [1, 128], strides = [1, 1]} : vector<16x128xf32> to vector<1x128xf32>
    %slice3A_687 = vector.extract_strided_slice %max3A_156 {offsets = [3, 0], sizes = [1, 128], strides = [1, 1]} : vector<16x128xf32> to vector<1x128xf32>
    %slice3A_688 = vector.extract_strided_slice %max3A_163 {offsets = [3, 0], sizes = [1, 128], strides = [1, 1]} : vector<16x128xf32> to vector<1x128xf32>
    %slice3A_689 = vector.extract_strided_slice %max3A_174 {offsets = [3, 0], sizes = [1, 128], strides = [1, 1]} : vector<16x128xf32> to vector<1x128xf32>
    %get3A_690 = arith.constant 0 : index
    %get3A_691 = arith.constant 0 : index
    %get3A_692 = vector.load %arg3[%get3A_690, %get3A_691] : memref<840x128xf32, #tpu.memory_space<vmem>>, vector<24x128xf32>
    %min3A_693 = vector.broadcast %slice3A_685 : vector<1x128xf32> to vector<24x128xf32>
    %min3A_694 = arith.minimumf %min3A_693, %get3A_692 : vector<24x128xf32>
    %get3A_695 = arith.constant 168 : index
    %get3A_696 = arith.constant 0 : index
    %get3A_697 = vector.load %arg3[%get3A_695, %get3A_696] : memref<840x128xf32, #tpu.memory_space<vmem>>, vector<24x128xf32>
    %min3A_698 = vector.broadcast %slice3A_686 : vector<1x128xf32> to vector<24x128xf32>
    %min3A_699 = arith.minimumf %min3A_698, %get3A_697 : vector<24x128xf32>
    %max3A_700 = arith.maximumf %min3A_694, %min3A_699 : vector<24x128xf32>
    %get3A_701 = arith.constant 336 : index
    %get3A_702 = arith.constant 0 : index
    %get3A_703 = vector.load %arg3[%get3A_701, %get3A_702] : memref<840x128xf32, #tpu.memory_space<vmem>>, vector<24x128xf32>
    %min3A_704 = vector.broadcast %slice3A_687 : vector<1x128xf32> to vector<24x128xf32>
    %min3A_705 = arith.minimumf %min3A_704, %get3A_703 : vector<24x128xf32>
    %max3A_706 = arith.maximumf %max3A_700, %min3A_705 : vector<24x128xf32>
    %get3A_707 = arith.constant 0 : index
    %get3A_708 = arith.constant 0 : index
    %get3A_709 = vector.load %arg4[%get3A_707, %get3A_708] : memref<168x128xf32, #tpu.memory_space<vmem>>, vector<24x128xf32>
    %mul3A_710 = arith.mulf %max3A_706, %get3A_709 : vector<24x128xf32>
    %reduce_sum3A_711 = arith.constant dense<0.000000e+00> : vector<128xf32>
    %reduce_sum3A_712 = vector.multi_reduction <add>, %mul3A_710, %reduce_sum3A_711 [0] : vector<24x128xf32> to vector<128xf32>
    %reduce_sum3A_713 = arith.constant dense<0.000000e+00> : vector<128xf32>
    %reduce_sum3A_714 = vector.multi_reduction <add>, %max3A_706, %reduce_sum3A_713 [0] : vector<24x128xf32> to vector<128xf32>
    %get3A_715 = arith.constant 24 : index
    %get3A_716 = arith.constant 0 : index
    %get3A_717 = vector.load %arg3[%get3A_715, %get3A_716] : memref<840x128xf32, #tpu.memory_space<vmem>>, vector<40x128xf32>
    %min3A_718 = vector.broadcast %slice3A_685 : vector<1x128xf32> to vector<40x128xf32>
    %min3A_719 = arith.minimumf %min3A_718, %get3A_717 : vector<40x128xf32>
    %get3A_720 = arith.constant 192 : index
    %get3A_721 = arith.constant 0 : index
    %get3A_722 = vector.load %arg3[%get3A_720, %get3A_721] : memref<840x128xf32, #tpu.memory_space<vmem>>, vector<40x128xf32>
    %min3A_723 = vector.broadcast %slice3A_686 : vector<1x128xf32> to vector<40x128xf32>
    %min3A_724 = arith.minimumf %min3A_723, %get3A_722 : vector<40x128xf32>
    %max3A_725 = arith.maximumf %min3A_719, %min3A_724 : vector<40x128xf32>
    %get3A_726 = arith.constant 360 : index
    %get3A_727 = arith.constant 0 : index
    %get3A_728 = vector.load %arg3[%get3A_726, %get3A_727] : memref<840x128xf32, #tpu.memory_space<vmem>>, vector<40x128xf32>
    %min3A_729 = vector.broadcast %slice3A_687 : vector<1x128xf32> to vector<40x128xf32>
    %min3A_730 = arith.minimumf %min3A_729, %get3A_728 : vector<40x128xf32>
    %max3A_731 = arith.maximumf %max3A_725, %min3A_730 : vector<40x128xf32>
    %get3A_732 = arith.constant 528 : index
    %get3A_733 = arith.constant 0 : index
    %get3A_734 = vector.load %arg3[%get3A_732, %get3A_733] : memref<840x128xf32, #tpu.memory_space<vmem>>, vector<40x128xf32>
    %min3A_735 = vector.broadcast %slice3A_688 : vector<1x128xf32> to vector<40x128xf32>
    %min3A_736 = arith.minimumf %min3A_735, %get3A_734 : vector<40x128xf32>
    %max3A_737 = arith.maximumf %max3A_731, %min3A_736 : vector<40x128xf32>
    %get3A_738 = arith.constant 24 : index
    %get3A_739 = arith.constant 0 : index
    %get3A_740 = vector.load %arg4[%get3A_738, %get3A_739] : memref<168x128xf32, #tpu.memory_space<vmem>>, vector<40x128xf32>
    %mul3A_741 = arith.mulf %max3A_737, %get3A_740 : vector<40x128xf32>
    %reduce_sum3A_742 = arith.constant dense<0.000000e+00> : vector<128xf32>
    %reduce_sum3A_743 = vector.multi_reduction <add>, %mul3A_741, %reduce_sum3A_742 [0] : vector<40x128xf32> to vector<128xf32>
    %reduce_sum3A_744 = arith.constant dense<0.000000e+00> : vector<128xf32>
    %reduce_sum3A_745 = vector.multi_reduction <add>, %max3A_737, %reduce_sum3A_744 [0] : vector<40x128xf32> to vector<128xf32>
    %add3A_746 = arith.addf %reduce_sum3A_712, %reduce_sum3A_743 : vector<128xf32>
    %add3A_747 = arith.addf %reduce_sum3A_714, %reduce_sum3A_745 : vector<128xf32>
    %get3A_748 = arith.constant 64 : index
    %get3A_749 = arith.constant 0 : index
    %get3A_750 = vector.load %arg3[%get3A_748, %get3A_749] : memref<840x128xf32, #tpu.memory_space<vmem>>, vector<32x128xf32>
    %min3A_751 = vector.broadcast %slice3A_685 : vector<1x128xf32> to vector<32x128xf32>
    %min3A_752 = arith.minimumf %min3A_751, %get3A_750 : vector<32x128xf32>
    %get3A_753 = arith.constant 232 : index
    %get3A_754 = arith.constant 0 : index
    %get3A_755 = vector.load %arg3[%get3A_753, %get3A_754] : memref<840x128xf32, #tpu.memory_space<vmem>>, vector<32x128xf32>
    %min3A_756 = vector.broadcast %slice3A_686 : vector<1x128xf32> to vector<32x128xf32>
    %min3A_757 = arith.minimumf %min3A_756, %get3A_755 : vector<32x128xf32>
    %max3A_758 = arith.maximumf %min3A_752, %min3A_757 : vector<32x128xf32>
    %get3A_759 = arith.constant 400 : index
    %get3A_760 = arith.constant 0 : index
    %get3A_761 = vector.load %arg3[%get3A_759, %get3A_760] : memref<840x128xf32, #tpu.memory_space<vmem>>, vector<32x128xf32>
    %min3A_762 = vector.broadcast %slice3A_687 : vector<1x128xf32> to vector<32x128xf32>
    %min3A_763 = arith.minimumf %min3A_762, %get3A_761 : vector<32x128xf32>
    %max3A_764 = arith.maximumf %max3A_758, %min3A_763 : vector<32x128xf32>
    %get3A_765 = arith.constant 568 : index
    %get3A_766 = arith.constant 0 : index
    %get3A_767 = vector.load %arg3[%get3A_765, %get3A_766] : memref<840x128xf32, #tpu.memory_space<vmem>>, vector<32x128xf32>
    %min3A_768 = vector.broadcast %slice3A_688 : vector<1x128xf32> to vector<32x128xf32>
    %min3A_769 = arith.minimumf %min3A_768, %get3A_767 : vector<32x128xf32>
    %max3A_770 = arith.maximumf %max3A_764, %min3A_769 : vector<32x128xf32>
    %get3A_771 = arith.constant 736 : index
    %get3A_772 = arith.constant 0 : index
    %get3A_773 = vector.load %arg3[%get3A_771, %get3A_772] : memref<840x128xf32, #tpu.memory_space<vmem>>, vector<32x128xf32>
    %min3A_774 = vector.broadcast %slice3A_689 : vector<1x128xf32> to vector<32x128xf32>
    %min3A_775 = arith.minimumf %min3A_774, %get3A_773 : vector<32x128xf32>
    %max3A_776 = arith.maximumf %max3A_770, %min3A_775 : vector<32x128xf32>
    %get3A_777 = arith.constant 64 : index
    %get3A_778 = arith.constant 0 : index
    %get3A_779 = vector.load %arg4[%get3A_777, %get3A_778] : memref<168x128xf32, #tpu.memory_space<vmem>>, vector<32x128xf32>
    %mul3A_780 = arith.mulf %max3A_776, %get3A_779 : vector<32x128xf32>
    %reduce_sum3A_781 = arith.constant dense<0.000000e+00> : vector<128xf32>
    %reduce_sum3A_782 = vector.multi_reduction <add>, %mul3A_780, %reduce_sum3A_781 [0] : vector<32x128xf32> to vector<128xf32>
    %reduce_sum3A_783 = arith.constant dense<0.000000e+00> : vector<128xf32>
    %reduce_sum3A_784 = vector.multi_reduction <add>, %max3A_776, %reduce_sum3A_783 [0] : vector<32x128xf32> to vector<128xf32>
    %add3A_785 = arith.addf %add3A_746, %reduce_sum3A_782 : vector<128xf32>
    %add3A_786 = arith.addf %add3A_747, %reduce_sum3A_784 : vector<128xf32>
    %get3A_787 = arith.constant 264 : index
    %get3A_788 = arith.constant 0 : index
    %get3A_789 = vector.load %arg3[%get3A_787, %get3A_788] : memref<840x128xf32, #tpu.memory_space<vmem>>, vector<40x128xf32>
    %min3A_790 = vector.broadcast %slice3A_686 : vector<1x128xf32> to vector<40x128xf32>
    %min3A_791 = arith.minimumf %min3A_790, %get3A_789 : vector<40x128xf32>
    %get3A_792 = arith.constant 432 : index
    %get3A_793 = arith.constant 0 : index
    %get3A_794 = vector.load %arg3[%get3A_792, %get3A_793] : memref<840x128xf32, #tpu.memory_space<vmem>>, vector<40x128xf32>
    %min3A_795 = vector.broadcast %slice3A_687 : vector<1x128xf32> to vector<40x128xf32>
    %min3A_796 = arith.minimumf %min3A_795, %get3A_794 : vector<40x128xf32>
    %max3A_797 = arith.maximumf %min3A_791, %min3A_796 : vector<40x128xf32>
    %get3A_798 = arith.constant 600 : index
    %get3A_799 = arith.constant 0 : index
    %get3A_800 = vector.load %arg3[%get3A_798, %get3A_799] : memref<840x128xf32, #tpu.memory_space<vmem>>, vector<40x128xf32>
    %min3A_801 = vector.broadcast %slice3A_688 : vector<1x128xf32> to vector<40x128xf32>
    %min3A_802 = arith.minimumf %min3A_801, %get3A_800 : vector<40x128xf32>
    %max3A_803 = arith.maximumf %max3A_797, %min3A_802 : vector<40x128xf32>
    %get3A_804 = arith.constant 768 : index
    %get3A_805 = arith.constant 0 : index
    %get3A_806 = vector.load %arg3[%get3A_804, %get3A_805] : memref<840x128xf32, #tpu.memory_space<vmem>>, vector<40x128xf32>
    %min3A_807 = vector.broadcast %slice3A_689 : vector<1x128xf32> to vector<40x128xf32>
    %min3A_808 = arith.minimumf %min3A_807, %get3A_806 : vector<40x128xf32>
    %max3A_809 = arith.maximumf %max3A_803, %min3A_808 : vector<40x128xf32>
    %get3A_810 = arith.constant 96 : index
    %get3A_811 = arith.constant 0 : index
    %get3A_812 = vector.load %arg4[%get3A_810, %get3A_811] : memref<168x128xf32, #tpu.memory_space<vmem>>, vector<40x128xf32>
    %mul3A_813 = arith.mulf %max3A_809, %get3A_812 : vector<40x128xf32>
    %reduce_sum3A_814 = arith.constant dense<0.000000e+00> : vector<128xf32>
    %reduce_sum3A_815 = vector.multi_reduction <add>, %mul3A_813, %reduce_sum3A_814 [0] : vector<40x128xf32> to vector<128xf32>
    %reduce_sum3A_816 = arith.constant dense<0.000000e+00> : vector<128xf32>
    %reduce_sum3A_817 = vector.multi_reduction <add>, %max3A_809, %reduce_sum3A_816 [0] : vector<40x128xf32> to vector<128xf32>
    %add3A_818 = arith.addf %add3A_785, %reduce_sum3A_815 : vector<128xf32>
    %add3A_819 = arith.addf %add3A_786, %reduce_sum3A_817 : vector<128xf32>
    %get3A_820 = arith.constant 472 : index
    %get3A_821 = arith.constant 0 : index
    %get3A_822 = vector.load %arg3[%get3A_820, %get3A_821] : memref<840x128xf32, #tpu.memory_space<vmem>>, vector<32x128xf32>
    %min3A_823 = vector.broadcast %slice3A_687 : vector<1x128xf32> to vector<32x128xf32>
    %min3A_824 = arith.minimumf %min3A_823, %get3A_822 : vector<32x128xf32>
    %get3A_825 = arith.constant 640 : index
    %get3A_826 = arith.constant 0 : index
    %get3A_827 = vector.load %arg3[%get3A_825, %get3A_826] : memref<840x128xf32, #tpu.memory_space<vmem>>, vector<32x128xf32>
    %min3A_828 = vector.broadcast %slice3A_688 : vector<1x128xf32> to vector<32x128xf32>
    %min3A_829 = arith.minimumf %min3A_828, %get3A_827 : vector<32x128xf32>
    %max3A_830 = arith.maximumf %min3A_824, %min3A_829 : vector<32x128xf32>
    %get3A_831 = arith.constant 808 : index
    %get3A_832 = arith.constant 0 : index
    %get3A_833 = vector.load %arg3[%get3A_831, %get3A_832] : memref<840x128xf32, #tpu.memory_space<vmem>>, vector<32x128xf32>
    %min3A_834 = vector.broadcast %slice3A_689 : vector<1x128xf32> to vector<32x128xf32>
    %min3A_835 = arith.minimumf %min3A_834, %get3A_833 : vector<32x128xf32>
    %max3A_836 = arith.maximumf %max3A_830, %min3A_835 : vector<32x128xf32>
    %get3A_837 = arith.constant 136 : index
    %get3A_838 = arith.constant 0 : index
    %get3A_839 = vector.load %arg4[%get3A_837, %get3A_838] : memref<168x128xf32, #tpu.memory_space<vmem>>, vector<32x128xf32>
    %mul3A_840 = arith.mulf %max3A_836, %get3A_839 : vector<32x128xf32>
    %reduce_sum3A_841 = arith.constant dense<0.000000e+00> : vector<128xf32>
    %reduce_sum3A_842 = vector.multi_reduction <add>, %mul3A_840, %reduce_sum3A_841 [0] : vector<32x128xf32> to vector<128xf32>
    %reduce_sum3A_843 = arith.constant dense<0.000000e+00> : vector<128xf32>
    %reduce_sum3A_844 = vector.multi_reduction <add>, %max3A_836, %reduce_sum3A_843 [0] : vector<32x128xf32> to vector<128xf32>
    %add3A_845 = arith.addf %add3A_818, %reduce_sum3A_842 : vector<128xf32>
    %add3A_846 = arith.addf %add3A_819, %reduce_sum3A_844 : vector<128xf32>
    %add3A_847 = arith.constant 9.99999996E-13 : f32
    %add3A_848 = vector.broadcast %add3A_847 : f32 to vector<128xf32>
    %add3A_849 = arith.addf %add3A_846, %add3A_848 : vector<128xf32>
    %div3A_850 = arith.divf %add3A_845, %add3A_849 : vector<128xf32>
    %swap3A_851 = arith.constant 3 : index
    %swap3A_852 = arith.constant 0 : index
    %swap3A_853 = vector.load %arg5[%swap3A_851, %swap3A_852] : memref<16x128xf32, #tpu.memory_space<vmem>>, vector<1x128xf32>
    %swap3A_854 = vector.shape_cast %swap3A_853 : vector<1x128xf32> to vector<128xf32>
    %swap3A_855 = vector.shape_cast %div3A_850 : vector<128xf32> to vector<1x128xf32>
    tpu.vector_store %arg5[%swap3A_851, %swap3A_852], %swap3A_855 {strides = array<i32>} : memref<16x128xf32, #tpu.memory_space<vmem>>, vector<1x128xf32>,
    %slice3A_856 = vector.extract_strided_slice %max3A_140 {offsets = [4, 0], sizes = [1, 128], strides = [1, 1]} : vector<16x128xf32> to vector<1x128xf32>
    %slice3A_857 = vector.extract_strided_slice %max3A_147 {offsets = [4, 0], sizes = [1, 128], strides = [1, 1]} : vector<16x128xf32> to vector<1x128xf32>
    %slice3A_858 = vector.extract_strided_slice %max3A_156 {offsets = [4, 0], sizes = [1, 128], strides = [1, 1]} : vector<16x128xf32> to vector<1x128xf32>
    %slice3A_859 = vector.extract_strided_slice %max3A_163 {offsets = [4, 0], sizes = [1, 128], strides = [1, 1]} : vector<16x128xf32> to vector<1x128xf32>
    %slice3A_860 = vector.extract_strided_slice %max3A_174 {offsets = [4, 0], sizes = [1, 128], strides = [1, 1]} : vector<16x128xf32> to vector<1x128xf32>
    %get3A_861 = arith.constant 0 : index
    %get3A_862 = arith.constant 0 : index
    %get3A_863 = vector.load %arg3[%get3A_861, %get3A_862] : memref<840x128xf32, #tpu.memory_space<vmem>>, vector<24x128xf32>
    %min3A_864 = vector.broadcast %slice3A_856 : vector<1x128xf32> to vector<24x128xf32>
    %min3A_865 = arith.minimumf %min3A_864, %get3A_863 : vector<24x128xf32>
    %get3A_866 = arith.constant 168 : index
    %get3A_867 = arith.constant 0 : index
    %get3A_868 = vector.load %arg3[%get3A_866, %get3A_867] : memref<840x128xf32, #tpu.memory_space<vmem>>, vector<24x128xf32>
    %min3A_869 = vector.broadcast %slice3A_857 : vector<1x128xf32> to vector<24x128xf32>
    %min3A_870 = arith.minimumf %min3A_869, %get3A_868 : vector<24x128xf32>
    %max3A_871 = arith.maximumf %min3A_865, %min3A_870 : vector<24x128xf32>
    %get3A_872 = arith.constant 336 : index
    %get3A_873 = arith.constant 0 : index
    %get3A_874 = vector.load %arg3[%get3A_872, %get3A_873] : memref<840x128xf32, #tpu.memory_space<vmem>>, vector<24x128xf32>
    %min3A_875 = vector.broadcast %slice3A_858 : vector<1x128xf32> to vector<24x128xf32>
    %min3A_876 = arith.minimumf %min3A_875, %get3A_874 : vector<24x128xf32>
    %max3A_877 = arith.maximumf %max3A_871, %min3A_876 : vector<24x128xf32>
    %get3A_878 = arith.constant 0 : index
    %get3A_879 = arith.constant 0 : index
    %get3A_880 = vector.load %arg4[%get3A_878, %get3A_879] : memref<168x128xf32, #tpu.memory_space<vmem>>, vector<24x128xf32>
    %mul3A_881 = arith.mulf %max3A_877, %get3A_880 : vector<24x128xf32>
    %reduce_sum3A_882 = arith.constant dense<0.000000e+00> : vector<128xf32>
    %reduce_sum3A_883 = vector.multi_reduction <add>, %mul3A_881, %reduce_sum3A_882 [0] : vector<24x128xf32> to vector<128xf32>
    %reduce_sum3A_884 = arith.constant dense<0.000000e+00> : vector<128xf32>
    %reduce_sum3A_885 = vector.multi_reduction <add>, %max3A_877, %reduce_sum3A_884 [0] : vector<24x128xf32> to vector<128xf32>
    %get3A_886 = arith.constant 24 : index
    %get3A_887 = arith.constant 0 : index
    %get3A_888 = vector.load %arg3[%get3A_886, %get3A_887] : memref<840x128xf32, #tpu.memory_space<vmem>>, vector<40x128xf32>
    %min3A_889 = vector.broadcast %slice3A_856 : vector<1x128xf32> to vector<40x128xf32>
    %min3A_890 = arith.minimumf %min3A_889, %get3A_888 : vector<40x128xf32>
    %get3A_891 = arith.constant 192 : index
    %get3A_892 = arith.constant 0 : index
    %get3A_893 = vector.load %arg3[%get3A_891, %get3A_892] : memref<840x128xf32, #tpu.memory_space<vmem>>, vector<40x128xf32>
    %min3A_894 = vector.broadcast %slice3A_857 : vector<1x128xf32> to vector<40x128xf32>
    %min3A_895 = arith.minimumf %min3A_894, %get3A_893 : vector<40x128xf32>
    %max3A_896 = arith.maximumf %min3A_890, %min3A_895 : vector<40x128xf32>
    %get3A_897 = arith.constant 360 : index
    %get3A_898 = arith.constant 0 : index
    %get3A_899 = vector.load %arg3[%get3A_897, %get3A_898] : memref<840x128xf32, #tpu.memory_space<vmem>>, vector<40x128xf32>
    %min3A_900 = vector.broadcast %slice3A_858 : vector<1x128xf32> to vector<40x128xf32>
    %min3A_901 = arith.minimumf %min3A_900, %get3A_899 : vector<40x128xf32>
    %max3A_902 = arith.maximumf %max3A_896, %min3A_901 : vector<40x128xf32>
    %get3A_903 = arith.constant 528 : index
    %get3A_904 = arith.constant 0 : index
    %get3A_905 = vector.load %arg3[%get3A_903, %get3A_904] : memref<840x128xf32, #tpu.memory_space<vmem>>, vector<40x128xf32>
    %min3A_906 = vector.broadcast %slice3A_859 : vector<1x128xf32> to vector<40x128xf32>
    %min3A_907 = arith.minimumf %min3A_906, %get3A_905 : vector<40x128xf32>
    %max3A_908 = arith.maximumf %max3A_902, %min3A_907 : vector<40x128xf32>
    %get3A_909 = arith.constant 24 : index
    %get3A_910 = arith.constant 0 : index
    %get3A_911 = vector.load %arg4[%get3A_909, %get3A_910] : memref<168x128xf32, #tpu.memory_space<vmem>>, vector<40x128xf32>
    %mul3A_912 = arith.mulf %max3A_908, %get3A_911 : vector<40x128xf32>
    %reduce_sum3A_913 = arith.constant dense<0.000000e+00> : vector<128xf32>
    %reduce_sum3A_914 = vector.multi_reduction <add>, %mul3A_912, %reduce_sum3A_913 [0] : vector<40x128xf32> to vector<128xf32>
    %reduce_sum3A_915 = arith.constant dense<0.000000e+00> : vector<128xf32>
    %reduce_sum3A_916 = vector.multi_reduction <add>, %max3A_908, %reduce_sum3A_915 [0] : vector<40x128xf32> to vector<128xf32>
    %add3A_917 = arith.addf %reduce_sum3A_883, %reduce_sum3A_914 : vector<128xf32>
    %add3A_918 = arith.addf %reduce_sum3A_885, %reduce_sum3A_916 : vector<128xf32>
    %get3A_919 = arith.constant 64 : index
    %get3A_920 = arith.constant 0 : index
    %get3A_921 = vector.load %arg3[%get3A_919, %get3A_920] : memref<840x128xf32, #tpu.memory_space<vmem>>, vector<32x128xf32>
    %min3A_922 = vector.broadcast %slice3A_856 : vector<1x128xf32> to vector<32x128xf32>
    %min3A_923 = arith.minimumf %min3A_922, %get3A_921 : vector<32x128xf32>
    %get3A_924 = arith.constant 232 : index
    %get3A_925 = arith.constant 0 : index
    %get3A_926 = vector.load %arg3[%get3A_924, %get3A_925] : memref<840x128xf32, #tpu.memory_space<vmem>>, vector<32x128xf32>
    %min3A_927 = vector.broadcast %slice3A_857 : vector<1x128xf32> to vector<32x128xf32>
    %min3A_928 = arith.minimumf %min3A_927, %get3A_926 : vector<32x128xf32>
    %max3A_929 = arith.maximumf %min3A_923, %min3A_928 : vector<32x128xf32>
    %get3A_930 = arith.constant 400 : index
    %get3A_931 = arith.constant 0 : index
    %get3A_932 = vector.load %arg3[%get3A_930, %get3A_931] : memref<840x128xf32, #tpu.memory_space<vmem>>, vector<32x128xf32>
    %min3A_933 = vector.broadcast %slice3A_858 : vector<1x128xf32> to vector<32x128xf32>
    %min3A_934 = arith.minimumf %min3A_933, %get3A_932 : vector<32x128xf32>
    %max3A_935 = arith.maximumf %max3A_929, %min3A_934 : vector<32x128xf32>
    %get3A_936 = arith.constant 568 : index
    %get3A_937 = arith.constant 0 : index
    %get3A_938 = vector.load %arg3[%get3A_936, %get3A_937] : memref<840x128xf32, #tpu.memory_space<vmem>>, vector<32x128xf32>
    %min3A_939 = vector.broadcast %slice3A_859 : vector<1x128xf32> to vector<32x128xf32>
    %min3A_940 = arith.minimumf %min3A_939, %get3A_938 : vector<32x128xf32>
    %max3A_941 = arith.maximumf %max3A_935, %min3A_940 : vector<32x128xf32>
    %get3A_942 = arith.constant 736 : index
    %get3A_943 = arith.constant 0 : index
    %get3A_944 = vector.load %arg3[%get3A_942, %get3A_943] : memref<840x128xf32, #tpu.memory_space<vmem>>, vector<32x128xf32>
    %min3A_945 = vector.broadcast %slice3A_860 : vector<1x128xf32> to vector<32x128xf32>
    %min3A_946 = arith.minimumf %min3A_945, %get3A_944 : vector<32x128xf32>
    %max3A_947 = arith.maximumf %max3A_941, %min3A_946 : vector<32x128xf32>
    %get3A_948 = arith.constant 64 : index
    %get3A_949 = arith.constant 0 : index
    %get3A_950 = vector.load %arg4[%get3A_948, %get3A_949] : memref<168x128xf32, #tpu.memory_space<vmem>>, vector<32x128xf32>
    %mul3A_951 = arith.mulf %max3A_947, %get3A_950 : vector<32x128xf32>
    %reduce_sum3A_952 = arith.constant dense<0.000000e+00> : vector<128xf32>
    %reduce_sum3A_953 = vector.multi_reduction <add>, %mul3A_951, %reduce_sum3A_952 [0] : vector<32x128xf32> to vector<128xf32>
    %reduce_sum3A_954 = arith.constant dense<0.000000e+00> : vector<128xf32>
    %reduce_sum3A_955 = vector.multi_reduction <add>, %max3A_947, %reduce_sum3A_954 [0] : vector<32x128xf32> to vector<128xf32>
    %add3A_956 = arith.addf %add3A_917, %reduce_sum3A_953 : vector<128xf32>
    %add3A_957 = arith.addf %add3A_918, %reduce_sum3A_955 : vector<128xf32>
    %get3A_958 = arith.constant 264 : index
    %get3A_959 = arith.constant 0 : index
    %get3A_960 = vector.load %arg3[%get3A_958, %get3A_959] : memref<840x128xf32, #tpu.memory_space<vmem>>, vector<40x128xf32>
    %min3A_961 = vector.broadcast %slice3A_857 : vector<1x128xf32> to vector<40x128xf32>
    %min3A_962 = arith.minimumf %min3A_961, %get3A_960 : vector<40x128xf32>
    %get3A_963 = arith.constant 432 : index
    %get3A_964 = arith.constant 0 : index
    %get3A_965 = vector.load %arg3[%get3A_963, %get3A_964] : memref<840x128xf32, #tpu.memory_space<vmem>>, vector<40x128xf32>
    %min3A_966 = vector.broadcast %slice3A_858 : vector<1x128xf32> to vector<40x128xf32>
    %min3A_967 = arith.minimumf %min3A_966, %get3A_965 : vector<40x128xf32>
    %max3A_968 = arith.maximumf %min3A_962, %min3A_967 : vector<40x128xf32>
    %get3A_969 = arith.constant 600 : index
    %get3A_970 = arith.constant 0 : index
    %get3A_971 = vector.load %arg3[%get3A_969, %get3A_970] : memref<840x128xf32, #tpu.memory_space<vmem>>, vector<40x128xf32>
    %min3A_972 = vector.broadcast %slice3A_859 : vector<1x128xf32> to vector<40x128xf32>
    %min3A_973 = arith.minimumf %min3A_972, %get3A_971 : vector<40x128xf32>
    %max3A_974 = arith.maximumf %max3A_968, %min3A_973 : vector<40x128xf32>
    %get3A_975 = arith.constant 768 : index
    %get3A_976 = arith.constant 0 : index
    %get3A_977 = vector.load %arg3[%get3A_975, %get3A_976] : memref<840x128xf32, #tpu.memory_space<vmem>>, vector<40x128xf32>
    %min3A_978 = vector.broadcast %slice3A_860 : vector<1x128xf32> to vector<40x128xf32>
    %min3A_979 = arith.minimumf %min3A_978, %get3A_977 : vector<40x128xf32>
    %max3A_980 = arith.maximumf %max3A_974, %min3A_979 : vector<40x128xf32>
    %get3A_981 = arith.constant 96 : index
    %get3A_982 = arith.constant 0 : index
    %get3A_983 = vector.load %arg4[%get3A_981, %get3A_982] : memref<168x128xf32, #tpu.memory_space<vmem>>, vector<40x128xf32>
    %mul3A_984 = arith.mulf %max3A_980, %get3A_983 : vector<40x128xf32>
    %reduce_sum3A_985 = arith.constant dense<0.000000e+00> : vector<128xf32>
    %reduce_sum3A_986 = vector.multi_reduction <add>, %mul3A_984, %reduce_sum3A_985 [0] : vector<40x128xf32> to vector<128xf32>
    %reduce_sum3A_987 = arith.constant dense<0.000000e+00> : vector<128xf32>
    %reduce_sum3A_988 = vector.multi_reduction <add>, %max3A_980, %reduce_sum3A_987 [0] : vector<40x128xf32> to vector<128xf32>
    %add3A_989 = arith.addf %add3A_956, %reduce_sum3A_986 : vector<128xf32>
    %add3A_990 = arith.addf %add3A_957, %reduce_sum3A_988 : vector<128xf32>
    %get3A_991 = arith.constant 472 : index
    %get3A_992 = arith.constant 0 : index
    %get3A_993 = vector.load %arg3[%get3A_991, %get3A_992] : memref<840x128xf32, #tpu.memory_space<vmem>>, vector<32x128xf32>
    %min3A_994 = vector.broadcast %slice3A_858 : vector<1x128xf32> to vector<32x128xf32>
    %min3A_995 = arith.minimumf %min3A_994, %get3A_993 : vector<32x128xf32>
    %get3A_996 = arith.constant 640 : index
    %get3A_997 = arith.constant 0 : index
    %get3A_998 = vector.load %arg3[%get3A_996, %get3A_997] : memref<840x128xf32, #tpu.memory_space<vmem>>, vector<32x128xf32>
    %min3A_999 = vector.broadcast %slice3A_859 : vector<1x128xf32> to vector<32x128xf32>
    %min3A_1000 = arith.minimumf %min3A_999, %get3A_998 : vector<32x128xf32>
    %max3A_1001 = arith.maximumf %min3A_995, %min3A_1000 : vector<32x128xf32>
    %get3A_1002 = arith.constant 808 : index
    %get3A_1003 = arith.constant 0 : index
    %get3A_1004 = vector.load %arg3[%get3A_1002, %get3A_1003] : memref<840x128xf32, #tpu.memory_space<vmem>>, vector<32x128xf32>
    %min3A_1005 = vector.broadcast %slice3A_860 : vector<1x128xf32> to vector<32x128xf32>
    %min3A_1006 = arith.minimumf %min3A_1005, %get3A_1004 : vector<32x128xf32>
    %max3A_1007 = arith.maximumf %max3A_1001, %min3A_1006 : vector<32x128xf32>
    %get3A_1008 = arith.constant 136 : index
    %get3A_1009 = arith.constant 0 : index
    %get3A_1010 = vector.load %arg4[%get3A_1008, %get3A_1009] : memref<168x128xf32, #tpu.memory_space<vmem>>, vector<32x128xf32>
    %mul3A_1011 = arith.mulf %max3A_1007, %get3A_1010 : vector<32x128xf32>
    %reduce_sum3A_1012 = arith.constant dense<0.000000e+00> : vector<128xf32>
    %reduce_sum3A_1013 = vector.multi_reduction <add>, %mul3A_1011, %reduce_sum3A_1012 [0] : vector<32x128xf32> to vector<128xf32>
    %reduce_sum3A_1014 = arith.constant dense<0.000000e+00> : vector<128xf32>
    %reduce_sum3A_1015 = vector.multi_reduction <add>, %max3A_1007, %reduce_sum3A_1014 [0] : vector<32x128xf32> to vector<128xf32>
    %add3A_1016 = arith.addf %add3A_989, %reduce_sum3A_1013 : vector<128xf32>
    %add3A_1017 = arith.addf %add3A_990, %reduce_sum3A_1015 : vector<128xf32>
    %add3A_1018 = arith.constant 9.99999996E-13 : f32
    %add3A_1019 = vector.broadcast %add3A_1018 : f32 to vector<128xf32>
    %add3A_1020 = arith.addf %add3A_1017, %add3A_1019 : vector<128xf32>
    %div3A_1021 = arith.divf %add3A_1016, %add3A_1020 : vector<128xf32>
    %swap3A_1022 = arith.constant 4 : index
    %swap3A_1023 = arith.constant 0 : index
    %swap3A_1024 = vector.load %arg5[%swap3A_1022, %swap3A_1023] : memref<16x128xf32, #tpu.memory_space<vmem>>, vector<1x128xf32>
    %swap3A_1025 = vector.shape_cast %swap3A_1024 : vector<1x128xf32> to vector<128xf32>
    %swap3A_1026 = vector.shape_cast %div3A_1021 : vector<128xf32> to vector<1x128xf32>
    tpu.vector_store %arg5[%swap3A_1022, %swap3A_1023], %swap3A_1026 {strides = array<i32>} : memref<16x128xf32, #tpu.memory_space<vmem>>, vector<1x128xf32>,
    %slice3A_1027 = vector.extract_strided_slice %max3A_140 {offsets = [5, 0], sizes = [1, 128], strides = [1, 1]} : vector<16x128xf32> to vector<1x128xf32>
    %slice3A_1028 = vector.extract_strided_slice %max3A_147 {offsets = [5, 0], sizes = [1, 128], strides = [1, 1]} : vector<16x128xf32> to vector<1x128xf32>
    %slice3A_1029 = vector.extract_strided_slice %max3A_156 {offsets = [5, 0], sizes = [1, 128], strides = [1, 1]} : vector<16x128xf32> to vector<1x128xf32>
    %slice3A_1030 = vector.extract_strided_slice %max3A_163 {offsets = [5, 0], sizes = [1, 128], strides = [1, 1]} : vector<16x128xf32> to vector<1x128xf32>
    %slice3A_1031 = vector.extract_strided_slice %max3A_174 {offsets = [5, 0], sizes = [1, 128], strides = [1, 1]} : vector<16x128xf32> to vector<1x128xf32>
    %get3A_1032 = arith.constant 0 : index
    %get3A_1033 = arith.constant 0 : index
    %get3A_1034 = vector.load %arg3[%get3A_1032, %get3A_1033] : memref<840x128xf32, #tpu.memory_space<vmem>>, vector<24x128xf32>
    %min3A_1035 = vector.broadcast %slice3A_1027 : vector<1x128xf32> to vector<24x128xf32>
    %min3A_1036 = arith.minimumf %min3A_1035, %get3A_1034 : vector<24x128xf32>
    %get3A_1037 = arith.constant 168 : index
    %get3A_1038 = arith.constant 0 : index
    %get3A_1039 = vector.load %arg3[%get3A_1037, %get3A_1038] : memref<840x128xf32, #tpu.memory_space<vmem>>, vector<24x128xf32>
    %min3A_1040 = vector.broadcast %slice3A_1028 : vector<1x128xf32> to vector<24x128xf32>
    %min3A_1041 = arith.minimumf %min3A_1040, %get3A_1039 : vector<24x128xf32>
    %max3A_1042 = arith.maximumf %min3A_1036, %min3A_1041 : vector<24x128xf32>
    %get3A_1043 = arith.constant 336 : index
    %get3A_1044 = arith.constant 0 : index
    %get3A_1045 = vector.load %arg3[%get3A_1043, %get3A_1044] : memref<840x128xf32, #tpu.memory_space<vmem>>, vector<24x128xf32>
    %min3A_1046 = vector.broadcast %slice3A_1029 : vector<1x128xf32> to vector<24x128xf32>
    %min3A_1047 = arith.minimumf %min3A_1046, %get3A_1045 : vector<24x128xf32>
    %max3A_1048 = arith.maximumf %max3A_1042, %min3A_1047 : vector<24x128xf32>
    %get3A_1049 = arith.constant 0 : index
    %get3A_1050 = arith.constant 0 : index
    %get3A_1051 = vector.load %arg4[%get3A_1049, %get3A_1050] : memref<168x128xf32, #tpu.memory_space<vmem>>, vector<24x128xf32>
    %mul3A_1052 = arith.mulf %max3A_1048, %get3A_1051 : vector<24x128xf32>
    %reduce_sum3A_1053 = arith.constant dense<0.000000e+00> : vector<128xf32>
    %reduce_sum3A_1054 = vector.multi_reduction <add>, %mul3A_1052, %reduce_sum3A_1053 [0] : vector<24x128xf32> to vector<128xf32>
    %reduce_sum3A_1055 = arith.constant dense<0.000000e+00> : vector<128xf32>
    %reduce_sum3A_1056 = vector.multi_reduction <add>, %max3A_1048, %reduce_sum3A_1055 [0] : vector<24x128xf32> to vector<128xf32>
    %get3A_1057 = arith.constant 24 : index
    %get3A_1058 = arith.constant 0 : index
    %get3A_1059 = vector.load %arg3[%get3A_1057, %get3A_1058] : memref<840x128xf32, #tpu.memory_space<vmem>>, vector<40x128xf32>
    %min3A_1060 = vector.broadcast %slice3A_1027 : vector<1x128xf32> to vector<40x128xf32>
    %min3A_1061 = arith.minimumf %min3A_1060, %get3A_1059 : vector<40x128xf32>
    %get3A_1062 = arith.constant 192 : index
    %get3A_1063 = arith.constant 0 : index
    %get3A_1064 = vector.load %arg3[%get3A_1062, %get3A_1063] : memref<840x128xf32, #tpu.memory_space<vmem>>, vector<40x128xf32>
    %min3A_1065 = vector.broadcast %slice3A_1028 : vector<1x128xf32> to vector<40x128xf32>
    %min3A_1066 = arith.minimumf %min3A_1065, %get3A_1064 : vector<40x128xf32>
    %max3A_1067 = arith.maximumf %min3A_1061, %min3A_1066 : vector<40x128xf32>
    %get3A_1068 = arith.constant 360 : index
    %get3A_1069 = arith.constant 0 : index
    %get3A_1070 = vector.load %arg3[%get3A_1068, %get3A_1069] : memref<840x128xf32, #tpu.memory_space<vmem>>, vector<40x128xf32>
    %min3A_1071 = vector.broadcast %slice3A_1029 : vector<1x128xf32> to vector<40x128xf32>
    %min3A_1072 = arith.minimumf %min3A_1071, %get3A_1070 : vector<40x128xf32>
    %max3A_1073 = arith.maximumf %max3A_1067, %min3A_1072 : vector<40x128xf32>
    %get3A_1074 = arith.constant 528 : index
    %get3A_1075 = arith.constant 0 : index
    %get3A_1076 = vector.load %arg3[%get3A_1074, %get3A_1075] : memref<840x128xf32, #tpu.memory_space<vmem>>, vector<40x128xf32>
    %min3A_1077 = vector.broadcast %slice3A_1030 : vector<1x128xf32> to vector<40x128xf32>
    %min3A_1078 = arith.minimumf %min3A_1077, %get3A_1076 : vector<40x128xf32>
    %max3A_1079 = arith.maximumf %max3A_1073, %min3A_1078 : vector<40x128xf32>
    %get3A_1080 = arith.constant 24 : index
    %get3A_1081 = arith.constant 0 : index
    %get3A_1082 = vector.load %arg4[%get3A_1080, %get3A_1081] : memref<168x128xf32, #tpu.memory_space<vmem>>, vector<40x128xf32>
    %mul3A_1083 = arith.mulf %max3A_1079, %get3A_1082 : vector<40x128xf32>
    %reduce_sum3A_1084 = arith.constant dense<0.000000e+00> : vector<128xf32>
    %reduce_sum3A_1085 = vector.multi_reduction <add>, %mul3A_1083, %reduce_sum3A_1084 [0] : vector<40x128xf32> to vector<128xf32>
    %reduce_sum3A_1086 = arith.constant dense<0.000000e+00> : vector<128xf32>
    %reduce_sum3A_1087 = vector.multi_reduction <add>, %max3A_1079, %reduce_sum3A_1086 [0] : vector<40x128xf32> to vector<128xf32>
    %add3A_1088 = arith.addf %reduce_sum3A_1054, %reduce_sum3A_1085 : vector<128xf32>
    %add3A_1089 = arith.addf %reduce_sum3A_1056, %reduce_sum3A_1087 : vector<128xf32>
    %get3A_1090 = arith.constant 64 : index
    %get3A_1091 = arith.constant 0 : index
    %get3A_1092 = vector.load %arg3[%get3A_1090, %get3A_1091] : memref<840x128xf32, #tpu.memory_space<vmem>>, vector<32x128xf32>
    %min3A_1093 = vector.broadcast %slice3A_1027 : vector<1x128xf32> to vector<32x128xf32>
    %min3A_1094 = arith.minimumf %min3A_1093, %get3A_1092 : vector<32x128xf32>
    %get3A_1095 = arith.constant 232 : index
    %get3A_1096 = arith.constant 0 : index
    %get3A_1097 = vector.load %arg3[%get3A_1095, %get3A_1096] : memref<840x128xf32, #tpu.memory_space<vmem>>, vector<32x128xf32>
    %min3A_1098 = vector.broadcast %slice3A_1028 : vector<1x128xf32> to vector<32x128xf32>
    %min3A_1099 = arith.minimumf %min3A_1098, %get3A_1097 : vector<32x128xf32>
    %max3A_1100 = arith.maximumf %min3A_1094, %min3A_1099 : vector<32x128xf32>
    %get3A_1101 = arith.constant 400 : index
    %get3A_1102 = arith.constant 0 : index
    %get3A_1103 = vector.load %arg3[%get3A_1101, %get3A_1102] : memref<840x128xf32, #tpu.memory_space<vmem>>, vector<32x128xf32>
    %min3A_1104 = vector.broadcast %slice3A_1029 : vector<1x128xf32> to vector<32x128xf32>
    %min3A_1105 = arith.minimumf %min3A_1104, %get3A_1103 : vector<32x128xf32>
    %max3A_1106 = arith.maximumf %max3A_1100, %min3A_1105 : vector<32x128xf32>
    %get3A_1107 = arith.constant 568 : index
    %get3A_1108 = arith.constant 0 : index
    %get3A_1109 = vector.load %arg3[%get3A_1107, %get3A_1108] : memref<840x128xf32, #tpu.memory_space<vmem>>, vector<32x128xf32>
    %min3A_1110 = vector.broadcast %slice3A_1030 : vector<1x128xf32> to vector<32x128xf32>
    %min3A_1111 = arith.minimumf %min3A_1110, %get3A_1109 : vector<32x128xf32>
    %max3A_1112 = arith.maximumf %max3A_1106, %min3A_1111 : vector<32x128xf32>
    %get3A_1113 = arith.constant 736 : index
    %get3A_1114 = arith.constant 0 : index
    %get3A_1115 = vector.load %arg3[%get3A_1113, %get3A_1114] : memref<840x128xf32, #tpu.memory_space<vmem>>, vector<32x128xf32>
    %min3A_1116 = vector.broadcast %slice3A_1031 : vector<1x128xf32> to vector<32x128xf32>
    %min3A_1117 = arith.minimumf %min3A_1116, %get3A_1115 : vector<32x128xf32>
    %max3A_1118 = arith.maximumf %max3A_1112, %min3A_1117 : vector<32x128xf32>
    %get3A_1119 = arith.constant 64 : index
    %get3A_1120 = arith.constant 0 : index
    %get3A_1121 = vector.load %arg4[%get3A_1119, %get3A_1120] : memref<168x128xf32, #tpu.memory_space<vmem>>, vector<32x128xf32>
    %mul3A_1122 = arith.mulf %max3A_1118, %get3A_1121 : vector<32x128xf32>
    %reduce_sum3A_1123 = arith.constant dense<0.000000e+00> : vector<128xf32>
    %reduce_sum3A_1124 = vector.multi_reduction <add>, %mul3A_1122, %reduce_sum3A_1123 [0] : vector<32x128xf32> to vector<128xf32>
    %reduce_sum3A_1125 = arith.constant dense<0.000000e+00> : vector<128xf32>
    %reduce_sum3A_1126 = vector.multi_reduction <add>, %max3A_1118, %reduce_sum3A_1125 [0] : vector<32x128xf32> to vector<128xf32>
    %add3A_1127 = arith.addf %add3A_1088, %reduce_sum3A_1124 : vector<128xf32>
    %add3A_1128 = arith.addf %add3A_1089, %reduce_sum3A_1126 : vector<128xf32>
    %get3A_1129 = arith.constant 264 : index
    %get3A_1130 = arith.constant 0 : index
    %get3A_1131 = vector.load %arg3[%get3A_1129, %get3A_1130] : memref<840x128xf32, #tpu.memory_space<vmem>>, vector<40x128xf32>
    %min3A_1132 = vector.broadcast %slice3A_1028 : vector<1x128xf32> to vector<40x128xf32>
    %min3A_1133 = arith.minimumf %min3A_1132, %get3A_1131 : vector<40x128xf32>
    %get3A_1134 = arith.constant 432 : index
    %get3A_1135 = arith.constant 0 : index
    %get3A_1136 = vector.load %arg3[%get3A_1134, %get3A_1135] : memref<840x128xf32, #tpu.memory_space<vmem>>, vector<40x128xf32>
    %min3A_1137 = vector.broadcast %slice3A_1029 : vector<1x128xf32> to vector<40x128xf32>
    %min3A_1138 = arith.minimumf %min3A_1137, %get3A_1136 : vector<40x128xf32>
    %max3A_1139 = arith.maximumf %min3A_1133, %min3A_1138 : vector<40x128xf32>
    %get3A_1140 = arith.constant 600 : index
    %get3A_1141 = arith.constant 0 : index
    %get3A_1142 = vector.load %arg3[%get3A_1140, %get3A_1141] : memref<840x128xf32, #tpu.memory_space<vmem>>, vector<40x128xf32>
    %min3A_1143 = vector.broadcast %slice3A_1030 : vector<1x128xf32> to vector<40x128xf32>
    %min3A_1144 = arith.minimumf %min3A_1143, %get3A_1142 : vector<40x128xf32>
    %max3A_1145 = arith.maximumf %max3A_1139, %min3A_1144 : vector<40x128xf32>
    %get3A_1146 = arith.constant 768 : index
    %get3A_1147 = arith.constant 0 : index
    %get3A_1148 = vector.load %arg3[%get3A_1146, %get3A_1147] : memref<840x128xf32, #tpu.memory_space<vmem>>, vector<40x128xf32>
    %min3A_1149 = vector.broadcast %slice3A_1031 : vector<1x128xf32> to vector<40x128xf32>
    %min3A_1150 = arith.minimumf %min3A_1149, %get3A_1148 : vector<40x128xf32>
    %max3A_1151 = arith.maximumf %max3A_1145, %min3A_1150 : vector<40x128xf32>
    %get3A_1152 = arith.constant 96 : index
    %get3A_1153 = arith.constant 0 : index
    %get3A_1154 = vector.load %arg4[%get3A_1152, %get3A_1153] : memref<168x128xf32, #tpu.memory_space<vmem>>, vector<40x128xf32>
    %mul3A_1155 = arith.mulf %max3A_1151, %get3A_1154 : vector<40x128xf32>
    %reduce_sum3A_1156 = arith.constant dense<0.000000e+00> : vector<128xf32>
    %reduce_sum3A_1157 = vector.multi_reduction <add>, %mul3A_1155, %reduce_sum3A_1156 [0] : vector<40x128xf32> to vector<128xf32>
    %reduce_sum3A_1158 = arith.constant dense<0.000000e+00> : vector<128xf32>
    %reduce_sum3A_1159 = vector.multi_reduction <add>, %max3A_1151, %reduce_sum3A_1158 [0] : vector<40x128xf32> to vector<128xf32>
    %add3A_1160 = arith.addf %add3A_1127, %reduce_sum3A_1157 : vector<128xf32>
    %add3A_1161 = arith.addf %add3A_1128, %reduce_sum3A_1159 : vector<128xf32>
    %get3A_1162 = arith.constant 472 : index
    %get3A_1163 = arith.constant 0 : index
    %get3A_1164 = vector.load %arg3[%get3A_1162, %get3A_1163] : memref<840x128xf32, #tpu.memory_space<vmem>>, vector<32x128xf32>
    %min3A_1165 = vector.broadcast %slice3A_1029 : vector<1x128xf32> to vector<32x128xf32>
    %min3A_1166 = arith.minimumf %min3A_1165, %get3A_1164 : vector<32x128xf32>
    %get3A_1167 = arith.constant 640 : index
    %get3A_1168 = arith.constant 0 : index
    %get3A_1169 = vector.load %arg3[%get3A_1167, %get3A_1168] : memref<840x128xf32, #tpu.memory_space<vmem>>, vector<32x128xf32>
    %min3A_1170 = vector.broadcast %slice3A_1030 : vector<1x128xf32> to vector<32x128xf32>
    %min3A_1171 = arith.minimumf %min3A_1170, %get3A_1169 : vector<32x128xf32>
    %max3A_1172 = arith.maximumf %min3A_1166, %min3A_1171 : vector<32x128xf32>
    %get3A_1173 = arith.constant 808 : index
    %get3A_1174 = arith.constant 0 : index
    %get3A_1175 = vector.load %arg3[%get3A_1173, %get3A_1174] : memref<840x128xf32, #tpu.memory_space<vmem>>, vector<32x128xf32>
    %min3A_1176 = vector.broadcast %slice3A_1031 : vector<1x128xf32> to vector<32x128xf32>
    %min3A_1177 = arith.minimumf %min3A_1176, %get3A_1175 : vector<32x128xf32>
    %max3A_1178 = arith.maximumf %max3A_1172, %min3A_1177 : vector<32x128xf32>
    %get3A_1179 = arith.constant 136 : index
    %get3A_1180 = arith.constant 0 : index
    %get3A_1181 = vector.load %arg4[%get3A_1179, %get3A_1180] : memref<168x128xf32, #tpu.memory_space<vmem>>, vector<32x128xf32>
    %mul3A_1182 = arith.mulf %max3A_1178, %get3A_1181 : vector<32x128xf32>
    %reduce_sum3A_1183 = arith.constant dense<0.000000e+00> : vector<128xf32>
    %reduce_sum3A_1184 = vector.multi_reduction <add>, %mul3A_1182, %reduce_sum3A_1183 [0] : vector<32x128xf32> to vector<128xf32>
    %reduce_sum3A_1185 = arith.constant dense<0.000000e+00> : vector<128xf32>
    %reduce_sum3A_1186 = vector.multi_reduction <add>, %max3A_1178, %reduce_sum3A_1185 [0] : vector<32x128xf32> to vector<128xf32>
    %add3A_1187 = arith.addf %add3A_1160, %reduce_sum3A_1184 : vector<128xf32>
    %add3A_1188 = arith.addf %add3A_1161, %reduce_sum3A_1186 : vector<128xf32>
    %add3A_1189 = arith.constant 9.99999996E-13 : f32
    %add3A_1190 = vector.broadcast %add3A_1189 : f32 to vector<128xf32>
    %add3A_1191 = arith.addf %add3A_1188, %add3A_1190 : vector<128xf32>
    %div3A_1192 = arith.divf %add3A_1187, %add3A_1191 : vector<128xf32>
    %swap3A_1193 = arith.constant 5 : index
    %swap3A_1194 = arith.constant 0 : index
    %swap3A_1195 = vector.load %arg5[%swap3A_1193, %swap3A_1194] : memref<16x128xf32, #tpu.memory_space<vmem>>, vector<1x128xf32>
    %swap3A_1196 = vector.shape_cast %swap3A_1195 : vector<1x128xf32> to vector<128xf32>
    %swap3A_1197 = vector.shape_cast %div3A_1192 : vector<128xf32> to vector<1x128xf32>
    tpu.vector_store %arg5[%swap3A_1193, %swap3A_1194], %swap3A_1197 {strides = array<i32>} : memref<16x128xf32, #tpu.memory_space<vmem>>, vector<1x128xf32>,
    %slice3A_1198 = vector.extract_strided_slice %max3A_140 {offsets = [6, 0], sizes = [1, 128], strides = [1, 1]} : vector<16x128xf32> to vector<1x128xf32>
    %slice3A_1199 = vector.extract_strided_slice %max3A_147 {offsets = [6, 0], sizes = [1, 128], strides = [1, 1]} : vector<16x128xf32> to vector<1x128xf32>
    %slice3A_1200 = vector.extract_strided_slice %max3A_156 {offsets = [6, 0], sizes = [1, 128], strides = [1, 1]} : vector<16x128xf32> to vector<1x128xf32>
    %slice3A_1201 = vector.extract_strided_slice %max3A_163 {offsets = [6, 0], sizes = [1, 128], strides = [1, 1]} : vector<16x128xf32> to vector<1x128xf32>
    %slice3A_1202 = vector.extract_strided_slice %max3A_174 {offsets = [6, 0], sizes = [1, 128], strides = [1, 1]} : vector<16x128xf32> to vector<1x128xf32>
    %get3A_1203 = arith.constant 0 : index
    %get3A_1204 = arith.constant 0 : index
    %get3A_1205 = vector.load %arg3[%get3A_1203, %get3A_1204] : memref<840x128xf32, #tpu.memory_space<vmem>>, vector<24x128xf32>
    %min3A_1206 = vector.broadcast %slice3A_1198 : vector<1x128xf32> to vector<24x128xf32>
    %min3A_1207 = arith.minimumf %min3A_1206, %get3A_1205 : vector<24x128xf32>
    %get3A_1208 = arith.constant 168 : index
    %get3A_1209 = arith.constant 0 : index
    %get3A_1210 = vector.load %arg3[%get3A_1208, %get3A_1209] : memref<840x128xf32, #tpu.memory_space<vmem>>, vector<24x128xf32>
    %min3A_1211 = vector.broadcast %slice3A_1199 : vector<1x128xf32> to vector<24x128xf32>
    %min3A_1212 = arith.minimumf %min3A_1211, %get3A_1210 : vector<24x128xf32>
    %max3A_1213 = arith.maximumf %min3A_1207, %min3A_1212 : vector<24x128xf32>
    %get3A_1214 = arith.constant 336 : index
    %get3A_1215 = arith.constant 0 : index
    %get3A_1216 = vector.load %arg3[%get3A_1214, %get3A_1215] : memref<840x128xf32, #tpu.memory_space<vmem>>, vector<24x128xf32>
    %min3A_1217 = vector.broadcast %slice3A_1200 : vector<1x128xf32> to vector<24x128xf32>
    %min3A_1218 = arith.minimumf %min3A_1217, %get3A_1216 : vector<24x128xf32>
    %max3A_1219 = arith.maximumf %max3A_1213, %min3A_1218 : vector<24x128xf32>
    %get3A_1220 = arith.constant 0 : index
    %get3A_1221 = arith.constant 0 : index
    %get3A_1222 = vector.load %arg4[%get3A_1220, %get3A_1221] : memref<168x128xf32, #tpu.memory_space<vmem>>, vector<24x128xf32>
    %mul3A_1223 = arith.mulf %max3A_1219, %get3A_1222 : vector<24x128xf32>
    %reduce_sum3A_1224 = arith.constant dense<0.000000e+00> : vector<128xf32>
    %reduce_sum3A_1225 = vector.multi_reduction <add>, %mul3A_1223, %reduce_sum3A_1224 [0] : vector<24x128xf32> to vector<128xf32>
    %reduce_sum3A_1226 = arith.constant dense<0.000000e+00> : vector<128xf32>
    %reduce_sum3A_1227 = vector.multi_reduction <add>, %max3A_1219, %reduce_sum3A_1226 [0] : vector<24x128xf32> to vector<128xf32>
    %get3A_1228 = arith.constant 24 : index
    %get3A_1229 = arith.constant 0 : index
    %get3A_1230 = vector.load %arg3[%get3A_1228, %get3A_1229] : memref<840x128xf32, #tpu.memory_space<vmem>>, vector<40x128xf32>
    %min3A_1231 = vector.broadcast %slice3A_1198 : vector<1x128xf32> to vector<40x128xf32>
    %min3A_1232 = arith.minimumf %min3A_1231, %get3A_1230 : vector<40x128xf32>
    %get3A_1233 = arith.constant 192 : index
    %get3A_1234 = arith.constant 0 : index
    %get3A_1235 = vector.load %arg3[%get3A_1233, %get3A_1234] : memref<840x128xf32, #tpu.memory_space<vmem>>, vector<40x128xf32>
    %min3A_1236 = vector.broadcast %slice3A_1199 : vector<1x128xf32> to vector<40x128xf32>
    %min3A_1237 = arith.minimumf %min3A_1236, %get3A_1235 : vector<40x128xf32>
    %max3A_1238 = arith.maximumf %min3A_1232, %min3A_1237 : vector<40x128xf32>
    %get3A_1239 = arith.constant 360 : index
    %get3A_1240 = arith.constant 0 : index
    %get3A_1241 = vector.load %arg3[%get3A_1239, %get3A_1240] : memref<840x128xf32, #tpu.memory_space<vmem>>, vector<40x128xf32>
    %min3A_1242 = vector.broadcast %slice3A_1200 : vector<1x128xf32> to vector<40x128xf32>
    %min3A_1243 = arith.minimumf %min3A_1242, %get3A_1241 : vector<40x128xf32>
    %max3A_1244 = arith.maximumf %max3A_1238, %min3A_1243 : vector<40x128xf32>
    %get3A_1245 = arith.constant 528 : index
    %get3A_1246 = arith.constant 0 : index
    %get3A_1247 = vector.load %arg3[%get3A_1245, %get3A_1246] : memref<840x128xf32, #tpu.memory_space<vmem>>, vector<40x128xf32>
    %min3A_1248 = vector.broadcast %slice3A_1201 : vector<1x128xf32> to vector<40x128xf32>
    %min3A_1249 = arith.minimumf %min3A_1248, %get3A_1247 : vector<40x128xf32>
    %max3A_1250 = arith.maximumf %max3A_1244, %min3A_1249 : vector<40x128xf32>
    %get3A_1251 = arith.constant 24 : index
    %get3A_1252 = arith.constant 0 : index
    %get3A_1253 = vector.load %arg4[%get3A_1251, %get3A_1252] : memref<168x128xf32, #tpu.memory_space<vmem>>, vector<40x128xf32>
    %mul3A_1254 = arith.mulf %max3A_1250, %get3A_1253 : vector<40x128xf32>
    %reduce_sum3A_1255 = arith.constant dense<0.000000e+00> : vector<128xf32>
    %reduce_sum3A_1256 = vector.multi_reduction <add>, %mul3A_1254, %reduce_sum3A_1255 [0] : vector<40x128xf32> to vector<128xf32>
    %reduce_sum3A_1257 = arith.constant dense<0.000000e+00> : vector<128xf32>
    %reduce_sum3A_1258 = vector.multi_reduction <add>, %max3A_1250, %reduce_sum3A_1257 [0] : vector<40x128xf32> to vector<128xf32>
    %add3A_1259 = arith.addf %reduce_sum3A_1225, %reduce_sum3A_1256 : vector<128xf32>
    %add3A_1260 = arith.addf %reduce_sum3A_1227, %reduce_sum3A_1258 : vector<128xf32>
    %get3A_1261 = arith.constant 64 : index
    %get3A_1262 = arith.constant 0 : index
    %get3A_1263 = vector.load %arg3[%get3A_1261, %get3A_1262] : memref<840x128xf32, #tpu.memory_space<vmem>>, vector<32x128xf32>
    %min3A_1264 = vector.broadcast %slice3A_1198 : vector<1x128xf32> to vector<32x128xf32>
    %min3A_1265 = arith.minimumf %min3A_1264, %get3A_1263 : vector<32x128xf32>
    %get3A_1266 = arith.constant 232 : index
    %get3A_1267 = arith.constant 0 : index
    %get3A_1268 = vector.load %arg3[%get3A_1266, %get3A_1267] : memref<840x128xf32, #tpu.memory_space<vmem>>, vector<32x128xf32>
    %min3A_1269 = vector.broadcast %slice3A_1199 : vector<1x128xf32> to vector<32x128xf32>
    %min3A_1270 = arith.minimumf %min3A_1269, %get3A_1268 : vector<32x128xf32>
    %max3A_1271 = arith.maximumf %min3A_1265, %min3A_1270 : vector<32x128xf32>
    %get3A_1272 = arith.constant 400 : index
    %get3A_1273 = arith.constant 0 : index
    %get3A_1274 = vector.load %arg3[%get3A_1272, %get3A_1273] : memref<840x128xf32, #tpu.memory_space<vmem>>, vector<32x128xf32>
    %min3A_1275 = vector.broadcast %slice3A_1200 : vector<1x128xf32> to vector<32x128xf32>
    %min3A_1276 = arith.minimumf %min3A_1275, %get3A_1274 : vector<32x128xf32>
    %max3A_1277 = arith.maximumf %max3A_1271, %min3A_1276 : vector<32x128xf32>
    %get3A_1278 = arith.constant 568 : index
    %get3A_1279 = arith.constant 0 : index
    %get3A_1280 = vector.load %arg3[%get3A_1278, %get3A_1279] : memref<840x128xf32, #tpu.memory_space<vmem>>, vector<32x128xf32>
    %min3A_1281 = vector.broadcast %slice3A_1201 : vector<1x128xf32> to vector<32x128xf32>
    %min3A_1282 = arith.minimumf %min3A_1281, %get3A_1280 : vector<32x128xf32>
    %max3A_1283 = arith.maximumf %max3A_1277, %min3A_1282 : vector<32x128xf32>
    %get3A_1284 = arith.constant 736 : index
    %get3A_1285 = arith.constant 0 : index
    %get3A_1286 = vector.load %arg3[%get3A_1284, %get3A_1285] : memref<840x128xf32, #tpu.memory_space<vmem>>, vector<32x128xf32>
    %min3A_1287 = vector.broadcast %slice3A_1202 : vector<1x128xf32> to vector<32x128xf32>
    %min3A_1288 = arith.minimumf %min3A_1287, %get3A_1286 : vector<32x128xf32>
    %max3A_1289 = arith.maximumf %max3A_1283, %min3A_1288 : vector<32x128xf32>
    %get3A_1290 = arith.constant 64 : index
    %get3A_1291 = arith.constant 0 : index
    %get3A_1292 = vector.load %arg4[%get3A_1290, %get3A_1291] : memref<168x128xf32, #tpu.memory_space<vmem>>, vector<32x128xf32>
    %mul3A_1293 = arith.mulf %max3A_1289, %get3A_1292 : vector<32x128xf32>
    %reduce_sum3A_1294 = arith.constant dense<0.000000e+00> : vector<128xf32>
    %reduce_sum3A_1295 = vector.multi_reduction <add>, %mul3A_1293, %reduce_sum3A_1294 [0] : vector<32x128xf32> to vector<128xf32>
    %reduce_sum3A_1296 = arith.constant dense<0.000000e+00> : vector<128xf32>
    %reduce_sum3A_1297 = vector.multi_reduction <add>, %max3A_1289, %reduce_sum3A_1296 [0] : vector<32x128xf32> to vector<128xf32>
    %add3A_1298 = arith.addf %add3A_1259, %reduce_sum3A_1295 : vector<128xf32>
    %add3A_1299 = arith.addf %add3A_1260, %reduce_sum3A_1297 : vector<128xf32>
    %get3A_1300 = arith.constant 264 : index
    %get3A_1301 = arith.constant 0 : index
    %get3A_1302 = vector.load %arg3[%get3A_1300, %get3A_1301] : memref<840x128xf32, #tpu.memory_space<vmem>>, vector<40x128xf32>
    %min3A_1303 = vector.broadcast %slice3A_1199 : vector<1x128xf32> to vector<40x128xf32>
    %min3A_1304 = arith.minimumf %min3A_1303, %get3A_1302 : vector<40x128xf32>
    %get3A_1305 = arith.constant 432 : index
    %get3A_1306 = arith.constant 0 : index
    %get3A_1307 = vector.load %arg3[%get3A_1305, %get3A_1306] : memref<840x128xf32, #tpu.memory_space<vmem>>, vector<40x128xf32>
    %min3A_1308 = vector.broadcast %slice3A_1200 : vector<1x128xf32> to vector<40x128xf32>
    %min3A_1309 = arith.minimumf %min3A_1308, %get3A_1307 : vector<40x128xf32>
    %max3A_1310 = arith.maximumf %min3A_1304, %min3A_1309 : vector<40x128xf32>
    %get3A_1311 = arith.constant 600 : index
    %get3A_1312 = arith.constant 0 : index
    %get3A_1313 = vector.load %arg3[%get3A_1311, %get3A_1312] : memref<840x128xf32, #tpu.memory_space<vmem>>, vector<40x128xf32>
    %min3A_1314 = vector.broadcast %slice3A_1201 : vector<1x128xf32> to vector<40x128xf32>
    %min3A_1315 = arith.minimumf %min3A_1314, %get3A_1313 : vector<40x128xf32>
    %max3A_1316 = arith.maximumf %max3A_1310, %min3A_1315 : vector<40x128xf32>
    %get3A_1317 = arith.constant 768 : index
    %get3A_1318 = arith.constant 0 : index
    %get3A_1319 = vector.load %arg3[%get3A_1317, %get3A_1318] : memref<840x128xf32, #tpu.memory_space<vmem>>, vector<40x128xf32>
    %min3A_1320 = vector.broadcast %slice3A_1202 : vector<1x128xf32> to vector<40x128xf32>
    %min3A_1321 = arith.minimumf %min3A_1320, %get3A_1319 : vector<40x128xf32>
    %max3A_1322 = arith.maximumf %max3A_1316, %min3A_1321 : vector<40x128xf32>
    %get3A_1323 = arith.constant 96 : index
    %get3A_1324 = arith.constant 0 : index
    %get3A_1325 = vector.load %arg4[%get3A_1323, %get3A_1324] : memref<168x128xf32, #tpu.memory_space<vmem>>, vector<40x128xf32>
    %mul3A_1326 = arith.mulf %max3A_1322, %get3A_1325 : vector<40x128xf32>
    %reduce_sum3A_1327 = arith.constant dense<0.000000e+00> : vector<128xf32>
    %reduce_sum3A_1328 = vector.multi_reduction <add>, %mul3A_1326, %reduce_sum3A_1327 [0] : vector<40x128xf32> to vector<128xf32>
    %reduce_sum3A_1329 = arith.constant dense<0.000000e+00> : vector<128xf32>
    %reduce_sum3A_1330 = vector.multi_reduction <add>, %max3A_1322, %reduce_sum3A_1329 [0] : vector<40x128xf32> to vector<128xf32>
    %add3A_1331 = arith.addf %add3A_1298, %reduce_sum3A_1328 : vector<128xf32>
    %add3A_1332 = arith.addf %add3A_1299, %reduce_sum3A_1330 : vector<128xf32>
    %get3A_1333 = arith.constant 472 : index
    %get3A_1334 = arith.constant 0 : index
    %get3A_1335 = vector.load %arg3[%get3A_1333, %get3A_1334] : memref<840x128xf32, #tpu.memory_space<vmem>>, vector<32x128xf32>
    %min3A_1336 = vector.broadcast %slice3A_1200 : vector<1x128xf32> to vector<32x128xf32>
    %min3A_1337 = arith.minimumf %min3A_1336, %get3A_1335 : vector<32x128xf32>
    %get3A_1338 = arith.constant 640 : index
    %get3A_1339 = arith.constant 0 : index
    %get3A_1340 = vector.load %arg3[%get3A_1338, %get3A_1339] : memref<840x128xf32, #tpu.memory_space<vmem>>, vector<32x128xf32>
    %min3A_1341 = vector.broadcast %slice3A_1201 : vector<1x128xf32> to vector<32x128xf32>
    %min3A_1342 = arith.minimumf %min3A_1341, %get3A_1340 : vector<32x128xf32>
    %max3A_1343 = arith.maximumf %min3A_1337, %min3A_1342 : vector<32x128xf32>
    %get3A_1344 = arith.constant 808 : index
    %get3A_1345 = arith.constant 0 : index
    %get3A_1346 = vector.load %arg3[%get3A_1344, %get3A_1345] : memref<840x128xf32, #tpu.memory_space<vmem>>, vector<32x128xf32>
    %min3A_1347 = vector.broadcast %slice3A_1202 : vector<1x128xf32> to vector<32x128xf32>
    %min3A_1348 = arith.minimumf %min3A_1347, %get3A_1346 : vector<32x128xf32>
    %max3A_1349 = arith.maximumf %max3A_1343, %min3A_1348 : vector<32x128xf32>
    %get3A_1350 = arith.constant 136 : index
    %get3A_1351 = arith.constant 0 : index
    %get3A_1352 = vector.load %arg4[%get3A_1350, %get3A_1351] : memref<168x128xf32, #tpu.memory_space<vmem>>, vector<32x128xf32>
    %mul3A_1353 = arith.mulf %max3A_1349, %get3A_1352 : vector<32x128xf32>
    %reduce_sum3A_1354 = arith.constant dense<0.000000e+00> : vector<128xf32>
    %reduce_sum3A_1355 = vector.multi_reduction <add>, %mul3A_1353, %reduce_sum3A_1354 [0] : vector<32x128xf32> to vector<128xf32>
    %reduce_sum3A_1356 = arith.constant dense<0.000000e+00> : vector<128xf32>
    %reduce_sum3A_1357 = vector.multi_reduction <add>, %max3A_1349, %reduce_sum3A_1356 [0] : vector<32x128xf32> to vector<128xf32>
    %add3A_1358 = arith.addf %add3A_1331, %reduce_sum3A_1355 : vector<128xf32>
    %add3A_1359 = arith.addf %add3A_1332, %reduce_sum3A_1357 : vector<128xf32>
    %add3A_1360 = arith.constant 9.99999996E-13 : f32
    %add3A_1361 = vector.broadcast %add3A_1360 : f32 to vector<128xf32>
    %add3A_1362 = arith.addf %add3A_1359, %add3A_1361 : vector<128xf32>
    %div3A_1363 = arith.divf %add3A_1358, %add3A_1362 : vector<128xf32>
    %swap3A_1364 = arith.constant 6 : index
    %swap3A_1365 = arith.constant 0 : index
    %swap3A_1366 = vector.load %arg5[%swap3A_1364, %swap3A_1365] : memref<16x128xf32, #tpu.memory_space<vmem>>, vector<1x128xf32>
    %swap3A_1367 = vector.shape_cast %swap3A_1366 : vector<1x128xf32> to vector<128xf32>
    %swap3A_1368 = vector.shape_cast %div3A_1363 : vector<128xf32> to vector<1x128xf32>
    tpu.vector_store %arg5[%swap3A_1364, %swap3A_1365], %swap3A_1368 {strides = array<i32>} : memref<16x128xf32, #tpu.memory_space<vmem>>, vector<1x128xf32>,
    %slice3A_1369 = vector.extract_strided_slice %max3A_140 {offsets = [7, 0], sizes = [1, 128], strides = [1, 1]} : vector<16x128xf32> to vector<1x128xf32>
    %slice3A_1370 = vector.extract_strided_slice %max3A_147 {offsets = [7, 0], sizes = [1, 128], strides = [1, 1]} : vector<16x128xf32> to vector<1x128xf32>
    %slice3A_1371 = vector.extract_strided_slice %max3A_156 {offsets = [7, 0], sizes = [1, 128], strides = [1, 1]} : vector<16x128xf32> to vector<1x128xf32>
    %slice3A_1372 = vector.extract_strided_slice %max3A_163 {offsets = [7, 0], sizes = [1, 128], strides = [1, 1]} : vector<16x128xf32> to vector<1x128xf32>
    %slice3A_1373 = vector.extract_strided_slice %max3A_174 {offsets = [7, 0], sizes = [1, 128], strides = [1, 1]} : vector<16x128xf32> to vector<1x128xf32>
    %get3A_1374 = arith.constant 0 : index
    %get3A_1375 = arith.constant 0 : index
    %get3A_1376 = vector.load %arg3[%get3A_1374, %get3A_1375] : memref<840x128xf32, #tpu.memory_space<vmem>>, vector<24x128xf32>
    %min3A_1377 = vector.broadcast %slice3A_1369 : vector<1x128xf32> to vector<24x128xf32>
    %min3A_1378 = arith.minimumf %min3A_1377, %get3A_1376 : vector<24x128xf32>
    %get3A_1379 = arith.constant 168 : index
    %get3A_1380 = arith.constant 0 : index
    %get3A_1381 = vector.load %arg3[%get3A_1379, %get3A_1380] : memref<840x128xf32, #tpu.memory_space<vmem>>, vector<24x128xf32>
    %min3A_1382 = vector.broadcast %slice3A_1370 : vector<1x128xf32> to vector<24x128xf32>
    %min3A_1383 = arith.minimumf %min3A_1382, %get3A_1381 : vector<24x128xf32>
    %max3A_1384 = arith.maximumf %min3A_1378, %min3A_1383 : vector<24x128xf32>
    %get3A_1385 = arith.constant 336 : index
    %get3A_1386 = arith.constant 0 : index
    %get3A_1387 = vector.load %arg3[%get3A_1385, %get3A_1386] : memref<840x128xf32, #tpu.memory_space<vmem>>, vector<24x128xf32>
    %min3A_1388 = vector.broadcast %slice3A_1371 : vector<1x128xf32> to vector<24x128xf32>
    %min3A_1389 = arith.minimumf %min3A_1388, %get3A_1387 : vector<24x128xf32>
    %max3A_1390 = arith.maximumf %max3A_1384, %min3A_1389 : vector<24x128xf32>
    %get3A_1391 = arith.constant 0 : index
    %get3A_1392 = arith.constant 0 : index
    %get3A_1393 = vector.load %arg4[%get3A_1391, %get3A_1392] : memref<168x128xf32, #tpu.memory_space<vmem>>, vector<24x128xf32>
    %mul3A_1394 = arith.mulf %max3A_1390, %get3A_1393 : vector<24x128xf32>
    %reduce_sum3A_1395 = arith.constant dense<0.000000e+00> : vector<128xf32>
    %reduce_sum3A_1396 = vector.multi_reduction <add>, %mul3A_1394, %reduce_sum3A_1395 [0] : vector<24x128xf32> to vector<128xf32>
    %reduce_sum3A_1397 = arith.constant dense<0.000000e+00> : vector<128xf32>
    %reduce_sum3A_1398 = vector.multi_reduction <add>, %max3A_1390, %reduce_sum3A_1397 [0] : vector<24x128xf32> to vector<128xf32>
    %get3A_1399 = arith.constant 24 : index
    %get3A_1400 = arith.constant 0 : index
    %get3A_1401 = vector.load %arg3[%get3A_1399, %get3A_1400] : memref<840x128xf32, #tpu.memory_space<vmem>>, vector<40x128xf32>
    %min3A_1402 = vector.broadcast %slice3A_1369 : vector<1x128xf32> to vector<40x128xf32>
    %min3A_1403 = arith.minimumf %min3A_1402, %get3A_1401 : vector<40x128xf32>
    %get3A_1404 = arith.constant 192 : index
    %get3A_1405 = arith.constant 0 : index
    %get3A_1406 = vector.load %arg3[%get3A_1404, %get3A_1405] : memref<840x128xf32, #tpu.memory_space<vmem>>, vector<40x128xf32>
    %min3A_1407 = vector.broadcast %slice3A_1370 : vector<1x128xf32> to vector<40x128xf32>
    %min3A_1408 = arith.minimumf %min3A_1407, %get3A_1406 : vector<40x128xf32>
    %max3A_1409 = arith.maximumf %min3A_1403, %min3A_1408 : vector<40x128xf32>
    %get3A_1410 = arith.constant 360 : index
    %get3A_1411 = arith.constant 0 : index
    %get3A_1412 = vector.load %arg3[%get3A_1410, %get3A_1411] : memref<840x128xf32, #tpu.memory_space<vmem>>, vector<40x128xf32>
    %min3A_1413 = vector.broadcast %slice3A_1371 : vector<1x128xf32> to vector<40x128xf32>
    %min3A_1414 = arith.minimumf %min3A_1413, %get3A_1412 : vector<40x128xf32>
    %max3A_1415 = arith.maximumf %max3A_1409, %min3A_1414 : vector<40x128xf32>
    %get3A_1416 = arith.constant 528 : index
    %get3A_1417 = arith.constant 0 : index
    %get3A_1418 = vector.load %arg3[%get3A_1416, %get3A_1417] : memref<840x128xf32, #tpu.memory_space<vmem>>, vector<40x128xf32>
    %min3A_1419 = vector.broadcast %slice3A_1372 : vector<1x128xf32> to vector<40x128xf32>
    %min3A_1420 = arith.minimumf %min3A_1419, %get3A_1418 : vector<40x128xf32>
    %max3A_1421 = arith.maximumf %max3A_1415, %min3A_1420 : vector<40x128xf32>
    %get3A_1422 = arith.constant 24 : index
    %get3A_1423 = arith.constant 0 : index
    %get3A_1424 = vector.load %arg4[%get3A_1422, %get3A_1423] : memref<168x128xf32, #tpu.memory_space<vmem>>, vector<40x128xf32>
    %mul3A_1425 = arith.mulf %max3A_1421, %get3A_1424 : vector<40x128xf32>
    %reduce_sum3A_1426 = arith.constant dense<0.000000e+00> : vector<128xf32>
    %reduce_sum3A_1427 = vector.multi_reduction <add>, %mul3A_1425, %reduce_sum3A_1426 [0] : vector<40x128xf32> to vector<128xf32>
    %reduce_sum3A_1428 = arith.constant dense<0.000000e+00> : vector<128xf32>
    %reduce_sum3A_1429 = vector.multi_reduction <add>, %max3A_1421, %reduce_sum3A_1428 [0] : vector<40x128xf32> to vector<128xf32>
    %add3A_1430 = arith.addf %reduce_sum3A_1396, %reduce_sum3A_1427 : vector<128xf32>
    %add3A_1431 = arith.addf %reduce_sum3A_1398, %reduce_sum3A_1429 : vector<128xf32>
    %get3A_1432 = arith.constant 64 : index
    %get3A_1433 = arith.constant 0 : index
    %get3A_1434 = vector.load %arg3[%get3A_1432, %get3A_1433] : memref<840x128xf32, #tpu.memory_space<vmem>>, vector<32x128xf32>
    %min3A_1435 = vector.broadcast %slice3A_1369 : vector<1x128xf32> to vector<32x128xf32>
    %min3A_1436 = arith.minimumf %min3A_1435, %get3A_1434 : vector<32x128xf32>
    %get3A_1437 = arith.constant 232 : index
    %get3A_1438 = arith.constant 0 : index
    %get3A_1439 = vector.load %arg3[%get3A_1437, %get3A_1438] : memref<840x128xf32, #tpu.memory_space<vmem>>, vector<32x128xf32>
    %min3A_1440 = vector.broadcast %slice3A_1370 : vector<1x128xf32> to vector<32x128xf32>
    %min3A_1441 = arith.minimumf %min3A_1440, %get3A_1439 : vector<32x128xf32>
    %max3A_1442 = arith.maximumf %min3A_1436, %min3A_1441 : vector<32x128xf32>
    %get3A_1443 = arith.constant 400 : index
    %get3A_1444 = arith.constant 0 : index
    %get3A_1445 = vector.load %arg3[%get3A_1443, %get3A_1444] : memref<840x128xf32, #tpu.memory_space<vmem>>, vector<32x128xf32>
    %min3A_1446 = vector.broadcast %slice3A_1371 : vector<1x128xf32> to vector<32x128xf32>
    %min3A_1447 = arith.minimumf %min3A_1446, %get3A_1445 : vector<32x128xf32>
    %max3A_1448 = arith.maximumf %max3A_1442, %min3A_1447 : vector<32x128xf32>
    %get3A_1449 = arith.constant 568 : index
    %get3A_1450 = arith.constant 0 : index
    %get3A_1451 = vector.load %arg3[%get3A_1449, %get3A_1450] : memref<840x128xf32, #tpu.memory_space<vmem>>, vector<32x128xf32>
    %min3A_1452 = vector.broadcast %slice3A_1372 : vector<1x128xf32> to vector<32x128xf32>
    %min3A_1453 = arith.minimumf %min3A_1452, %get3A_1451 : vector<32x128xf32>
    %max3A_1454 = arith.maximumf %max3A_1448, %min3A_1453 : vector<32x128xf32>
    %get3A_1455 = arith.constant 736 : index
    %get3A_1456 = arith.constant 0 : index
    %get3A_1457 = vector.load %arg3[%get3A_1455, %get3A_1456] : memref<840x128xf32, #tpu.memory_space<vmem>>, vector<32x128xf32>
    %min3A_1458 = vector.broadcast %slice3A_1373 : vector<1x128xf32> to vector<32x128xf32>
    %min3A_1459 = arith.minimumf %min3A_1458, %get3A_1457 : vector<32x128xf32>
    %max3A_1460 = arith.maximumf %max3A_1454, %min3A_1459 : vector<32x128xf32>
    %get3A_1461 = arith.constant 64 : index
    %get3A_1462 = arith.constant 0 : index
    %get3A_1463 = vector.load %arg4[%get3A_1461, %get3A_1462] : memref<168x128xf32, #tpu.memory_space<vmem>>, vector<32x128xf32>
    %mul3A_1464 = arith.mulf %max3A_1460, %get3A_1463 : vector<32x128xf32>
    %reduce_sum3A_1465 = arith.constant dense<0.000000e+00> : vector<128xf32>
    %reduce_sum3A_1466 = vector.multi_reduction <add>, %mul3A_1464, %reduce_sum3A_1465 [0] : vector<32x128xf32> to vector<128xf32>
    %reduce_sum3A_1467 = arith.constant dense<0.000000e+00> : vector<128xf32>
    %reduce_sum3A_1468 = vector.multi_reduction <add>, %max3A_1460, %reduce_sum3A_1467 [0] : vector<32x128xf32> to vector<128xf32>
    %add3A_1469 = arith.addf %add3A_1430, %reduce_sum3A_1466 : vector<128xf32>
    %add3A_1470 = arith.addf %add3A_1431, %reduce_sum3A_1468 : vector<128xf32>
    %get3A_1471 = arith.constant 264 : index
    %get3A_1472 = arith.constant 0 : index
    %get3A_1473 = vector.load %arg3[%get3A_1471, %get3A_1472] : memref<840x128xf32, #tpu.memory_space<vmem>>, vector<40x128xf32>
    %min3A_1474 = vector.broadcast %slice3A_1370 : vector<1x128xf32> to vector<40x128xf32>
    %min3A_1475 = arith.minimumf %min3A_1474, %get3A_1473 : vector<40x128xf32>
    %get3A_1476 = arith.constant 432 : index
    %get3A_1477 = arith.constant 0 : index
    %get3A_1478 = vector.load %arg3[%get3A_1476, %get3A_1477] : memref<840x128xf32, #tpu.memory_space<vmem>>, vector<40x128xf32>
    %min3A_1479 = vector.broadcast %slice3A_1371 : vector<1x128xf32> to vector<40x128xf32>
    %min3A_1480 = arith.minimumf %min3A_1479, %get3A_1478 : vector<40x128xf32>
    %max3A_1481 = arith.maximumf %min3A_1475, %min3A_1480 : vector<40x128xf32>
    %get3A_1482 = arith.constant 600 : index
    %get3A_1483 = arith.constant 0 : index
    %get3A_1484 = vector.load %arg3[%get3A_1482, %get3A_1483] : memref<840x128xf32, #tpu.memory_space<vmem>>, vector<40x128xf32>
    %min3A_1485 = vector.broadcast %slice3A_1372 : vector<1x128xf32> to vector<40x128xf32>
    %min3A_1486 = arith.minimumf %min3A_1485, %get3A_1484 : vector<40x128xf32>
    %max3A_1487 = arith.maximumf %max3A_1481, %min3A_1486 : vector<40x128xf32>
    %get3A_1488 = arith.constant 768 : index
    %get3A_1489 = arith.constant 0 : index
    %get3A_1490 = vector.load %arg3[%get3A_1488, %get3A_1489] : memref<840x128xf32, #tpu.memory_space<vmem>>, vector<40x128xf32>
    %min3A_1491 = vector.broadcast %slice3A_1373 : vector<1x128xf32> to vector<40x128xf32>
    %min3A_1492 = arith.minimumf %min3A_1491, %get3A_1490 : vector<40x128xf32>
    %max3A_1493 = arith.maximumf %max3A_1487, %min3A_1492 : vector<40x128xf32>
    %get3A_1494 = arith.constant 96 : index
    %get3A_1495 = arith.constant 0 : index
    %get3A_1496 = vector.load %arg4[%get3A_1494, %get3A_1495] : memref<168x128xf32, #tpu.memory_space<vmem>>, vector<40x128xf32>
    %mul3A_1497 = arith.mulf %max3A_1493, %get3A_1496 : vector<40x128xf32>
    %reduce_sum3A_1498 = arith.constant dense<0.000000e+00> : vector<128xf32>
    %reduce_sum3A_1499 = vector.multi_reduction <add>, %mul3A_1497, %reduce_sum3A_1498 [0] : vector<40x128xf32> to vector<128xf32>
    %reduce_sum3A_1500 = arith.constant dense<0.000000e+00> : vector<128xf32>
    %reduce_sum3A_1501 = vector.multi_reduction <add>, %max3A_1493, %reduce_sum3A_1500 [0] : vector<40x128xf32> to vector<128xf32>
    %add3A_1502 = arith.addf %add3A_1469, %reduce_sum3A_1499 : vector<128xf32>
    %add3A_1503 = arith.addf %add3A_1470, %reduce_sum3A_1501 : vector<128xf32>
    %get3A_1504 = arith.constant 472 : index
    %get3A_1505 = arith.constant 0 : index
    %get3A_1506 = vector.load %arg3[%get3A_1504, %get3A_1505] : memref<840x128xf32, #tpu.memory_space<vmem>>, vector<32x128xf32>
    %min3A_1507 = vector.broadcast %slice3A_1371 : vector<1x128xf32> to vector<32x128xf32>
    %min3A_1508 = arith.minimumf %min3A_1507, %get3A_1506 : vector<32x128xf32>
    %get3A_1509 = arith.constant 640 : index
    %get3A_1510 = arith.constant 0 : index
    %get3A_1511 = vector.load %arg3[%get3A_1509, %get3A_1510] : memref<840x128xf32, #tpu.memory_space<vmem>>, vector<32x128xf32>
    %min3A_1512 = vector.broadcast %slice3A_1372 : vector<1x128xf32> to vector<32x128xf32>
    %min3A_1513 = arith.minimumf %min3A_1512, %get3A_1511 : vector<32x128xf32>
    %max3A_1514 = arith.maximumf %min3A_1508, %min3A_1513 : vector<32x128xf32>
    %get3A_1515 = arith.constant 808 : index
    %get3A_1516 = arith.constant 0 : index
    %get3A_1517 = vector.load %arg3[%get3A_1515, %get3A_1516] : memref<840x128xf32, #tpu.memory_space<vmem>>, vector<32x128xf32>
    %min3A_1518 = vector.broadcast %slice3A_1373 : vector<1x128xf32> to vector<32x128xf32>
    %min3A_1519 = arith.minimumf %min3A_1518, %get3A_1517 : vector<32x128xf32>
    %max3A_1520 = arith.maximumf %max3A_1514, %min3A_1519 : vector<32x128xf32>
    %get3A_1521 = arith.constant 136 : index
    %get3A_1522 = arith.constant 0 : index
    %get3A_1523 = vector.load %arg4[%get3A_1521, %get3A_1522] : memref<168x128xf32, #tpu.memory_space<vmem>>, vector<32x128xf32>
    %mul3A_1524 = arith.mulf %max3A_1520, %get3A_1523 : vector<32x128xf32>
    %reduce_sum3A_1525 = arith.constant dense<0.000000e+00> : vector<128xf32>
    %reduce_sum3A_1526 = vector.multi_reduction <add>, %mul3A_1524, %reduce_sum3A_1525 [0] : vector<32x128xf32> to vector<128xf32>
    %reduce_sum3A_1527 = arith.constant dense<0.000000e+00> : vector<128xf32>
    %reduce_sum3A_1528 = vector.multi_reduction <add>, %max3A_1520, %reduce_sum3A_1527 [0] : vector<32x128xf32> to vector<128xf32>
    %add3A_1529 = arith.addf %add3A_1502, %reduce_sum3A_1526 : vector<128xf32>
    %add3A_1530 = arith.addf %add3A_1503, %reduce_sum3A_1528 : vector<128xf32>
    %add3A_1531 = arith.constant 9.99999996E-13 : f32
    %add3A_1532 = vector.broadcast %add3A_1531 : f32 to vector<128xf32>
    %add3A_1533 = arith.addf %add3A_1530, %add3A_1532 : vector<128xf32>
    %div3A_1534 = arith.divf %add3A_1529, %add3A_1533 : vector<128xf32>
    %swap3A_1535 = arith.constant 7 : index
    %swap3A_1536 = arith.constant 0 : index
    %swap3A_1537 = vector.load %arg5[%swap3A_1535, %swap3A_1536] : memref<16x128xf32, #tpu.memory_space<vmem>>, vector<1x128xf32>
    %swap3A_1538 = vector.shape_cast %swap3A_1537 : vector<1x128xf32> to vector<128xf32>
    %swap3A_1539 = vector.shape_cast %div3A_1534 : vector<128xf32> to vector<1x128xf32>
    tpu.vector_store %arg5[%swap3A_1535, %swap3A_1536], %swap3A_1539 {strides = array<i32>} : memref<16x128xf32, #tpu.memory_space<vmem>>, vector<1x128xf32>,
    %slice3A_1540 = vector.extract_strided_slice %max3A_140 {offsets = [8, 0], sizes = [1, 128], strides = [1, 1]} : vector<16x128xf32> to vector<1x128xf32>
    %slice3A_1541 = vector.extract_strided_slice %max3A_147 {offsets = [8, 0], sizes = [1, 128], strides = [1, 1]} : vector<16x128xf32> to vector<1x128xf32>
    %slice3A_1542 = vector.extract_strided_slice %max3A_156 {offsets = [8, 0], sizes = [1, 128], strides = [1, 1]} : vector<16x128xf32> to vector<1x128xf32>
    %slice3A_1543 = vector.extract_strided_slice %max3A_163 {offsets = [8, 0], sizes = [1, 128], strides = [1, 1]} : vector<16x128xf32> to vector<1x128xf32>
    %slice3A_1544 = vector.extract_strided_slice %max3A_174 {offsets = [8, 0], sizes = [1, 128], strides = [1, 1]} : vector<16x128xf32> to vector<1x128xf32>
    %get3A_1545 = arith.constant 0 : index
    %get3A_1546 = arith.constant 0 : index
    %get3A_1547 = vector.load %arg3[%get3A_1545, %get3A_1546] : memref<840x128xf32, #tpu.memory_space<vmem>>, vector<24x128xf32>
    %min3A_1548 = vector.broadcast %slice3A_1540 : vector<1x128xf32> to vector<24x128xf32>
    %min3A_1549 = arith.minimumf %min3A_1548, %get3A_1547 : vector<24x128xf32>
    %get3A_1550 = arith.constant 168 : index
    %get3A_1551 = arith.constant 0 : index
    %get3A_1552 = vector.load %arg3[%get3A_1550, %get3A_1551] : memref<840x128xf32, #tpu.memory_space<vmem>>, vector<24x128xf32>
    %min3A_1553 = vector.broadcast %slice3A_1541 : vector<1x128xf32> to vector<24x128xf32>
    %min3A_1554 = arith.minimumf %min3A_1553, %get3A_1552 : vector<24x128xf32>
    %max3A_1555 = arith.maximumf %min3A_1549, %min3A_1554 : vector<24x128xf32>
    %get3A_1556 = arith.constant 336 : index
    %get3A_1557 = arith.constant 0 : index
    %get3A_1558 = vector.load %arg3[%get3A_1556, %get3A_1557] : memref<840x128xf32, #tpu.memory_space<vmem>>, vector<24x128xf32>
    %min3A_1559 = vector.broadcast %slice3A_1542 : vector<1x128xf32> to vector<24x128xf32>
    %min3A_1560 = arith.minimumf %min3A_1559, %get3A_1558 : vector<24x128xf32>
    %max3A_1561 = arith.maximumf %max3A_1555, %min3A_1560 : vector<24x128xf32>
    %get3A_1562 = arith.constant 0 : index
    %get3A_1563 = arith.constant 0 : index
    %get3A_1564 = vector.load %arg4[%get3A_1562, %get3A_1563] : memref<168x128xf32, #tpu.memory_space<vmem>>, vector<24x128xf32>
    %mul3A_1565 = arith.mulf %max3A_1561, %get3A_1564 : vector<24x128xf32>
    %reduce_sum3A_1566 = arith.constant dense<0.000000e+00> : vector<128xf32>
    %reduce_sum3A_1567 = vector.multi_reduction <add>, %mul3A_1565, %reduce_sum3A_1566 [0] : vector<24x128xf32> to vector<128xf32>
    %reduce_sum3A_1568 = arith.constant dense<0.000000e+00> : vector<128xf32>
    %reduce_sum3A_1569 = vector.multi_reduction <add>, %max3A_1561, %reduce_sum3A_1568 [0] : vector<24x128xf32> to vector<128xf32>
    %get3A_1570 = arith.constant 24 : index
    %get3A_1571 = arith.constant 0 : index
    %get3A_1572 = vector.load %arg3[%get3A_1570, %get3A_1571] : memref<840x128xf32, #tpu.memory_space<vmem>>, vector<40x128xf32>
    %min3A_1573 = vector.broadcast %slice3A_1540 : vector<1x128xf32> to vector<40x128xf32>
    %min3A_1574 = arith.minimumf %min3A_1573, %get3A_1572 : vector<40x128xf32>
    %get3A_1575 = arith.constant 192 : index
    %get3A_1576 = arith.constant 0 : index
    %get3A_1577 = vector.load %arg3[%get3A_1575, %get3A_1576] : memref<840x128xf32, #tpu.memory_space<vmem>>, vector<40x128xf32>
    %min3A_1578 = vector.broadcast %slice3A_1541 : vector<1x128xf32> to vector<40x128xf32>
    %min3A_1579 = arith.minimumf %min3A_1578, %get3A_1577 : vector<40x128xf32>
    %max3A_1580 = arith.maximumf %min3A_1574, %min3A_1579 : vector<40x128xf32>
    %get3A_1581 = arith.constant 360 : index
    %get3A_1582 = arith.constant 0 : index
    %get3A_1583 = vector.load %arg3[%get3A_1581, %get3A_1582] : memref<840x128xf32, #tpu.memory_space<vmem>>, vector<40x128xf32>
    %min3A_1584 = vector.broadcast %slice3A_1542 : vector<1x128xf32> to vector<40x128xf32>
    %min3A_1585 = arith.minimumf %min3A_1584, %get3A_1583 : vector<40x128xf32>
    %max3A_1586 = arith.maximumf %max3A_1580, %min3A_1585 : vector<40x128xf32>
    %get3A_1587 = arith.constant 528 : index
    %get3A_1588 = arith.constant 0 : index
    %get3A_1589 = vector.load %arg3[%get3A_1587, %get3A_1588] : memref<840x128xf32, #tpu.memory_space<vmem>>, vector<40x128xf32>
    %min3A_1590 = vector.broadcast %slice3A_1543 : vector<1x128xf32> to vector<40x128xf32>
    %min3A_1591 = arith.minimumf %min3A_1590, %get3A_1589 : vector<40x128xf32>
    %max3A_1592 = arith.maximumf %max3A_1586, %min3A_1591 : vector<40x128xf32>
    %get3A_1593 = arith.constant 24 : index
    %get3A_1594 = arith.constant 0 : index
    %get3A_1595 = vector.load %arg4[%get3A_1593, %get3A_1594] : memref<168x128xf32, #tpu.memory_space<vmem>>, vector<40x128xf32>
    %mul3A_1596 = arith.mulf %max3A_1592, %get3A_1595 : vector<40x128xf32>
    %reduce_sum3A_1597 = arith.constant dense<0.000000e+00> : vector<128xf32>
    %reduce_sum3A_1598 = vector.multi_reduction <add>, %mul3A_1596, %reduce_sum3A_1597 [0] : vector<40x128xf32> to vector<128xf32>
    %reduce_sum3A_1599 = arith.constant dense<0.000000e+00> : vector<128xf32>
    %reduce_sum3A_1600 = vector.multi_reduction <add>, %max3A_1592, %reduce_sum3A_1599 [0] : vector<40x128xf32> to vector<128xf32>
    %add3A_1601 = arith.addf %reduce_sum3A_1567, %reduce_sum3A_1598 : vector<128xf32>
    %add3A_1602 = arith.addf %reduce_sum3A_1569, %reduce_sum3A_1600 : vector<128xf32>
    %get3A_1603 = arith.constant 64 : index
    %get3A_1604 = arith.constant 0 : index
    %get3A_1605 = vector.load %arg3[%get3A_1603, %get3A_1604] : memref<840x128xf32, #tpu.memory_space<vmem>>, vector<32x128xf32>
    %min3A_1606 = vector.broadcast %slice3A_1540 : vector<1x128xf32> to vector<32x128xf32>
    %min3A_1607 = arith.minimumf %min3A_1606, %get3A_1605 : vector<32x128xf32>
    %get3A_1608 = arith.constant 232 : index
    %get3A_1609 = arith.constant 0 : index
    %get3A_1610 = vector.load %arg3[%get3A_1608, %get3A_1609] : memref<840x128xf32, #tpu.memory_space<vmem>>, vector<32x128xf32>
    %min3A_1611 = vector.broadcast %slice3A_1541 : vector<1x128xf32> to vector<32x128xf32>
    %min3A_1612 = arith.minimumf %min3A_1611, %get3A_1610 : vector<32x128xf32>
    %max3A_1613 = arith.maximumf %min3A_1607, %min3A_1612 : vector<32x128xf32>
    %get3A_1614 = arith.constant 400 : index
    %get3A_1615 = arith.constant 0 : index
    %get3A_1616 = vector.load %arg3[%get3A_1614, %get3A_1615] : memref<840x128xf32, #tpu.memory_space<vmem>>, vector<32x128xf32>
    %min3A_1617 = vector.broadcast %slice3A_1542 : vector<1x128xf32> to vector<32x128xf32>
    %min3A_1618 = arith.minimumf %min3A_1617, %get3A_1616 : vector<32x128xf32>
    %max3A_1619 = arith.maximumf %max3A_1613, %min3A_1618 : vector<32x128xf32>
    %get3A_1620 = arith.constant 568 : index
    %get3A_1621 = arith.constant 0 : index
    %get3A_1622 = vector.load %arg3[%get3A_1620, %get3A_1621] : memref<840x128xf32, #tpu.memory_space<vmem>>, vector<32x128xf32>
    %min3A_1623 = vector.broadcast %slice3A_1543 : vector<1x128xf32> to vector<32x128xf32>
    %min3A_1624 = arith.minimumf %min3A_1623, %get3A_1622 : vector<32x128xf32>
    %max3A_1625 = arith.maximumf %max3A_1619, %min3A_1624 : vector<32x128xf32>
    %get3A_1626 = arith.constant 736 : index
    %get3A_1627 = arith.constant 0 : index
    %get3A_1628 = vector.load %arg3[%get3A_1626, %get3A_1627] : memref<840x128xf32, #tpu.memory_space<vmem>>, vector<32x128xf32>
    %min3A_1629 = vector.broadcast %slice3A_1544 : vector<1x128xf32> to vector<32x128xf32>
    %min3A_1630 = arith.minimumf %min3A_1629, %get3A_1628 : vector<32x128xf32>
    %max3A_1631 = arith.maximumf %max3A_1625, %min3A_1630 : vector<32x128xf32>
    %get3A_1632 = arith.constant 64 : index
    %get3A_1633 = arith.constant 0 : index
    %get3A_1634 = vector.load %arg4[%get3A_1632, %get3A_1633] : memref<168x128xf32, #tpu.memory_space<vmem>>, vector<32x128xf32>
    %mul3A_1635 = arith.mulf %max3A_1631, %get3A_1634 : vector<32x128xf32>
    %reduce_sum3A_1636 = arith.constant dense<0.000000e+00> : vector<128xf32>
    %reduce_sum3A_1637 = vector.multi_reduction <add>, %mul3A_1635, %reduce_sum3A_1636 [0] : vector<32x128xf32> to vector<128xf32>
    %reduce_sum3A_1638 = arith.constant dense<0.000000e+00> : vector<128xf32>
    %reduce_sum3A_1639 = vector.multi_reduction <add>, %max3A_1631, %reduce_sum3A_1638 [0] : vector<32x128xf32> to vector<128xf32>
    %add3A_1640 = arith.addf %add3A_1601, %reduce_sum3A_1637 : vector<128xf32>
    %add3A_1641 = arith.addf %add3A_1602, %reduce_sum3A_1639 : vector<128xf32>
    %get3A_1642 = arith.constant 264 : index
    %get3A_1643 = arith.constant 0 : index
    %get3A_1644 = vector.load %arg3[%get3A_1642, %get3A_1643] : memref<840x128xf32, #tpu.memory_space<vmem>>, vector<40x128xf32>
    %min3A_1645 = vector.broadcast %slice3A_1541 : vector<1x128xf32> to vector<40x128xf32>
    %min3A_1646 = arith.minimumf %min3A_1645, %get3A_1644 : vector<40x128xf32>
    %get3A_1647 = arith.constant 432 : index
    %get3A_1648 = arith.constant 0 : index
    %get3A_1649 = vector.load %arg3[%get3A_1647, %get3A_1648] : memref<840x128xf32, #tpu.memory_space<vmem>>, vector<40x128xf32>
    %min3A_1650 = vector.broadcast %slice3A_1542 : vector<1x128xf32> to vector<40x128xf32>
    %min3A_1651 = arith.minimumf %min3A_1650, %get3A_1649 : vector<40x128xf32>
    %max3A_1652 = arith.maximumf %min3A_1646, %min3A_1651 : vector<40x128xf32>
    %get3A_1653 = arith.constant 600 : index
    %get3A_1654 = arith.constant 0 : index
    %get3A_1655 = vector.load %arg3[%get3A_1653, %get3A_1654] : memref<840x128xf32, #tpu.memory_space<vmem>>, vector<40x128xf32>
    %min3A_1656 = vector.broadcast %slice3A_1543 : vector<1x128xf32> to vector<40x128xf32>
    %min3A_1657 = arith.minimumf %min3A_1656, %get3A_1655 : vector<40x128xf32>
    %max3A_1658 = arith.maximumf %max3A_1652, %min3A_1657 : vector<40x128xf32>
    %get3A_1659 = arith.constant 768 : index
    %get3A_1660 = arith.constant 0 : index
    %get3A_1661 = vector.load %arg3[%get3A_1659, %get3A_1660] : memref<840x128xf32, #tpu.memory_space<vmem>>, vector<40x128xf32>
    %min3A_1662 = vector.broadcast %slice3A_1544 : vector<1x128xf32> to vector<40x128xf32>
    %min3A_1663 = arith.minimumf %min3A_1662, %get3A_1661 : vector<40x128xf32>
    %max3A_1664 = arith.maximumf %max3A_1658, %min3A_1663 : vector<40x128xf32>
    %get3A_1665 = arith.constant 96 : index
    %get3A_1666 = arith.constant 0 : index
    %get3A_1667 = vector.load %arg4[%get3A_1665, %get3A_1666] : memref<168x128xf32, #tpu.memory_space<vmem>>, vector<40x128xf32>
    %mul3A_1668 = arith.mulf %max3A_1664, %get3A_1667 : vector<40x128xf32>
    %reduce_sum3A_1669 = arith.constant dense<0.000000e+00> : vector<128xf32>
    %reduce_sum3A_1670 = vector.multi_reduction <add>, %mul3A_1668, %reduce_sum3A_1669 [0] : vector<40x128xf32> to vector<128xf32>
    %reduce_sum3A_1671 = arith.constant dense<0.000000e+00> : vector<128xf32>
    %reduce_sum3A_1672 = vector.multi_reduction <add>, %max3A_1664, %reduce_sum3A_1671 [0] : vector<40x128xf32> to vector<128xf32>
    %add3A_1673 = arith.addf %add3A_1640, %reduce_sum3A_1670 : vector<128xf32>
    %add3A_1674 = arith.addf %add3A_1641, %reduce_sum3A_1672 : vector<128xf32>
    %get3A_1675 = arith.constant 472 : index
    %get3A_1676 = arith.constant 0 : index
    %get3A_1677 = vector.load %arg3[%get3A_1675, %get3A_1676] : memref<840x128xf32, #tpu.memory_space<vmem>>, vector<32x128xf32>
    %min3A_1678 = vector.broadcast %slice3A_1542 : vector<1x128xf32> to vector<32x128xf32>
    %min3A_1679 = arith.minimumf %min3A_1678, %get3A_1677 : vector<32x128xf32>
    %get3A_1680 = arith.constant 640 : index
    %get3A_1681 = arith.constant 0 : index
    %get3A_1682 = vector.load %arg3[%get3A_1680, %get3A_1681] : memref<840x128xf32, #tpu.memory_space<vmem>>, vector<32x128xf32>
    %min3A_1683 = vector.broadcast %slice3A_1543 : vector<1x128xf32> to vector<32x128xf32>
    %min3A_1684 = arith.minimumf %min3A_1683, %get3A_1682 : vector<32x128xf32>
    %max3A_1685 = arith.maximumf %min3A_1679, %min3A_1684 : vector<32x128xf32>
    %get3A_1686 = arith.constant 808 : index
    %get3A_1687 = arith.constant 0 : index
    %get3A_1688 = vector.load %arg3[%get3A_1686, %get3A_1687] : memref<840x128xf32, #tpu.memory_space<vmem>>, vector<32x128xf32>
    %min3A_1689 = vector.broadcast %slice3A_1544 : vector<1x128xf32> to vector<32x128xf32>
    %min3A_1690 = arith.minimumf %min3A_1689, %get3A_1688 : vector<32x128xf32>
    %max3A_1691 = arith.maximumf %max3A_1685, %min3A_1690 : vector<32x128xf32>
    %get3A_1692 = arith.constant 136 : index
    %get3A_1693 = arith.constant 0 : index
    %get3A_1694 = vector.load %arg4[%get3A_1692, %get3A_1693] : memref<168x128xf32, #tpu.memory_space<vmem>>, vector<32x128xf32>
    %mul3A_1695 = arith.mulf %max3A_1691, %get3A_1694 : vector<32x128xf32>
    %reduce_sum3A_1696 = arith.constant dense<0.000000e+00> : vector<128xf32>
    %reduce_sum3A_1697 = vector.multi_reduction <add>, %mul3A_1695, %reduce_sum3A_1696 [0] : vector<32x128xf32> to vector<128xf32>
    %reduce_sum3A_1698 = arith.constant dense<0.000000e+00> : vector<128xf32>
    %reduce_sum3A_1699 = vector.multi_reduction <add>, %max3A_1691, %reduce_sum3A_1698 [0] : vector<32x128xf32> to vector<128xf32>
    %add3A_1700 = arith.addf %add3A_1673, %reduce_sum3A_1697 : vector<128xf32>
    %add3A_1701 = arith.addf %add3A_1674, %reduce_sum3A_1699 : vector<128xf32>
    %add3A_1702 = arith.constant 9.99999996E-13 : f32
    %add3A_1703 = vector.broadcast %add3A_1702 : f32 to vector<128xf32>
    %add3A_1704 = arith.addf %add3A_1701, %add3A_1703 : vector<128xf32>
    %div3A_1705 = arith.divf %add3A_1700, %add3A_1704 : vector<128xf32>
    %swap3A_1706 = arith.constant 8 : index
    %swap3A_1707 = arith.constant 0 : index
    %swap3A_1708 = vector.load %arg5[%swap3A_1706, %swap3A_1707] : memref<16x128xf32, #tpu.memory_space<vmem>>, vector<1x128xf32>
    %swap3A_1709 = vector.shape_cast %swap3A_1708 : vector<1x128xf32> to vector<128xf32>
    %swap3A_1710 = vector.shape_cast %div3A_1705 : vector<128xf32> to vector<1x128xf32>
    tpu.vector_store %arg5[%swap3A_1706, %swap3A_1707], %swap3A_1710 {strides = array<i32>} : memref<16x128xf32, #tpu.memory_space<vmem>>, vector<1x128xf32>,
    %slice3A_1711 = vector.extract_strided_slice %max3A_140 {offsets = [9, 0], sizes = [1, 128], strides = [1, 1]} : vector<16x128xf32> to vector<1x128xf32>
    %slice3A_1712 = vector.extract_strided_slice %max3A_147 {offsets = [9, 0], sizes = [1, 128], strides = [1, 1]} : vector<16x128xf32> to vector<1x128xf32>
    %slice3A_1713 = vector.extract_strided_slice %max3A_156 {offsets = [9, 0], sizes = [1, 128], strides = [1, 1]} : vector<16x128xf32> to vector<1x128xf32>
    %slice3A_1714 = vector.extract_strided_slice %max3A_163 {offsets = [9, 0], sizes = [1, 128], strides = [1, 1]} : vector<16x128xf32> to vector<1x128xf32>
    %slice3A_1715 = vector.extract_strided_slice %max3A_174 {offsets = [9, 0], sizes = [1, 128], strides = [1, 1]} : vector<16x128xf32> to vector<1x128xf32>
    %get3A_1716 = arith.constant 0 : index
    %get3A_1717 = arith.constant 0 : index
    %get3A_1718 = vector.load %arg3[%get3A_1716, %get3A_1717] : memref<840x128xf32, #tpu.memory_space<vmem>>, vector<24x128xf32>
    %min3A_1719 = vector.broadcast %slice3A_1711 : vector<1x128xf32> to vector<24x128xf32>
    %min3A_1720 = arith.minimumf %min3A_1719, %get3A_1718 : vector<24x128xf32>
    %get3A_1721 = arith.constant 168 : index
    %get3A_1722 = arith.constant 0 : index
    %get3A_1723 = vector.load %arg3[%get3A_1721, %get3A_1722] : memref<840x128xf32, #tpu.memory_space<vmem>>, vector<24x128xf32>
    %min3A_1724 = vector.broadcast %slice3A_1712 : vector<1x128xf32> to vector<24x128xf32>
    %min3A_1725 = arith.minimumf %min3A_1724, %get3A_1723 : vector<24x128xf32>
    %max3A_1726 = arith.maximumf %min3A_1720, %min3A_1725 : vector<24x128xf32>
    %get3A_1727 = arith.constant 336 : index
    %get3A_1728 = arith.constant 0 : index
    %get3A_1729 = vector.load %arg3[%get3A_1727, %get3A_1728] : memref<840x128xf32, #tpu.memory_space<vmem>>, vector<24x128xf32>
    %min3A_1730 = vector.broadcast %slice3A_1713 : vector<1x128xf32> to vector<24x128xf32>
    %min3A_1731 = arith.minimumf %min3A_1730, %get3A_1729 : vector<24x128xf32>
    %max3A_1732 = arith.maximumf %max3A_1726, %min3A_1731 : vector<24x128xf32>
    %get3A_1733 = arith.constant 0 : index
    %get3A_1734 = arith.constant 0 : index
    %get3A_1735 = vector.load %arg4[%get3A_1733, %get3A_1734] : memref<168x128xf32, #tpu.memory_space<vmem>>, vector<24x128xf32>
    %mul3A_1736 = arith.mulf %max3A_1732, %get3A_1735 : vector<24x128xf32>
    %reduce_sum3A_1737 = arith.constant dense<0.000000e+00> : vector<128xf32>
    %reduce_sum3A_1738 = vector.multi_reduction <add>, %mul3A_1736, %reduce_sum3A_1737 [0] : vector<24x128xf32> to vector<128xf32>
    %reduce_sum3A_1739 = arith.constant dense<0.000000e+00> : vector<128xf32>
    %reduce_sum3A_1740 = vector.multi_reduction <add>, %max3A_1732, %reduce_sum3A_1739 [0] : vector<24x128xf32> to vector<128xf32>
    %get3A_1741 = arith.constant 24 : index
    %get3A_1742 = arith.constant 0 : index
    %get3A_1743 = vector.load %arg3[%get3A_1741, %get3A_1742] : memref<840x128xf32, #tpu.memory_space<vmem>>, vector<40x128xf32>
    %min3A_1744 = vector.broadcast %slice3A_1711 : vector<1x128xf32> to vector<40x128xf32>
    %min3A_1745 = arith.minimumf %min3A_1744, %get3A_1743 : vector<40x128xf32>
    %get3A_1746 = arith.constant 192 : index
    %get3A_1747 = arith.constant 0 : index
    %get3A_1748 = vector.load %arg3[%get3A_1746, %get3A_1747] : memref<840x128xf32, #tpu.memory_space<vmem>>, vector<40x128xf32>
    %min3A_1749 = vector.broadcast %slice3A_1712 : vector<1x128xf32> to vector<40x128xf32>
    %min3A_1750 = arith.minimumf %min3A_1749, %get3A_1748 : vector<40x128xf32>
    %max3A_1751 = arith.maximumf %min3A_1745, %min3A_1750 : vector<40x128xf32>
    %get3A_1752 = arith.constant 360 : index
    %get3A_1753 = arith.constant 0 : index
    %get3A_1754 = vector.load %arg3[%get3A_1752, %get3A_1753] : memref<840x128xf32, #tpu.memory_space<vmem>>, vector<40x128xf32>
    %min3A_1755 = vector.broadcast %slice3A_1713 : vector<1x128xf32> to vector<40x128xf32>
    %min3A_1756 = arith.minimumf %min3A_1755, %get3A_1754 : vector<40x128xf32>
    %max3A_1757 = arith.maximumf %max3A_1751, %min3A_1756 : vector<40x128xf32>
    %get3A_1758 = arith.constant 528 : index
    %get3A_1759 = arith.constant 0 : index
    %get3A_1760 = vector.load %arg3[%get3A_1758, %get3A_1759] : memref<840x128xf32, #tpu.memory_space<vmem>>, vector<40x128xf32>
    %min3A_1761 = vector.broadcast %slice3A_1714 : vector<1x128xf32> to vector<40x128xf32>
    %min3A_1762 = arith.minimumf %min3A_1761, %get3A_1760 : vector<40x128xf32>
    %max3A_1763 = arith.maximumf %max3A_1757, %min3A_1762 : vector<40x128xf32>
    %get3A_1764 = arith.constant 24 : index
    %get3A_1765 = arith.constant 0 : index
    %get3A_1766 = vector.load %arg4[%get3A_1764, %get3A_1765] : memref<168x128xf32, #tpu.memory_space<vmem>>, vector<40x128xf32>
    %mul3A_1767 = arith.mulf %max3A_1763, %get3A_1766 : vector<40x128xf32>
    %reduce_sum3A_1768 = arith.constant dense<0.000000e+00> : vector<128xf32>
    %reduce_sum3A_1769 = vector.multi_reduction <add>, %mul3A_1767, %reduce_sum3A_1768 [0] : vector<40x128xf32> to vector<128xf32>
    %reduce_sum3A_1770 = arith.constant dense<0.000000e+00> : vector<128xf32>
    %reduce_sum3A_1771 = vector.multi_reduction <add>, %max3A_1763, %reduce_sum3A_1770 [0] : vector<40x128xf32> to vector<128xf32>
    %add3A_1772 = arith.addf %reduce_sum3A_1738, %reduce_sum3A_1769 : vector<128xf32>
    %add3A_1773 = arith.addf %reduce_sum3A_1740, %reduce_sum3A_1771 : vector<128xf32>
    %get3A_1774 = arith.constant 64 : index
    %get3A_1775 = arith.constant 0 : index
    %get3A_1776 = vector.load %arg3[%get3A_1774, %get3A_1775] : memref<840x128xf32, #tpu.memory_space<vmem>>, vector<32x128xf32>
    %min3A_1777 = vector.broadcast %slice3A_1711 : vector<1x128xf32> to vector<32x128xf32>
    %min3A_1778 = arith.minimumf %min3A_1777, %get3A_1776 : vector<32x128xf32>
    %get3A_1779 = arith.constant 232 : index
    %get3A_1780 = arith.constant 0 : index
    %get3A_1781 = vector.load %arg3[%get3A_1779, %get3A_1780] : memref<840x128xf32, #tpu.memory_space<vmem>>, vector<32x128xf32>
    %min3A_1782 = vector.broadcast %slice3A_1712 : vector<1x128xf32> to vector<32x128xf32>
    %min3A_1783 = arith.minimumf %min3A_1782, %get3A_1781 : vector<32x128xf32>
    %max3A_1784 = arith.maximumf %min3A_1778, %min3A_1783 : vector<32x128xf32>
    %get3A_1785 = arith.constant 400 : index
    %get3A_1786 = arith.constant 0 : index
    %get3A_1787 = vector.load %arg3[%get3A_1785, %get3A_1786] : memref<840x128xf32, #tpu.memory_space<vmem>>, vector<32x128xf32>
    %min3A_1788 = vector.broadcast %slice3A_1713 : vector<1x128xf32> to vector<32x128xf32>
    %min3A_1789 = arith.minimumf %min3A_1788, %get3A_1787 : vector<32x128xf32>
    %max3A_1790 = arith.maximumf %max3A_1784, %min3A_1789 : vector<32x128xf32>
    %get3A_1791 = arith.constant 568 : index
    %get3A_1792 = arith.constant 0 : index
    %get3A_1793 = vector.load %arg3[%get3A_1791, %get3A_1792] : memref<840x128xf32, #tpu.memory_space<vmem>>, vector<32x128xf32>
    %min3A_1794 = vector.broadcast %slice3A_1714 : vector<1x128xf32> to vector<32x128xf32>
    %min3A_1795 = arith.minimumf %min3A_1794, %get3A_1793 : vector<32x128xf32>
    %max3A_1796 = arith.maximumf %max3A_1790, %min3A_1795 : vector<32x128xf32>
    %get3A_1797 = arith.constant 736 : index
    %get3A_1798 = arith.constant 0 : index
    %get3A_1799 = vector.load %arg3[%get3A_1797, %get3A_1798] : memref<840x128xf32, #tpu.memory_space<vmem>>, vector<32x128xf32>
    %min3A_1800 = vector.broadcast %slice3A_1715 : vector<1x128xf32> to vector<32x128xf32>
    %min3A_1801 = arith.minimumf %min3A_1800, %get3A_1799 : vector<32x128xf32>
    %max3A_1802 = arith.maximumf %max3A_1796, %min3A_1801 : vector<32x128xf32>
    %get3A_1803 = arith.constant 64 : index
    %get3A_1804 = arith.constant 0 : index
    %get3A_1805 = vector.load %arg4[%get3A_1803, %get3A_1804] : memref<168x128xf32, #tpu.memory_space<vmem>>, vector<32x128xf32>
    %mul3A_1806 = arith.mulf %max3A_1802, %get3A_1805 : vector<32x128xf32>
    %reduce_sum3A_1807 = arith.constant dense<0.000000e+00> : vector<128xf32>
    %reduce_sum3A_1808 = vector.multi_reduction <add>, %mul3A_1806, %reduce_sum3A_1807 [0] : vector<32x128xf32> to vector<128xf32>
    %reduce_sum3A_1809 = arith.constant dense<0.000000e+00> : vector<128xf32>
    %reduce_sum3A_1810 = vector.multi_reduction <add>, %max3A_1802, %reduce_sum3A_1809 [0] : vector<32x128xf32> to vector<128xf32>
    %add3A_1811 = arith.addf %add3A_1772, %reduce_sum3A_1808 : vector<128xf32>
    %add3A_1812 = arith.addf %add3A_1773, %reduce_sum3A_1810 : vector<128xf32>
    %get3A_1813 = arith.constant 264 : index
    %get3A_1814 = arith.constant 0 : index
    %get3A_1815 = vector.load %arg3[%get3A_1813, %get3A_1814] : memref<840x128xf32, #tpu.memory_space<vmem>>, vector<40x128xf32>
    %min3A_1816 = vector.broadcast %slice3A_1712 : vector<1x128xf32> to vector<40x128xf32>
    %min3A_1817 = arith.minimumf %min3A_1816, %get3A_1815 : vector<40x128xf32>
    %get3A_1818 = arith.constant 432 : index
    %get3A_1819 = arith.constant 0 : index
    %get3A_1820 = vector.load %arg3[%get3A_1818, %get3A_1819] : memref<840x128xf32, #tpu.memory_space<vmem>>, vector<40x128xf32>
    %min3A_1821 = vector.broadcast %slice3A_1713 : vector<1x128xf32> to vector<40x128xf32>
    %min3A_1822 = arith.minimumf %min3A_1821, %get3A_1820 : vector<40x128xf32>
    %max3A_1823 = arith.maximumf %min3A_1817, %min3A_1822 : vector<40x128xf32>
    %get3A_1824 = arith.constant 600 : index
    %get3A_1825 = arith.constant 0 : index
    %get3A_1826 = vector.load %arg3[%get3A_1824, %get3A_1825] : memref<840x128xf32, #tpu.memory_space<vmem>>, vector<40x128xf32>
    %min3A_1827 = vector.broadcast %slice3A_1714 : vector<1x128xf32> to vector<40x128xf32>
    %min3A_1828 = arith.minimumf %min3A_1827, %get3A_1826 : vector<40x128xf32>
    %max3A_1829 = arith.maximumf %max3A_1823, %min3A_1828 : vector<40x128xf32>
    %get3A_1830 = arith.constant 768 : index
    %get3A_1831 = arith.constant 0 : index
    %get3A_1832 = vector.load %arg3[%get3A_1830, %get3A_1831] : memref<840x128xf32, #tpu.memory_space<vmem>>, vector<40x128xf32>
    %min3A_1833 = vector.broadcast %slice3A_1715 : vector<1x128xf32> to vector<40x128xf32>
    %min3A_1834 = arith.minimumf %min3A_1833, %get3A_1832 : vector<40x128xf32>
    %max3A_1835 = arith.maximumf %max3A_1829, %min3A_1834 : vector<40x128xf32>
    %get3A_1836 = arith.constant 96 : index
    %get3A_1837 = arith.constant 0 : index
    %get3A_1838 = vector.load %arg4[%get3A_1836, %get3A_1837] : memref<168x128xf32, #tpu.memory_space<vmem>>, vector<40x128xf32>
    %mul3A_1839 = arith.mulf %max3A_1835, %get3A_1838 : vector<40x128xf32>
    %reduce_sum3A_1840 = arith.constant dense<0.000000e+00> : vector<128xf32>
    %reduce_sum3A_1841 = vector.multi_reduction <add>, %mul3A_1839, %reduce_sum3A_1840 [0] : vector<40x128xf32> to vector<128xf32>
    %reduce_sum3A_1842 = arith.constant dense<0.000000e+00> : vector<128xf32>
    %reduce_sum3A_1843 = vector.multi_reduction <add>, %max3A_1835, %reduce_sum3A_1842 [0] : vector<40x128xf32> to vector<128xf32>
    %add3A_1844 = arith.addf %add3A_1811, %reduce_sum3A_1841 : vector<128xf32>
    %add3A_1845 = arith.addf %add3A_1812, %reduce_sum3A_1843 : vector<128xf32>
    %get3A_1846 = arith.constant 472 : index
    %get3A_1847 = arith.constant 0 : index
    %get3A_1848 = vector.load %arg3[%get3A_1846, %get3A_1847] : memref<840x128xf32, #tpu.memory_space<vmem>>, vector<32x128xf32>
    %min3A_1849 = vector.broadcast %slice3A_1713 : vector<1x128xf32> to vector<32x128xf32>
    %min3A_1850 = arith.minimumf %min3A_1849, %get3A_1848 : vector<32x128xf32>
    %get3A_1851 = arith.constant 640 : index
    %get3A_1852 = arith.constant 0 : index
    %get3A_1853 = vector.load %arg3[%get3A_1851, %get3A_1852] : memref<840x128xf32, #tpu.memory_space<vmem>>, vector<32x128xf32>
    %min3A_1854 = vector.broadcast %slice3A_1714 : vector<1x128xf32> to vector<32x128xf32>
    %min3A_1855 = arith.minimumf %min3A_1854, %get3A_1853 : vector<32x128xf32>
    %max3A_1856 = arith.maximumf %min3A_1850, %min3A_1855 : vector<32x128xf32>
    %get3A_1857 = arith.constant 808 : index
    %get3A_1858 = arith.constant 0 : index
    %get3A_1859 = vector.load %arg3[%get3A_1857, %get3A_1858] : memref<840x128xf32, #tpu.memory_space<vmem>>, vector<32x128xf32>
    %min3A_1860 = vector.broadcast %slice3A_1715 : vector<1x128xf32> to vector<32x128xf32>
    %min3A_1861 = arith.minimumf %min3A_1860, %get3A_1859 : vector<32x128xf32>
    %max3A_1862 = arith.maximumf %max3A_1856, %min3A_1861 : vector<32x128xf32>
    %get3A_1863 = arith.constant 136 : index
    %get3A_1864 = arith.constant 0 : index
    %get3A_1865 = vector.load %arg4[%get3A_1863, %get3A_1864] : memref<168x128xf32, #tpu.memory_space<vmem>>, vector<32x128xf32>
    %mul3A_1866 = arith.mulf %max3A_1862, %get3A_1865 : vector<32x128xf32>
    %reduce_sum3A_1867 = arith.constant dense<0.000000e+00> : vector<128xf32>
    %reduce_sum3A_1868 = vector.multi_reduction <add>, %mul3A_1866, %reduce_sum3A_1867 [0] : vector<32x128xf32> to vector<128xf32>
    %reduce_sum3A_1869 = arith.constant dense<0.000000e+00> : vector<128xf32>
    %reduce_sum3A_1870 = vector.multi_reduction <add>, %max3A_1862, %reduce_sum3A_1869 [0] : vector<32x128xf32> to vector<128xf32>
    %add3A_1871 = arith.addf %add3A_1844, %reduce_sum3A_1868 : vector<128xf32>
    %add3A_1872 = arith.addf %add3A_1845, %reduce_sum3A_1870 : vector<128xf32>
    %add3A_1873 = arith.constant 9.99999996E-13 : f32
    %add3A_1874 = vector.broadcast %add3A_1873 : f32 to vector<128xf32>
    %add3A_1875 = arith.addf %add3A_1872, %add3A_1874 : vector<128xf32>
    %div3A_1876 = arith.divf %add3A_1871, %add3A_1875 : vector<128xf32>
    %swap3A_1877 = arith.constant 9 : index
    %swap3A_1878 = arith.constant 0 : index
    %swap3A_1879 = vector.load %arg5[%swap3A_1877, %swap3A_1878] : memref<16x128xf32, #tpu.memory_space<vmem>>, vector<1x128xf32>
    %swap3A_1880 = vector.shape_cast %swap3A_1879 : vector<1x128xf32> to vector<128xf32>
    %swap3A_1881 = vector.shape_cast %div3A_1876 : vector<128xf32> to vector<1x128xf32>
    tpu.vector_store %arg5[%swap3A_1877, %swap3A_1878], %swap3A_1881 {strides = array<i32>} : memref<16x128xf32, #tpu.memory_space<vmem>>, vector<1x128xf32>,
    %slice3A_1882 = vector.extract_strided_slice %max3A_140 {offsets = [10, 0], sizes = [1, 128], strides = [1, 1]} : vector<16x128xf32> to vector<1x128xf32>
    %slice3A_1883 = vector.extract_strided_slice %max3A_147 {offsets = [10, 0], sizes = [1, 128], strides = [1, 1]} : vector<16x128xf32> to vector<1x128xf32>
    %slice3A_1884 = vector.extract_strided_slice %max3A_156 {offsets = [10, 0], sizes = [1, 128], strides = [1, 1]} : vector<16x128xf32> to vector<1x128xf32>
    %slice3A_1885 = vector.extract_strided_slice %max3A_163 {offsets = [10, 0], sizes = [1, 128], strides = [1, 1]} : vector<16x128xf32> to vector<1x128xf32>
    %slice3A_1886 = vector.extract_strided_slice %max3A_174 {offsets = [10, 0], sizes = [1, 128], strides = [1, 1]} : vector<16x128xf32> to vector<1x128xf32>
    %get3A_1887 = arith.constant 0 : index
    %get3A_1888 = arith.constant 0 : index
    %get3A_1889 = vector.load %arg3[%get3A_1887, %get3A_1888] : memref<840x128xf32, #tpu.memory_space<vmem>>, vector<24x128xf32>
    %min3A_1890 = vector.broadcast %slice3A_1882 : vector<1x128xf32> to vector<24x128xf32>
    %min3A_1891 = arith.minimumf %min3A_1890, %get3A_1889 : vector<24x128xf32>
    %get3A_1892 = arith.constant 168 : index
    %get3A_1893 = arith.constant 0 : index
    %get3A_1894 = vector.load %arg3[%get3A_1892, %get3A_1893] : memref<840x128xf32, #tpu.memory_space<vmem>>, vector<24x128xf32>
    %min3A_1895 = vector.broadcast %slice3A_1883 : vector<1x128xf32> to vector<24x128xf32>
    %min3A_1896 = arith.minimumf %min3A_1895, %get3A_1894 : vector<24x128xf32>
    %max3A_1897 = arith.maximumf %min3A_1891, %min3A_1896 : vector<24x128xf32>
    %get3A_1898 = arith.constant 336 : index
    %get3A_1899 = arith.constant 0 : index
    %get3A_1900 = vector.load %arg3[%get3A_1898, %get3A_1899] : memref<840x128xf32, #tpu.memory_space<vmem>>, vector<24x128xf32>
    %min3A_1901 = vector.broadcast %slice3A_1884 : vector<1x128xf32> to vector<24x128xf32>
    %min3A_1902 = arith.minimumf %min3A_1901, %get3A_1900 : vector<24x128xf32>
    %max3A_1903 = arith.maximumf %max3A_1897, %min3A_1902 : vector<24x128xf32>
    %get3A_1904 = arith.constant 0 : index
    %get3A_1905 = arith.constant 0 : index
    %get3A_1906 = vector.load %arg4[%get3A_1904, %get3A_1905] : memref<168x128xf32, #tpu.memory_space<vmem>>, vector<24x128xf32>
    %mul3A_1907 = arith.mulf %max3A_1903, %get3A_1906 : vector<24x128xf32>
    %reduce_sum3A_1908 = arith.constant dense<0.000000e+00> : vector<128xf32>
    %reduce_sum3A_1909 = vector.multi_reduction <add>, %mul3A_1907, %reduce_sum3A_1908 [0] : vector<24x128xf32> to vector<128xf32>
    %reduce_sum3A_1910 = arith.constant dense<0.000000e+00> : vector<128xf32>
    %reduce_sum3A_1911 = vector.multi_reduction <add>, %max3A_1903, %reduce_sum3A_1910 [0] : vector<24x128xf32> to vector<128xf32>
    %get3A_1912 = arith.constant 24 : index
    %get3A_1913 = arith.constant 0 : index
    %get3A_1914 = vector.load %arg3[%get3A_1912, %get3A_1913] : memref<840x128xf32, #tpu.memory_space<vmem>>, vector<40x128xf32>
    %min3A_1915 = vector.broadcast %slice3A_1882 : vector<1x128xf32> to vector<40x128xf32>
    %min3A_1916 = arith.minimumf %min3A_1915, %get3A_1914 : vector<40x128xf32>
    %get3A_1917 = arith.constant 192 : index
    %get3A_1918 = arith.constant 0 : index
    %get3A_1919 = vector.load %arg3[%get3A_1917, %get3A_1918] : memref<840x128xf32, #tpu.memory_space<vmem>>, vector<40x128xf32>
    %min3A_1920 = vector.broadcast %slice3A_1883 : vector<1x128xf32> to vector<40x128xf32>
    %min3A_1921 = arith.minimumf %min3A_1920, %get3A_1919 : vector<40x128xf32>
    %max3A_1922 = arith.maximumf %min3A_1916, %min3A_1921 : vector<40x128xf32>
    %get3A_1923 = arith.constant 360 : index
    %get3A_1924 = arith.constant 0 : index
    %get3A_1925 = vector.load %arg3[%get3A_1923, %get3A_1924] : memref<840x128xf32, #tpu.memory_space<vmem>>, vector<40x128xf32>
    %min3A_1926 = vector.broadcast %slice3A_1884 : vector<1x128xf32> to vector<40x128xf32>
    %min3A_1927 = arith.minimumf %min3A_1926, %get3A_1925 : vector<40x128xf32>
    %max3A_1928 = arith.maximumf %max3A_1922, %min3A_1927 : vector<40x128xf32>
    %get3A_1929 = arith.constant 528 : index
    %get3A_1930 = arith.constant 0 : index
    %get3A_1931 = vector.load %arg3[%get3A_1929, %get3A_1930] : memref<840x128xf32, #tpu.memory_space<vmem>>, vector<40x128xf32>
    %min3A_1932 = vector.broadcast %slice3A_1885 : vector<1x128xf32> to vector<40x128xf32>
    %min3A_1933 = arith.minimumf %min3A_1932, %get3A_1931 : vector<40x128xf32>
    %max3A_1934 = arith.maximumf %max3A_1928, %min3A_1933 : vector<40x128xf32>
    %get3A_1935 = arith.constant 24 : index
    %get3A_1936 = arith.constant 0 : index
    %get3A_1937 = vector.load %arg4[%get3A_1935, %get3A_1936] : memref<168x128xf32, #tpu.memory_space<vmem>>, vector<40x128xf32>
    %mul3A_1938 = arith.mulf %max3A_1934, %get3A_1937 : vector<40x128xf32>
    %reduce_sum3A_1939 = arith.constant dense<0.000000e+00> : vector<128xf32>
    %reduce_sum3A_1940 = vector.multi_reduction <add>, %mul3A_1938, %reduce_sum3A_1939 [0] : vector<40x128xf32> to vector<128xf32>
    %reduce_sum3A_1941 = arith.constant dense<0.000000e+00> : vector<128xf32>
    %reduce_sum3A_1942 = vector.multi_reduction <add>, %max3A_1934, %reduce_sum3A_1941 [0] : vector<40x128xf32> to vector<128xf32>
    %add3A_1943 = arith.addf %reduce_sum3A_1909, %reduce_sum3A_1940 : vector<128xf32>
    %add3A_1944 = arith.addf %reduce_sum3A_1911, %reduce_sum3A_1942 : vector<128xf32>
    %get3A_1945 = arith.constant 64 : index
    %get3A_1946 = arith.constant 0 : index
    %get3A_1947 = vector.load %arg3[%get3A_1945, %get3A_1946] : memref<840x128xf32, #tpu.memory_space<vmem>>, vector<32x128xf32>
    %min3A_1948 = vector.broadcast %slice3A_1882 : vector<1x128xf32> to vector<32x128xf32>
    %min3A_1949 = arith.minimumf %min3A_1948, %get3A_1947 : vector<32x128xf32>
    %get3A_1950 = arith.constant 232 : index
    %get3A_1951 = arith.constant 0 : index
    %get3A_1952 = vector.load %arg3[%get3A_1950, %get3A_1951] : memref<840x128xf32, #tpu.memory_space<vmem>>, vector<32x128xf32>
    %min3A_1953 = vector.broadcast %slice3A_1883 : vector<1x128xf32> to vector<32x128xf32>
    %min3A_1954 = arith.minimumf %min3A_1953, %get3A_1952 : vector<32x128xf32>
    %max3A_1955 = arith.maximumf %min3A_1949, %min3A_1954 : vector<32x128xf32>
    %get3A_1956 = arith.constant 400 : index
    %get3A_1957 = arith.constant 0 : index
    %get3A_1958 = vector.load %arg3[%get3A_1956, %get3A_1957] : memref<840x128xf32, #tpu.memory_space<vmem>>, vector<32x128xf32>
    %min3A_1959 = vector.broadcast %slice3A_1884 : vector<1x128xf32> to vector<32x128xf32>
    %min3A_1960 = arith.minimumf %min3A_1959, %get3A_1958 : vector<32x128xf32>
    %max3A_1961 = arith.maximumf %max3A_1955, %min3A_1960 : vector<32x128xf32>
    %get3A_1962 = arith.constant 568 : index
    %get3A_1963 = arith.constant 0 : index
    %get3A_1964 = vector.load %arg3[%get3A_1962, %get3A_1963] : memref<840x128xf32, #tpu.memory_space<vmem>>, vector<32x128xf32>
    %min3A_1965 = vector.broadcast %slice3A_1885 : vector<1x128xf32> to vector<32x128xf32>
    %min3A_1966 = arith.minimumf %min3A_1965, %get3A_1964 : vector<32x128xf32>
    %max3A_1967 = arith.maximumf %max3A_1961, %min3A_1966 : vector<32x128xf32>
    %get3A_1968 = arith.constant 736 : index
    %get3A_1969 = arith.constant 0 : index
    %get3A_1970 = vector.load %arg3[%get3A_1968, %get3A_1969] : memref<840x128xf32, #tpu.memory_space<vmem>>, vector<32x128xf32>
    %min3A_1971 = vector.broadcast %slice3A_1886 : vector<1x128xf32> to vector<32x128xf32>
    %min3A_1972 = arith.minimumf %min3A_1971, %get3A_1970 : vector<32x128xf32>
    %max3A_1973 = arith.maximumf %max3A_1967, %min3A_1972 : vector<32x128xf32>
    %get3A_1974 = arith.constant 64 : index
    %get3A_1975 = arith.constant 0 : index
    %get3A_1976 = vector.load %arg4[%get3A_1974, %get3A_1975] : memref<168x128xf32, #tpu.memory_space<vmem>>, vector<32x128xf32>
    %mul3A_1977 = arith.mulf %max3A_1973, %get3A_1976 : vector<32x128xf32>
    %reduce_sum3A_1978 = arith.constant dense<0.000000e+00> : vector<128xf32>
    %reduce_sum3A_1979 = vector.multi_reduction <add>, %mul3A_1977, %reduce_sum3A_1978 [0] : vector<32x128xf32> to vector<128xf32>
    %reduce_sum3A_1980 = arith.constant dense<0.000000e+00> : vector<128xf32>
    %reduce_sum3A_1981 = vector.multi_reduction <add>, %max3A_1973, %reduce_sum3A_1980 [0] : vector<32x128xf32> to vector<128xf32>
    %add3A_1982 = arith.addf %add3A_1943, %reduce_sum3A_1979 : vector<128xf32>
    %add3A_1983 = arith.addf %add3A_1944, %reduce_sum3A_1981 : vector<128xf32>
    %get3A_1984 = arith.constant 264 : index
    %get3A_1985 = arith.constant 0 : index
    %get3A_1986 = vector.load %arg3[%get3A_1984, %get3A_1985] : memref<840x128xf32, #tpu.memory_space<vmem>>, vector<40x128xf32>
    %min3A_1987 = vector.broadcast %slice3A_1883 : vector<1x128xf32> to vector<40x128xf32>
    %min3A_1988 = arith.minimumf %min3A_1987, %get3A_1986 : vector<40x128xf32>
    %get3A_1989 = arith.constant 432 : index
    %get3A_1990 = arith.constant 0 : index
    %get3A_1991 = vector.load %arg3[%get3A_1989, %get3A_1990] : memref<840x128xf32, #tpu.memory_space<vmem>>, vector<40x128xf32>
    %min3A_1992 = vector.broadcast %slice3A_1884 : vector<1x128xf32> to vector<40x128xf32>
    %min3A_1993 = arith.minimumf %min3A_1992, %get3A_1991 : vector<40x128xf32>
    %max3A_1994 = arith.maximumf %min3A_1988, %min3A_1993 : vector<40x128xf32>
    %get3A_1995 = arith.constant 600 : index
    %get3A_1996 = arith.constant 0 : index
    %get3A_1997 = vector.load %arg3[%get3A_1995, %get3A_1996] : memref<840x128xf32, #tpu.memory_space<vmem>>, vector<40x128xf32>
    %min3A_1998 = vector.broadcast %slice3A_1885 : vector<1x128xf32> to vector<40x128xf32>
    %min3A_1999 = arith.minimumf %min3A_1998, %get3A_1997 : vector<40x128xf32>
    %max3A_2000 = arith.maximumf %max3A_1994, %min3A_1999 : vector<40x128xf32>
    %get3A_2001 = arith.constant 768 : index
    %get3A_2002 = arith.constant 0 : index
    %get3A_2003 = vector.load %arg3[%get3A_2001, %get3A_2002] : memref<840x128xf32, #tpu.memory_space<vmem>>, vector<40x128xf32>
    %min3A_2004 = vector.broadcast %slice3A_1886 : vector<1x128xf32> to vector<40x128xf32>
    %min3A_2005 = arith.minimumf %min3A_2004, %get3A_2003 : vector<40x128xf32>
    %max3A_2006 = arith.maximumf %max3A_2000, %min3A_2005 : vector<40x128xf32>
    %get3A_2007 = arith.constant 96 : index
    %get3A_2008 = arith.constant 0 : index
    %get3A_2009 = vector.load %arg4[%get3A_2007, %get3A_2008] : memref<168x128xf32, #tpu.memory_space<vmem>>, vector<40x128xf32>
    %mul3A_2010 = arith.mulf %max3A_2006, %get3A_2009 : vector<40x128xf32>
    %reduce_sum3A_2011 = arith.constant dense<0.000000e+00> : vector<128xf32>
    %reduce_sum3A_2012 = vector.multi_reduction <add>, %mul3A_2010, %reduce_sum3A_2011 [0] : vector<40x128xf32> to vector<128xf32>
    %reduce_sum3A_2013 = arith.constant dense<0.000000e+00> : vector<128xf32>
    %reduce_sum3A_2014 = vector.multi_reduction <add>, %max3A_2006, %reduce_sum3A_2013 [0] : vector<40x128xf32> to vector<128xf32>
    %add3A_2015 = arith.addf %add3A_1982, %reduce_sum3A_2012 : vector<128xf32>
    %add3A_2016 = arith.addf %add3A_1983, %reduce_sum3A_2014 : vector<128xf32>
    %get3A_2017 = arith.constant 472 : index
    %get3A_2018 = arith.constant 0 : index
    %get3A_2019 = vector.load %arg3[%get3A_2017, %get3A_2018] : memref<840x128xf32, #tpu.memory_space<vmem>>, vector<32x128xf32>
    %min3A_2020 = vector.broadcast %slice3A_1884 : vector<1x128xf32> to vector<32x128xf32>
    %min3A_2021 = arith.minimumf %min3A_2020, %get3A_2019 : vector<32x128xf32>
    %get3A_2022 = arith.constant 640 : index
    %get3A_2023 = arith.constant 0 : index
    %get3A_2024 = vector.load %arg3[%get3A_2022, %get3A_2023] : memref<840x128xf32, #tpu.memory_space<vmem>>, vector<32x128xf32>
    %min3A_2025 = vector.broadcast %slice3A_1885 : vector<1x128xf32> to vector<32x128xf32>
    %min3A_2026 = arith.minimumf %min3A_2025, %get3A_2024 : vector<32x128xf32>
    %max3A_2027 = arith.maximumf %min3A_2021, %min3A_2026 : vector<32x128xf32>
    %get3A_2028 = arith.constant 808 : index
    %get3A_2029 = arith.constant 0 : index
    %get3A_2030 = vector.load %arg3[%get3A_2028, %get3A_2029] : memref<840x128xf32, #tpu.memory_space<vmem>>, vector<32x128xf32>
    %min3A_2031 = vector.broadcast %slice3A_1886 : vector<1x128xf32> to vector<32x128xf32>
    %min3A_2032 = arith.minimumf %min3A_2031, %get3A_2030 : vector<32x128xf32>
    %max3A_2033 = arith.maximumf %max3A_2027, %min3A_2032 : vector<32x128xf32>
    %get3A_2034 = arith.constant 136 : index
    %get3A_2035 = arith.constant 0 : index
    %get3A_2036 = vector.load %arg4[%get3A_2034, %get3A_2035] : memref<168x128xf32, #tpu.memory_space<vmem>>, vector<32x128xf32>
    %mul3A_2037 = arith.mulf %max3A_2033, %get3A_2036 : vector<32x128xf32>
    %reduce_sum3A_2038 = arith.constant dense<0.000000e+00> : vector<128xf32>
    %reduce_sum3A_2039 = vector.multi_reduction <add>, %mul3A_2037, %reduce_sum3A_2038 [0] : vector<32x128xf32> to vector<128xf32>
    %reduce_sum3A_2040 = arith.constant dense<0.000000e+00> : vector<128xf32>
    %reduce_sum3A_2041 = vector.multi_reduction <add>, %max3A_2033, %reduce_sum3A_2040 [0] : vector<32x128xf32> to vector<128xf32>
    %add3A_2042 = arith.addf %add3A_2015, %reduce_sum3A_2039 : vector<128xf32>
    %add3A_2043 = arith.addf %add3A_2016, %reduce_sum3A_2041 : vector<128xf32>
    %add3A_2044 = arith.constant 9.99999996E-13 : f32
    %add3A_2045 = vector.broadcast %add3A_2044 : f32 to vector<128xf32>
    %add3A_2046 = arith.addf %add3A_2043, %add3A_2045 : vector<128xf32>
    %div3A_2047 = arith.divf %add3A_2042, %add3A_2046 : vector<128xf32>
    %swap3A_2048 = arith.constant 10 : index
    %swap3A_2049 = arith.constant 0 : index
    %swap3A_2050 = vector.load %arg5[%swap3A_2048, %swap3A_2049] : memref<16x128xf32, #tpu.memory_space<vmem>>, vector<1x128xf32>
    %swap3A_2051 = vector.shape_cast %swap3A_2050 : vector<1x128xf32> to vector<128xf32>
    %swap3A_2052 = vector.shape_cast %div3A_2047 : vector<128xf32> to vector<1x128xf32>
    tpu.vector_store %arg5[%swap3A_2048, %swap3A_2049], %swap3A_2052 {strides = array<i32>} : memref<16x128xf32, #tpu.memory_space<vmem>>, vector<1x128xf32>,
    %slice3A_2053 = vector.extract_strided_slice %max3A_140 {offsets = [11, 0], sizes = [1, 128], strides = [1, 1]} : vector<16x128xf32> to vector<1x128xf32>
    %slice3A_2054 = vector.extract_strided_slice %max3A_147 {offsets = [11, 0], sizes = [1, 128], strides = [1, 1]} : vector<16x128xf32> to vector<1x128xf32>
    %slice3A_2055 = vector.extract_strided_slice %max3A_156 {offsets = [11, 0], sizes = [1, 128], strides = [1, 1]} : vector<16x128xf32> to vector<1x128xf32>
    %slice3A_2056 = vector.extract_strided_slice %max3A_163 {offsets = [11, 0], sizes = [1, 128], strides = [1, 1]} : vector<16x128xf32> to vector<1x128xf32>
    %slice3A_2057 = vector.extract_strided_slice %max3A_174 {offsets = [11, 0], sizes = [1, 128], strides = [1, 1]} : vector<16x128xf32> to vector<1x128xf32>
    %get3A_2058 = arith.constant 0 : index
    %get3A_2059 = arith.constant 0 : index
    %get3A_2060 = vector.load %arg3[%get3A_2058, %get3A_2059] : memref<840x128xf32, #tpu.memory_space<vmem>>, vector<24x128xf32>
    %min3A_2061 = vector.broadcast %slice3A_2053 : vector<1x128xf32> to vector<24x128xf32>
    %min3A_2062 = arith.minimumf %min3A_2061, %get3A_2060 : vector<24x128xf32>
    %get3A_2063 = arith.constant 168 : index
    %get3A_2064 = arith.constant 0 : index
    %get3A_2065 = vector.load %arg3[%get3A_2063, %get3A_2064] : memref<840x128xf32, #tpu.memory_space<vmem>>, vector<24x128xf32>
    %min3A_2066 = vector.broadcast %slice3A_2054 : vector<1x128xf32> to vector<24x128xf32>
    %min3A_2067 = arith.minimumf %min3A_2066, %get3A_2065 : vector<24x128xf32>
    %max3A_2068 = arith.maximumf %min3A_2062, %min3A_2067 : vector<24x128xf32>
    %get3A_2069 = arith.constant 336 : index
    %get3A_2070 = arith.constant 0 : index
    %get3A_2071 = vector.load %arg3[%get3A_2069, %get3A_2070] : memref<840x128xf32, #tpu.memory_space<vmem>>, vector<24x128xf32>
    %min3A_2072 = vector.broadcast %slice3A_2055 : vector<1x128xf32> to vector<24x128xf32>
    %min3A_2073 = arith.minimumf %min3A_2072, %get3A_2071 : vector<24x128xf32>
    %max3A_2074 = arith.maximumf %max3A_2068, %min3A_2073 : vector<24x128xf32>
    %get3A_2075 = arith.constant 0 : index
    %get3A_2076 = arith.constant 0 : index
    %get3A_2077 = vector.load %arg4[%get3A_2075, %get3A_2076] : memref<168x128xf32, #tpu.memory_space<vmem>>, vector<24x128xf32>
    %mul3A_2078 = arith.mulf %max3A_2074, %get3A_2077 : vector<24x128xf32>
    %reduce_sum3A_2079 = arith.constant dense<0.000000e+00> : vector<128xf32>
    %reduce_sum3A_2080 = vector.multi_reduction <add>, %mul3A_2078, %reduce_sum3A_2079 [0] : vector<24x128xf32> to vector<128xf32>
    %reduce_sum3A_2081 = arith.constant dense<0.000000e+00> : vector<128xf32>
    %reduce_sum3A_2082 = vector.multi_reduction <add>, %max3A_2074, %reduce_sum3A_2081 [0] : vector<24x128xf32> to vector<128xf32>
    %get3A_2083 = arith.constant 24 : index
    %get3A_2084 = arith.constant 0 : index
    %get3A_2085 = vector.load %arg3[%get3A_2083, %get3A_2084] : memref<840x128xf32, #tpu.memory_space<vmem>>, vector<40x128xf32>
    %min3A_2086 = vector.broadcast %slice3A_2053 : vector<1x128xf32> to vector<40x128xf32>
    %min3A_2087 = arith.minimumf %min3A_2086, %get3A_2085 : vector<40x128xf32>
    %get3A_2088 = arith.constant 192 : index
    %get3A_2089 = arith.constant 0 : index
    %get3A_2090 = vector.load %arg3[%get3A_2088, %get3A_2089] : memref<840x128xf32, #tpu.memory_space<vmem>>, vector<40x128xf32>
    %min3A_2091 = vector.broadcast %slice3A_2054 : vector<1x128xf32> to vector<40x128xf32>
    %min3A_2092 = arith.minimumf %min3A_2091, %get3A_2090 : vector<40x128xf32>
    %max3A_2093 = arith.maximumf %min3A_2087, %min3A_2092 : vector<40x128xf32>
    %get3A_2094 = arith.constant 360 : index
    %get3A_2095 = arith.constant 0 : index
    %get3A_2096 = vector.load %arg3[%get3A_2094, %get3A_2095] : memref<840x128xf32, #tpu.memory_space<vmem>>, vector<40x128xf32>
    %min3A_2097 = vector.broadcast %slice3A_2055 : vector<1x128xf32> to vector<40x128xf32>
    %min3A_2098 = arith.minimumf %min3A_2097, %get3A_2096 : vector<40x128xf32>
    %max3A_2099 = arith.maximumf %max3A_2093, %min3A_2098 : vector<40x128xf32>
    %get3A_2100 = arith.constant 528 : index
    %get3A_2101 = arith.constant 0 : index
    %get3A_2102 = vector.load %arg3[%get3A_2100, %get3A_2101] : memref<840x128xf32, #tpu.memory_space<vmem>>, vector<40x128xf32>
    %min3A_2103 = vector.broadcast %slice3A_2056 : vector<1x128xf32> to vector<40x128xf32>
    %min3A_2104 = arith.minimumf %min3A_2103, %get3A_2102 : vector<40x128xf32>
    %max3A_2105 = arith.maximumf %max3A_2099, %min3A_2104 : vector<40x128xf32>
    %get3A_2106 = arith.constant 24 : index
    %get3A_2107 = arith.constant 0 : index
    %get3A_2108 = vector.load %arg4[%get3A_2106, %get3A_2107] : memref<168x128xf32, #tpu.memory_space<vmem>>, vector<40x128xf32>
    %mul3A_2109 = arith.mulf %max3A_2105, %get3A_2108 : vector<40x128xf32>
    %reduce_sum3A_2110 = arith.constant dense<0.000000e+00> : vector<128xf32>
    %reduce_sum3A_2111 = vector.multi_reduction <add>, %mul3A_2109, %reduce_sum3A_2110 [0] : vector<40x128xf32> to vector<128xf32>
    %reduce_sum3A_2112 = arith.constant dense<0.000000e+00> : vector<128xf32>
    %reduce_sum3A_2113 = vector.multi_reduction <add>, %max3A_2105, %reduce_sum3A_2112 [0] : vector<40x128xf32> to vector<128xf32>
    %add3A_2114 = arith.addf %reduce_sum3A_2080, %reduce_sum3A_2111 : vector<128xf32>
    %add3A_2115 = arith.addf %reduce_sum3A_2082, %reduce_sum3A_2113 : vector<128xf32>
    %get3A_2116 = arith.constant 64 : index
    %get3A_2117 = arith.constant 0 : index
    %get3A_2118 = vector.load %arg3[%get3A_2116, %get3A_2117] : memref<840x128xf32, #tpu.memory_space<vmem>>, vector<32x128xf32>
    %min3A_2119 = vector.broadcast %slice3A_2053 : vector<1x128xf32> to vector<32x128xf32>
    %min3A_2120 = arith.minimumf %min3A_2119, %get3A_2118 : vector<32x128xf32>
    %get3A_2121 = arith.constant 232 : index
    %get3A_2122 = arith.constant 0 : index
    %get3A_2123 = vector.load %arg3[%get3A_2121, %get3A_2122] : memref<840x128xf32, #tpu.memory_space<vmem>>, vector<32x128xf32>
    %min3A_2124 = vector.broadcast %slice3A_2054 : vector<1x128xf32> to vector<32x128xf32>
    %min3A_2125 = arith.minimumf %min3A_2124, %get3A_2123 : vector<32x128xf32>
    %max3A_2126 = arith.maximumf %min3A_2120, %min3A_2125 : vector<32x128xf32>
    %get3A_2127 = arith.constant 400 : index
    %get3A_2128 = arith.constant 0 : index
    %get3A_2129 = vector.load %arg3[%get3A_2127, %get3A_2128] : memref<840x128xf32, #tpu.memory_space<vmem>>, vector<32x128xf32>
    %min3A_2130 = vector.broadcast %slice3A_2055 : vector<1x128xf32> to vector<32x128xf32>
    %min3A_2131 = arith.minimumf %min3A_2130, %get3A_2129 : vector<32x128xf32>
    %max3A_2132 = arith.maximumf %max3A_2126, %min3A_2131 : vector<32x128xf32>
    %get3A_2133 = arith.constant 568 : index
    %get3A_2134 = arith.constant 0 : index
    %get3A_2135 = vector.load %arg3[%get3A_2133, %get3A_2134] : memref<840x128xf32, #tpu.memory_space<vmem>>, vector<32x128xf32>
    %min3A_2136 = vector.broadcast %slice3A_2056 : vector<1x128xf32> to vector<32x128xf32>
    %min3A_2137 = arith.minimumf %min3A_2136, %get3A_2135 : vector<32x128xf32>
    %max3A_2138 = arith.maximumf %max3A_2132, %min3A_2137 : vector<32x128xf32>
    %get3A_2139 = arith.constant 736 : index
    %get3A_2140 = arith.constant 0 : index
    %get3A_2141 = vector.load %arg3[%get3A_2139, %get3A_2140] : memref<840x128xf32, #tpu.memory_space<vmem>>, vector<32x128xf32>
    %min3A_2142 = vector.broadcast %slice3A_2057 : vector<1x128xf32> to vector<32x128xf32>
    %min3A_2143 = arith.minimumf %min3A_2142, %get3A_2141 : vector<32x128xf32>
    %max3A_2144 = arith.maximumf %max3A_2138, %min3A_2143 : vector<32x128xf32>
    %get3A_2145 = arith.constant 64 : index
    %get3A_2146 = arith.constant 0 : index
    %get3A_2147 = vector.load %arg4[%get3A_2145, %get3A_2146] : memref<168x128xf32, #tpu.memory_space<vmem>>, vector<32x128xf32>
    %mul3A_2148 = arith.mulf %max3A_2144, %get3A_2147 : vector<32x128xf32>
    %reduce_sum3A_2149 = arith.constant dense<0.000000e+00> : vector<128xf32>
    %reduce_sum3A_2150 = vector.multi_reduction <add>, %mul3A_2148, %reduce_sum3A_2149 [0] : vector<32x128xf32> to vector<128xf32>
    %reduce_sum3A_2151 = arith.constant dense<0.000000e+00> : vector<128xf32>
    %reduce_sum3A_2152 = vector.multi_reduction <add>, %max3A_2144, %reduce_sum3A_2151 [0] : vector<32x128xf32> to vector<128xf32>
    %add3A_2153 = arith.addf %add3A_2114, %reduce_sum3A_2150 : vector<128xf32>
    %add3A_2154 = arith.addf %add3A_2115, %reduce_sum3A_2152 : vector<128xf32>
    %get3A_2155 = arith.constant 264 : index
    %get3A_2156 = arith.constant 0 : index
    %get3A_2157 = vector.load %arg3[%get3A_2155, %get3A_2156] : memref<840x128xf32, #tpu.memory_space<vmem>>, vector<40x128xf32>
    %min3A_2158 = vector.broadcast %slice3A_2054 : vector<1x128xf32> to vector<40x128xf32>
    %min3A_2159 = arith.minimumf %min3A_2158, %get3A_2157 : vector<40x128xf32>
    %get3A_2160 = arith.constant 432 : index
    %get3A_2161 = arith.constant 0 : index
    %get3A_2162 = vector.load %arg3[%get3A_2160, %get3A_2161] : memref<840x128xf32, #tpu.memory_space<vmem>>, vector<40x128xf32>
    %min3A_2163 = vector.broadcast %slice3A_2055 : vector<1x128xf32> to vector<40x128xf32>
    %min3A_2164 = arith.minimumf %min3A_2163, %get3A_2162 : vector<40x128xf32>
    %max3A_2165 = arith.maximumf %min3A_2159, %min3A_2164 : vector<40x128xf32>
    %get3A_2166 = arith.constant 600 : index
    %get3A_2167 = arith.constant 0 : index
    %get3A_2168 = vector.load %arg3[%get3A_2166, %get3A_2167] : memref<840x128xf32, #tpu.memory_space<vmem>>, vector<40x128xf32>
    %min3A_2169 = vector.broadcast %slice3A_2056 : vector<1x128xf32> to vector<40x128xf32>
    %min3A_2170 = arith.minimumf %min3A_2169, %get3A_2168 : vector<40x128xf32>
    %max3A_2171 = arith.maximumf %max3A_2165, %min3A_2170 : vector<40x128xf32>
    %get3A_2172 = arith.constant 768 : index
    %get3A_2173 = arith.constant 0 : index
    %get3A_2174 = vector.load %arg3[%get3A_2172, %get3A_2173] : memref<840x128xf32, #tpu.memory_space<vmem>>, vector<40x128xf32>
    %min3A_2175 = vector.broadcast %slice3A_2057 : vector<1x128xf32> to vector<40x128xf32>
    %min3A_2176 = arith.minimumf %min3A_2175, %get3A_2174 : vector<40x128xf32>
    %max3A_2177 = arith.maximumf %max3A_2171, %min3A_2176 : vector<40x128xf32>
    %get3A_2178 = arith.constant 96 : index
    %get3A_2179 = arith.constant 0 : index
    %get3A_2180 = vector.load %arg4[%get3A_2178, %get3A_2179] : memref<168x128xf32, #tpu.memory_space<vmem>>, vector<40x128xf32>
    %mul3A_2181 = arith.mulf %max3A_2177, %get3A_2180 : vector<40x128xf32>
    %reduce_sum3A_2182 = arith.constant dense<0.000000e+00> : vector<128xf32>
    %reduce_sum3A_2183 = vector.multi_reduction <add>, %mul3A_2181, %reduce_sum3A_2182 [0] : vector<40x128xf32> to vector<128xf32>
    %reduce_sum3A_2184 = arith.constant dense<0.000000e+00> : vector<128xf32>
    %reduce_sum3A_2185 = vector.multi_reduction <add>, %max3A_2177, %reduce_sum3A_2184 [0] : vector<40x128xf32> to vector<128xf32>
    %add3A_2186 = arith.addf %add3A_2153, %reduce_sum3A_2183 : vector<128xf32>
    %add3A_2187 = arith.addf %add3A_2154, %reduce_sum3A_2185 : vector<128xf32>
    %get3A_2188 = arith.constant 472 : index
    %get3A_2189 = arith.constant 0 : index
    %get3A_2190 = vector.load %arg3[%get3A_2188, %get3A_2189] : memref<840x128xf32, #tpu.memory_space<vmem>>, vector<32x128xf32>
    %min3A_2191 = vector.broadcast %slice3A_2055 : vector<1x128xf32> to vector<32x128xf32>
    %min3A_2192 = arith.minimumf %min3A_2191, %get3A_2190 : vector<32x128xf32>
    %get3A_2193 = arith.constant 640 : index
    %get3A_2194 = arith.constant 0 : index
    %get3A_2195 = vector.load %arg3[%get3A_2193, %get3A_2194] : memref<840x128xf32, #tpu.memory_space<vmem>>, vector<32x128xf32>
    %min3A_2196 = vector.broadcast %slice3A_2056 : vector<1x128xf32> to vector<32x128xf32>
    %min3A_2197 = arith.minimumf %min3A_2196, %get3A_2195 : vector<32x128xf32>
    %max3A_2198 = arith.maximumf %min3A_2192, %min3A_2197 : vector<32x128xf32>
    %get3A_2199 = arith.constant 808 : index
    %get3A_2200 = arith.constant 0 : index
    %get3A_2201 = vector.load %arg3[%get3A_2199, %get3A_2200] : memref<840x128xf32, #tpu.memory_space<vmem>>, vector<32x128xf32>
    %min3A_2202 = vector.broadcast %slice3A_2057 : vector<1x128xf32> to vector<32x128xf32>
    %min3A_2203 = arith.minimumf %min3A_2202, %get3A_2201 : vector<32x128xf32>
    %max3A_2204 = arith.maximumf %max3A_2198, %min3A_2203 : vector<32x128xf32>
    %get3A_2205 = arith.constant 136 : index
    %get3A_2206 = arith.constant 0 : index
    %get3A_2207 = vector.load %arg4[%get3A_2205, %get3A_2206] : memref<168x128xf32, #tpu.memory_space<vmem>>, vector<32x128xf32>
    %mul3A_2208 = arith.mulf %max3A_2204, %get3A_2207 : vector<32x128xf32>
    %reduce_sum3A_2209 = arith.constant dense<0.000000e+00> : vector<128xf32>
    %reduce_sum3A_2210 = vector.multi_reduction <add>, %mul3A_2208, %reduce_sum3A_2209 [0] : vector<32x128xf32> to vector<128xf32>
    %reduce_sum3A_2211 = arith.constant dense<0.000000e+00> : vector<128xf32>
    %reduce_sum3A_2212 = vector.multi_reduction <add>, %max3A_2204, %reduce_sum3A_2211 [0] : vector<32x128xf32> to vector<128xf32>
    %add3A_2213 = arith.addf %add3A_2186, %reduce_sum3A_2210 : vector<128xf32>
    %add3A_2214 = arith.addf %add3A_2187, %reduce_sum3A_2212 : vector<128xf32>
    %add3A_2215 = arith.constant 9.99999996E-13 : f32
    %add3A_2216 = vector.broadcast %add3A_2215 : f32 to vector<128xf32>
    %add3A_2217 = arith.addf %add3A_2214, %add3A_2216 : vector<128xf32>
    %div3A_2218 = arith.divf %add3A_2213, %add3A_2217 : vector<128xf32>
    %swap3A_2219 = arith.constant 11 : index
    %swap3A_2220 = arith.constant 0 : index
    %swap3A_2221 = vector.load %arg5[%swap3A_2219, %swap3A_2220] : memref<16x128xf32, #tpu.memory_space<vmem>>, vector<1x128xf32>
    %swap3A_2222 = vector.shape_cast %swap3A_2221 : vector<1x128xf32> to vector<128xf32>
    %swap3A_2223 = vector.shape_cast %div3A_2218 : vector<128xf32> to vector<1x128xf32>
    tpu.vector_store %arg5[%swap3A_2219, %swap3A_2220], %swap3A_2223 {strides = array<i32>} : memref<16x128xf32, #tpu.memory_space<vmem>>, vector<1x128xf32>,
    %slice3A_2224 = vector.extract_strided_slice %max3A_140 {offsets = [12, 0], sizes = [1, 128], strides = [1, 1]} : vector<16x128xf32> to vector<1x128xf32>
    %slice3A_2225 = vector.extract_strided_slice %max3A_147 {offsets = [12, 0], sizes = [1, 128], strides = [1, 1]} : vector<16x128xf32> to vector<1x128xf32>
    %slice3A_2226 = vector.extract_strided_slice %max3A_156 {offsets = [12, 0], sizes = [1, 128], strides = [1, 1]} : vector<16x128xf32> to vector<1x128xf32>
    %slice3A_2227 = vector.extract_strided_slice %max3A_163 {offsets = [12, 0], sizes = [1, 128], strides = [1, 1]} : vector<16x128xf32> to vector<1x128xf32>
    %slice3A_2228 = vector.extract_strided_slice %max3A_174 {offsets = [12, 0], sizes = [1, 128], strides = [1, 1]} : vector<16x128xf32> to vector<1x128xf32>
    %get3A_2229 = arith.constant 0 : index
    %get3A_2230 = arith.constant 0 : index
    %get3A_2231 = vector.load %arg3[%get3A_2229, %get3A_2230] : memref<840x128xf32, #tpu.memory_space<vmem>>, vector<24x128xf32>
    %min3A_2232 = vector.broadcast %slice3A_2224 : vector<1x128xf32> to vector<24x128xf32>
    %min3A_2233 = arith.minimumf %min3A_2232, %get3A_2231 : vector<24x128xf32>
    %get3A_2234 = arith.constant 168 : index
    %get3A_2235 = arith.constant 0 : index
    %get3A_2236 = vector.load %arg3[%get3A_2234, %get3A_2235] : memref<840x128xf32, #tpu.memory_space<vmem>>, vector<24x128xf32>
    %min3A_2237 = vector.broadcast %slice3A_2225 : vector<1x128xf32> to vector<24x128xf32>
    %min3A_2238 = arith.minimumf %min3A_2237, %get3A_2236 : vector<24x128xf32>
    %max3A_2239 = arith.maximumf %min3A_2233, %min3A_2238 : vector<24x128xf32>
    %get3A_2240 = arith.constant 336 : index
    %get3A_2241 = arith.constant 0 : index
    %get3A_2242 = vector.load %arg3[%get3A_2240, %get3A_2241] : memref<840x128xf32, #tpu.memory_space<vmem>>, vector<24x128xf32>
    %min3A_2243 = vector.broadcast %slice3A_2226 : vector<1x128xf32> to vector<24x128xf32>
    %min3A_2244 = arith.minimumf %min3A_2243, %get3A_2242 : vector<24x128xf32>
    %max3A_2245 = arith.maximumf %max3A_2239, %min3A_2244 : vector<24x128xf32>
    %get3A_2246 = arith.constant 0 : index
    %get3A_2247 = arith.constant 0 : index
    %get3A_2248 = vector.load %arg4[%get3A_2246, %get3A_2247] : memref<168x128xf32, #tpu.memory_space<vmem>>, vector<24x128xf32>
    %mul3A_2249 = arith.mulf %max3A_2245, %get3A_2248 : vector<24x128xf32>
    %reduce_sum3A_2250 = arith.constant dense<0.000000e+00> : vector<128xf32>
    %reduce_sum3A_2251 = vector.multi_reduction <add>, %mul3A_2249, %reduce_sum3A_2250 [0] : vector<24x128xf32> to vector<128xf32>
    %reduce_sum3A_2252 = arith.constant dense<0.000000e+00> : vector<128xf32>
    %reduce_sum3A_2253 = vector.multi_reduction <add>, %max3A_2245, %reduce_sum3A_2252 [0] : vector<24x128xf32> to vector<128xf32>
    %get3A_2254 = arith.constant 24 : index
    %get3A_2255 = arith.constant 0 : index
    %get3A_2256 = vector.load %arg3[%get3A_2254, %get3A_2255] : memref<840x128xf32, #tpu.memory_space<vmem>>, vector<40x128xf32>
    %min3A_2257 = vector.broadcast %slice3A_2224 : vector<1x128xf32> to vector<40x128xf32>
    %min3A_2258 = arith.minimumf %min3A_2257, %get3A_2256 : vector<40x128xf32>
    %get3A_2259 = arith.constant 192 : index
    %get3A_2260 = arith.constant 0 : index
    %get3A_2261 = vector.load %arg3[%get3A_2259, %get3A_2260] : memref<840x128xf32, #tpu.memory_space<vmem>>, vector<40x128xf32>
    %min3A_2262 = vector.broadcast %slice3A_2225 : vector<1x128xf32> to vector<40x128xf32>
    %min3A_2263 = arith.minimumf %min3A_2262, %get3A_2261 : vector<40x128xf32>
    %max3A_2264 = arith.maximumf %min3A_2258, %min3A_2263 : vector<40x128xf32>
    %get3A_2265 = arith.constant 360 : index
    %get3A_2266 = arith.constant 0 : index
    %get3A_2267 = vector.load %arg3[%get3A_2265, %get3A_2266] : memref<840x128xf32, #tpu.memory_space<vmem>>, vector<40x128xf32>
    %min3A_2268 = vector.broadcast %slice3A_2226 : vector<1x128xf32> to vector<40x128xf32>
    %min3A_2269 = arith.minimumf %min3A_2268, %get3A_2267 : vector<40x128xf32>
    %max3A_2270 = arith.maximumf %max3A_2264, %min3A_2269 : vector<40x128xf32>
    %get3A_2271 = arith.constant 528 : index
    %get3A_2272 = arith.constant 0 : index
    %get3A_2273 = vector.load %arg3[%get3A_2271, %get3A_2272] : memref<840x128xf32, #tpu.memory_space<vmem>>, vector<40x128xf32>
    %min3A_2274 = vector.broadcast %slice3A_2227 : vector<1x128xf32> to vector<40x128xf32>
    %min3A_2275 = arith.minimumf %min3A_2274, %get3A_2273 : vector<40x128xf32>
    %max3A_2276 = arith.maximumf %max3A_2270, %min3A_2275 : vector<40x128xf32>
    %get3A_2277 = arith.constant 24 : index
    %get3A_2278 = arith.constant 0 : index
    %get3A_2279 = vector.load %arg4[%get3A_2277, %get3A_2278] : memref<168x128xf32, #tpu.memory_space<vmem>>, vector<40x128xf32>
    %mul3A_2280 = arith.mulf %max3A_2276, %get3A_2279 : vector<40x128xf32>
    %reduce_sum3A_2281 = arith.constant dense<0.000000e+00> : vector<128xf32>
    %reduce_sum3A_2282 = vector.multi_reduction <add>, %mul3A_2280, %reduce_sum3A_2281 [0] : vector<40x128xf32> to vector<128xf32>
    %reduce_sum3A_2283 = arith.constant dense<0.000000e+00> : vector<128xf32>
    %reduce_sum3A_2284 = vector.multi_reduction <add>, %max3A_2276, %reduce_sum3A_2283 [0] : vector<40x128xf32> to vector<128xf32>
    %add3A_2285 = arith.addf %reduce_sum3A_2251, %reduce_sum3A_2282 : vector<128xf32>
    %add3A_2286 = arith.addf %reduce_sum3A_2253, %reduce_sum3A_2284 : vector<128xf32>
    %get3A_2287 = arith.constant 64 : index
    %get3A_2288 = arith.constant 0 : index
    %get3A_2289 = vector.load %arg3[%get3A_2287, %get3A_2288] : memref<840x128xf32, #tpu.memory_space<vmem>>, vector<32x128xf32>
    %min3A_2290 = vector.broadcast %slice3A_2224 : vector<1x128xf32> to vector<32x128xf32>
    %min3A_2291 = arith.minimumf %min3A_2290, %get3A_2289 : vector<32x128xf32>
    %get3A_2292 = arith.constant 232 : index
    %get3A_2293 = arith.constant 0 : index
    %get3A_2294 = vector.load %arg3[%get3A_2292, %get3A_2293] : memref<840x128xf32, #tpu.memory_space<vmem>>, vector<32x128xf32>
    %min3A_2295 = vector.broadcast %slice3A_2225 : vector<1x128xf32> to vector<32x128xf32>
    %min3A_2296 = arith.minimumf %min3A_2295, %get3A_2294 : vector<32x128xf32>
    %max3A_2297 = arith.maximumf %min3A_2291, %min3A_2296 : vector<32x128xf32>
    %get3A_2298 = arith.constant 400 : index
    %get3A_2299 = arith.constant 0 : index
    %get3A_2300 = vector.load %arg3[%get3A_2298, %get3A_2299] : memref<840x128xf32, #tpu.memory_space<vmem>>, vector<32x128xf32>
    %min3A_2301 = vector.broadcast %slice3A_2226 : vector<1x128xf32> to vector<32x128xf32>
    %min3A_2302 = arith.minimumf %min3A_2301, %get3A_2300 : vector<32x128xf32>
    %max3A_2303 = arith.maximumf %max3A_2297, %min3A_2302 : vector<32x128xf32>
    %get3A_2304 = arith.constant 568 : index
    %get3A_2305 = arith.constant 0 : index
    %get3A_2306 = vector.load %arg3[%get3A_2304, %get3A_2305] : memref<840x128xf32, #tpu.memory_space<vmem>>, vector<32x128xf32>
    %min3A_2307 = vector.broadcast %slice3A_2227 : vector<1x128xf32> to vector<32x128xf32>
    %min3A_2308 = arith.minimumf %min3A_2307, %get3A_2306 : vector<32x128xf32>
    %max3A_2309 = arith.maximumf %max3A_2303, %min3A_2308 : vector<32x128xf32>
    %get3A_2310 = arith.constant 736 : index
    %get3A_2311 = arith.constant 0 : index
    %get3A_2312 = vector.load %arg3[%get3A_2310, %get3A_2311] : memref<840x128xf32, #tpu.memory_space<vmem>>, vector<32x128xf32>
    %min3A_2313 = vector.broadcast %slice3A_2228 : vector<1x128xf32> to vector<32x128xf32>
    %min3A_2314 = arith.minimumf %min3A_2313, %get3A_2312 : vector<32x128xf32>
    %max3A_2315 = arith.maximumf %max3A_2309, %min3A_2314 : vector<32x128xf32>
    %get3A_2316 = arith.constant 64 : index
    %get3A_2317 = arith.constant 0 : index
    %get3A_2318 = vector.load %arg4[%get3A_2316, %get3A_2317] : memref<168x128xf32, #tpu.memory_space<vmem>>, vector<32x128xf32>
    %mul3A_2319 = arith.mulf %max3A_2315, %get3A_2318 : vector<32x128xf32>
    %reduce_sum3A_2320 = arith.constant dense<0.000000e+00> : vector<128xf32>
    %reduce_sum3A_2321 = vector.multi_reduction <add>, %mul3A_2319, %reduce_sum3A_2320 [0] : vector<32x128xf32> to vector<128xf32>
    %reduce_sum3A_2322 = arith.constant dense<0.000000e+00> : vector<128xf32>
    %reduce_sum3A_2323 = vector.multi_reduction <add>, %max3A_2315, %reduce_sum3A_2322 [0] : vector<32x128xf32> to vector<128xf32>
    %add3A_2324 = arith.addf %add3A_2285, %reduce_sum3A_2321 : vector<128xf32>
    %add3A_2325 = arith.addf %add3A_2286, %reduce_sum3A_2323 : vector<128xf32>
    %get3A_2326 = arith.constant 264 : index
    %get3A_2327 = arith.constant 0 : index
    %get3A_2328 = vector.load %arg3[%get3A_2326, %get3A_2327] : memref<840x128xf32, #tpu.memory_space<vmem>>, vector<40x128xf32>
    %min3A_2329 = vector.broadcast %slice3A_2225 : vector<1x128xf32> to vector<40x128xf32>
    %min3A_2330 = arith.minimumf %min3A_2329, %get3A_2328 : vector<40x128xf32>
    %get3A_2331 = arith.constant 432 : index
    %get3A_2332 = arith.constant 0 : index
    %get3A_2333 = vector.load %arg3[%get3A_2331, %get3A_2332] : memref<840x128xf32, #tpu.memory_space<vmem>>, vector<40x128xf32>
    %min3A_2334 = vector.broadcast %slice3A_2226 : vector<1x128xf32> to vector<40x128xf32>
    %min3A_2335 = arith.minimumf %min3A_2334, %get3A_2333 : vector<40x128xf32>
    %max3A_2336 = arith.maximumf %min3A_2330, %min3A_2335 : vector<40x128xf32>
    %get3A_2337 = arith.constant 600 : index
    %get3A_2338 = arith.constant 0 : index
    %get3A_2339 = vector.load %arg3[%get3A_2337, %get3A_2338] : memref<840x128xf32, #tpu.memory_space<vmem>>, vector<40x128xf32>
    %min3A_2340 = vector.broadcast %slice3A_2227 : vector<1x128xf32> to vector<40x128xf32>
    %min3A_2341 = arith.minimumf %min3A_2340, %get3A_2339 : vector<40x128xf32>
    %max3A_2342 = arith.maximumf %max3A_2336, %min3A_2341 : vector<40x128xf32>
    %get3A_2343 = arith.constant 768 : index
    %get3A_2344 = arith.constant 0 : index
    %get3A_2345 = vector.load %arg3[%get3A_2343, %get3A_2344] : memref<840x128xf32, #tpu.memory_space<vmem>>, vector<40x128xf32>
    %min3A_2346 = vector.broadcast %slice3A_2228 : vector<1x128xf32> to vector<40x128xf32>
    %min3A_2347 = arith.minimumf %min3A_2346, %get3A_2345 : vector<40x128xf32>
    %max3A_2348 = arith.maximumf %max3A_2342, %min3A_2347 : vector<40x128xf32>
    %get3A_2349 = arith.constant 96 : index
    %get3A_2350 = arith.constant 0 : index
    %get3A_2351 = vector.load %arg4[%get3A_2349, %get3A_2350] : memref<168x128xf32, #tpu.memory_space<vmem>>, vector<40x128xf32>
    %mul3A_2352 = arith.mulf %max3A_2348, %get3A_2351 : vector<40x128xf32>
    %reduce_sum3A_2353 = arith.constant dense<0.000000e+00> : vector<128xf32>
    %reduce_sum3A_2354 = vector.multi_reduction <add>, %mul3A_2352, %reduce_sum3A_2353 [0] : vector<40x128xf32> to vector<128xf32>
    %reduce_sum3A_2355 = arith.constant dense<0.000000e+00> : vector<128xf32>
    %reduce_sum3A_2356 = vector.multi_reduction <add>, %max3A_2348, %reduce_sum3A_2355 [0] : vector<40x128xf32> to vector<128xf32>
    %add3A_2357 = arith.addf %add3A_2324, %reduce_sum3A_2354 : vector<128xf32>
    %add3A_2358 = arith.addf %add3A_2325, %reduce_sum3A_2356 : vector<128xf32>
    %get3A_2359 = arith.constant 472 : index
    %get3A_2360 = arith.constant 0 : index
    %get3A_2361 = vector.load %arg3[%get3A_2359, %get3A_2360] : memref<840x128xf32, #tpu.memory_space<vmem>>, vector<32x128xf32>
    %min3A_2362 = vector.broadcast %slice3A_2226 : vector<1x128xf32> to vector<32x128xf32>
    %min3A_2363 = arith.minimumf %min3A_2362, %get3A_2361 : vector<32x128xf32>
    %get3A_2364 = arith.constant 640 : index
    %get3A_2365 = arith.constant 0 : index
    %get3A_2366 = vector.load %arg3[%get3A_2364, %get3A_2365] : memref<840x128xf32, #tpu.memory_space<vmem>>, vector<32x128xf32>
    %min3A_2367 = vector.broadcast %slice3A_2227 : vector<1x128xf32> to vector<32x128xf32>
    %min3A_2368 = arith.minimumf %min3A_2367, %get3A_2366 : vector<32x128xf32>
    %max3A_2369 = arith.maximumf %min3A_2363, %min3A_2368 : vector<32x128xf32>
    %get3A_2370 = arith.constant 808 : index
    %get3A_2371 = arith.constant 0 : index
    %get3A_2372 = vector.load %arg3[%get3A_2370, %get3A_2371] : memref<840x128xf32, #tpu.memory_space<vmem>>, vector<32x128xf32>
    %min3A_2373 = vector.broadcast %slice3A_2228 : vector<1x128xf32> to vector<32x128xf32>
    %min3A_2374 = arith.minimumf %min3A_2373, %get3A_2372 : vector<32x128xf32>
    %max3A_2375 = arith.maximumf %max3A_2369, %min3A_2374 : vector<32x128xf32>
    %get3A_2376 = arith.constant 136 : index
    %get3A_2377 = arith.constant 0 : index
    %get3A_2378 = vector.load %arg4[%get3A_2376, %get3A_2377] : memref<168x128xf32, #tpu.memory_space<vmem>>, vector<32x128xf32>
    %mul3A_2379 = arith.mulf %max3A_2375, %get3A_2378 : vector<32x128xf32>
    %reduce_sum3A_2380 = arith.constant dense<0.000000e+00> : vector<128xf32>
    %reduce_sum3A_2381 = vector.multi_reduction <add>, %mul3A_2379, %reduce_sum3A_2380 [0] : vector<32x128xf32> to vector<128xf32>
    %reduce_sum3A_2382 = arith.constant dense<0.000000e+00> : vector<128xf32>
    %reduce_sum3A_2383 = vector.multi_reduction <add>, %max3A_2375, %reduce_sum3A_2382 [0] : vector<32x128xf32> to vector<128xf32>
    %add3A_2384 = arith.addf %add3A_2357, %reduce_sum3A_2381 : vector<128xf32>
    %add3A_2385 = arith.addf %add3A_2358, %reduce_sum3A_2383 : vector<128xf32>
    %add3A_2386 = arith.constant 9.99999996E-13 : f32
    %add3A_2387 = vector.broadcast %add3A_2386 : f32 to vector<128xf32>
    %add3A_2388 = arith.addf %add3A_2385, %add3A_2387 : vector<128xf32>
    %div3A_2389 = arith.divf %add3A_2384, %add3A_2388 : vector<128xf32>
    %swap3A_2390 = arith.constant 12 : index
    %swap3A_2391 = arith.constant 0 : index
    %swap3A_2392 = vector.load %arg5[%swap3A_2390, %swap3A_2391] : memref<16x128xf32, #tpu.memory_space<vmem>>, vector<1x128xf32>
    %swap3A_2393 = vector.shape_cast %swap3A_2392 : vector<1x128xf32> to vector<128xf32>
    %swap3A_2394 = vector.shape_cast %div3A_2389 : vector<128xf32> to vector<1x128xf32>
    tpu.vector_store %arg5[%swap3A_2390, %swap3A_2391], %swap3A_2394 {strides = array<i32>} : memref<16x128xf32, #tpu.memory_space<vmem>>, vector<1x128xf32>,
    %slice3A_2395 = vector.extract_strided_slice %max3A_140 {offsets = [13, 0], sizes = [1, 128], strides = [1, 1]} : vector<16x128xf32> to vector<1x128xf32>
    %slice3A_2396 = vector.extract_strided_slice %max3A_147 {offsets = [13, 0], sizes = [1, 128], strides = [1, 1]} : vector<16x128xf32> to vector<1x128xf32>
    %slice3A_2397 = vector.extract_strided_slice %max3A_156 {offsets = [13, 0], sizes = [1, 128], strides = [1, 1]} : vector<16x128xf32> to vector<1x128xf32>
    %slice3A_2398 = vector.extract_strided_slice %max3A_163 {offsets = [13, 0], sizes = [1, 128], strides = [1, 1]} : vector<16x128xf32> to vector<1x128xf32>
    %slice3A_2399 = vector.extract_strided_slice %max3A_174 {offsets = [13, 0], sizes = [1, 128], strides = [1, 1]} : vector<16x128xf32> to vector<1x128xf32>
    %get3A_2400 = arith.constant 0 : index
    %get3A_2401 = arith.constant 0 : index
    %get3A_2402 = vector.load %arg3[%get3A_2400, %get3A_2401] : memref<840x128xf32, #tpu.memory_space<vmem>>, vector<24x128xf32>
    %min3A_2403 = vector.broadcast %slice3A_2395 : vector<1x128xf32> to vector<24x128xf32>
    %min3A_2404 = arith.minimumf %min3A_2403, %get3A_2402 : vector<24x128xf32>
    %get3A_2405 = arith.constant 168 : index
    %get3A_2406 = arith.constant 0 : index
    %get3A_2407 = vector.load %arg3[%get3A_2405, %get3A_2406] : memref<840x128xf32, #tpu.memory_space<vmem>>, vector<24x128xf32>
    %min3A_2408 = vector.broadcast %slice3A_2396 : vector<1x128xf32> to vector<24x128xf32>
    %min3A_2409 = arith.minimumf %min3A_2408, %get3A_2407 : vector<24x128xf32>
    %max3A_2410 = arith.maximumf %min3A_2404, %min3A_2409 : vector<24x128xf32>
    %get3A_2411 = arith.constant 336 : index
    %get3A_2412 = arith.constant 0 : index
    %get3A_2413 = vector.load %arg3[%get3A_2411, %get3A_2412] : memref<840x128xf32, #tpu.memory_space<vmem>>, vector<24x128xf32>
    %min3A_2414 = vector.broadcast %slice3A_2397 : vector<1x128xf32> to vector<24x128xf32>
    %min3A_2415 = arith.minimumf %min3A_2414, %get3A_2413 : vector<24x128xf32>
    %max3A_2416 = arith.maximumf %max3A_2410, %min3A_2415 : vector<24x128xf32>
    %get3A_2417 = arith.constant 0 : index
    %get3A_2418 = arith.constant 0 : index
    %get3A_2419 = vector.load %arg4[%get3A_2417, %get3A_2418] : memref<168x128xf32, #tpu.memory_space<vmem>>, vector<24x128xf32>
    %mul3A_2420 = arith.mulf %max3A_2416, %get3A_2419 : vector<24x128xf32>
    %reduce_sum3A_2421 = arith.constant dense<0.000000e+00> : vector<128xf32>
    %reduce_sum3A_2422 = vector.multi_reduction <add>, %mul3A_2420, %reduce_sum3A_2421 [0] : vector<24x128xf32> to vector<128xf32>
    %reduce_sum3A_2423 = arith.constant dense<0.000000e+00> : vector<128xf32>
    %reduce_sum3A_2424 = vector.multi_reduction <add>, %max3A_2416, %reduce_sum3A_2423 [0] : vector<24x128xf32> to vector<128xf32>
    %get3A_2425 = arith.constant 24 : index
    %get3A_2426 = arith.constant 0 : index
    %get3A_2427 = vector.load %arg3[%get3A_2425, %get3A_2426] : memref<840x128xf32, #tpu.memory_space<vmem>>, vector<40x128xf32>
    %min3A_2428 = vector.broadcast %slice3A_2395 : vector<1x128xf32> to vector<40x128xf32>
    %min3A_2429 = arith.minimumf %min3A_2428, %get3A_2427 : vector<40x128xf32>
    %get3A_2430 = arith.constant 192 : index
    %get3A_2431 = arith.constant 0 : index
    %get3A_2432 = vector.load %arg3[%get3A_2430, %get3A_2431] : memref<840x128xf32, #tpu.memory_space<vmem>>, vector<40x128xf32>
    %min3A_2433 = vector.broadcast %slice3A_2396 : vector<1x128xf32> to vector<40x128xf32>
    %min3A_2434 = arith.minimumf %min3A_2433, %get3A_2432 : vector<40x128xf32>
    %max3A_2435 = arith.maximumf %min3A_2429, %min3A_2434 : vector<40x128xf32>
    %get3A_2436 = arith.constant 360 : index
    %get3A_2437 = arith.constant 0 : index
    %get3A_2438 = vector.load %arg3[%get3A_2436, %get3A_2437] : memref<840x128xf32, #tpu.memory_space<vmem>>, vector<40x128xf32>
    %min3A_2439 = vector.broadcast %slice3A_2397 : vector<1x128xf32> to vector<40x128xf32>
    %min3A_2440 = arith.minimumf %min3A_2439, %get3A_2438 : vector<40x128xf32>
    %max3A_2441 = arith.maximumf %max3A_2435, %min3A_2440 : vector<40x128xf32>
    %get3A_2442 = arith.constant 528 : index
    %get3A_2443 = arith.constant 0 : index
    %get3A_2444 = vector.load %arg3[%get3A_2442, %get3A_2443] : memref<840x128xf32, #tpu.memory_space<vmem>>, vector<40x128xf32>
    %min3A_2445 = vector.broadcast %slice3A_2398 : vector<1x128xf32> to vector<40x128xf32>
    %min3A_2446 = arith.minimumf %min3A_2445, %get3A_2444 : vector<40x128xf32>
    %max3A_2447 = arith.maximumf %max3A_2441, %min3A_2446 : vector<40x128xf32>
    %get3A_2448 = arith.constant 24 : index
    %get3A_2449 = arith.constant 0 : index
    %get3A_2450 = vector.load %arg4[%get3A_2448, %get3A_2449] : memref<168x128xf32, #tpu.memory_space<vmem>>, vector<40x128xf32>
    %mul3A_2451 = arith.mulf %max3A_2447, %get3A_2450 : vector<40x128xf32>
    %reduce_sum3A_2452 = arith.constant dense<0.000000e+00> : vector<128xf32>
    %reduce_sum3A_2453 = vector.multi_reduction <add>, %mul3A_2451, %reduce_sum3A_2452 [0] : vector<40x128xf32> to vector<128xf32>
    %reduce_sum3A_2454 = arith.constant dense<0.000000e+00> : vector<128xf32>
    %reduce_sum3A_2455 = vector.multi_reduction <add>, %max3A_2447, %reduce_sum3A_2454 [0] : vector<40x128xf32> to vector<128xf32>
    %add3A_2456 = arith.addf %reduce_sum3A_2422, %reduce_sum3A_2453 : vector<128xf32>
    %add3A_2457 = arith.addf %reduce_sum3A_2424, %reduce_sum3A_2455 : vector<128xf32>
    %get3A_2458 = arith.constant 64 : index
    %get3A_2459 = arith.constant 0 : index
    %get3A_2460 = vector.load %arg3[%get3A_2458, %get3A_2459] : memref<840x128xf32, #tpu.memory_space<vmem>>, vector<32x128xf32>
    %min3A_2461 = vector.broadcast %slice3A_2395 : vector<1x128xf32> to vector<32x128xf32>
    %min3A_2462 = arith.minimumf %min3A_2461, %get3A_2460 : vector<32x128xf32>
    %get3A_2463 = arith.constant 232 : index
    %get3A_2464 = arith.constant 0 : index
    %get3A_2465 = vector.load %arg3[%get3A_2463, %get3A_2464] : memref<840x128xf32, #tpu.memory_space<vmem>>, vector<32x128xf32>
    %min3A_2466 = vector.broadcast %slice3A_2396 : vector<1x128xf32> to vector<32x128xf32>
    %min3A_2467 = arith.minimumf %min3A_2466, %get3A_2465 : vector<32x128xf32>
    %max3A_2468 = arith.maximumf %min3A_2462, %min3A_2467 : vector<32x128xf32>
    %get3A_2469 = arith.constant 400 : index
    %get3A_2470 = arith.constant 0 : index
    %get3A_2471 = vector.load %arg3[%get3A_2469, %get3A_2470] : memref<840x128xf32, #tpu.memory_space<vmem>>, vector<32x128xf32>
    %min3A_2472 = vector.broadcast %slice3A_2397 : vector<1x128xf32> to vector<32x128xf32>
    %min3A_2473 = arith.minimumf %min3A_2472, %get3A_2471 : vector<32x128xf32>
    %max3A_2474 = arith.maximumf %max3A_2468, %min3A_2473 : vector<32x128xf32>
    %get3A_2475 = arith.constant 568 : index
    %get3A_2476 = arith.constant 0 : index
    %get3A_2477 = vector.load %arg3[%get3A_2475, %get3A_2476] : memref<840x128xf32, #tpu.memory_space<vmem>>, vector<32x128xf32>
    %min3A_2478 = vector.broadcast %slice3A_2398 : vector<1x128xf32> to vector<32x128xf32>
    %min3A_2479 = arith.minimumf %min3A_2478, %get3A_2477 : vector<32x128xf32>
    %max3A_2480 = arith.maximumf %max3A_2474, %min3A_2479 : vector<32x128xf32>
    %get3A_2481 = arith.constant 736 : index
    %get3A_2482 = arith.constant 0 : index
    %get3A_2483 = vector.load %arg3[%get3A_2481, %get3A_2482] : memref<840x128xf32, #tpu.memory_space<vmem>>, vector<32x128xf32>
    %min3A_2484 = vector.broadcast %slice3A_2399 : vector<1x128xf32> to vector<32x128xf32>
    %min3A_2485 = arith.minimumf %min3A_2484, %get3A_2483 : vector<32x128xf32>
    %max3A_2486 = arith.maximumf %max3A_2480, %min3A_2485 : vector<32x128xf32>
    %get3A_2487 = arith.constant 64 : index
    %get3A_2488 = arith.constant 0 : index
    %get3A_2489 = vector.load %arg4[%get3A_2487, %get3A_2488] : memref<168x128xf32, #tpu.memory_space<vmem>>, vector<32x128xf32>
    %mul3A_2490 = arith.mulf %max3A_2486, %get3A_2489 : vector<32x128xf32>
    %reduce_sum3A_2491 = arith.constant dense<0.000000e+00> : vector<128xf32>
    %reduce_sum3A_2492 = vector.multi_reduction <add>, %mul3A_2490, %reduce_sum3A_2491 [0] : vector<32x128xf32> to vector<128xf32>
    %reduce_sum3A_2493 = arith.constant dense<0.000000e+00> : vector<128xf32>
    %reduce_sum3A_2494 = vector.multi_reduction <add>, %max3A_2486, %reduce_sum3A_2493 [0] : vector<32x128xf32> to vector<128xf32>
    %add3A_2495 = arith.addf %add3A_2456, %reduce_sum3A_2492 : vector<128xf32>
    %add3A_2496 = arith.addf %add3A_2457, %reduce_sum3A_2494 : vector<128xf32>
    %get3A_2497 = arith.constant 264 : index
    %get3A_2498 = arith.constant 0 : index
    %get3A_2499 = vector.load %arg3[%get3A_2497, %get3A_2498] : memref<840x128xf32, #tpu.memory_space<vmem>>, vector<40x128xf32>
    %min3A_2500 = vector.broadcast %slice3A_2396 : vector<1x128xf32> to vector<40x128xf32>
    %min3A_2501 = arith.minimumf %min3A_2500, %get3A_2499 : vector<40x128xf32>
    %get3A_2502 = arith.constant 432 : index
    %get3A_2503 = arith.constant 0 : index
    %get3A_2504 = vector.load %arg3[%get3A_2502, %get3A_2503] : memref<840x128xf32, #tpu.memory_space<vmem>>, vector<40x128xf32>
    %min3A_2505 = vector.broadcast %slice3A_2397 : vector<1x128xf32> to vector<40x128xf32>
    %min3A_2506 = arith.minimumf %min3A_2505, %get3A_2504 : vector<40x128xf32>
    %max3A_2507 = arith.maximumf %min3A_2501, %min3A_2506 : vector<40x128xf32>
    %get3A_2508 = arith.constant 600 : index
    %get3A_2509 = arith.constant 0 : index
    %get3A_2510 = vector.load %arg3[%get3A_2508, %get3A_2509] : memref<840x128xf32, #tpu.memory_space<vmem>>, vector<40x128xf32>
    %min3A_2511 = vector.broadcast %slice3A_2398 : vector<1x128xf32> to vector<40x128xf32>
    %min3A_2512 = arith.minimumf %min3A_2511, %get3A_2510 : vector<40x128xf32>
    %max3A_2513 = arith.maximumf %max3A_2507, %min3A_2512 : vector<40x128xf32>
    %get3A_2514 = arith.constant 768 : index
    %get3A_2515 = arith.constant 0 : index
    %get3A_2516 = vector.load %arg3[%get3A_2514, %get3A_2515] : memref<840x128xf32, #tpu.memory_space<vmem>>, vector<40x128xf32>
    %min3A_2517 = vector.broadcast %slice3A_2399 : vector<1x128xf32> to vector<40x128xf32>
    %min3A_2518 = arith.minimumf %min3A_2517, %get3A_2516 : vector<40x128xf32>
    %max3A_2519 = arith.maximumf %max3A_2513, %min3A_2518 : vector<40x128xf32>
    %get3A_2520 = arith.constant 96 : index
    %get3A_2521 = arith.constant 0 : index
    %get3A_2522 = vector.load %arg4[%get3A_2520, %get3A_2521] : memref<168x128xf32, #tpu.memory_space<vmem>>, vector<40x128xf32>
    %mul3A_2523 = arith.mulf %max3A_2519, %get3A_2522 : vector<40x128xf32>
    %reduce_sum3A_2524 = arith.constant dense<0.000000e+00> : vector<128xf32>
    %reduce_sum3A_2525 = vector.multi_reduction <add>, %mul3A_2523, %reduce_sum3A_2524 [0] : vector<40x128xf32> to vector<128xf32>
    %reduce_sum3A_2526 = arith.constant dense<0.000000e+00> : vector<128xf32>
    %reduce_sum3A_2527 = vector.multi_reduction <add>, %max3A_2519, %reduce_sum3A_2526 [0] : vector<40x128xf32> to vector<128xf32>
    %add3A_2528 = arith.addf %add3A_2495, %reduce_sum3A_2525 : vector<128xf32>
    %add3A_2529 = arith.addf %add3A_2496, %reduce_sum3A_2527 : vector<128xf32>
    %get3A_2530 = arith.constant 472 : index
    %get3A_2531 = arith.constant 0 : index
    %get3A_2532 = vector.load %arg3[%get3A_2530, %get3A_2531] : memref<840x128xf32, #tpu.memory_space<vmem>>, vector<32x128xf32>
    %min3A_2533 = vector.broadcast %slice3A_2397 : vector<1x128xf32> to vector<32x128xf32>
    %min3A_2534 = arith.minimumf %min3A_2533, %get3A_2532 : vector<32x128xf32>
    %get3A_2535 = arith.constant 640 : index
    %get3A_2536 = arith.constant 0 : index
    %get3A_2537 = vector.load %arg3[%get3A_2535, %get3A_2536] : memref<840x128xf32, #tpu.memory_space<vmem>>, vector<32x128xf32>
    %min3A_2538 = vector.broadcast %slice3A_2398 : vector<1x128xf32> to vector<32x128xf32>
    %min3A_2539 = arith.minimumf %min3A_2538, %get3A_2537 : vector<32x128xf32>
    %max3A_2540 = arith.maximumf %min3A_2534, %min3A_2539 : vector<32x128xf32>
    %get3A_2541 = arith.constant 808 : index
    %get3A_2542 = arith.constant 0 : index
    %get3A_2543 = vector.load %arg3[%get3A_2541, %get3A_2542] : memref<840x128xf32, #tpu.memory_space<vmem>>, vector<32x128xf32>
    %min3A_2544 = vector.broadcast %slice3A_2399 : vector<1x128xf32> to vector<32x128xf32>
    %min3A_2545 = arith.minimumf %min3A_2544, %get3A_2543 : vector<32x128xf32>
    %max3A_2546 = arith.maximumf %max3A_2540, %min3A_2545 : vector<32x128xf32>
    %get3A_2547 = arith.constant 136 : index
    %get3A_2548 = arith.constant 0 : index
    %get3A_2549 = vector.load %arg4[%get3A_2547, %get3A_2548] : memref<168x128xf32, #tpu.memory_space<vmem>>, vector<32x128xf32>
    %mul3A_2550 = arith.mulf %max3A_2546, %get3A_2549 : vector<32x128xf32>
    %reduce_sum3A_2551 = arith.constant dense<0.000000e+00> : vector<128xf32>
    %reduce_sum3A_2552 = vector.multi_reduction <add>, %mul3A_2550, %reduce_sum3A_2551 [0] : vector<32x128xf32> to vector<128xf32>
    %reduce_sum3A_2553 = arith.constant dense<0.000000e+00> : vector<128xf32>
    %reduce_sum3A_2554 = vector.multi_reduction <add>, %max3A_2546, %reduce_sum3A_2553 [0] : vector<32x128xf32> to vector<128xf32>
    %add3A_2555 = arith.addf %add3A_2528, %reduce_sum3A_2552 : vector<128xf32>
    %add3A_2556 = arith.addf %add3A_2529, %reduce_sum3A_2554 : vector<128xf32>
    %add3A_2557 = arith.constant 9.99999996E-13 : f32
    %add3A_2558 = vector.broadcast %add3A_2557 : f32 to vector<128xf32>
    %add3A_2559 = arith.addf %add3A_2556, %add3A_2558 : vector<128xf32>
    %div3A_2560 = arith.divf %add3A_2555, %add3A_2559 : vector<128xf32>
    %swap3A_2561 = arith.constant 13 : index
    %swap3A_2562 = arith.constant 0 : index
    %swap3A_2563 = vector.load %arg5[%swap3A_2561, %swap3A_2562] : memref<16x128xf32, #tpu.memory_space<vmem>>, vector<1x128xf32>
    %swap3A_2564 = vector.shape_cast %swap3A_2563 : vector<1x128xf32> to vector<128xf32>
    %swap3A_2565 = vector.shape_cast %div3A_2560 : vector<128xf32> to vector<1x128xf32>
    tpu.vector_store %arg5[%swap3A_2561, %swap3A_2562], %swap3A_2565 {strides = array<i32>} : memref<16x128xf32, #tpu.memory_space<vmem>>, vector<1x128xf32>,
    %slice3A_2566 = vector.extract_strided_slice %max3A_140 {offsets = [14, 0], sizes = [1, 128], strides = [1, 1]} : vector<16x128xf32> to vector<1x128xf32>
    %slice3A_2567 = vector.extract_strided_slice %max3A_147 {offsets = [14, 0], sizes = [1, 128], strides = [1, 1]} : vector<16x128xf32> to vector<1x128xf32>
    %slice3A_2568 = vector.extract_strided_slice %max3A_156 {offsets = [14, 0], sizes = [1, 128], strides = [1, 1]} : vector<16x128xf32> to vector<1x128xf32>
    %slice3A_2569 = vector.extract_strided_slice %max3A_163 {offsets = [14, 0], sizes = [1, 128], strides = [1, 1]} : vector<16x128xf32> to vector<1x128xf32>
    %slice3A_2570 = vector.extract_strided_slice %max3A_174 {offsets = [14, 0], sizes = [1, 128], strides = [1, 1]} : vector<16x128xf32> to vector<1x128xf32>
    %get3A_2571 = arith.constant 0 : index
    %get3A_2572 = arith.constant 0 : index
    %get3A_2573 = vector.load %arg3[%get3A_2571, %get3A_2572] : memref<840x128xf32, #tpu.memory_space<vmem>>, vector<24x128xf32>
    %min3A_2574 = vector.broadcast %slice3A_2566 : vector<1x128xf32> to vector<24x128xf32>
    %min3A_2575 = arith.minimumf %min3A_2574, %get3A_2573 : vector<24x128xf32>
    %get3A_2576 = arith.constant 168 : index
    %get3A_2577 = arith.constant 0 : index
    %get3A_2578 = vector.load %arg3[%get3A_2576, %get3A_2577] : memref<840x128xf32, #tpu.memory_space<vmem>>, vector<24x128xf32>
    %min3A_2579 = vector.broadcast %slice3A_2567 : vector<1x128xf32> to vector<24x128xf32>
    %min3A_2580 = arith.minimumf %min3A_2579, %get3A_2578 : vector<24x128xf32>
    %max3A_2581 = arith.maximumf %min3A_2575, %min3A_2580 : vector<24x128xf32>
    %get3A_2582 = arith.constant 336 : index
    %get3A_2583 = arith.constant 0 : index
    %get3A_2584 = vector.load %arg3[%get3A_2582, %get3A_2583] : memref<840x128xf32, #tpu.memory_space<vmem>>, vector<24x128xf32>
    %min3A_2585 = vector.broadcast %slice3A_2568 : vector<1x128xf32> to vector<24x128xf32>
    %min3A_2586 = arith.minimumf %min3A_2585, %get3A_2584 : vector<24x128xf32>
    %max3A_2587 = arith.maximumf %max3A_2581, %min3A_2586 : vector<24x128xf32>
    %get3A_2588 = arith.constant 0 : index
    %get3A_2589 = arith.constant 0 : index
    %get3A_2590 = vector.load %arg4[%get3A_2588, %get3A_2589] : memref<168x128xf32, #tpu.memory_space<vmem>>, vector<24x128xf32>
    %mul3A_2591 = arith.mulf %max3A_2587, %get3A_2590 : vector<24x128xf32>
    %reduce_sum3A_2592 = arith.constant dense<0.000000e+00> : vector<128xf32>
    %reduce_sum3A_2593 = vector.multi_reduction <add>, %mul3A_2591, %reduce_sum3A_2592 [0] : vector<24x128xf32> to vector<128xf32>
    %reduce_sum3A_2594 = arith.constant dense<0.000000e+00> : vector<128xf32>
    %reduce_sum3A_2595 = vector.multi_reduction <add>, %max3A_2587, %reduce_sum3A_2594 [0] : vector<24x128xf32> to vector<128xf32>
    %get3A_2596 = arith.constant 24 : index
    %get3A_2597 = arith.constant 0 : index
    %get3A_2598 = vector.load %arg3[%get3A_2596, %get3A_2597] : memref<840x128xf32, #tpu.memory_space<vmem>>, vector<40x128xf32>
    %min3A_2599 = vector.broadcast %slice3A_2566 : vector<1x128xf32> to vector<40x128xf32>
    %min3A_2600 = arith.minimumf %min3A_2599, %get3A_2598 : vector<40x128xf32>
    %get3A_2601 = arith.constant 192 : index
    %get3A_2602 = arith.constant 0 : index
    %get3A_2603 = vector.load %arg3[%get3A_2601, %get3A_2602] : memref<840x128xf32, #tpu.memory_space<vmem>>, vector<40x128xf32>
    %min3A_2604 = vector.broadcast %slice3A_2567 : vector<1x128xf32> to vector<40x128xf32>
    %min3A_2605 = arith.minimumf %min3A_2604, %get3A_2603 : vector<40x128xf32>
    %max3A_2606 = arith.maximumf %min3A_2600, %min3A_2605 : vector<40x128xf32>
    %get3A_2607 = arith.constant 360 : index
    %get3A_2608 = arith.constant 0 : index
    %get3A_2609 = vector.load %arg3[%get3A_2607, %get3A_2608] : memref<840x128xf32, #tpu.memory_space<vmem>>, vector<40x128xf32>
    %min3A_2610 = vector.broadcast %slice3A_2568 : vector<1x128xf32> to vector<40x128xf32>
    %min3A_2611 = arith.minimumf %min3A_2610, %get3A_2609 : vector<40x128xf32>
    %max3A_2612 = arith.maximumf %max3A_2606, %min3A_2611 : vector<40x128xf32>
    %get3A_2613 = arith.constant 528 : index
    %get3A_2614 = arith.constant 0 : index
    %get3A_2615 = vector.load %arg3[%get3A_2613, %get3A_2614] : memref<840x128xf32, #tpu.memory_space<vmem>>, vector<40x128xf32>
    %min3A_2616 = vector.broadcast %slice3A_2569 : vector<1x128xf32> to vector<40x128xf32>
    %min3A_2617 = arith.minimumf %min3A_2616, %get3A_2615 : vector<40x128xf32>
    %max3A_2618 = arith.maximumf %max3A_2612, %min3A_2617 : vector<40x128xf32>
    %get3A_2619 = arith.constant 24 : index
    %get3A_2620 = arith.constant 0 : index
    %get3A_2621 = vector.load %arg4[%get3A_2619, %get3A_2620] : memref<168x128xf32, #tpu.memory_space<vmem>>, vector<40x128xf32>
    %mul3A_2622 = arith.mulf %max3A_2618, %get3A_2621 : vector<40x128xf32>
    %reduce_sum3A_2623 = arith.constant dense<0.000000e+00> : vector<128xf32>
    %reduce_sum3A_2624 = vector.multi_reduction <add>, %mul3A_2622, %reduce_sum3A_2623 [0] : vector<40x128xf32> to vector<128xf32>
    %reduce_sum3A_2625 = arith.constant dense<0.000000e+00> : vector<128xf32>
    %reduce_sum3A_2626 = vector.multi_reduction <add>, %max3A_2618, %reduce_sum3A_2625 [0] : vector<40x128xf32> to vector<128xf32>
    %add3A_2627 = arith.addf %reduce_sum3A_2593, %reduce_sum3A_2624 : vector<128xf32>
    %add3A_2628 = arith.addf %reduce_sum3A_2595, %reduce_sum3A_2626 : vector<128xf32>
    %get3A_2629 = arith.constant 64 : index
    %get3A_2630 = arith.constant 0 : index
    %get3A_2631 = vector.load %arg3[%get3A_2629, %get3A_2630] : memref<840x128xf32, #tpu.memory_space<vmem>>, vector<32x128xf32>
    %min3A_2632 = vector.broadcast %slice3A_2566 : vector<1x128xf32> to vector<32x128xf32>
    %min3A_2633 = arith.minimumf %min3A_2632, %get3A_2631 : vector<32x128xf32>
    %get3A_2634 = arith.constant 232 : index
    %get3A_2635 = arith.constant 0 : index
    %get3A_2636 = vector.load %arg3[%get3A_2634, %get3A_2635] : memref<840x128xf32, #tpu.memory_space<vmem>>, vector<32x128xf32>
    %min3A_2637 = vector.broadcast %slice3A_2567 : vector<1x128xf32> to vector<32x128xf32>
    %min3A_2638 = arith.minimumf %min3A_2637, %get3A_2636 : vector<32x128xf32>
    %max3A_2639 = arith.maximumf %min3A_2633, %min3A_2638 : vector<32x128xf32>
    %get3A_2640 = arith.constant 400 : index
    %get3A_2641 = arith.constant 0 : index
    %get3A_2642 = vector.load %arg3[%get3A_2640, %get3A_2641] : memref<840x128xf32, #tpu.memory_space<vmem>>, vector<32x128xf32>
    %min3A_2643 = vector.broadcast %slice3A_2568 : vector<1x128xf32> to vector<32x128xf32>
    %min3A_2644 = arith.minimumf %min3A_2643, %get3A_2642 : vector<32x128xf32>
    %max3A_2645 = arith.maximumf %max3A_2639, %min3A_2644 : vector<32x128xf32>
    %get3A_2646 = arith.constant 568 : index
    %get3A_2647 = arith.constant 0 : index
    %get3A_2648 = vector.load %arg3[%get3A_2646, %get3A_2647] : memref<840x128xf32, #tpu.memory_space<vmem>>, vector<32x128xf32>
    %min3A_2649 = vector.broadcast %slice3A_2569 : vector<1x128xf32> to vector<32x128xf32>
    %min3A_2650 = arith.minimumf %min3A_2649, %get3A_2648 : vector<32x128xf32>
    %max3A_2651 = arith.maximumf %max3A_2645, %min3A_2650 : vector<32x128xf32>
    %get3A_2652 = arith.constant 736 : index
    %get3A_2653 = arith.constant 0 : index
    %get3A_2654 = vector.load %arg3[%get3A_2652, %get3A_2653] : memref<840x128xf32, #tpu.memory_space<vmem>>, vector<32x128xf32>
    %min3A_2655 = vector.broadcast %slice3A_2570 : vector<1x128xf32> to vector<32x128xf32>
    %min3A_2656 = arith.minimumf %min3A_2655, %get3A_2654 : vector<32x128xf32>
    %max3A_2657 = arith.maximumf %max3A_2651, %min3A_2656 : vector<32x128xf32>
    %get3A_2658 = arith.constant 64 : index
    %get3A_2659 = arith.constant 0 : index
    %get3A_2660 = vector.load %arg4[%get3A_2658, %get3A_2659] : memref<168x128xf32, #tpu.memory_space<vmem>>, vector<32x128xf32>
    %mul3A_2661 = arith.mulf %max3A_2657, %get3A_2660 : vector<32x128xf32>
    %reduce_sum3A_2662 = arith.constant dense<0.000000e+00> : vector<128xf32>
    %reduce_sum3A_2663 = vector.multi_reduction <add>, %mul3A_2661, %reduce_sum3A_2662 [0] : vector<32x128xf32> to vector<128xf32>
    %reduce_sum3A_2664 = arith.constant dense<0.000000e+00> : vector<128xf32>
    %reduce_sum3A_2665 = vector.multi_reduction <add>, %max3A_2657, %reduce_sum3A_2664 [0] : vector<32x128xf32> to vector<128xf32>
    %add3A_2666 = arith.addf %add3A_2627, %reduce_sum3A_2663 : vector<128xf32>
    %add3A_2667 = arith.addf %add3A_2628, %reduce_sum3A_2665 : vector<128xf32>
    %get3A_2668 = arith.constant 264 : index
    %get3A_2669 = arith.constant 0 : index
    %get3A_2670 = vector.load %arg3[%get3A_2668, %get3A_2669] : memref<840x128xf32, #tpu.memory_space<vmem>>, vector<40x128xf32>
    %min3A_2671 = vector.broadcast %slice3A_2567 : vector<1x128xf32> to vector<40x128xf32>
    %min3A_2672 = arith.minimumf %min3A_2671, %get3A_2670 : vector<40x128xf32>
    %get3A_2673 = arith.constant 432 : index
    %get3A_2674 = arith.constant 0 : index
    %get3A_2675 = vector.load %arg3[%get3A_2673, %get3A_2674] : memref<840x128xf32, #tpu.memory_space<vmem>>, vector<40x128xf32>
    %min3A_2676 = vector.broadcast %slice3A_2568 : vector<1x128xf32> to vector<40x128xf32>
    %min3A_2677 = arith.minimumf %min3A_2676, %get3A_2675 : vector<40x128xf32>
    %max3A_2678 = arith.maximumf %min3A_2672, %min3A_2677 : vector<40x128xf32>
    %get3A_2679 = arith.constant 600 : index
    %get3A_2680 = arith.constant 0 : index
    %get3A_2681 = vector.load %arg3[%get3A_2679, %get3A_2680] : memref<840x128xf32, #tpu.memory_space<vmem>>, vector<40x128xf32>
    %min3A_2682 = vector.broadcast %slice3A_2569 : vector<1x128xf32> to vector<40x128xf32>
    %min3A_2683 = arith.minimumf %min3A_2682, %get3A_2681 : vector<40x128xf32>
    %max3A_2684 = arith.maximumf %max3A_2678, %min3A_2683 : vector<40x128xf32>
    %get3A_2685 = arith.constant 768 : index
    %get3A_2686 = arith.constant 0 : index
    %get3A_2687 = vector.load %arg3[%get3A_2685, %get3A_2686] : memref<840x128xf32, #tpu.memory_space<vmem>>, vector<40x128xf32>
    %min3A_2688 = vector.broadcast %slice3A_2570 : vector<1x128xf32> to vector<40x128xf32>
    %min3A_2689 = arith.minimumf %min3A_2688, %get3A_2687 : vector<40x128xf32>
    %max3A_2690 = arith.maximumf %max3A_2684, %min3A_2689 : vector<40x128xf32>
    %get3A_2691 = arith.constant 96 : index
    %get3A_2692 = arith.constant 0 : index
    %get3A_2693 = vector.load %arg4[%get3A_2691, %get3A_2692] : memref<168x128xf32, #tpu.memory_space<vmem>>, vector<40x128xf32>
    %mul3A_2694 = arith.mulf %max3A_2690, %get3A_2693 : vector<40x128xf32>
    %reduce_sum3A_2695 = arith.constant dense<0.000000e+00> : vector<128xf32>
    %reduce_sum3A_2696 = vector.multi_reduction <add>, %mul3A_2694, %reduce_sum3A_2695 [0] : vector<40x128xf32> to vector<128xf32>
    %reduce_sum3A_2697 = arith.constant dense<0.000000e+00> : vector<128xf32>
    %reduce_sum3A_2698 = vector.multi_reduction <add>, %max3A_2690, %reduce_sum3A_2697 [0] : vector<40x128xf32> to vector<128xf32>
    %add3A_2699 = arith.addf %add3A_2666, %reduce_sum3A_2696 : vector<128xf32>
    %add3A_2700 = arith.addf %add3A_2667, %reduce_sum3A_2698 : vector<128xf32>
    %get3A_2701 = arith.constant 472 : index
    %get3A_2702 = arith.constant 0 : index
    %get3A_2703 = vector.load %arg3[%get3A_2701, %get3A_2702] : memref<840x128xf32, #tpu.memory_space<vmem>>, vector<32x128xf32>
    %min3A_2704 = vector.broadcast %slice3A_2568 : vector<1x128xf32> to vector<32x128xf32>
    %min3A_2705 = arith.minimumf %min3A_2704, %get3A_2703 : vector<32x128xf32>
    %get3A_2706 = arith.constant 640 : index
    %get3A_2707 = arith.constant 0 : index
    %get3A_2708 = vector.load %arg3[%get3A_2706, %get3A_2707] : memref<840x128xf32, #tpu.memory_space<vmem>>, vector<32x128xf32>
    %min3A_2709 = vector.broadcast %slice3A_2569 : vector<1x128xf32> to vector<32x128xf32>
    %min3A_2710 = arith.minimumf %min3A_2709, %get3A_2708 : vector<32x128xf32>
    %max3A_2711 = arith.maximumf %min3A_2705, %min3A_2710 : vector<32x128xf32>
    %get3A_2712 = arith.constant 808 : index
    %get3A_2713 = arith.constant 0 : index
    %get3A_2714 = vector.load %arg3[%get3A_2712, %get3A_2713] : memref<840x128xf32, #tpu.memory_space<vmem>>, vector<32x128xf32>
    %min3A_2715 = vector.broadcast %slice3A_2570 : vector<1x128xf32> to vector<32x128xf32>
    %min3A_2716 = arith.minimumf %min3A_2715, %get3A_2714 : vector<32x128xf32>
    %max3A_2717 = arith.maximumf %max3A_2711, %min3A_2716 : vector<32x128xf32>
    %get3A_2718 = arith.constant 136 : index
    %get3A_2719 = arith.constant 0 : index
    %get3A_2720 = vector.load %arg4[%get3A_2718, %get3A_2719] : memref<168x128xf32, #tpu.memory_space<vmem>>, vector<32x128xf32>
    %mul3A_2721 = arith.mulf %max3A_2717, %get3A_2720 : vector<32x128xf32>
    %reduce_sum3A_2722 = arith.constant dense<0.000000e+00> : vector<128xf32>
    %reduce_sum3A_2723 = vector.multi_reduction <add>, %mul3A_2721, %reduce_sum3A_2722 [0] : vector<32x128xf32> to vector<128xf32>
    %reduce_sum3A_2724 = arith.constant dense<0.000000e+00> : vector<128xf32>
    %reduce_sum3A_2725 = vector.multi_reduction <add>, %max3A_2717, %reduce_sum3A_2724 [0] : vector<32x128xf32> to vector<128xf32>
    %add3A_2726 = arith.addf %add3A_2699, %reduce_sum3A_2723 : vector<128xf32>
    %add3A_2727 = arith.addf %add3A_2700, %reduce_sum3A_2725 : vector<128xf32>
    %add3A_2728 = arith.constant 9.99999996E-13 : f32
    %add3A_2729 = vector.broadcast %add3A_2728 : f32 to vector<128xf32>
    %add3A_2730 = arith.addf %add3A_2727, %add3A_2729 : vector<128xf32>
    %div3A_2731 = arith.divf %add3A_2726, %add3A_2730 : vector<128xf32>
    %swap3A_2732 = arith.constant 14 : index
    %swap3A_2733 = arith.constant 0 : index
    %swap3A_2734 = vector.load %arg5[%swap3A_2732, %swap3A_2733] : memref<16x128xf32, #tpu.memory_space<vmem>>, vector<1x128xf32>
    %swap3A_2735 = vector.shape_cast %swap3A_2734 : vector<1x128xf32> to vector<128xf32>
    %swap3A_2736 = vector.shape_cast %div3A_2731 : vector<128xf32> to vector<1x128xf32>
    tpu.vector_store %arg5[%swap3A_2732, %swap3A_2733], %swap3A_2736 {strides = array<i32>} : memref<16x128xf32, #tpu.memory_space<vmem>>, vector<1x128xf32>,
    %slice3A_2737 = vector.extract_strided_slice %max3A_140 {offsets = [15, 0], sizes = [1, 128], strides = [1, 1]} : vector<16x128xf32> to vector<1x128xf32>
    %slice3A_2738 = vector.extract_strided_slice %max3A_147 {offsets = [15, 0], sizes = [1, 128], strides = [1, 1]} : vector<16x128xf32> to vector<1x128xf32>
    %slice3A_2739 = vector.extract_strided_slice %max3A_156 {offsets = [15, 0], sizes = [1, 128], strides = [1, 1]} : vector<16x128xf32> to vector<1x128xf32>
    %slice3A_2740 = vector.extract_strided_slice %max3A_163 {offsets = [15, 0], sizes = [1, 128], strides = [1, 1]} : vector<16x128xf32> to vector<1x128xf32>
    %slice3A_2741 = vector.extract_strided_slice %max3A_174 {offsets = [15, 0], sizes = [1, 128], strides = [1, 1]} : vector<16x128xf32> to vector<1x128xf32>
    %get3A_2742 = arith.constant 0 : index
    %get3A_2743 = arith.constant 0 : index
    %get3A_2744 = vector.load %arg3[%get3A_2742, %get3A_2743] : memref<840x128xf32, #tpu.memory_space<vmem>>, vector<24x128xf32>
    %min3A_2745 = vector.broadcast %slice3A_2737 : vector<1x128xf32> to vector<24x128xf32>
    %min3A_2746 = arith.minimumf %min3A_2745, %get3A_2744 : vector<24x128xf32>
    %get3A_2747 = arith.constant 168 : index
    %get3A_2748 = arith.constant 0 : index
    %get3A_2749 = vector.load %arg3[%get3A_2747, %get3A_2748] : memref<840x128xf32, #tpu.memory_space<vmem>>, vector<24x128xf32>
    %min3A_2750 = vector.broadcast %slice3A_2738 : vector<1x128xf32> to vector<24x128xf32>
    %min3A_2751 = arith.minimumf %min3A_2750, %get3A_2749 : vector<24x128xf32>
    %max3A_2752 = arith.maximumf %min3A_2746, %min3A_2751 : vector<24x128xf32>
    %get3A_2753 = arith.constant 336 : index
    %get3A_2754 = arith.constant 0 : index
    %get3A_2755 = vector.load %arg3[%get3A_2753, %get3A_2754] : memref<840x128xf32, #tpu.memory_space<vmem>>, vector<24x128xf32>
    %min3A_2756 = vector.broadcast %slice3A_2739 : vector<1x128xf32> to vector<24x128xf32>
    %min3A_2757 = arith.minimumf %min3A_2756, %get3A_2755 : vector<24x128xf32>
    %max3A_2758 = arith.maximumf %max3A_2752, %min3A_2757 : vector<24x128xf32>
    %get3A_2759 = arith.constant 0 : index
    %get3A_2760 = arith.constant 0 : index
    %get3A_2761 = vector.load %arg4[%get3A_2759, %get3A_2760] : memref<168x128xf32, #tpu.memory_space<vmem>>, vector<24x128xf32>
    %mul3A_2762 = arith.mulf %max3A_2758, %get3A_2761 : vector<24x128xf32>
    %reduce_sum3A_2763 = arith.constant dense<0.000000e+00> : vector<128xf32>
    %reduce_sum3A_2764 = vector.multi_reduction <add>, %mul3A_2762, %reduce_sum3A_2763 [0] : vector<24x128xf32> to vector<128xf32>
    %reduce_sum3A_2765 = arith.constant dense<0.000000e+00> : vector<128xf32>
    %reduce_sum3A_2766 = vector.multi_reduction <add>, %max3A_2758, %reduce_sum3A_2765 [0] : vector<24x128xf32> to vector<128xf32>
    %get3A_2767 = arith.constant 24 : index
    %get3A_2768 = arith.constant 0 : index
    %get3A_2769 = vector.load %arg3[%get3A_2767, %get3A_2768] : memref<840x128xf32, #tpu.memory_space<vmem>>, vector<40x128xf32>
    %min3A_2770 = vector.broadcast %slice3A_2737 : vector<1x128xf32> to vector<40x128xf32>
    %min3A_2771 = arith.minimumf %min3A_2770, %get3A_2769 : vector<40x128xf32>
    %get3A_2772 = arith.constant 192 : index
    %get3A_2773 = arith.constant 0 : index
    %get3A_2774 = vector.load %arg3[%get3A_2772, %get3A_2773] : memref<840x128xf32, #tpu.memory_space<vmem>>, vector<40x128xf32>
    %min3A_2775 = vector.broadcast %slice3A_2738 : vector<1x128xf32> to vector<40x128xf32>
    %min3A_2776 = arith.minimumf %min3A_2775, %get3A_2774 : vector<40x128xf32>
    %max3A_2777 = arith.maximumf %min3A_2771, %min3A_2776 : vector<40x128xf32>
    %get3A_2778 = arith.constant 360 : index
    %get3A_2779 = arith.constant 0 : index
    %get3A_2780 = vector.load %arg3[%get3A_2778, %get3A_2779] : memref<840x128xf32, #tpu.memory_space<vmem>>, vector<40x128xf32>
    %min3A_2781 = vector.broadcast %slice3A_2739 : vector<1x128xf32> to vector<40x128xf32>
    %min3A_2782 = arith.minimumf %min3A_2781, %get3A_2780 : vector<40x128xf32>
    %max3A_2783 = arith.maximumf %max3A_2777, %min3A_2782 : vector<40x128xf32>
    %get3A_2784 = arith.constant 528 : index
    %get3A_2785 = arith.constant 0 : index
    %get3A_2786 = vector.load %arg3[%get3A_2784, %get3A_2785] : memref<840x128xf32, #tpu.memory_space<vmem>>, vector<40x128xf32>
    %min3A_2787 = vector.broadcast %slice3A_2740 : vector<1x128xf32> to vector<40x128xf32>
    %min3A_2788 = arith.minimumf %min3A_2787, %get3A_2786 : vector<40x128xf32>
    %max3A_2789 = arith.maximumf %max3A_2783, %min3A_2788 : vector<40x128xf32>
    %get3A_2790 = arith.constant 24 : index
    %get3A_2791 = arith.constant 0 : index
    %get3A_2792 = vector.load %arg4[%get3A_2790, %get3A_2791] : memref<168x128xf32, #tpu.memory_space<vmem>>, vector<40x128xf32>
    %mul3A_2793 = arith.mulf %max3A_2789, %get3A_2792 : vector<40x128xf32>
    %reduce_sum3A_2794 = arith.constant dense<0.000000e+00> : vector<128xf32>
    %reduce_sum3A_2795 = vector.multi_reduction <add>, %mul3A_2793, %reduce_sum3A_2794 [0] : vector<40x128xf32> to vector<128xf32>
    %reduce_sum3A_2796 = arith.constant dense<0.000000e+00> : vector<128xf32>
    %reduce_sum3A_2797 = vector.multi_reduction <add>, %max3A_2789, %reduce_sum3A_2796 [0] : vector<40x128xf32> to vector<128xf32>
    %add3A_2798 = arith.addf %reduce_sum3A_2764, %reduce_sum3A_2795 : vector<128xf32>
    %add3A_2799 = arith.addf %reduce_sum3A_2766, %reduce_sum3A_2797 : vector<128xf32>
    %get3A_2800 = arith.constant 64 : index
    %get3A_2801 = arith.constant 0 : index
    %get3A_2802 = vector.load %arg3[%get3A_2800, %get3A_2801] : memref<840x128xf32, #tpu.memory_space<vmem>>, vector<32x128xf32>
    %min3A_2803 = vector.broadcast %slice3A_2737 : vector<1x128xf32> to vector<32x128xf32>
    %min3A_2804 = arith.minimumf %min3A_2803, %get3A_2802 : vector<32x128xf32>
    %get3A_2805 = arith.constant 232 : index
    %get3A_2806 = arith.constant 0 : index
    %get3A_2807 = vector.load %arg3[%get3A_2805, %get3A_2806] : memref<840x128xf32, #tpu.memory_space<vmem>>, vector<32x128xf32>
    %min3A_2808 = vector.broadcast %slice3A_2738 : vector<1x128xf32> to vector<32x128xf32>
    %min3A_2809 = arith.minimumf %min3A_2808, %get3A_2807 : vector<32x128xf32>
    %max3A_2810 = arith.maximumf %min3A_2804, %min3A_2809 : vector<32x128xf32>
    %get3A_2811 = arith.constant 400 : index
    %get3A_2812 = arith.constant 0 : index
    %get3A_2813 = vector.load %arg3[%get3A_2811, %get3A_2812] : memref<840x128xf32, #tpu.memory_space<vmem>>, vector<32x128xf32>
    %min3A_2814 = vector.broadcast %slice3A_2739 : vector<1x128xf32> to vector<32x128xf32>
    %min3A_2815 = arith.minimumf %min3A_2814, %get3A_2813 : vector<32x128xf32>
    %max3A_2816 = arith.maximumf %max3A_2810, %min3A_2815 : vector<32x128xf32>
    %get3A_2817 = arith.constant 568 : index
    %get3A_2818 = arith.constant 0 : index
    %get3A_2819 = vector.load %arg3[%get3A_2817, %get3A_2818] : memref<840x128xf32, #tpu.memory_space<vmem>>, vector<32x128xf32>
    %min3A_2820 = vector.broadcast %slice3A_2740 : vector<1x128xf32> to vector<32x128xf32>
    %min3A_2821 = arith.minimumf %min3A_2820, %get3A_2819 : vector<32x128xf32>
    %max3A_2822 = arith.maximumf %max3A_2816, %min3A_2821 : vector<32x128xf32>
    %get3A_2823 = arith.constant 736 : index
    %get3A_2824 = arith.constant 0 : index
    %get3A_2825 = vector.load %arg3[%get3A_2823, %get3A_2824] : memref<840x128xf32, #tpu.memory_space<vmem>>, vector<32x128xf32>
    %min3A_2826 = vector.broadcast %slice3A_2741 : vector<1x128xf32> to vector<32x128xf32>
    %min3A_2827 = arith.minimumf %min3A_2826, %get3A_2825 : vector<32x128xf32>
    %max3A_2828 = arith.maximumf %max3A_2822, %min3A_2827 : vector<32x128xf32>
    %get3A_2829 = arith.constant 64 : index
    %get3A_2830 = arith.constant 0 : index
    %get3A_2831 = vector.load %arg4[%get3A_2829, %get3A_2830] : memref<168x128xf32, #tpu.memory_space<vmem>>, vector<32x128xf32>
    %mul3A_2832 = arith.mulf %max3A_2828, %get3A_2831 : vector<32x128xf32>
    %reduce_sum3A_2833 = arith.constant dense<0.000000e+00> : vector<128xf32>
    %reduce_sum3A_2834 = vector.multi_reduction <add>, %mul3A_2832, %reduce_sum3A_2833 [0] : vector<32x128xf32> to vector<128xf32>
    %reduce_sum3A_2835 = arith.constant dense<0.000000e+00> : vector<128xf32>
    %reduce_sum3A_2836 = vector.multi_reduction <add>, %max3A_2828, %reduce_sum3A_2835 [0] : vector<32x128xf32> to vector<128xf32>
    %add3A_2837 = arith.addf %add3A_2798, %reduce_sum3A_2834 : vector<128xf32>
    %add3A_2838 = arith.addf %add3A_2799, %reduce_sum3A_2836 : vector<128xf32>
    %get3A_2839 = arith.constant 264 : index
    %get3A_2840 = arith.constant 0 : index
    %get3A_2841 = vector.load %arg3[%get3A_2839, %get3A_2840] : memref<840x128xf32, #tpu.memory_space<vmem>>, vector<40x128xf32>
    %min3A_2842 = vector.broadcast %slice3A_2738 : vector<1x128xf32> to vector<40x128xf32>
    %min3A_2843 = arith.minimumf %min3A_2842, %get3A_2841 : vector<40x128xf32>
    %get3A_2844 = arith.constant 432 : index
    %get3A_2845 = arith.constant 0 : index
    %get3A_2846 = vector.load %arg3[%get3A_2844, %get3A_2845] : memref<840x128xf32, #tpu.memory_space<vmem>>, vector<40x128xf32>
    %min3A_2847 = vector.broadcast %slice3A_2739 : vector<1x128xf32> to vector<40x128xf32>
    %min3A_2848 = arith.minimumf %min3A_2847, %get3A_2846 : vector<40x128xf32>
    %max3A_2849 = arith.maximumf %min3A_2843, %min3A_2848 : vector<40x128xf32>
    %get3A_2850 = arith.constant 600 : index
    %get3A_2851 = arith.constant 0 : index
    %get3A_2852 = vector.load %arg3[%get3A_2850, %get3A_2851] : memref<840x128xf32, #tpu.memory_space<vmem>>, vector<40x128xf32>
    %min3A_2853 = vector.broadcast %slice3A_2740 : vector<1x128xf32> to vector<40x128xf32>
    %min3A_2854 = arith.minimumf %min3A_2853, %get3A_2852 : vector<40x128xf32>
    %max3A_2855 = arith.maximumf %max3A_2849, %min3A_2854 : vector<40x128xf32>
    %get3A_2856 = arith.constant 768 : index
    %get3A_2857 = arith.constant 0 : index
    %get3A_2858 = vector.load %arg3[%get3A_2856, %get3A_2857] : memref<840x128xf32, #tpu.memory_space<vmem>>, vector<40x128xf32>
    %min3A_2859 = vector.broadcast %slice3A_2741 : vector<1x128xf32> to vector<40x128xf32>
    %min3A_2860 = arith.minimumf %min3A_2859, %get3A_2858 : vector<40x128xf32>
    %max3A_2861 = arith.maximumf %max3A_2855, %min3A_2860 : vector<40x128xf32>
    %get3A_2862 = arith.constant 96 : index
    %get3A_2863 = arith.constant 0 : index
    %get3A_2864 = vector.load %arg4[%get3A_2862, %get3A_2863] : memref<168x128xf32, #tpu.memory_space<vmem>>, vector<40x128xf32>
    %mul3A_2865 = arith.mulf %max3A_2861, %get3A_2864 : vector<40x128xf32>
    %reduce_sum3A_2866 = arith.constant dense<0.000000e+00> : vector<128xf32>
    %reduce_sum3A_2867 = vector.multi_reduction <add>, %mul3A_2865, %reduce_sum3A_2866 [0] : vector<40x128xf32> to vector<128xf32>
    %reduce_sum3A_2868 = arith.constant dense<0.000000e+00> : vector<128xf32>
    %reduce_sum3A_2869 = vector.multi_reduction <add>, %max3A_2861, %reduce_sum3A_2868 [0] : vector<40x128xf32> to vector<128xf32>
    %add3A_2870 = arith.addf %add3A_2837, %reduce_sum3A_2867 : vector<128xf32>
    %add3A_2871 = arith.addf %add3A_2838, %reduce_sum3A_2869 : vector<128xf32>
    %get3A_2872 = arith.constant 472 : index
    %get3A_2873 = arith.constant 0 : index
    %get3A_2874 = vector.load %arg3[%get3A_2872, %get3A_2873] : memref<840x128xf32, #tpu.memory_space<vmem>>, vector<32x128xf32>
    %min3A_2875 = vector.broadcast %slice3A_2739 : vector<1x128xf32> to vector<32x128xf32>
    %min3A_2876 = arith.minimumf %min3A_2875, %get3A_2874 : vector<32x128xf32>
    %get3A_2877 = arith.constant 640 : index
    %get3A_2878 = arith.constant 0 : index
    %get3A_2879 = vector.load %arg3[%get3A_2877, %get3A_2878] : memref<840x128xf32, #tpu.memory_space<vmem>>, vector<32x128xf32>
    %min3A_2880 = vector.broadcast %slice3A_2740 : vector<1x128xf32> to vector<32x128xf32>
    %min3A_2881 = arith.minimumf %min3A_2880, %get3A_2879 : vector<32x128xf32>
    %max3A_2882 = arith.maximumf %min3A_2876, %min3A_2881 : vector<32x128xf32>
    %get3A_2883 = arith.constant 808 : index
    %get3A_2884 = arith.constant 0 : index
    %get3A_2885 = vector.load %arg3[%get3A_2883, %get3A_2884] : memref<840x128xf32, #tpu.memory_space<vmem>>, vector<32x128xf32>
    %min3A_2886 = vector.broadcast %slice3A_2741 : vector<1x128xf32> to vector<32x128xf32>
    %min3A_2887 = arith.minimumf %min3A_2886, %get3A_2885 : vector<32x128xf32>
    %max3A_2888 = arith.maximumf %max3A_2882, %min3A_2887 : vector<32x128xf32>
    %get3A_2889 = arith.constant 136 : index
    %get3A_2890 = arith.constant 0 : index
    %get3A_2891 = vector.load %arg4[%get3A_2889, %get3A_2890] : memref<168x128xf32, #tpu.memory_space<vmem>>, vector<32x128xf32>
    %mul3A_2892 = arith.mulf %max3A_2888, %get3A_2891 : vector<32x128xf32>
    %reduce_sum3A_2893 = arith.constant dense<0.000000e+00> : vector<128xf32>
    %reduce_sum3A_2894 = vector.multi_reduction <add>, %mul3A_2892, %reduce_sum3A_2893 [0] : vector<32x128xf32> to vector<128xf32>
    %reduce_sum3A_2895 = arith.constant dense<0.000000e+00> : vector<128xf32>
    %reduce_sum3A_2896 = vector.multi_reduction <add>, %max3A_2888, %reduce_sum3A_2895 [0] : vector<32x128xf32> to vector<128xf32>
    %add3A_2897 = arith.addf %add3A_2870, %reduce_sum3A_2894 : vector<128xf32>
    %add3A_2898 = arith.addf %add3A_2871, %reduce_sum3A_2896 : vector<128xf32>
    %add3A_2899 = arith.constant 9.99999996E-13 : f32
    %add3A_2900 = vector.broadcast %add3A_2899 : f32 to vector<128xf32>
    %add3A_2901 = arith.addf %add3A_2898, %add3A_2900 : vector<128xf32>
    %div3A_2902 = arith.divf %add3A_2897, %add3A_2901 : vector<128xf32>
    %swap3A_2903 = arith.constant 15 : index
    %swap3A_2904 = arith.constant 0 : index
    %swap3A_2905 = vector.load %arg5[%swap3A_2903, %swap3A_2904] : memref<16x128xf32, #tpu.memory_space<vmem>>, vector<1x128xf32>
    %swap3A_2906 = vector.shape_cast %swap3A_2905 : vector<1x128xf32> to vector<128xf32>
    %swap3A_2907 = vector.shape_cast %div3A_2902 : vector<128xf32> to vector<1x128xf32>
    tpu.vector_store %arg5[%swap3A_2903, %swap3A_2904], %swap3A_2907 {strides = array<i32>} : memref<16x128xf32, #tpu.memory_space<vmem>>, vector<1x128xf32>,
    return
  }
  func.func @transform_0(%arg0: i32) -> (i32, i32) {
    %c0_i32 = arith.constant 0 : i32
    %c0_i32_0 = arith.constant 0 : i32
    return %arg0, %c0_i32 : i32, i32
  }
  func.func @transform_1(%arg0: i32) -> (i32, i32) {
    %c0_i32 = arith.constant 0 : i32
    %c0_i32_0 = arith.constant 0 : i32
    return %arg0, %c0_i32 : i32, i32
  }
  func.func @transform_2(%arg0: i32) -> (i32, i32) {
    %c0_i32 = arith.constant 0 : i32
    %c0_i32_0 = arith.constant 0 : i32
    %c0_i32_1 = arith.constant 0 : i32
    return %c0_i32, %c0_i32_0 : i32, i32
  }
  func.func @transform_3(%arg0: i32) -> (i32, i32) {
    %c0_i32 = arith.constant 0 : i32
    %c0_i32_0 = arith.constant 0 : i32
    %c0_i32_1 = arith.constant 0 : i32
    return %c0_i32, %c0_i32_0 : i32, i32
  }
  func.func @transform_4(%arg0: i32) -> (i32, i32) {
    %c0_i32 = arith.constant 0 : i32
    %c0_i32_0 = arith.constant 0 : i32
    return %arg0, %c0_i32 : i32, i32
  }
}

</mosaic_0001>

<sc_bundles>
// kernel: kernel.6.cloned.1.call-start
scs
__scs_entry_jumppad:
0x0: {  	(pc) =	sbr.rel $0x88, $3  }
0x1: {  	(tag) =	ssettag $0x0;
	lr =	simm.s32 $0x1  }
0x2: {  	[smem:$0x3F9F] =	sst lr;
	_ =	strace $0xD0000000  }
0x3: {  	_ = 	snop  }
0x4: {  	_ = 	snop  }
0x5: {  	_ = 	snop  }
0x6: {  	_ = 	snop  }
0x7: {  	_ = 	snop  }
__scs_overlays_trampoline_lowered:
0x8: {  	[smem:$0x3FAE] =	sst s0  }
0x9: {  	[smem:$0x3FAF] =	sst s1  }
0xa: {  	[smem:$0x3FB0] =	sst s2  }
0xb: {  	[smem:$0x3FB1] =	sst s3  }
0xc: {  	[smem:$0x3FB2] =	sst s4  }
0xd: {  	[smem:$0x3FB3] =	sst s5  }
0xe: {  	[smem:$0x3FB4] =	sst s6  }
0xf: {  	[smem:$0x3FB5] =	sst s7  }
0x10: {  	[smem:$0x3FB6] =	sst s8  }
0x11: {  	[smem:$0x3FB7] =	sst s9;
	s0 =	simm.s32 @!p0 $0x0  }
0x12: {  	s1 =	sld [smem:$0x3F9D];
	s0 =	simm.s32 @p0 $0x1  }
0x13: {  	[smem:$0x3FB8] =	sst s0;
	s0 =	simm.s32 @!p1 $0x0  }
0x14: {  	s2 =	sld [smem:$0x3F9C];
	s0 =	simm.s32 @p1 $0x1  }
0x15: {  	[smem:$0x3FB9] =	sst s0;
	s0 =	simm.s32 @!p2 $0x0  }
0x16: {  	s3 =	sld [smem:$0x3FDB];
	s0 =	simm.s32 @p2 $0x1  }
0x17: {  	s4 =	simm.s32 $0x1BF5;
	[smem:$0x3FBB] =	sst s0  }
0x18: {  	s0 =	sld [smem:$0x3F9E];
	_ =	swait.ge [sflag:s4], $0x0  }
0x19: {  	s7 =	sld [smem:$0x3F9F]  }
0x1a: {  	s8 =	sadd.s32 $0xFFFFE003, lr  }
0x1b: {  	s9 =	sadd.s32 $0xFFFFFEF7, lr;
	s5 =	simm.s32 $0xFFFFFFFF;
	p2 =	slt.u32 s8, $0xFFFFF086  }
0x1c: {  	p1 =	slt.u32 s9, $0xF7A;
	s5 =	simm.s32 @!p2 $0x0  }
0x1d: {  	s5 =	simm.s32 @p1 $0x1;
	p0 =	seq.s32 s7, s2  }
0x1e: {  	s7 =	smul.u32 @!p0 $0xF7A, s2;
	p2 =	seq.s32 @!p0 s5, $0x0  }
0x1f: {  	s9 =	smul.u32 $0xF7A, s1;
	s8 =	simm.s32 @!p0 $0x1BF5;
	p2 =	por !p2, p0  }
0x20: {  	[sflag:s8] =	ssyncset.s32 @!p0 $0xFFFFF086;
	s6 =	sadd.s32 @!p0 s3, s7;
	s7 =	simm.s32 @!p0 $0x108  }
0x21: {  	s3 =	sadd.s32 s3, s9;
	s6 =	sadd.s32 @!p0 $0x88, s6;
	s7 =	simm.s32 @p2 $0x1082  }
0x22: {  	[simem:s7], [sflag:s8] =	dma.local @!p0 [hbm:s6], $0xF7A  }
0x23: {  	s9 =	sor.u32 $0xD0000000, s2;
	s6 =	simm.s32 $0x108;
	_ =	swait.ge @!p0 [sflag:s8], $0x0  }
0x24: {  	s3 =	sadd.s32 $0x88, s3;
	s6 =	simm.s32 @!p1 $0x1082;
	[sflag:s4] =	ssyncset.s32 $0xFFFFF086  }
0x25: {  	[simem:s6], [sflag:s4] =	dma.local [hbm:s3], $0xF7A  }
0x26: {  	[smem:$0x3F9F] =	sst s1;
	(tag) =	ssettag s2;
	_ =	strace s9  }
0x27: {  	s1 =	sld [smem:$0x3FAF]  }
0x28: {  	s2 =	sld [smem:$0x3FB0]  }
0x29: {  	s4 =	sld [smem:$0x3FB2]  }
0x2a: {  	p0 =	seq.s32 s5, $0x0;
	s5 =	sld [smem:$0x3FB3]  }
0x2b: {  	s6 =	sld [smem:$0x3FB4]  }
0x2c: {  	s7 =	sld [smem:$0x3FB5]  }
0x2d: {  	s3 =	simm.s32 $0x108;
	s8 =	sld [smem:$0x3FB6]  }
0x2e: {  	s3 =	simm.s32 @!p0 $0x1082;
	s9 =	sld [smem:$0x3FB7]  }
0x2f: {  	lr =	sadd.s32 s0, s3;
	s0 =	sld [smem:$0x3FAE]  }
0x30: {  	s3 =	sld [smem:$0x3FB1]  }
0x31: {  	[smem:$0x3FBA] =	sst s10  }
0x32: {  	s10 =	sld [smem:$0x3FB8];
	_ =	sdelay $0x3  }
0x33: {  	p0 =	seq.s32 s10, $0x1;
	s10 =	sld [smem:$0x3FBA];
	_ =	sdelay $0x3  }
0x34: {  	[smem:$0x3FBA] =	sst s10  }
0x35: {  	s10 =	sld [smem:$0x3FB9];
	_ =	sdelay $0x3  }
0x36: {  	p1 =	seq.s32 s10, $0x1;
	s10 =	sld [smem:$0x3FBA];
	_ =	sdelay $0x3  }
0x37: {  	[smem:$0x3FBA] =	sst s10  }
0x38: {  	s10 =	sld [smem:$0x3FBB]  }
0x39: {  	_ = 	snop;
	(pc) =	sbr.ind lr, $3  }
0x3a: {  	_ = 	snop  }
0x3b: {  	_ = 	snop  }
0x3c: {  	p2 =	seq.s32 s10, $0x1;
	s10 =	sld [smem:$0x3FBA]  }
0x3d: {  	_ =	shalt  }
0x3e: {  	_ =	shalt  }
0x3f: {  	_ =	shalt  }
0x40: {  	_ =	shalt  }
0x41: {  	_ =	shalt  }
0x42: {  	_ =	shalt  }
0x43: {  	_ =	shalt  }
0x44: {  	_ =	shalt  }
0x45: {  	_ =	shalt  }
0x46: {  	_ =	shalt  }
0x47: {  	_ =	shalt  }
0x48: {  	_ =	shalt  }
0x49: {  	_ =	shalt  }
0x4a: {  	_ =	shalt  }
0x4b: {  	_ =	shalt  }
0x4c: {  	_ =	shalt  }
0x4d: {  	_ =	shalt  }
0x4e: {  	_ =	shalt  }
0x4f: {  	_ =	shalt  }
0x50: {  	_ =	shalt  }
0x51: {  	_ =	shalt  }
0x52: {  	_ =	shalt  }
0x53: {  	_ =	shalt  }
0x54: {  	_ =	shalt  }
0x55: {  	_ =	shalt  }
0x56: {  	_ =	shalt  }
0x57: {  	_ =	shalt  }
0x58: {  	_ =	shalt  }
0x59: {  	_ =	shalt  }
0x5a: {  	_ =	shalt  }
0x5b: {  	_ =	shalt  }
0x5c: {  	_ =	shalt  }
0x5d: {  	_ =	shalt  }
0x5e: {  	_ =	shalt  }
0x5f: {  	_ =	shalt  }
0x60: {  	_ =	shalt  }
0x61: {  	_ =	shalt  }
0x62: {  	_ =	shalt  }
0x63: {  	_ =	shalt  }
0x64: {  	_ =	shalt  }
0x65: {  	_ =	shalt  }
0x66: {  	_ =	shalt  }
0x67: {  	_ =	shalt  }
0x68: {  	_ =	shalt  }
0x69: {  	_ =	shalt  }
0x6a: {  	_ =	shalt  }
0x6b: {  	_ =	shalt  }
0x6c: {  	_ =	shalt  }
0x6d: {  	_ =	shalt  }
0x6e: {  	_ =	shalt  }
0x6f: {  	_ =	shalt  }
0x70: {  	_ =	shalt  }
0x71: {  	_ =	shalt  }
0x72: {  	_ =	shalt  }
0x73: {  	_ =	shalt  }
0x74: {  	_ =	shalt  }
0x75: {  	_ =	shalt  }
0x76: {  	_ =	shalt  }
0x77: {  	_ =	shalt  }
0x78: {  	_ =	shalt  }
0x79: {  	_ =	shalt  }
0x7a: {  	_ =	shalt  }
0x7b: {  	_ =	shalt  }
0x7c: {  	_ =	shalt  }
0x7d: {  	_ =	shalt  }
0x7e: {  	_ =	shalt  }
0x7f: {  	_ =	shalt  }
0x80: {  	_ =	shalt  }
0x81: {  	_ =	shalt  }
0x82: {  	_ =	shalt  }
0x83: {  	_ =	shalt  }
0x84: {  	_ =	shalt  }
0x85: {  	_ =	shalt  }
0x86: {  	_ =	shalt  }
0x87: {  	_ =	shalt  }
.Lfunc_end0:
.L_simem_size_0:
called_computation_lowered:
.L_overlay_start_0:
0x88: {  	s2 =	sld [smem:$0x3FD9]  }
0x89: {  	s3 =	sld [smem:$0x3FFE];
	_ =	sdelay $0x1  }
0x8a: {  	s1 =	srdreg.scid  }
0x8b: {  	s0 =	sand.u32 $0x1, s1  }
0x8c: {  	s17 =	sshll.u32 s0, $0xA;
	s2 =	sadd.s32 s3, s2  }
0x8d: {  	s2 =	sadd.s32 s2, s17  }
0x8e: {  	[smem:$0x3FC6] =	sst s2  }
0x8f: {  	_ = 	snop  }
0x90: {  	s18 =	sld [smem:$0x3FC9];
	(tm) =	ssettm $0x1  }
0x91: {  	s19 =	sld [smem:$0x3FFB];
	_ =	sdelay $0x3  }
0x92: {  	_ =	strace s19  }
0x93: {  	s2 =	sld [smem:$0x3FFC];
	_ =	sdelay $0x3  }
0x94: {  	_ =	strace s2  }
0x95: {  	s2 =	sld [smem:$0x3FFD];
	_ =	sdelay $0x3  }
0x96: {  	_ =	strace s2  }
0x97: {  	_ =	strace $0x8FFFFFFF  }
0x98: {  	s20 =	sld [smem:$0x3FDB];
	_ =	sdelay $0x1  }
0x99: {  	s4 =	simm.s32 $_scs_section_size  }
0x9a: {  	s5 =	simm.s32 $_size__tile_overlayer_lowered;
	s6 =	simm.s32 $_tile_overlayer_lowered  }
0x9b: {  	s7 =	simm.s32 $0x1BFF;
	s21 =	sshll.u32 s6, $0x1;
	s4 =	sadd.s32 s4, s20  }
0x9c: {  	s22 =	simm.s32 $0x0;
	s5 =	sshll.u32 s5, $0x1;
	s6 =	sadd.s32 s21, s4  }
0x9d: {  	[timem:s22], [sflag:s7] =	dma.local [hbm:s6], s5  }
0x9e: {  	_ =	swait.ge [sflag:s7], s5  }
0x9f: {  	s5 =	ssub.s32 $0x0, s5;
	[sflag:s7] =	ssyncset.done $0x0  }
0xa0: {  	[sflag:s7] =	ssyncadd.s32 s5;
	_ =	sdelay $0x1  }
0xa1: {  	s23 =	simm.s32 $0x1B8B  }
0xa2: {  	_ =	swait.ge [sflag:s23], $0x1  }
0xa3: {  	[sflag:s23] =	ssyncset.done $0x0  }
0xa4: {  	[sflag:s23] =	ssyncadd.s32 $0xFFFFFFFF  }
0xa5: {  	s5 =	sld [smem:$0x0]  }
0xa6: {  	s6 =	sand.u32 $0xFFFFFFFE, s1  }
0xa7: {  	p0 =	sne.s32 s1, s6  }
0xa8: {  	s6 =	sshll.u32 @p0 s6, $0xE  }
0xa9: {  	s6 =	sadd.s32 @p0 $0x11B8D, s6;
	s7 =	sshll.u32 @p0 s5, $0x11  }
0xaa: {  	s6 =	sor.u32 @p0 s7, s6  }
0xab: {  	[sflag:s6] =	ssyncadd.remote.s32 @p0 $0x1;
	_ =	sdelay $0x1  }
0xac: {  	s6 =	simm.s32 @p0 $0x1B8D  }
0xad: {  	_ =	swait.eq @p0 [sflag:s6], $0x1  }
0xae: {  	[sflag:s6] =	ssyncadd.s32 @p0 $0xFFFFFFFF  }
0xaf: {  	s7 =	sshll.u32 @!p0 s1, $0xE  }
0xb0: {  	s7 =	sor.u32 @!p0 $0x4000, s7;
	s6 =	simm.s32 @!p0 $0x1B8D  }
0xb1: {  	s5 =	sshll.u32 @!p0 s5, $0x11;
	s7 =	sadd.s32 @!p0 $0x11B8D, s7;
	_ =	swait.eq @!p0 [sflag:s6], $0x1  }
0xb2: {  	s5 =	sor.u32 @!p0 s5, s7;
	[sflag:s6] =	ssyncadd.s32 @!p0 $0xFFFFFFFF  }
0xb3: {  	s25 =	simm.s32 $0x1B8E;
	s24 =	sld [smem:$0x3FFE];
	[sflag:s5] =	ssyncadd.remote.s32 @!p0 $0x1  }
0xb4: {  	s26 =	simm.s32 $execute0_lowered;
	[smem:$0x3FD2] =	sst s25  }
0xb5: {  	s6 =	sshll.u32 s26, $0x1;
	_ =	strace $0x80000049;
	[dreg:$0x1] =	wrdreg $0xFFFFFFFF  }
0xb6: {  	s28 =	simm.s32 $_size_execute0_lowered;
	s4 =	sadd.s32 s4, s6;
	[dreg:$0x0] =	wrdreg $0x0  }
0xb7: {  	s6 =	sshll.u32 s28, $0x1;
	[dreg:$0x2] =	wrdreg s4  }
0xb8: {  	[dreg:$0x3] =	wrdreg s6  }
0xb9: {  	[dreg:$0x4] =	wrdreg $0xC0  }
0xba: {  	_ =	task [dreg:s22], $0x5FFFF  }
0xbb: {  	[dreg:$0x1] =	wrdreg $0xFFFFFFFF  }
0xbc: {  	[dreg:$0x0] =	wrdreg $0x60  }
0xbd: {  	[dreg:$0x2] =	wrdreg s18  }
0xbe: {  	[dreg:$0x3] =	wrdreg s24  }
0xbf: {  	[dreg:$0x4] =	wrdreg $0x9  }
0xc0: {  	_ =	task.clear_ibuf [dreg:s22], $0x5FFFF;
	_ =	strace $0x90000049  }
0xc1: {  	s29 =	simm.s32 $0x9;
	_ =	strace $0x8000004B  }
0xc2: {  	_ =	swait.ge [sflag:s29], $0x1  }
0xc3: {  	[sflag:s29] =	ssyncadd.s32 $0xFFFFFFFF  }
0xc4: {  	_ =	strace $0x9000004B  }
0xc5: {  	_ =	sfence  }
0xc6: {  	s30 =	sld [smem:$0x0];
	_ =	sdelay $0x2  }
0xc7: {  	s31 =	sshll.u32 s1, $0xD;
	s1 =	sshrl.u32 s1, $0x2  }
0xc8: {  	s4 =	sand.u32 $0x4000, s31;
	s1 =	sadd.s32 s1, s30  }
0xc9: {  	s0 =	sor.u32 s4, s0;
	s1 =	sshll.u32 s1, $0x11  }
0xca: {  	s0 =	sor.u32 s1, s0  }
0xcb: {  	s0 =	sadd.s32 $0x8F2B, s0  }
0xcc: {  	[sflag:s0] =	ssyncadd.remote.s32 $0x1  }
0xcd: {  	_ =	sfence.sel $0xFFFF  }
0xce: {  	[dreg:$0x0] =	wrdreg $0xFFFFFFFF;
	(pc) =	sbr.abs _section_cstart, $3  }
0xcf: {  	[dreg:$0x1] =	wrdreg $0xFFFFFFFF  }
0xd0: {  	_ =	task.clear_ibuf [dreg:s22], $0x2FFFF;
	_ =	strace $0x9FFFFFFF  }
0xd1: {  	(tm) =	ssettm $0x7FFFFFFF  }
tec
execute0_lowered:
.L_overlay_start_1:
0x0: {  	(tag) =	ssettag $0x1  }
0x1: {  	s1 =	srdreg.scid;
	s2 =	rddreg [dreg:$0x0]  }
0x2: {  	s0 =	stileid.u32;
	s5 =	rddreg [dreg:$0x1];
	s3 =	simm.s32 $0x0  }
0x3: {  	s9 =	simm.s32 $0x5;
	s10 =	simm.s32 $0x1400;
	s11 =	simm.s32 $0x80  }
0x4: {  	s12 =	simm.s32 $0x2800;
	s13 =	simm.s32 $0x6800;
	s14 =	simm.s32 $0xA800  }
0x5: {  	s15 =	simm.s32 $0xE800;
	s16 =	simm.s32 $0x1;
	s17 =	simm.s32 $0x2  }
0x6: {  	s18 =	simm.s32 $0x3;
	s4 =	sand.u32 $0x1, s1;
	s30 =	sshll.u32 s0, $0x1  }
0x7: {  	s19 =	simm.s32 $0x4;
	s20 =	simm.s32 $0x12800;
	s1 =	sor.u32 s4, s30  }
0x8: {  	s21 =	simm.s32 $0x13C00;
	s4 =	ssub.s32 $0x2, s4;
	s6 =	smul.u32 $0x280, s1  }
0x9: {  	v0 =	vlaneseq.u32;
	s22 =	simm.s32 $0x0;
	[smem:$0x7FF] =	sst s3;
	s31 =	sshrl.u32 s4, $0x1  }
0xa: {  	v1 =	vmul.u32 $0x80, v0;
	v2 =	vadd.s32 $0x1, v0;
	s1 =	rddreg [dreg:$0x2];
	s8 =	ssub.s32 s4, s31;
	s7 =	sadd.s32 s6, s5  }
0xb: {  	v3 =	vadd.s32 $0x2, v0;
	v4 =	vadd.s32 $0x3, v0;
	v5 =	vadd.s32 $0x4, v0;
	_ =	strace $0x8000004A;
	s8 =	smax.u32 s8, $0x1;
	s4 =	sadd.s32 $0x15A00, s7  }
0xc: {  	v6 =	vadd.s32 $0x5, v0;
	v7 =	vadd.s32 $0x6, v0;
	v8 =	vadd.s32 $0x7, v0;
	s5 =	sadd.s32 $0x10A00, s7;
	s6 =	sadd.s32 $0x1AA00, s7;
	s7 =	sadd.s32 $0x1FA00, s7  }
.LBB2_1:
0xd: {  	[tilespmem:s3], [sflag:$0x5] =	stream.linear.gather [hbm4b:s4+s3], $0x1400, $0x38;
	[tilespmem:$0x15000] =	vst v63  }
0xe: {  	_ =	swait.ge [sflag:s9], $0x1400  }
0xf: {  	[sflag:s9] =	ssyncset.done $0x0  }
0x10: {  	[sflag:s9] =	ssyncadd.s32 $0xFFFFEC00  }
0x11: {  	[tilespmem:s10], [sflag:$0x5] =	stream.linear.gather [hbm4b:s5+s3], $0x1400, $0x38;
	[tilespmem:$0x15000] =	vst v63  }
0x12: {  	_ =	swait.ge [sflag:s9], $0x1400  }
0x13: {  	[sflag:s9] =	ssyncset.done $0x0  }
0x14: {  	[sflag:s9] =	ssyncadd.s32 $0xFFFFEC00  }
0x15: {  	[tilespmem:s12], [sflag:$0x1] =	stream.indirect.gather [hbm4b:s2+s11], $0x80, s3, s11, $0xb8;
	[tilespmem:$0x15000] =	vst v63  }
0x16: {  	s24 =	simm.s32 $0x0  }
0x17: {  	[tilespmem:s13], [sflag:$0x2] =	stream.indirect.gather [hbm4b:s2+s11], $0x80, s10, s11, $0xb8;
	[tilespmem:$0x15000] =	vst v63  }
.LBB2_3:
0x18: {  	s25 =	sshll.u32 s24, $0x8  }
0x19: {  	s23 =	sor.u32 $0x80, s25  }
0x1a: {  	[tilespmem:s14], [sflag:$0x3] =	stream.indirect.gather [hbm4b:s2+s11], $0x80, s23, s11, $0xb8;
	[tilespmem:$0x15000] =	vst v63  }
0x1b: {  	s26 =	sadd.s32 $0x1480, s25  }
0x1c: {  	[tilespmem:s15], [sflag:$0x4] =	stream.indirect.gather [hbm4b:s2+s11], $0x80, s26, s11, $0xb8;
	[tilespmem:$0x15000] =	vst v63  }
0x1d: {  	_ =	swait.ge [sflag:s16], $0x4000  }
0x1e: {  	[sflag:s16] =	ssyncset.done $0x0  }
0x1f: {  	[sflag:s16] =	ssyncadd.s32 $0xFFFFC000  }
0x20: {  	_ =	swait.ge [sflag:s17], $0x4000  }
0x21: {  	[sflag:s17] =	ssyncset.done $0x0  }
0x22: {  	s28 =	simm.s32 $0x0;
	s26 =	simm.s32 $0x0;
	[sflag:s17] =	ssyncadd.s32 $0xFFFFC000  }
.LBB2_4:
0x23: {  	s29 =	sshll.u32 s28, $0x4  }
0x24: {  	v9 =	vmov s29  }
0x25: {  	v10 =	vadd.s32 s26, v0;
	v9 =	vshll.u32 v9, $0x7  }
0x26: {  	v10 =	vand.u32 $0x7F, v10;
	v9 =	vor.u32 v1, v9  }
0x27: {  	v11 =	vadd.s32 s26, v2;
	v10 =	vor.u32 v9, v10  }
0x28: {  	v11 =	vand.u32 $0x7F, v11  }
0x29: {  	v12 =	vadd.s32 s26, v3;
	v11 =	vor.u32 v9, v11  }
0x2a: {  	v12 =	vand.u32 $0x7F, v12  }
0x2b: {  	v13 =	vadd.s32 s26, v4;
	v14 =	vor.u32 v9, v12  }
0x2c: {  	v12 =	vand.u32 $0x7F, v13;
	v16 =	vld.idx.msk [tilespmem:v10+s13+$0x0], $0xffff  }
0x2d: {  	v13 =	vadd.s32 s26, v5;
	v17 =	vor.u32 v9, v12;
	v10 =	vld.idx.msk [tilespmem:v10+s12+$0x0], $0xffff  }
0x2e: {  	v12 =	vand.u32 $0x7F, v13;
	v20 =	vld.idx.msk [tilespmem:v11+s13+$0x0], $0xffff  }
0x2f: {  	v13 =	vadd.s32 s26, v6;
	v22 =	vor.u32 v9, v12;
	v23 =	vld.idx.msk [tilespmem:v11+s12+$0x0], $0xffff  }
0x30: {  	v12 =	vand.u32 $0x7F, v13;
	v11 =	vld.idx.msk [tilespmem:v14+s13+$0x0], $0xffff  }
0x31: {  	s30 =	simm.s32 $0x8;
	v13 =	vadd.s32 s26, v7;
	v12 =	vor.u32 v9, v12;
	v18 =	vld.idx.msk [tilespmem:v14+s12+$0x0], $0xffff  }
0x32: {  	v21 =	vimm.f32 $0.0e+00;
	v24 =	vadd.s32 s30, v0;
	v13 =	vand.u32 $0x7F, v13;
	v15 =	vld.idx.msk [tilespmem:v17+s13+$0x0], $0xffff  }
0x33: {  	v13 =	vor.u32 v9, v13;
	v14 =	vadd.s32 s26, v8;
	v19 =	vld.idx.msk [tilespmem:v17+s12+$0x0], $0xffff;
	v10 =	vsub.f32 v16, v10  }
0x34: {  	v26 =	vadd.s32 s30, v2;
	v14 =	vand.u32 $0x7F, v14;
	v17 =	vand.u32 $0x7F, v24;
	v16 =	vld.idx.msk [tilespmem:v22+s13+$0x0], $0xffff  }
0x35: {  	v14 =	vor.u32 v9, v14;
	v25 =	vsub.f32 v20, v23;
	v20 =	vld.idx.msk [tilespmem:v22+s12+$0x0], $0xffff;
	v24 =	vmul.f32 v10, v10  }
0x36: {  	s31 =	simm.s32 $0x10;
	v22 =	vand.u32 $0x7F, v26;
	v23 =	vadd.s32 s30, v3;
	v10 =	vor.u32 v9, v17;
	v17 =	vld.idx.msk [tilespmem:v12+s13+$0x0], $0xffff  }
.LBB2_5:
0x37: {  	p0 =	sne.s32 s31, $0x78;
	v21 =	vadd.f32 v24, v21;
	v24 =	vmul.f32 v25, v25;
	v11 =	vsub.f32 v11, v18;
	v12 =	vld.idx.msk [tilespmem:v12+s12+$0x0], $0xffff  }
0x38: {  	v18 =	vor.u32 v9, v22;
	v22 =	vand.u32 $0x7F, v23;
	v23 =	vadd.s32 s30, v4;
	v25 =	vld.idx.msk [tilespmem:v13+s13+$0x0], $0xffff  }
0x39: {  	v15 =	vsub.f32 v15, v19;
	v21 =	vadd.f32 v24, v21;
	v11 =	vmul.f32 v11, v11;
	v13 =	vld.idx.msk [tilespmem:v13+s12+$0x0], $0xffff  }
0x3a: {  	v19 =	vor.u32 v9, v22;
	v22 =	vand.u32 $0x7F, v23;
	v23 =	vadd.s32 s30, v5;
	v24 =	vld.idx.msk [tilespmem:v14+s13+$0x0], $0xffff  }
0x3b: {  	v15 =	vmul.f32 v15, v15;
	v16 =	vsub.f32 v16, v20;
	v11 =	vadd.f32 v11, v21;
	v14 =	vld.idx.msk [tilespmem:v14+s12+$0x0], $0xffff  }
0x3c: {  	v21 =	vor.u32 v9, v22;
	v22 =	vand.u32 $0x7F, v23;
	v23 =	vadd.s32 s30, v6;
	v20 =	vld.idx.msk [tilespmem:v10+s13+$0x0], $0xffff  }
0x3d: {  	v12 =	vsub.f32 v17, v12;
	v10 =	vld.idx.msk [tilespmem:v10+s12+$0x0], $0xffff;
	v11 =	vadd.f32 v15, v11;
	v15 =	vmul.f32 v16, v16  }
0x3e: {  	v22 =	vor.u32 v9, v22;
	v16 =	vand.u32 $0x7F, v23;
	v23 =	vadd.s32 s30, v7;
	v17 =	vld.idx.msk [tilespmem:v18+s13+$0x0], $0xffff  }
0x3f: {  	v27 =	vmul.f32 v12, v12;
	v13 =	vsub.f32 v25, v13;
	v26 =	vld.idx.msk [tilespmem:v18+s12+$0x0], $0xffff;
	v15 =	vadd.f32 v15, v11  }
0x40: {  	v12 =	vor.u32 v9, v16;
	v16 =	vand.u32 $0x7F, v23;
	v23 =	vadd.s32 s30, v8;
	s30 =	smov.u32 s31;
	v11 =	vld.idx.msk [tilespmem:v19+s13+$0x0], $0xffff  }
0x41: {  	v14 =	vsub.f32 v24, v14;
	v18 =	vld.idx.msk [tilespmem:v19+s12+$0x0], $0xffff;
	v25 =	vadd.f32 v27, v15;
	v27 =	vmul.f32 v13, v13  }
.Ltmp0:
0x42: {  	v23 =	vand.u32 $0x7F, v23;
	v24 =	vadd.s32 s31, v0;
	v13 =	vor.u32 v9, v16;
	v15 =	vld.idx.msk [tilespmem:v21+s13+$0x0], $0xffff;
	(pc) =	sbr.rel @p0 .LBB2_5-.Ltmp0, $4  }
0x43: {  	v10 =	vsub.f32 v20, v10;
	v19 =	vld.idx.msk [tilespmem:v21+s12+$0x0], $0xffff;
	v21 =	vadd.f32 v27, v25;
	v27 =	vmul.f32 v14, v14  }
0x44: {  	v29 =	vadd.s32 s31, v2;
	v28 =	vand.u32 $0x7F, v24;
	v14 =	vor.u32 v9, v23;
	v16 =	vld.idx.msk [tilespmem:v22+s13+$0x0], $0xffff  }
0x45: {  	v24 =	vmul.f32 v10, v10;
	v25 =	vsub.f32 v17, v26;
	v20 =	vld.idx.msk [tilespmem:v22+s12+$0x0], $0xffff;
	v21 =	vadd.f32 v27, v21  }
0x46: {  	s31 =	sadd.s32 $0x8, s31;
	v23 =	vadd.s32 s30, v3;
	v10 =	vor.u32 v9, v28;
	v22 =	vand.u32 $0x7F, v29;
	v17 =	vld.idx.msk [tilespmem:v12+s13+$0x0], $0xffff  }
0x47: {  	_ =	sdelay $0x2  }
0x48: {  	v21 =	vadd.f32 v24, v21;
	v63 =	vmul.f32 v25, v25;
	v11 =	vsub.f32 v11, v18  }
0x49: {  	v12 =	vld.idx.msk [tilespmem:v12+s12+$0x0], $0xffff  }
0x4a: {  	v28 =	vld.idx.msk [tilespmem:v13+s13+$0x0], $0xffff;
	v15 =	vsub.f32 v15, v19;
	v21 =	vadd.f32 v63, v21;
	v11 =	vmul.f32 v11, v11  }
0x4b: {  	v29 =	vor.u32 v9, v22;
	v30 =	vand.u32 $0x7F, v23;
	v31 =	vadd.s32 s30, v4;
	v32 =	vld.idx.msk [tilespmem:v13+s12+$0x0], $0xffff  }
0x4c: {  	v33 =	vld.idx.msk [tilespmem:v14+s13+$0x0], $0xffff;
	v15 =	vmul.f32 v15, v15;
	v16 =	vsub.f32 v16, v20;
	v11 =	vadd.f32 v11, v21  }
0x4d: {  	v36 =	vadd.s32 s30, v5;
	v37 =	vld.idx.msk [tilespmem:v14+s12+$0x0], $0xffff;
	v34 =	vor.u32 v9, v30;
	v35 =	vand.u32 $0x7F, v31  }
0x4e: {  	v38 =	vld.idx.msk [tilespmem:v10+s13+$0x0], $0xffff;
	v39 =	vmul.f32 v16, v16;
	v12 =	vsub.f32 v17, v12;
	v11 =	vadd.f32 v15, v11  }
0x4f: {  	v42 =	vadd.s32 s30, v6;
	v10 =	vld.idx.msk [tilespmem:v10+s12+$0x0], $0xffff;
	v41 =	vand.u32 $0x7F, v36;
	v40 =	vor.u32 v9, v35  }
0x50: {  	v43 =	vld.idx.msk [tilespmem:v29+s13+$0x0], $0xffff;
	v13 =	vsub.f32 v28, v32;
	v12 =	vmul.f32 v12, v12;
	v11 =	vadd.f32 v39, v11  }
0x51: {  	v46 =	vadd.s32 s30, v7;
	v45 =	vand.u32 $0x7F, v42;
	v44 =	vor.u32 v9, v41;
	v19 =	vld.idx.msk [tilespmem:v29+s12+$0x0], $0xffff  }
0x52: {  	v49 =	vsub.f32 v33, v37;
	v47 =	vld.idx.msk [tilespmem:v34+s13+$0x0], $0xffff;
	v48 =	vmul.f32 v13, v13;
	v11 =	vadd.f32 v12, v11  }
0x53: {  	v52 =	vadd.s32 s30, v8;
	v51 =	vand.u32 $0x7F, v46;
	v50 =	vor.u32 v9, v45;
	v20 =	vld.idx.msk [tilespmem:v34+s12+$0x0], $0xffff  }
0x54: {  	v10 =	vsub.f32 v38, v10;
	v53 =	vld.idx.msk [tilespmem:v40+s13+$0x0], $0xffff;
	v54 =	vmul.f32 v49, v49;
	v11 =	vadd.f32 v48, v11  }
0x55: {  	v56 =	vand.u32 $0x7F, v52;
	v55 =	vor.u32 v9, v51;
	v16 =	vld.idx.msk [tilespmem:v40+s12+$0x0], $0xffff  }
0x56: {  	v57 =	vld.idx.msk [tilespmem:v44+s13+$0x0], $0xffff;
	v10 =	vmul.f32 v10, v10;
	v19 =	vsub.f32 v43, v19;
	v11 =	vadd.f32 v54, v11  }
0x57: {  	v58 =	vor.u32 v9, v56;
	v15 =	vld.idx.msk [tilespmem:v44+s12+$0x0], $0xffff  }
0x58: {  	v59 =	vld.idx.msk [tilespmem:v50+s13+$0x0], $0xffff;
	v60 =	vsub.f32 v47, v20;
	v10 =	vadd.f32 v10, v11;
	v11 =	vmul.f32 v19, v19  }
0x59: {  	v14 =	vld.idx.msk [tilespmem:v50+s12+$0x0], $0xffff  }
0x5a: {  	v61 =	vld.idx.msk [tilespmem:v55+s13+$0x0], $0xffff;
	v16 =	vsub.f32 v53, v16;
	v10 =	vadd.f32 v11, v10;
	v11 =	vmul.f32 v60, v60  }
0x5b: {  	v13 =	vld.idx.msk [tilespmem:v55+s12+$0x0], $0xffff  }
0x5c: {  	v62 =	vld.idx.msk [tilespmem:v58+s13+$0x0], $0xffff;
	v15 =	vsub.f32 v57, v15;
	v10 =	vadd.f32 v11, v10;
	v11 =	vmul.f32 v16, v16  }
0x5d: {  	v12 =	vld.idx.msk [tilespmem:v58+s12+$0x0], $0xffff  }
0x5e: {  	v14 =	vsub.f32 v59, v14;
	v10 =	vadd.f32 v11, v10;
	v11 =	vmul.f32 v15, v15  }
0x5f: {  	v63 =	vld.idx.msk [tilespmem:v9+s13+$0x0], $0xffff  }
0x60: {  	v9 =	vld.idx.msk [tilespmem:v9+s12+$0x0], $0xffff;
	v13 =	vsub.f32 v61, v13;
	v10 =	vadd.f32 v11, v10;
	v11 =	vmul.f32 v14, v14;
	_ =	sdelay $0x1  }
0x61: {  	s28 =	sadd.s32 $0x1, s28;
	v12 =	vsub.f32 v62, v12;
	v10 =	vadd.f32 v11, v10;
	v11 =	vmul.f32 v13, v13  }
0x62: {  	p0 =	sne.s32 s28, $0x8  }
.Ltmp1:
0x63: {  	v10 =	vadd.f32 v11, v10;
	v11 =	vmul.f32 v12, v12;
	(pc) =	sbr.rel @p0 .LBB2_4-.Ltmp1, $4  }
0x64: {  	v9 =	vsub.f32 v63, v9  }
0x65: {  	s29 =	sor.u32 s25, s29;
	v10 =	vadd.f32 v11, v10  }
0x66: {  	[tilespmem:s29+$0x13C00] =	vst v9  }
0x67: {  	[tilespmem:s29+$0x12800] =	vst v10  }
0x68: {  	p0 =	seq.s32 s24, $0x13  }
0x69: {  	s26 =	sadd.s32 @!p0 $0x100, s25;
	s28 =	simm.s32 @!p0 $0x80;
	s29 =	simm.s32 @!p0 $0x2800  }
0x6a: {  	[tilespmem:s29], [sflag:$0x1] =	stream.indirect.gather @!p0 [hbm4b:s2+s28], $0x80, s26, s28, $0xb8;
	[tilespmem:$0x15000] =	vst v63  }
0x6b: {  	s25 =	sadd.s32 @!p0 $0x1500, s25;
	s26 =	simm.s32 @!p0 $0x6800  }
0x6c: {  	[tilespmem:s26], [sflag:$0x2] =	stream.indirect.gather @!p0 [hbm4b:s2+s28], $0x80, s25, s28, $0xb8;
	[tilespmem:$0x15000] =	vst v63  }
0x6d: {  	_ =	swait.ge [sflag:s18], $0x4000  }
0x6e: {  	[sflag:s18] =	ssyncset.done $0x0  }
0x6f: {  	[sflag:s18] =	ssyncadd.s32 $0xFFFFC000  }
0x70: {  	_ =	swait.ge [sflag:s19], $0x4000  }
0x71: {  	s24 =	sadd.s32 $0x1, s24;
	[sflag:s19] =	ssyncset.done $0x0  }
0x72: {  	s25 =	simm.s32 $0x0;
	s26 =	simm.s32 $0x0;
	[sflag:s19] =	ssyncadd.s32 $0xFFFFC000  }
.LBB2_8:
0x73: {  	s28 =	sshll.u32 s26, $0x4  }
0x74: {  	v9 =	vmov s28  }
0x75: {  	v10 =	vadd.s32 s25, v0;
	v9 =	vshll.u32 v9, $0x7  }
0x76: {  	v10 =	vand.u32 $0x7F, v10;
	v9 =	vor.u32 v1, v9  }
0x77: {  	v11 =	vadd.s32 s25, v2;
	v10 =	vor.u32 v9, v10  }
0x78: {  	v11 =	vand.u32 $0x7F, v11  }
0x79: {  	v12 =	vadd.s32 s25, v3;
	v11 =	vor.u32 v9, v11  }
0x7a: {  	v12 =	vand.u32 $0x7F, v12  }
0x7b: {  	v13 =	vadd.s32 s25, v4;
	v14 =	vor.u32 v9, v12  }
0x7c: {  	v12 =	vand.u32 $0x7F, v13;
	v16 =	vld.idx.msk [tilespmem:v10+s15+$0x0], $0xffff  }
0x7d: {  	v13 =	vadd.s32 s25, v5;
	v17 =	vor.u32 v9, v12;
	v10 =	vld.idx.msk [tilespmem:v10+s14+$0x0], $0xffff  }
0x7e: {  	v12 =	vand.u32 $0x7F, v13;
	v20 =	vld.idx.msk [tilespmem:v11+s15+$0x0], $0xffff  }
0x7f: {  	v13 =	vadd.s32 s25, v6;
	v22 =	vor.u32 v9, v12;
	v23 =	vld.idx.msk [tilespmem:v11+s14+$0x0], $0xffff  }
0x80: {  	v12 =	vand.u32 $0x7F, v13;
	v11 =	vld.idx.msk [tilespmem:v14+s15+$0x0], $0xffff  }
0x81: {  	s29 =	simm.s32 $0x8;
	v13 =	vadd.s32 s25, v7;
	v12 =	vor.u32 v9, v12;
	v18 =	vld.idx.msk [tilespmem:v14+s14+$0x0], $0xffff  }
0x82: {  	v21 =	vimm.f32 $0.0e+00;
	v24 =	vadd.s32 s29, v0;
	v13 =	vand.u32 $0x7F, v13;
	v15 =	vld.idx.msk [tilespmem:v17+s15+$0x0], $0xffff  }
0x83: {  	v13 =	vor.u32 v9, v13;
	v14 =	vadd.s32 s25, v8;
	v19 =	vld.idx.msk [tilespmem:v17+s14+$0x0], $0xffff;
	v10 =	vsub.f32 v16, v10  }
0x84: {  	v26 =	vadd.s32 s29, v2;
	v14 =	vand.u32 $0x7F, v14;
	v17 =	vand.u32 $0x7F, v24;
	v16 =	vld.idx.msk [tilespmem:v22+s15+$0x0], $0xffff  }
0x85: {  	v14 =	vor.u32 v9, v14;
	v25 =	vsub.f32 v20, v23;
	v20 =	vld.idx.msk [tilespmem:v22+s14+$0x0], $0xffff;
	v24 =	vmul.f32 v10, v10  }
0x86: {  	s30 =	simm.s32 $0x10;
	v22 =	vand.u32 $0x7F, v26;
	v23 =	vadd.s32 s29, v3;
	v10 =	vor.u32 v9, v17;
	v17 =	vld.idx.msk [tilespmem:v12+s15+$0x0], $0xffff  }
.LBB2_9:
0x87: {  	p0 =	sne.s32 s30, $0x78;
	v21 =	vadd.f32 v24, v21;
	v24 =	vmul.f32 v25, v25;
	v11 =	vsub.f32 v11, v18;
	v12 =	vld.idx.msk [tilespmem:v12+s14+$0x0], $0xffff  }
0x88: {  	v18 =	vor.u32 v9, v22;
	v22 =	vand.u32 $0x7F, v23;
	v23 =	vadd.s32 s29, v4;
	v25 =	vld.idx.msk [tilespmem:v13+s15+$0x0], $0xffff  }
0x89: {  	v15 =	vsub.f32 v15, v19;
	v21 =	vadd.f32 v24, v21;
	v11 =	vmul.f32 v11, v11;
	v13 =	vld.idx.msk [tilespmem:v13+s14+$0x0], $0xffff  }
0x8a: {  	v19 =	vor.u32 v9, v22;
	v22 =	vand.u32 $0x7F, v23;
	v23 =	vadd.s32 s29, v5;
	v24 =	vld.idx.msk [tilespmem:v14+s15+$0x0], $0xffff  }
0x8b: {  	v15 =	vmul.f32 v15, v15;
	v16 =	vsub.f32 v16, v20;
	v11 =	vadd.f32 v11, v21;
	v14 =	vld.idx.msk [tilespmem:v14+s14+$0x0], $0xffff  }
0x8c: {  	v21 =	vor.u32 v9, v22;
	v22 =	vand.u32 $0x7F, v23;
	v23 =	vadd.s32 s29, v6;
	v20 =	vld.idx.msk [tilespmem:v10+s15+$0x0], $0xffff  }
0x8d: {  	v12 =	vsub.f32 v17, v12;
	v10 =	vld.idx.msk [tilespmem:v10+s14+$0x0], $0xffff;
	v11 =	vadd.f32 v15, v11;
	v15 =	vmul.f32 v16, v16  }
0x8e: {  	v22 =	vor.u32 v9, v22;
	v16 =	vand.u32 $0x7F, v23;
	v23 =	vadd.s32 s29, v7;
	v17 =	vld.idx.msk [tilespmem:v18+s15+$0x0], $0xffff  }
0x8f: {  	v27 =	vmul.f32 v12, v12;
	v13 =	vsub.f32 v25, v13;
	v26 =	vld.idx.msk [tilespmem:v18+s14+$0x0], $0xffff;
	v15 =	vadd.f32 v15, v11  }
0x90: {  	v12 =	vor.u32 v9, v16;
	v16 =	vand.u32 $0x7F, v23;
	v23 =	vadd.s32 s29, v8;
	s29 =	smov.u32 s30;
	v11 =	vld.idx.msk [tilespmem:v19+s15+$0x0], $0xffff  }
0x91: {  	v14 =	vsub.f32 v24, v14;
	v18 =	vld.idx.msk [tilespmem:v19+s14+$0x0], $0xffff;
	v25 =	vadd.f32 v27, v15;
	v27 =	vmul.f32 v13, v13  }
.Ltmp2:
0x92: {  	v23 =	vand.u32 $0x7F, v23;
	v24 =	vadd.s32 s30, v0;
	v13 =	vor.u32 v9, v16;
	v15 =	vld.idx.msk [tilespmem:v21+s15+$0x0], $0xffff;
	(pc) =	sbr.rel @p0 .LBB2_9-.Ltmp2, $4  }
0x93: {  	v10 =	vsub.f32 v20, v10;
	v19 =	vld.idx.msk [tilespmem:v21+s14+$0x0], $0xffff;
	v21 =	vadd.f32 v27, v25;
	v27 =	vmul.f32 v14, v14  }
0x94: {  	v29 =	vadd.s32 s30, v2;
	v28 =	vand.u32 $0x7F, v24;
	v14 =	vor.u32 v9, v23;
	v16 =	vld.idx.msk [tilespmem:v22+s15+$0x0], $0xffff  }
0x95: {  	v24 =	vmul.f32 v10, v10;
	v25 =	vsub.f32 v17, v26;
	v20 =	vld.idx.msk [tilespmem:v22+s14+$0x0], $0xffff;
	v21 =	vadd.f32 v27, v21  }
0x96: {  	s30 =	sadd.s32 $0x8, s30;
	v23 =	vadd.s32 s29, v3;
	v10 =	vor.u32 v9, v28;
	v22 =	vand.u32 $0x7F, v29;
	v17 =	vld.idx.msk [tilespmem:v12+s15+$0x0], $0xffff  }
0x97: {  	_ =	sdelay $0x2  }
0x98: {  	v21 =	vadd.f32 v24, v21;
	v63 =	vmul.f32 v25, v25;
	v11 =	vsub.f32 v11, v18  }
0x99: {  	v12 =	vld.idx.msk [tilespmem:v12+s14+$0x0], $0xffff  }
0x9a: {  	v28 =	vld.idx.msk [tilespmem:v13+s15+$0x0], $0xffff;
	v15 =	vsub.f32 v15, v19;
	v21 =	vadd.f32 v63, v21;
	v11 =	vmul.f32 v11, v11  }
0x9b: {  	v29 =	vor.u32 v9, v22;
	v30 =	vand.u32 $0x7F, v23;
	v31 =	vadd.s32 s29, v4;
	v32 =	vld.idx.msk [tilespmem:v13+s14+$0x0], $0xffff  }
0x9c: {  	v33 =	vld.idx.msk [tilespmem:v14+s15+$0x0], $0xffff;
	v15 =	vmul.f32 v15, v15;
	v16 =	vsub.f32 v16, v20;
	v11 =	vadd.f32 v11, v21  }
0x9d: {  	v36 =	vadd.s32 s29, v5;
	v37 =	vld.idx.msk [tilespmem:v14+s14+$0x0], $0xffff;
	v34 =	vor.u32 v9, v30;
	v35 =	vand.u32 $0x7F, v31  }
0x9e: {  	v38 =	vld.idx.msk [tilespmem:v10+s15+$0x0], $0xffff;
	v39 =	vmul.f32 v16, v16;
	v12 =	vsub.f32 v17, v12;
	v11 =	vadd.f32 v15, v11  }
0x9f: {  	v42 =	vadd.s32 s29, v6;
	v10 =	vld.idx.msk [tilespmem:v10+s14+$0x0], $0xffff;
	v41 =	vand.u32 $0x7F, v36;
	v40 =	vor.u32 v9, v35  }
0xa0: {  	v43 =	vld.idx.msk [tilespmem:v29+s15+$0x0], $0xffff;
	v13 =	vsub.f32 v28, v32;
	v12 =	vmul.f32 v12, v12;
	v11 =	vadd.f32 v39, v11  }
0xa1: {  	v46 =	vadd.s32 s29, v7;
	v45 =	vand.u32 $0x7F, v42;
	v44 =	vor.u32 v9, v41;
	v19 =	vld.idx.msk [tilespmem:v29+s14+$0x0], $0xffff  }
0xa2: {  	v49 =	vsub.f32 v33, v37;
	v47 =	vld.idx.msk [tilespmem:v34+s15+$0x0], $0xffff;
	v48 =	vmul.f32 v13, v13;
	v11 =	vadd.f32 v12, v11  }
0xa3: {  	v52 =	vadd.s32 s29, v8;
	v51 =	vand.u32 $0x7F, v46;
	v50 =	vor.u32 v9, v45;
	v20 =	vld.idx.msk [tilespmem:v34+s14+$0x0], $0xffff  }
0xa4: {  	v10 =	vsub.f32 v38, v10;
	v53 =	vld.idx.msk [tilespmem:v40+s15+$0x0], $0xffff;
	v54 =	vmul.f32 v49, v49;
	v11 =	vadd.f32 v48, v11  }
0xa5: {  	v56 =	vand.u32 $0x7F, v52;
	v55 =	vor.u32 v9, v51;
	v16 =	vld.idx.msk [tilespmem:v40+s14+$0x0], $0xffff  }
0xa6: {  	v57 =	vld.idx.msk [tilespmem:v44+s15+$0x0], $0xffff;
	v10 =	vmul.f32 v10, v10;
	v19 =	vsub.f32 v43, v19;
	v11 =	vadd.f32 v54, v11  }
0xa7: {  	v58 =	vor.u32 v9, v56;
	v15 =	vld.idx.msk [tilespmem:v44+s14+$0x0], $0xffff  }
0xa8: {  	v59 =	vld.idx.msk [tilespmem:v50+s15+$0x0], $0xffff;
	v60 =	vsub.f32 v47, v20;
	v10 =	vadd.f32 v10, v11;
	v11 =	vmul.f32 v19, v19  }
0xa9: {  	v14 =	vld.idx.msk [tilespmem:v50+s14+$0x0], $0xffff  }
0xaa: {  	v61 =	vld.idx.msk [tilespmem:v55+s15+$0x0], $0xffff;
	v16 =	vsub.f32 v53, v16;
	v10 =	vadd.f32 v11, v10;
	v11 =	vmul.f32 v60, v60  }
0xab: {  	v13 =	vld.idx.msk [tilespmem:v55+s14+$0x0], $0xffff  }
0xac: {  	v62 =	vld.idx.msk [tilespmem:v58+s15+$0x0], $0xffff;
	v15 =	vsub.f32 v57, v15;
	v10 =	vadd.f32 v11, v10;
	v11 =	vmul.f32 v16, v16  }
0xad: {  	v12 =	vld.idx.msk [tilespmem:v58+s14+$0x0], $0xffff  }
0xae: {  	v14 =	vsub.f32 v59, v14;
	v10 =	vadd.f32 v11, v10;
	v11 =	vmul.f32 v15, v15  }
0xaf: {  	v63 =	vld.idx.msk [tilespmem:v9+s15+$0x0], $0xffff  }
0xb0: {  	v9 =	vld.idx.msk [tilespmem:v9+s14+$0x0], $0xffff;
	v13 =	vsub.f32 v61, v13;
	v10 =	vadd.f32 v11, v10;
	v11 =	vmul.f32 v14, v14;
	_ =	sdelay $0x1  }
0xb1: {  	s26 =	sadd.s32 $0x1, s26;
	v12 =	vsub.f32 v62, v12;
	v10 =	vadd.f32 v11, v10;
	v11 =	vmul.f32 v13, v13  }
0xb2: {  	p0 =	seq.s32 s26, $0x8  }
.Ltmp3:
0xb3: {  	v10 =	vadd.f32 v11, v10;
	v11 =	vmul.f32 v12, v12;
	(pc) =	sbr.rel @!p0 .LBB2_8-.Ltmp3, $4  }
0xb4: {  	v9 =	vsub.f32 v63, v9  }
0xb5: {  	s28 =	sor.u32 s23, s28;
	v10 =	vadd.f32 v11, v10  }
0xb6: {  	[tilespmem:s28+$0x13C00] =	vst v9  }
0xb7: {  	[tilespmem:s28+$0x12800] =	vst v10  }
0xb8: {  	p0 =	seq.s32 s24, $0x14  }
.Ltmp4:
0xb9: {  	_ = 	snop;
	(pc) =	sbr.rel @!p0 .LBB2_3-.Ltmp4, $1  }
0xba: {  	_ =	sdelay $0x3  }
0xbb: {  	[hbm4b:s6+s3] =	stream.linear.scatter [tilespmem:s20], [sflag:$0x5], $0x1400, $0x38;
	[tilespmem:$0x15000] =	vst v63  }
0xbc: {  	s22 =	sadd.s32 $0x1, s22;
	_ =	swait.ge [sflag:s9], $0x1400  }
0xbd: {  	p0 =	sne.s32 s22, s8;
	[sflag:s9] =	ssyncset.done $0x0  }
.Ltmp5:
0xbe: {  	[sflag:s9] =	ssyncadd.s32 $0xFFFFEC00;
	(pc) =	sbr.rel @p0 .LBB2_1-.Ltmp5, $4  }
0xbf: {  	[hbm4b:s7+s3] =	stream.linear.scatter [tilespmem:s21], [sflag:$0x5], $0x1400, $0x38;
	[tilespmem:$0x15000] =	vst v63  }
0xc0: {  	_ =	swait.ge [sflag:s9], $0x1400  }
0xc1: {  	[sflag:s9] =	ssyncset.done $0x0  }
0xc2: {  	[sflag:s9] =	ssyncadd.s32 $0xFFFFEC00  }
0xc3: {  	_ =	sfence.sel $0x180000  }
0xc4: {  	[bflag:$0x0] =	sbarrier.arrive $0xFFFF  }
0xc5: {  	p0 =	sne.s32 s0, $0x0;
	_ =	strace $0x9000004A  }
0xc6: {  	s0 =	sadd.s32 @!p0 $0x100000, s1;
	[bflag:$0x2] =	sbarrier.arrive $0xFFFF  }
0xc7: {  	[sflag:s0] =	ssyncadd.tile.s32 @!p0 $0x1;
	_ =	shalt  }
.Lfunc_end2:
_tile_overlayer_lowered:
.L_overlay_start_2:
0xc8: {  	(tag) =	ssettag $0x2  }
0xc9: {  	s0 =	rddreg [dreg:$0x0];
	s2 =	stileid.u32  }
0xca: {  	s1 =	rddreg [dreg:$0x1];
	p0 =	sne.s32 s2, $0x0  }
0xcb: {  	s3 =	rddreg [dreg:$0x2];
	[bflag:$0x3] =	sbarrier.arrive $0xFFFF;
	s2 =	simm.s32 @!p0 $0x1C05  }
0xcc: {  	[timem:s3], [sflag:s2] =	dma.local @!p0 [hbm:s0], s1  }
0xcd: {  	s0 =	simm.s32 @!p0 $0x5  }
0xce: {  	_ =	swait.ge @!p0 [sflag:s0], s1  }
0xcf: {  	s1 =	ssub.s32 @!p0 $0x0, s1;
	[sflag:s0] =	ssyncset.done @!p0 $0x0  }
0xd0: {  	[sflag:s0] =	ssyncadd.s32 @!p0 s1  }
0xd1: {  	[bflag:$0x3] =	sbarrier.arrive $0xFFFF  }
0xd2: {  	_ =	shalt  }

// kernel: kernel.9.cloned.1.call-start
scs
__scs_entry_jumppad:
0x0: {  	(pc) =	sbr.rel $0x88, $3  }
0x1: {  	(tag) =	ssettag $0x0;
	lr =	simm.s32 $0x1  }
0x2: {  	[smem:$0x3F9F] =	sst lr;
	_ =	strace $0xD0000000  }
0x3: {  	_ = 	snop  }
0x4: {  	_ = 	snop  }
0x5: {  	_ = 	snop  }
0x6: {  	_ = 	snop  }
0x7: {  	_ = 	snop  }
__scs_overlays_trampoline_lowered:
0x8: {  	[smem:$0x3FAE] =	sst s0  }
0x9: {  	[smem:$0x3FAF] =	sst s1  }
0xa: {  	[smem:$0x3FB0] =	sst s2  }
0xb: {  	[smem:$0x3FB1] =	sst s3  }
0xc: {  	[smem:$0x3FB2] =	sst s4  }
0xd: {  	[smem:$0x3FB3] =	sst s5  }
0xe: {  	[smem:$0x3FB4] =	sst s6  }
0xf: {  	[smem:$0x3FB5] =	sst s7  }
0x10: {  	[smem:$0x3FB6] =	sst s8  }
0x11: {  	[smem:$0x3FB7] =	sst s9;
	s0 =	simm.s32 @!p0 $0x0  }
0x12: {  	s1 =	sld [smem:$0x3F9D];
	s0 =	simm.s32 @p0 $0x1  }
0x13: {  	[smem:$0x3FB8] =	sst s0;
	s0 =	simm.s32 @!p1 $0x0  }
0x14: {  	s2 =	sld [smem:$0x3F9C];
	s0 =	simm.s32 @p1 $0x1  }
0x15: {  	[smem:$0x3FB9] =	sst s0;
	s0 =	simm.s32 @!p2 $0x0  }
0x16: {  	s3 =	sld [smem:$0x3FDB];
	s0 =	simm.s32 @p2 $0x1  }
0x17: {  	s4 =	simm.s32 $0x1BF5;
	[smem:$0x3FBB] =	sst s0  }
0x18: {  	s0 =	sld [smem:$0x3F9E];
	_ =	swait.ge [sflag:s4], $0x0  }
0x19: {  	s7 =	sld [smem:$0x3F9F]  }
0x1a: {  	s8 =	sadd.s32 $0xFFFFE003, lr  }
0x1b: {  	s9 =	sadd.s32 $0xFFFFFEF7, lr;
	s5 =	simm.s32 $0xFFFFFFFF;
	p2 =	slt.u32 s8, $0xFFFFF086  }
0x1c: {  	p1 =	slt.u32 s9, $0xF7A;
	s5 =	simm.s32 @!p2 $0x0  }
0x1d: {  	s5 =	simm.s32 @p1 $0x1;
	p0 =	seq.s32 s7, s2  }
0x1e: {  	s7 =	smul.u32 @!p0 $0xF7A, s2;
	p2 =	seq.s32 @!p0 s5, $0x0  }
0x1f: {  	s9 =	smul.u32 $0xF7A, s1;
	s8 =	simm.s32 @!p0 $0x1BF5;
	p2 =	por !p2, p0  }
0x20: {  	[sflag:s8] =	ssyncset.s32 @!p0 $0xFFFFF086;
	s6 =	sadd.s32 @!p0 s3, s7;
	s7 =	simm.s32 @!p0 $0x108  }
0x21: {  	s3 =	sadd.s32 s3, s9;
	s6 =	sadd.s32 @!p0 $0x88, s6;
	s7 =	simm.s32 @p2 $0x1082  }
0x22: {  	[simem:s7], [sflag:s8] =	dma.local @!p0 [hbm:s6], $0xF7A  }
0x23: {  	s9 =	sor.u32 $0xD0000000, s2;
	s6 =	simm.s32 $0x108;
	_ =	swait.ge @!p0 [sflag:s8], $0x0  }
0x24: {  	s3 =	sadd.s32 $0x88, s3;
	s6 =	simm.s32 @!p1 $0x1082;
	[sflag:s4] =	ssyncset.s32 $0xFFFFF086  }
0x25: {  	[simem:s6], [sflag:s4] =	dma.local [hbm:s3], $0xF7A  }
0x26: {  	[smem:$0x3F9F] =	sst s1;
	(tag) =	ssettag s2;
	_ =	strace s9  }
0x27: {  	s1 =	sld [smem:$0x3FAF]  }
0x28: {  	s2 =	sld [smem:$0x3FB0]  }
0x29: {  	s4 =	sld [smem:$0x3FB2]  }
0x2a: {  	p0 =	seq.s32 s5, $0x0;
	s5 =	sld [smem:$0x3FB3]  }
0x2b: {  	s6 =	sld [smem:$0x3FB4]  }
0x2c: {  	s7 =	sld [smem:$0x3FB5]  }
0x2d: {  	s3 =	simm.s32 $0x108;
	s8 =	sld [smem:$0x3FB6]  }
0x2e: {  	s3 =	simm.s32 @!p0 $0x1082;
	s9 =	sld [smem:$0x3FB7]  }
0x2f: {  	lr =	sadd.s32 s0, s3;
	s0 =	sld [smem:$0x3FAE]  }
0x30: {  	s3 =	sld [smem:$0x3FB1]  }
0x31: {  	[smem:$0x3FBA] =	sst s10  }
0x32: {  	s10 =	sld [smem:$0x3FB8];
	_ =	sdelay $0x3  }
0x33: {  	p0 =	seq.s32 s10, $0x1;
	s10 =	sld [smem:$0x3FBA];
	_ =	sdelay $0x3  }
0x34: {  	[smem:$0x3FBA] =	sst s10  }
0x35: {  	s10 =	sld [smem:$0x3FB9];
	_ =	sdelay $0x3  }
0x36: {  	p1 =	seq.s32 s10, $0x1;
	s10 =	sld [smem:$0x3FBA];
	_ =	sdelay $0x3  }
0x37: {  	[smem:$0x3FBA] =	sst s10  }
0x38: {  	s10 =	sld [smem:$0x3FBB]  }
0x39: {  	_ = 	snop;
	(pc) =	sbr.ind lr, $3  }
0x3a: {  	_ = 	snop  }
0x3b: {  	_ = 	snop  }
0x3c: {  	p2 =	seq.s32 s10, $0x1;
	s10 =	sld [smem:$0x3FBA]  }
0x3d: {  	_ =	shalt  }
0x3e: {  	_ =	shalt  }
0x3f: {  	_ =	shalt  }
0x40: {  	_ =	shalt  }
0x41: {  	_ =	shalt  }
0x42: {  	_ =	shalt  }
0x43: {  	_ =	shalt  }
0x44: {  	_ =	shalt  }
0x45: {  	_ =	shalt  }
0x46: {  	_ =	shalt  }
0x47: {  	_ =	shalt  }
0x48: {  	_ =	shalt  }
0x49: {  	_ =	shalt  }
0x4a: {  	_ =	shalt  }
0x4b: {  	_ =	shalt  }
0x4c: {  	_ =	shalt  }
0x4d: {  	_ =	shalt  }
0x4e: {  	_ =	shalt  }
0x4f: {  	_ =	shalt  }
0x50: {  	_ =	shalt  }
0x51: {  	_ =	shalt  }
0x52: {  	_ =	shalt  }
0x53: {  	_ =	shalt  }
0x54: {  	_ =	shalt  }
0x55: {  	_ =	shalt  }
0x56: {  	_ =	shalt  }
0x57: {  	_ =	shalt  }
0x58: {  	_ =	shalt  }
0x59: {  	_ =	shalt  }
0x5a: {  	_ =	shalt  }
0x5b: {  	_ =	shalt  }
0x5c: {  	_ =	shalt  }
0x5d: {  	_ =	shalt  }
0x5e: {  	_ =	shalt  }
0x5f: {  	_ =	shalt  }
0x60: {  	_ =	shalt  }
0x61: {  	_ =	shalt  }
0x62: {  	_ =	shalt  }
0x63: {  	_ =	shalt  }
0x64: {  	_ =	shalt  }
0x65: {  	_ =	shalt  }
0x66: {  	_ =	shalt  }
0x67: {  	_ =	shalt  }
0x68: {  	_ =	shalt  }
0x69: {  	_ =	shalt  }
0x6a: {  	_ =	shalt  }
0x6b: {  	_ =	shalt  }
0x6c: {  	_ =	shalt  }
0x6d: {  	_ =	shalt  }
0x6e: {  	_ =	shalt  }
0x6f: {  	_ =	shalt  }
0x70: {  	_ =	shalt  }
0x71: {  	_ =	shalt  }
0x72: {  	_ =	shalt  }
0x73: {  	_ =	shalt  }
0x74: {  	_ =	shalt  }
0x75: {  	_ =	shalt  }
0x76: {  	_ =	shalt  }
0x77: {  	_ =	shalt  }
0x78: {  	_ =	shalt  }
0x79: {  	_ =	shalt  }
0x7a: {  	_ =	shalt  }
0x7b: {  	_ =	shalt  }
0x7c: {  	_ =	shalt  }
0x7d: {  	_ =	shalt  }
0x7e: {  	_ =	shalt  }
0x7f: {  	_ =	shalt  }
0x80: {  	_ =	shalt  }
0x81: {  	_ =	shalt  }
0x82: {  	_ =	shalt  }
0x83: {  	_ =	shalt  }
0x84: {  	_ =	shalt  }
0x85: {  	_ =	shalt  }
0x86: {  	_ =	shalt  }
0x87: {  	_ =	shalt  }
.Lfunc_end0:
.L_simem_size_0:
called_computation.1_lowered:
.L_overlay_start_0:
0x88: {  	s2 =	sld [smem:$0x3FD9]  }
0x89: {  	s3 =	sld [smem:$0x3FFE];
	_ =	sdelay $0x1  }
0x8a: {  	s1 =	srdreg.scid  }
0x8b: {  	s0 =	sand.u32 $0x1, s1  }
0x8c: {  	s17 =	sshll.u32 s0, $0xA;
	s2 =	sadd.s32 s3, s2  }
0x8d: {  	s2 =	sadd.s32 s2, s17  }
0x8e: {  	[smem:$0x3FC6] =	sst s2  }
0x8f: {  	_ = 	snop  }
0x90: {  	s2 =	sld [smem:$0x3FC9]  }
0x91: {  	s18 =	sld [smem:$0x3FD0];
	(tm) =	ssettm $0x1  }
0x92: {  	s4 =	sld [smem:$0x3FFB];
	_ =	sdelay $0x3  }
0x93: {  	_ =	strace s4  }
0x94: {  	s4 =	sld [smem:$0x3FFC];
	_ =	sdelay $0x3  }
0x95: {  	_ =	strace s4  }
0x96: {  	s4 =	sld [smem:$0x3FFD];
	_ =	sdelay $0x3  }
0x97: {  	_ =	strace s4  }
0x98: {  	_ =	strace $0x8FFFFFFF  }
0x99: {  	s19 =	sld [smem:$0x3FDB];
	_ =	sdelay $0x1  }
0x9a: {  	s5 =	simm.s32 $_scs_section_size  }
0x9b: {  	s6 =	simm.s32 $_size__tile_overlayer_lowered;
	s7 =	simm.s32 $_tile_overlayer_lowered  }
0x9c: {  	s22 =	simm.s32 $0x1BFF;
	s21 =	sshll.u32 s7, $0x1;
	s4 =	sadd.s32 s5, s19  }
0x9d: {  	s8 =	simm.s32 $0x0;
	s20 =	sshll.u32 s6, $0x1;
	s6 =	sadd.s32 s21, s4  }
0x9e: {  	[timem:s8], [sflag:s22] =	dma.local [hbm:s6], s20  }
0x9f: {  	_ =	swait.ge [sflag:s22], s20  }
0xa0: {  	s5 =	ssub.s32 $0x0, s20;
	[sflag:s22] =	ssyncset.done $0x0  }
0xa1: {  	[sflag:s22] =	ssyncadd.s32 s5;
	_ =	sdelay $0x1  }
0xa2: {  	s23 =	simm.s32 $0x1B8B  }
0xa3: {  	_ =	swait.ge [sflag:s23], $0x1  }
0xa4: {  	[sflag:s23] =	ssyncset.done $0x0  }
0xa5: {  	s25 =	simm.s32 $0x1B8E;
	s24 =	sld [smem:$0x3FFE];
	[sflag:s23] =	ssyncadd.s32 $0xFFFFFFFF  }
0xa6: {  	s26 =	simm.s32 $execute0_lowered;
	[smem:$0x3FD2] =	sst s25  }
0xa7: {  	s6 =	sshll.u32 s26, $0x1;
	_ =	strace $0x80000046;
	[dreg:$0x1] =	wrdreg $0xFFFFFFFF  }
0xa8: {  	s28 =	simm.s32 $_size_execute0_lowered;
	s4 =	sadd.s32 s4, s6;
	[dreg:$0x0] =	wrdreg $0x0  }
0xa9: {  	s6 =	sshll.u32 s28, $0x1;
	[dreg:$0x2] =	wrdreg s4  }
0xaa: {  	[dreg:$0x3] =	wrdreg s6  }
0xab: {  	[dreg:$0x4] =	wrdreg $0xC0  }
0xac: {  	_ =	task [dreg:s8], $0x5FFFF  }
0xad: {  	[dreg:$0x1] =	wrdreg $0xFFFFFFFF  }
0xae: {  	[dreg:$0x0] =	wrdreg $0x60  }
0xaf: {  	[dreg:$0x2] =	wrdreg s2  }
0xb0: {  	[dreg:$0x3] =	wrdreg s18  }
0xb1: {  	[dreg:$0x4] =	wrdreg s24  }
0xb2: {  	[dreg:$0x5] =	wrdreg $0xA  }
0xb3: {  	_ =	task.clear_ibuf [dreg:s8], $0x6FFFF;
	_ =	strace $0x90000046  }
0xb4: {  	s29 =	simm.s32 $0xA;
	_ =	strace $0x80000048  }
0xb5: {  	_ =	swait.ge [sflag:s29], $0x1  }
0xb6: {  	[sflag:s29] =	ssyncadd.s32 $0xFFFFFFFF  }
0xb7: {  	_ =	strace $0x90000048  }
0xb8: {  	_ =	sfence  }
0xb9: {  	s30 =	sld [smem:$0x0];
	_ =	sdelay $0x2  }
0xba: {  	s31 =	sshll.u32 s1, $0xD;
	s1 =	sshrl.u32 s1, $0x2  }
0xbb: {  	s3 =	sand.u32 $0x4000, s31;
	s1 =	sadd.s32 s1, s30  }
0xbc: {  	s0 =	sor.u32 s3, s0;
	s1 =	sshll.u32 s1, $0x11  }
0xbd: {  	s0 =	sor.u32 s1, s0  }
0xbe: {  	s0 =	sadd.s32 $0x8F2B, s0  }
0xbf: {  	[sflag:s0] =	ssyncadd.remote.s32 $0x1  }
0xc0: {  	_ =	sfence.sel $0xFFFF  }
0xc1: {  	[dreg:$0x0] =	wrdreg $0xFFFFFFFF;
	(pc) =	sbr.abs _section_cstart, $3  }
0xc2: {  	[dreg:$0x1] =	wrdreg $0xFFFFFFFF  }
0xc3: {  	_ =	task.clear_ibuf [dreg:s8], $0x2FFFF;
	_ =	strace $0x9FFFFFFF  }
0xc4: {  	(tm) =	ssettm $0x7FFFFFFF  }
0xc5: {  	_ =	shalt  }
tec
execute0_lowered:
.L_overlay_start_1:
0x0: {  	(tag) =	ssettag $0x1  }
0x1: {  	s1 =	rddreg [dreg:$0x0]  }
0x2: {  	s4 =	rddreg [dreg:$0x1];
	s2 =	srdreg.scid  }
0x3: {  	s0 =	stileid.u32;
	s5 =	rddreg [dreg:$0x2];
	s3 =	simm.s32 $0x0  }
0x4: {  	s10 =	simm.s32 $0x1400;
	s11 =	simm.s32 $0x80;
	s12 =	simm.s32 $0x2800  }
0x5: {  	s13 =	simm.s32 $0x6800;
	s14 =	simm.s32 $0xA800;
	s15 =	simm.s32 $0xE800  }
0x6: {  	s16 =	simm.s32 $0x1;
	s17 =	simm.s32 $0x2;
	s18 =	simm.s32 $0x3  }
0x7: {  	s19 =	simm.s32 $0x4;
	s6 =	sand.u32 $0x1, s2;
	s7 =	sshll.u32 s0, $0x1  }
0x8: {  	s20 =	simm.s32 $0x12800;
	s21 =	simm.s32 $0x13C00;
	s7 =	sor.u32 s6, s7  }
0x9: {  	s2 =	rddreg [dreg:$0x3];
	s6 =	ssub.s32 $0x2, s6;
	s7 =	smul.u32 $0x280, s7  }
0xa: {  	v0 =	vlaneseq.u32;
	s22 =	simm.s32 $0x0;
	[smem:$0x7FF] =	sst s3;
	s8 =	sshrl.u32 s6, $0x1  }
0xb: {  	v1 =	vmul.u32 $0x80, v0;
	v2 =	vadd.s32 $0x1, v0;
	_ =	strace $0x80000047;
	s8 =	ssub.s32 s6, s8;
	s9 =	sadd.s32 s7, s5  }
0xc: {  	v3 =	vadd.s32 $0x2, v0;
	v4 =	vadd.s32 $0x3, v0;
	v5 =	vadd.s32 $0x4, v0;
	s4 =	sadd.s32 s4, s7;
	s8 =	smax.u32 s8, $0x1;
	s5 =	sadd.s32 $0x1A00, s9  }
0xd: {  	v6 =	vadd.s32 $0x5, v0;
	v7 =	vadd.s32 $0x6, v0;
	v8 =	vadd.s32 $0x7, v0;
	s6 =	sadd.s32 $0x6A00, s9;
	s7 =	sadd.s32 $0xBA00, s9;
	s9 =	simm.s32 $0x5  }
.LBB2_1:
0xe: {  	[tilespmem:s3], [sflag:$0x5] =	stream.linear.gather [hbm4b:s4+s3], $0x1400, $0x38;
	[tilespmem:$0x15000] =	vst v63  }
0xf: {  	_ =	swait.ge [sflag:s9], $0x1400  }
0x10: {  	[sflag:s9] =	ssyncset.done $0x0  }
0x11: {  	[sflag:s9] =	ssyncadd.s32 $0xFFFFEC00  }
0x12: {  	[tilespmem:s10], [sflag:$0x5] =	stream.linear.gather [hbm4b:s5+s3], $0x1400, $0x38;
	[tilespmem:$0x15000] =	vst v63  }
0x13: {  	_ =	swait.ge [sflag:s9], $0x1400  }
0x14: {  	[sflag:s9] =	ssyncset.done $0x0  }
0x15: {  	[sflag:s9] =	ssyncadd.s32 $0xFFFFEC00  }
0x16: {  	[tilespmem:s12], [sflag:$0x1] =	stream.indirect.gather [hbm4b:s1+s11], $0x80, s3, s11, $0xb8;
	[tilespmem:$0x15000] =	vst v63  }
0x17: {  	s24 =	simm.s32 $0x0  }
0x18: {  	[tilespmem:s13], [sflag:$0x2] =	stream.indirect.gather [hbm4b:s1+s11], $0x80, s10, s11, $0xb8;
	[tilespmem:$0x15000] =	vst v63  }
.LBB2_3:
0x19: {  	s25 =	sshll.u32 s24, $0x8  }
0x1a: {  	s23 =	sor.u32 $0x80, s25  }
0x1b: {  	[tilespmem:s14], [sflag:$0x3] =	stream.indirect.gather [hbm4b:s1+s11], $0x80, s23, s11, $0xb8;
	[tilespmem:$0x15000] =	vst v63  }
0x1c: {  	s26 =	sadd.s32 $0x1480, s25  }
0x1d: {  	[tilespmem:s15], [sflag:$0x4] =	stream.indirect.gather [hbm4b:s1+s11], $0x80, s26, s11, $0xb8;
	[tilespmem:$0x15000] =	vst v63  }
0x1e: {  	_ =	swait.ge [sflag:s16], $0x4000  }
0x1f: {  	[sflag:s16] =	ssyncset.done $0x0  }
0x20: {  	[sflag:s16] =	ssyncadd.s32 $0xFFFFC000  }
0x21: {  	_ =	swait.ge [sflag:s17], $0x4000  }
0x22: {  	[sflag:s17] =	ssyncset.done $0x0  }
0x23: {  	s28 =	simm.s32 $0x0;
	s26 =	simm.s32 $0x0;
	[sflag:s17] =	ssyncadd.s32 $0xFFFFC000  }
.LBB2_4:
0x24: {  	s29 =	sshll.u32 s28, $0x4  }
0x25: {  	v9 =	vmov s29  }
0x26: {  	v10 =	vadd.s32 s26, v0;
	v9 =	vshll.u32 v9, $0x7  }
0x27: {  	v10 =	vand.u32 $0x7F, v10;
	v9 =	vor.u32 v1, v9  }
0x28: {  	v11 =	vadd.s32 s26, v2;
	v10 =	vor.u32 v9, v10  }
0x29: {  	v11 =	vand.u32 $0x7F, v11  }
0x2a: {  	v12 =	vadd.s32 s26, v3;
	v11 =	vor.u32 v9, v11  }
0x2b: {  	v12 =	vand.u32 $0x7F, v12  }
0x2c: {  	v13 =	vadd.s32 s26, v4;
	v14 =	vor.u32 v9, v12  }
0x2d: {  	v12 =	vand.u32 $0x7F, v13;
	v16 =	vld.idx.msk [tilespmem:v10+s13+$0x0], $0xffff  }
0x2e: {  	v13 =	vadd.s32 s26, v5;
	v17 =	vor.u32 v9, v12;
	v10 =	vld.idx.msk [tilespmem:v10+s12+$0x0], $0xffff  }
0x2f: {  	v12 =	vand.u32 $0x7F, v13;
	v20 =	vld.idx.msk [tilespmem:v11+s13+$0x0], $0xffff  }
0x30: {  	v13 =	vadd.s32 s26, v6;
	v22 =	vor.u32 v9, v12;
	v23 =	vld.idx.msk [tilespmem:v11+s12+$0x0], $0xffff  }
0x31: {  	v12 =	vand.u32 $0x7F, v13;
	v11 =	vld.idx.msk [tilespmem:v14+s13+$0x0], $0xffff  }
0x32: {  	s30 =	simm.s32 $0x8;
	v13 =	vadd.s32 s26, v7;
	v12 =	vor.u32 v9, v12;
	v18 =	vld.idx.msk [tilespmem:v14+s12+$0x0], $0xffff  }
0x33: {  	v21 =	vimm.f32 $0.0e+00;
	v24 =	vadd.s32 s30, v0;
	v13 =	vand.u32 $0x7F, v13;
	v15 =	vld.idx.msk [tilespmem:v17+s13+$0x0], $0xffff  }
0x34: {  	v13 =	vor.u32 v9, v13;
	v14 =	vadd.s32 s26, v8;
	v19 =	vld.idx.msk [tilespmem:v17+s12+$0x0], $0xffff;
	v10 =	vsub.f32 v16, v10  }
0x35: {  	v26 =	vadd.s32 s30, v2;
	v14 =	vand.u32 $0x7F, v14;
	v17 =	vand.u32 $0x7F, v24;
	v16 =	vld.idx.msk [tilespmem:v22+s13+$0x0], $0xffff  }
0x36: {  	v14 =	vor.u32 v9, v14;
	v25 =	vsub.f32 v20, v23;
	v20 =	vld.idx.msk [tilespmem:v22+s12+$0x0], $0xffff;
	v24 =	vmul.f32 v10, v10  }
0x37: {  	s31 =	simm.s32 $0x10;
	v22 =	vand.u32 $0x7F, v26;
	v23 =	vadd.s32 s30, v3;
	v10 =	vor.u32 v9, v17;
	v17 =	vld.idx.msk [tilespmem:v12+s13+$0x0], $0xffff  }
.LBB2_5:
0x38: {  	p0 =	sne.s32 s31, $0x78;
	v21 =	vadd.f32 v24, v21;
	v24 =	vmul.f32 v25, v25;
	v11 =	vsub.f32 v11, v18;
	v12 =	vld.idx.msk [tilespmem:v12+s12+$0x0], $0xffff  }
0x39: {  	v18 =	vor.u32 v9, v22;
	v22 =	vand.u32 $0x7F, v23;
	v23 =	vadd.s32 s30, v4;
	v25 =	vld.idx.msk [tilespmem:v13+s13+$0x0], $0xffff  }
0x3a: {  	v15 =	vsub.f32 v15, v19;
	v21 =	vadd.f32 v24, v21;
	v11 =	vmul.f32 v11, v11;
	v13 =	vld.idx.msk [tilespmem:v13+s12+$0x0], $0xffff  }
0x3b: {  	v19 =	vor.u32 v9, v22;
	v22 =	vand.u32 $0x7F, v23;
	v23 =	vadd.s32 s30, v5;
	v24 =	vld.idx.msk [tilespmem:v14+s13+$0x0], $0xffff  }
0x3c: {  	v15 =	vmul.f32 v15, v15;
	v16 =	vsub.f32 v16, v20;
	v11 =	vadd.f32 v11, v21;
	v14 =	vld.idx.msk [tilespmem:v14+s12+$0x0], $0xffff  }
0x3d: {  	v21 =	vor.u32 v9, v22;
	v22 =	vand.u32 $0x7F, v23;
	v23 =	vadd.s32 s30, v6;
	v20 =	vld.idx.msk [tilespmem:v10+s13+$0x0], $0xffff  }
0x3e: {  	v12 =	vsub.f32 v17, v12;
	v10 =	vld.idx.msk [tilespmem:v10+s12+$0x0], $0xffff;
	v11 =	vadd.f32 v15, v11;
	v15 =	vmul.f32 v16, v16  }
0x3f: {  	v22 =	vor.u32 v9, v22;
	v16 =	vand.u32 $0x7F, v23;
	v23 =	vadd.s32 s30, v7;
	v17 =	vld.idx.msk [tilespmem:v18+s13+$0x0], $0xffff  }
0x40: {  	v27 =	vmul.f32 v12, v12;
	v13 =	vsub.f32 v25, v13;
	v26 =	vld.idx.msk [tilespmem:v18+s12+$0x0], $0xffff;
	v15 =	vadd.f32 v15, v11  }
0x41: {  	v12 =	vor.u32 v9, v16;
	v16 =	vand.u32 $0x7F, v23;
	v23 =	vadd.s32 s30, v8;
	s30 =	smov.u32 s31;
	v11 =	vld.idx.msk [tilespmem:v19+s13+$0x0], $0xffff  }
0x42: {  	v14 =	vsub.f32 v24, v14;
	v18 =	vld.idx.msk [tilespmem:v19+s12+$0x0], $0xffff;
	v25 =	vadd.f32 v27, v15;
	v27 =	vmul.f32 v13, v13  }
.Ltmp0:
0x43: {  	v23 =	vand.u32 $0x7F, v23;
	v24 =	vadd.s32 s31, v0;
	v13 =	vor.u32 v9, v16;
	v15 =	vld.idx.msk [tilespmem:v21+s13+$0x0], $0xffff;
	(pc) =	sbr.rel @p0 .LBB2_5-.Ltmp0, $4  }
0x44: {  	v10 =	vsub.f32 v20, v10;
	v19 =	vld.idx.msk [tilespmem:v21+s12+$0x0], $0xffff;
	v21 =	vadd.f32 v27, v25;
	v27 =	vmul.f32 v14, v14  }
0x45: {  	v29 =	vadd.s32 s31, v2;
	v28 =	vand.u32 $0x7F, v24;
	v14 =	vor.u32 v9, v23;
	v16 =	vld.idx.msk [tilespmem:v22+s13+$0x0], $0xffff  }
0x46: {  	v24 =	vmul.f32 v10, v10;
	v25 =	vsub.f32 v17, v26;
	v20 =	vld.idx.msk [tilespmem:v22+s12+$0x0], $0xffff;
	v21 =	vadd.f32 v27, v21  }
0x47: {  	s31 =	sadd.s32 $0x8, s31;
	v23 =	vadd.s32 s30, v3;
	v10 =	vor.u32 v9, v28;
	v22 =	vand.u32 $0x7F, v29;
	v17 =	vld.idx.msk [tilespmem:v12+s13+$0x0], $0xffff  }
0x48: {  	_ =	sdelay $0x2  }
0x49: {  	v21 =	vadd.f32 v24, v21;
	v63 =	vmul.f32 v25, v25;
	v11 =	vsub.f32 v11, v18  }
0x4a: {  	v12 =	vld.idx.msk [tilespmem:v12+s12+$0x0], $0xffff  }
0x4b: {  	v28 =	vld.idx.msk [tilespmem:v13+s13+$0x0], $0xffff;
	v15 =	vsub.f32 v15, v19;
	v21 =	vadd.f32 v63, v21;
	v11 =	vmul.f32 v11, v11  }
0x4c: {  	v29 =	vor.u32 v9, v22;
	v30 =	vand.u32 $0x7F, v23;
	v31 =	vadd.s32 s30, v4;
	v32 =	vld.idx.msk [tilespmem:v13+s12+$0x0], $0xffff  }
0x4d: {  	v33 =	vld.idx.msk [tilespmem:v14+s13+$0x0], $0xffff;
	v15 =	vmul.f32 v15, v15;
	v16 =	vsub.f32 v16, v20;
	v11 =	vadd.f32 v11, v21  }
0x4e: {  	v36 =	vadd.s32 s30, v5;
	v37 =	vld.idx.msk [tilespmem:v14+s12+$0x0], $0xffff;
	v34 =	vor.u32 v9, v30;
	v35 =	vand.u32 $0x7F, v31  }
0x4f: {  	v38 =	vld.idx.msk [tilespmem:v10+s13+$0x0], $0xffff;
	v39 =	vmul.f32 v16, v16;
	v12 =	vsub.f32 v17, v12;
	v11 =	vadd.f32 v15, v11  }
0x50: {  	v42 =	vadd.s32 s30, v6;
	v10 =	vld.idx.msk [tilespmem:v10+s12+$0x0], $0xffff;
	v41 =	vand.u32 $0x7F, v36;
	v40 =	vor.u32 v9, v35  }
0x51: {  	v43 =	vld.idx.msk [tilespmem:v29+s13+$0x0], $0xffff;
	v13 =	vsub.f32 v28, v32;
	v12 =	vmul.f32 v12, v12;
	v11 =	vadd.f32 v39, v11  }
0x52: {  	v46 =	vadd.s32 s30, v7;
	v45 =	vand.u32 $0x7F, v42;
	v44 =	vor.u32 v9, v41;
	v19 =	vld.idx.msk [tilespmem:v29+s12+$0x0], $0xffff  }
0x53: {  	v49 =	vsub.f32 v33, v37;
	v47 =	vld.idx.msk [tilespmem:v34+s13+$0x0], $0xffff;
	v48 =	vmul.f32 v13, v13;
	v11 =	vadd.f32 v12, v11  }
0x54: {  	v52 =	vadd.s32 s30, v8;
	v51 =	vand.u32 $0x7F, v46;
	v50 =	vor.u32 v9, v45;
	v20 =	vld.idx.msk [tilespmem:v34+s12+$0x0], $0xffff  }
0x55: {  	v10 =	vsub.f32 v38, v10;
	v53 =	vld.idx.msk [tilespmem:v40+s13+$0x0], $0xffff;
	v54 =	vmul.f32 v49, v49;
	v11 =	vadd.f32 v48, v11  }
0x56: {  	v56 =	vand.u32 $0x7F, v52;
	v55 =	vor.u32 v9, v51;
	v16 =	vld.idx.msk [tilespmem:v40+s12+$0x0], $0xffff  }
0x57: {  	v57 =	vld.idx.msk [tilespmem:v44+s13+$0x0], $0xffff;
	v10 =	vmul.f32 v10, v10;
	v19 =	vsub.f32 v43, v19;
	v11 =	vadd.f32 v54, v11  }
0x58: {  	v58 =	vor.u32 v9, v56;
	v15 =	vld.idx.msk [tilespmem:v44+s12+$0x0], $0xffff  }
0x59: {  	v59 =	vld.idx.msk [tilespmem:v50+s13+$0x0], $0xffff;
	v60 =	vsub.f32 v47, v20;
	v10 =	vadd.f32 v10, v11;
	v11 =	vmul.f32 v19, v19  }
0x5a: {  	v14 =	vld.idx.msk [tilespmem:v50+s12+$0x0], $0xffff  }
0x5b: {  	v61 =	vld.idx.msk [tilespmem:v55+s13+$0x0], $0xffff;
	v16 =	vsub.f32 v53, v16;
	v10 =	vadd.f32 v11, v10;
	v11 =	vmul.f32 v60, v60  }
0x5c: {  	v13 =	vld.idx.msk [tilespmem:v55+s12+$0x0], $0xffff  }
0x5d: {  	v62 =	vld.idx.msk [tilespmem:v58+s13+$0x0], $0xffff;
	v15 =	vsub.f32 v57, v15;
	v10 =	vadd.f32 v11, v10;
	v11 =	vmul.f32 v16, v16  }
0x5e: {  	v12 =	vld.idx.msk [tilespmem:v58+s12+$0x0], $0xffff  }
0x5f: {  	v14 =	vsub.f32 v59, v14;
	v10 =	vadd.f32 v11, v10;
	v11 =	vmul.f32 v15, v15  }
0x60: {  	v63 =	vld.idx.msk [tilespmem:v9+s13+$0x0], $0xffff  }
0x61: {  	v9 =	vld.idx.msk [tilespmem:v9+s12+$0x0], $0xffff;
	v13 =	vsub.f32 v61, v13;
	v10 =	vadd.f32 v11, v10;
	v11 =	vmul.f32 v14, v14;
	_ =	sdelay $0x1  }
0x62: {  	s28 =	sadd.s32 $0x1, s28;
	v12 =	vsub.f32 v62, v12;
	v10 =	vadd.f32 v11, v10;
	v11 =	vmul.f32 v13, v13  }
0x63: {  	p0 =	sne.s32 s28, $0x8  }
.Ltmp1:
0x64: {  	v10 =	vadd.f32 v11, v10;
	v11 =	vmul.f32 v12, v12;
	(pc) =	sbr.rel @p0 .LBB2_4-.Ltmp1, $4  }
0x65: {  	v9 =	vsub.f32 v63, v9  }
0x66: {  	s29 =	sor.u32 s25, s29;
	v10 =	vadd.f32 v11, v10  }
0x67: {  	[tilespmem:s29+$0x13C00] =	vst v9  }
0x68: {  	[tilespmem:s29+$0x12800] =	vst v10  }
0x69: {  	p0 =	seq.s32 s24, $0x13  }
0x6a: {  	s26 =	sadd.s32 @!p0 $0x100, s25;
	s28 =	simm.s32 @!p0 $0x80;
	s29 =	simm.s32 @!p0 $0x2800  }
0x6b: {  	[tilespmem:s29], [sflag:$0x1] =	stream.indirect.gather @!p0 [hbm4b:s1+s28], $0x80, s26, s28, $0xb8;
	[tilespmem:$0x15000] =	vst v63  }
0x6c: {  	s25 =	sadd.s32 @!p0 $0x1500, s25;
	s26 =	simm.s32 @!p0 $0x6800  }
0x6d: {  	[tilespmem:s26], [sflag:$0x2] =	stream.indirect.gather @!p0 [hbm4b:s1+s28], $0x80, s25, s28, $0xb8;
	[tilespmem:$0x15000] =	vst v63  }
0x6e: {  	_ =	swait.ge [sflag:s18], $0x4000  }
0x6f: {  	[sflag:s18] =	ssyncset.done $0x0  }
0x70: {  	[sflag:s18] =	ssyncadd.s32 $0xFFFFC000  }
0x71: {  	_ =	swait.ge [sflag:s19], $0x4000  }
0x72: {  	s24 =	sadd.s32 $0x1, s24;
	[sflag:s19] =	ssyncset.done $0x0  }
0x73: {  	s25 =	simm.s32 $0x0;
	s26 =	simm.s32 $0x0;
	[sflag:s19] =	ssyncadd.s32 $0xFFFFC000  }
.LBB2_8:
0x74: {  	s28 =	sshll.u32 s26, $0x4  }
0x75: {  	v9 =	vmov s28  }
0x76: {  	v10 =	vadd.s32 s25, v0;
	v9 =	vshll.u32 v9, $0x7  }
0x77: {  	v10 =	vand.u32 $0x7F, v10;
	v9 =	vor.u32 v1, v9  }
0x78: {  	v11 =	vadd.s32 s25, v2;
	v10 =	vor.u32 v9, v10  }
0x79: {  	v11 =	vand.u32 $0x7F, v11  }
0x7a: {  	v12 =	vadd.s32 s25, v3;
	v11 =	vor.u32 v9, v11  }
0x7b: {  	v12 =	vand.u32 $0x7F, v12  }
0x7c: {  	v13 =	vadd.s32 s25, v4;
	v14 =	vor.u32 v9, v12  }
0x7d: {  	v12 =	vand.u32 $0x7F, v13;
	v16 =	vld.idx.msk [tilespmem:v10+s15+$0x0], $0xffff  }
0x7e: {  	v13 =	vadd.s32 s25, v5;
	v17 =	vor.u32 v9, v12;
	v10 =	vld.idx.msk [tilespmem:v10+s14+$0x0], $0xffff  }
0x7f: {  	v12 =	vand.u32 $0x7F, v13;
	v20 =	vld.idx.msk [tilespmem:v11+s15+$0x0], $0xffff  }
0x80: {  	v13 =	vadd.s32 s25, v6;
	v22 =	vor.u32 v9, v12;
	v23 =	vld.idx.msk [tilespmem:v11+s14+$0x0], $0xffff  }
0x81: {  	v12 =	vand.u32 $0x7F, v13;
	v11 =	vld.idx.msk [tilespmem:v14+s15+$0x0], $0xffff  }
0x82: {  	s29 =	simm.s32 $0x8;
	v13 =	vadd.s32 s25, v7;
	v12 =	vor.u32 v9, v12;
	v18 =	vld.idx.msk [tilespmem:v14+s14+$0x0], $0xffff  }
0x83: {  	v21 =	vimm.f32 $0.0e+00;
	v24 =	vadd.s32 s29, v0;
	v13 =	vand.u32 $0x7F, v13;
	v15 =	vld.idx.msk [tilespmem:v17+s15+$0x0], $0xffff  }
0x84: {  	v13 =	vor.u32 v9, v13;
	v14 =	vadd.s32 s25, v8;
	v19 =	vld.idx.msk [tilespmem:v17+s14+$0x0], $0xffff;
	v10 =	vsub.f32 v16, v10  }
0x85: {  	v26 =	vadd.s32 s29, v2;
	v14 =	vand.u32 $0x7F, v14;
	v17 =	vand.u32 $0x7F, v24;
	v16 =	vld.idx.msk [tilespmem:v22+s15+$0x0], $0xffff  }
0x86: {  	v14 =	vor.u32 v9, v14;
	v25 =	vsub.f32 v20, v23;
	v20 =	vld.idx.msk [tilespmem:v22+s14+$0x0], $0xffff;
	v24 =	vmul.f32 v10, v10  }
0x87: {  	s30 =	simm.s32 $0x10;
	v22 =	vand.u32 $0x7F, v26;
	v23 =	vadd.s32 s29, v3;
	v10 =	vor.u32 v9, v17;
	v17 =	vld.idx.msk [tilespmem:v12+s15+$0x0], $0xffff  }
.LBB2_9:
0x88: {  	p0 =	sne.s32 s30, $0x78;
	v21 =	vadd.f32 v24, v21;
	v24 =	vmul.f32 v25, v25;
	v11 =	vsub.f32 v11, v18;
	v12 =	vld.idx.msk [tilespmem:v12+s14+$0x0], $0xffff  }
0x89: {  	v18 =	vor.u32 v9, v22;
	v22 =	vand.u32 $0x7F, v23;
	v23 =	vadd.s32 s29, v4;
	v25 =	vld.idx.msk [tilespmem:v13+s15+$0x0], $0xffff  }
0x8a: {  	v15 =	vsub.f32 v15, v19;
	v21 =	vadd.f32 v24, v21;
	v11 =	vmul.f32 v11, v11;
	v13 =	vld.idx.msk [tilespmem:v13+s14+$0x0], $0xffff  }
0x8b: {  	v19 =	vor.u32 v9, v22;
	v22 =	vand.u32 $0x7F, v23;
	v23 =	vadd.s32 s29, v5;
	v24 =	vld.idx.msk [tilespmem:v14+s15+$0x0], $0xffff  }
0x8c: {  	v15 =	vmul.f32 v15, v15;
	v16 =	vsub.f32 v16, v20;
	v11 =	vadd.f32 v11, v21;
	v14 =	vld.idx.msk [tilespmem:v14+s14+$0x0], $0xffff  }
0x8d: {  	v21 =	vor.u32 v9, v22;
	v22 =	vand.u32 $0x7F, v23;
	v23 =	vadd.s32 s29, v6;
	v20 =	vld.idx.msk [tilespmem:v10+s15+$0x0], $0xffff  }
0x8e: {  	v12 =	vsub.f32 v17, v12;
	v10 =	vld.idx.msk [tilespmem:v10+s14+$0x0], $0xffff;
	v11 =	vadd.f32 v15, v11;
	v15 =	vmul.f32 v16, v16  }
0x8f: {  	v22 =	vor.u32 v9, v22;
	v16 =	vand.u32 $0x7F, v23;
	v23 =	vadd.s32 s29, v7;
	v17 =	vld.idx.msk [tilespmem:v18+s15+$0x0], $0xffff  }
0x90: {  	v27 =	vmul.f32 v12, v12;
	v13 =	vsub.f32 v25, v13;
	v26 =	vld.idx.msk [tilespmem:v18+s14+$0x0], $0xffff;
	v15 =	vadd.f32 v15, v11  }
0x91: {  	v12 =	vor.u32 v9, v16;
	v16 =	vand.u32 $0x7F, v23;
	v23 =	vadd.s32 s29, v8;
	s29 =	smov.u32 s30;
	v11 =	vld.idx.msk [tilespmem:v19+s15+$0x0], $0xffff  }
0x92: {  	v14 =	vsub.f32 v24, v14;
	v18 =	vld.idx.msk [tilespmem:v19+s14+$0x0], $0xffff;
	v25 =	vadd.f32 v27, v15;
	v27 =	vmul.f32 v13, v13  }
.Ltmp2:
0x93: {  	v23 =	vand.u32 $0x7F, v23;
	v24 =	vadd.s32 s30, v0;
	v13 =	vor.u32 v9, v16;
	v15 =	vld.idx.msk [tilespmem:v21+s15+$0x0], $0xffff;
	(pc) =	sbr.rel @p0 .LBB2_9-.Ltmp2, $4  }
0x94: {  	v10 =	vsub.f32 v20, v10;
	v19 =	vld.idx.msk [tilespmem:v21+s14+$0x0], $0xffff;
	v21 =	vadd.f32 v27, v25;
	v27 =	vmul.f32 v14, v14  }
0x95: {  	v29 =	vadd.s32 s30, v2;
	v28 =	vand.u32 $0x7F, v24;
	v14 =	vor.u32 v9, v23;
	v16 =	vld.idx.msk [tilespmem:v22+s15+$0x0], $0xffff  }
0x96: {  	v24 =	vmul.f32 v10, v10;
	v25 =	vsub.f32 v17, v26;
	v20 =	vld.idx.msk [tilespmem:v22+s14+$0x0], $0xffff;
	v21 =	vadd.f32 v27, v21  }
0x97: {  	s30 =	sadd.s32 $0x8, s30;
	v23 =	vadd.s32 s29, v3;
	v10 =	vor.u32 v9, v28;
	v22 =	vand.u32 $0x7F, v29;
	v17 =	vld.idx.msk [tilespmem:v12+s15+$0x0], $0xffff  }
0x98: {  	_ =	sdelay $0x2  }
0x99: {  	v21 =	vadd.f32 v24, v21;
	v63 =	vmul.f32 v25, v25;
	v11 =	vsub.f32 v11, v18  }
0x9a: {  	v12 =	vld.idx.msk [tilespmem:v12+s14+$0x0], $0xffff  }
0x9b: {  	v28 =	vld.idx.msk [tilespmem:v13+s15+$0x0], $0xffff;
	v15 =	vsub.f32 v15, v19;
	v21 =	vadd.f32 v63, v21;
	v11 =	vmul.f32 v11, v11  }
0x9c: {  	v29 =	vor.u32 v9, v22;
	v30 =	vand.u32 $0x7F, v23;
	v31 =	vadd.s32 s29, v4;
	v32 =	vld.idx.msk [tilespmem:v13+s14+$0x0], $0xffff  }
0x9d: {  	v33 =	vld.idx.msk [tilespmem:v14+s15+$0x0], $0xffff;
	v15 =	vmul.f32 v15, v15;
	v16 =	vsub.f32 v16, v20;
	v11 =	vadd.f32 v11, v21  }
0x9e: {  	v36 =	vadd.s32 s29, v5;
	v37 =	vld.idx.msk [tilespmem:v14+s14+$0x0], $0xffff;
	v34 =	vor.u32 v9, v30;
	v35 =	vand.u32 $0x7F, v31  }
0x9f: {  	v38 =	vld.idx.msk [tilespmem:v10+s15+$0x0], $0xffff;
	v39 =	vmul.f32 v16, v16;
	v12 =	vsub.f32 v17, v12;
	v11 =	vadd.f32 v15, v11  }
0xa0: {  	v42 =	vadd.s32 s29, v6;
	v10 =	vld.idx.msk [tilespmem:v10+s14+$0x0], $0xffff;
	v41 =	vand.u32 $0x7F, v36;
	v40 =	vor.u32 v9, v35  }
0xa1: {  	v43 =	vld.idx.msk [tilespmem:v29+s15+$0x0], $0xffff;
	v13 =	vsub.f32 v28, v32;
	v12 =	vmul.f32 v12, v12;
	v11 =	vadd.f32 v39, v11  }
0xa2: {  	v46 =	vadd.s32 s29, v7;
	v45 =	vand.u32 $0x7F, v42;
	v44 =	vor.u32 v9, v41;
	v19 =	vld.idx.msk [tilespmem:v29+s14+$0x0], $0xffff  }
0xa3: {  	v49 =	vsub.f32 v33, v37;
	v47 =	vld.idx.msk [tilespmem:v34+s15+$0x0], $0xffff;
	v48 =	vmul.f32 v13, v13;
	v11 =	vadd.f32 v12, v11  }
0xa4: {  	v52 =	vadd.s32 s29, v8;
	v51 =	vand.u32 $0x7F, v46;
	v50 =	vor.u32 v9, v45;
	v20 =	vld.idx.msk [tilespmem:v34+s14+$0x0], $0xffff  }
0xa5: {  	v10 =	vsub.f32 v38, v10;
	v53 =	vld.idx.msk [tilespmem:v40+s15+$0x0], $0xffff;
	v54 =	vmul.f32 v49, v49;
	v11 =	vadd.f32 v48, v11  }
0xa6: {  	v56 =	vand.u32 $0x7F, v52;
	v55 =	vor.u32 v9, v51;
	v16 =	vld.idx.msk [tilespmem:v40+s14+$0x0], $0xffff  }
0xa7: {  	v57 =	vld.idx.msk [tilespmem:v44+s15+$0x0], $0xffff;
	v10 =	vmul.f32 v10, v10;
	v19 =	vsub.f32 v43, v19;
	v11 =	vadd.f32 v54, v11  }
0xa8: {  	v58 =	vor.u32 v9, v56;
	v15 =	vld.idx.msk [tilespmem:v44+s14+$0x0], $0xffff  }
0xa9: {  	v59 =	vld.idx.msk [tilespmem:v50+s15+$0x0], $0xffff;
	v60 =	vsub.f32 v47, v20;
	v10 =	vadd.f32 v10, v11;
	v11 =	vmul.f32 v19, v19  }
0xaa: {  	v14 =	vld.idx.msk [tilespmem:v50+s14+$0x0], $0xffff  }
0xab: {  	v61 =	vld.idx.msk [tilespmem:v55+s15+$0x0], $0xffff;
	v16 =	vsub.f32 v53, v16;
	v10 =	vadd.f32 v11, v10;
	v11 =	vmul.f32 v60, v60  }
0xac: {  	v13 =	vld.idx.msk [tilespmem:v55+s14+$0x0], $0xffff  }
0xad: {  	v62 =	vld.idx.msk [tilespmem:v58+s15+$0x0], $0xffff;
	v15 =	vsub.f32 v57, v15;
	v10 =	vadd.f32 v11, v10;
	v11 =	vmul.f32 v16, v16  }
0xae: {  	v12 =	vld.idx.msk [tilespmem:v58+s14+$0x0], $0xffff  }
0xaf: {  	v14 =	vsub.f32 v59, v14;
	v10 =	vadd.f32 v11, v10;
	v11 =	vmul.f32 v15, v15  }
0xb0: {  	v63 =	vld.idx.msk [tilespmem:v9+s15+$0x0], $0xffff  }
0xb1: {  	v9 =	vld.idx.msk [tilespmem:v9+s14+$0x0], $0xffff;
	v13 =	vsub.f32 v61, v13;
	v10 =	vadd.f32 v11, v10;
	v11 =	vmul.f32 v14, v14;
	_ =	sdelay $0x1  }
0xb2: {  	s26 =	sadd.s32 $0x1, s26;
	v12 =	vsub.f32 v62, v12;
	v10 =	vadd.f32 v11, v10;
	v11 =	vmul.f32 v13, v13  }
0xb3: {  	p0 =	seq.s32 s26, $0x8  }
.Ltmp3:
0xb4: {  	v10 =	vadd.f32 v11, v10;
	v11 =	vmul.f32 v12, v12;
	(pc) =	sbr.rel @!p0 .LBB2_8-.Ltmp3, $4  }
0xb5: {  	v9 =	vsub.f32 v63, v9  }
0xb6: {  	s28 =	sor.u32 s23, s28;
	v10 =	vadd.f32 v11, v10  }
0xb7: {  	[tilespmem:s28+$0x13C00] =	vst v9  }
0xb8: {  	[tilespmem:s28+$0x12800] =	vst v10  }
0xb9: {  	p0 =	seq.s32 s24, $0x14  }
.Ltmp4:
0xba: {  	_ = 	snop;
	(pc) =	sbr.rel @!p0 .LBB2_3-.Ltmp4, $1  }
0xbb: {  	_ =	sdelay $0x3  }
0xbc: {  	[hbm4b:s6+s3] =	stream.linear.scatter [tilespmem:s20], [sflag:$0x5], $0x1400, $0x38;
	[tilespmem:$0x15000] =	vst v63  }
0xbd: {  	s22 =	sadd.s32 $0x1, s22;
	_ =	swait.ge [sflag:s9], $0x1400  }
0xbe: {  	p0 =	sne.s32 s22, s8;
	[sflag:s9] =	ssyncset.done $0x0  }
.Ltmp5:
0xbf: {  	[sflag:s9] =	ssyncadd.s32 $0xFFFFEC00;
	(pc) =	sbr.rel @p0 .LBB2_1-.Ltmp5, $4  }
0xc0: {  	[hbm4b:s7+s3] =	stream.linear.scatter [tilespmem:s21], [sflag:$0x5], $0x1400, $0x38;
	[tilespmem:$0x15000] =	vst v63  }
0xc1: {  	_ =	swait.ge [sflag:s9], $0x1400  }
0xc2: {  	[sflag:s9] =	ssyncset.done $0x0  }
0xc3: {  	[sflag:s9] =	ssyncadd.s32 $0xFFFFEC00  }
0xc4: {  	_ =	sfence.sel $0x180000  }
0xc5: {  	[bflag:$0x0] =	sbarrier.arrive $0xFFFF  }
0xc6: {  	p0 =	sne.s32 s0, $0x0;
	_ =	strace $0x90000047  }
0xc7: {  	s0 =	sadd.s32 @!p0 $0x100000, s2;
	[bflag:$0x2] =	sbarrier.arrive $0xFFFF  }
0xc8: {  	[sflag:s0] =	ssyncadd.tile.s32 @!p0 $0x1;
	_ =	shalt  }
.Lfunc_end2:
_tile_overlayer_lowered:
.L_overlay_start_2:
0xc9: {  	(tag) =	ssettag $0x2  }
0xca: {  	s0 =	rddreg [dreg:$0x0];
	s2 =	stileid.u32  }
0xcb: {  	s1 =	rddreg [dreg:$0x1];
	p0 =	sne.s32 s2, $0x0  }
0xcc: {  	s3 =	rddreg [dreg:$0x2];
	[bflag:$0x3] =	sbarrier.arrive $0xFFFF;
	s2 =	simm.s32 @!p0 $0x1C05  }
0xcd: {  	[timem:s3], [sflag:s2] =	dma.local @!p0 [hbm:s0], s1  }
0xce: {  	s0 =	simm.s32 @!p0 $0x5  }
0xcf: {  	_ =	swait.ge @!p0 [sflag:s0], s1  }
0xd0: {  	s1 =	ssub.s32 @!p0 $0x0, s1;
	[sflag:s0] =	ssyncset.done @!p0 $0x0  }
0xd1: {  	[sflag:s0] =	ssyncadd.s32 @!p0 s1  }
0xd2: {  	[bflag:$0x3] =	sbarrier.arrive $0xFFFF  }
0xd3: {  	_ =	shalt  }

</sc_bundles>
